<compile_context>
chip_gen: v7x
topology: tpu7x:2x2x1
jax: 0.10.2.dev20260603
libtpu: 0.0.44.dev20260713+nightly
codegen_flags: <defaults>
</compile_context>

<pallas_src>
import jax
import jax.numpy as jnp
from jax import lax
from jax.experimental import pallas as pl
from jax.experimental.pallas import tpu as pltpu
from jax.experimental.pallas import tpu_sc as plsc

T = 26
E = 100000
D = 64
B = 4096
L = 20
NB = T * B
NW = 32
BAGS_W = NB // NW
CHUNK = 32
NCH = BAGS_W // CHUNK
ROWS_C = CHUNK * L
IW = 128
GJ = ROWS_C // IW


def _emb_body(tbl, toff_hbm, idx_hbm, out_hbm, toff_v,
              idx_stage0, idx_stage1, idx_v0, idx_v1, rbuf0, rbuf1,
              outb0, outb1, orow0, orow1,
              isem0, isem1, gsem0, gsem1, osem0, osem1):
    cid = lax.axis_index("c")
    sid = lax.axis_index("s")
    wid = sid * 2 + cid
    base_bag = wid * BAGS_W

    bufs = (
        (idx_stage0, idx_v0, rbuf0, outb0, orow0, isem0, gsem0, osem0),
        (idx_stage1, idx_v1, rbuf1, outb1, orow1, isem1, gsem1, osem1),
    )

    pltpu.sync_copy(toff_hbm, toff_v)

    def issue_idx(c, p):
        stage, _, _, _, _, isem, _, _ = bufs[p]
        g0 = base_bag + c * CHUNK
        pltpu.async_copy(idx_hbm.at[pl.ds(g0 * L, ROWS_C)], stage, isem)

    def prep(c, p):
        stage, idxv, rbuf, _, _, isem, gsem, _ = bufs[p]
        g0 = base_bag + c * CHUNK
        t = g0 // B
        toff_vec = toff_v[pl.ds(t * 16, 16)]
        pltpu.make_async_copy(
            idx_hbm.at[pl.ds(0, ROWS_C)], stage, isem).wait()
        for i in range(ROWS_C // 16):
            v = stage[pl.ds(i * 16, 16)] + toff_vec
            idxv[i // (IW // 16), pl.ds((i % (IW // 16)) * 16, 16)] = v
        for j in range(GJ):
            pltpu.async_copy(tbl.at[idxv.at[j]],
                             rbuf.at[pl.ds(j * IW, IW)], gsem)

    def wait_gathers(p):
        _, _, rbuf, _, _, _, gsem, _ = bufs[p]
        pltpu.make_async_copy(tbl.at[pl.ds(0, ROWS_C)], rbuf, gsem).wait()

    def fill_orow(c, p):
        _, _, _, _, orow, _, _, _ = bufs[p]
        g0 = base_bag + c * CHUNK
        t = g0 // B
        bloc = g0 - t * B
        i16 = lax.iota(jnp.int32, 16)
        for v in range(CHUNK // 16):
            orow[pl.ds(v * 16, 16)] = (bloc + v * 16 + i16) * T + t

    def acc(c, p):
        _, _, rbuf, outb, orow, _, _, osem = bufs[p]
        pltpu.make_async_copy(outb, out_hbm.at[orow], osem).wait()

        def bag_body(b, bc):
            base = b * L
            for k in range(D // 16):
                sl = pl.ds(k * 16, 16)
                a = rbuf[base, sl]
                for l in range(1, L):
                    a = a + rbuf[base + l, sl]
                outb[b, sl] = a
            return bc

        lax.fori_loop(0, CHUNK, bag_body, 0)
        fill_orow(c, p)
        pltpu.async_copy(outb, out_hbm.at[orow], osem)

    issue_idx(0, 0)
    issue_idx(1, 1)
    prep(0, 0)
    issue_idx(2, 0)
    prep(1, 1)
    issue_idx(3, 1)
    fill_orow(0, 0)
    fill_orow(1, 1)
    pltpu.async_copy(outb0, out_hbm.at[orow0], osem0)
    pltpu.async_copy(outb1, out_hbm.at[orow1], osem1)

    def loop_body(k, carry):
        for p in range(2):
            c = 2 * k + p
            wait_gathers(p)
            acc(c, p)

            @pl.when(c + 2 < NCH)
            def _():
                prep(c + 2, p)

            @pl.when(c + 4 < NCH)
            def _():
                issue_idx(c + 4, p)
        return carry

    lax.fori_loop(0, NCH // 2, loop_body, 0)

    pltpu.make_async_copy(outb0, out_hbm.at[orow0], osem0).wait()
    pltpu.make_async_copy(outb1, out_hbm.at[orow1], osem1).wait()


@jax.jit
def kernel(embedding_weights, table_offsets, sharded_sparse_features,
           sharded_offsets):
    del sharded_offsets
    toff_bcast = jnp.repeat(table_offsets.astype(jnp.int32), 16)
    mesh = plsc.VectorSubcoreMesh(core_axis_name="c", subcore_axis_name="s")
    run = pl.kernel(
        _emb_body,
        out_type=jax.ShapeDtypeStruct((NB, D), jnp.float32),
        mesh=mesh,
        compiler_params=pltpu.CompilerParams(use_tc_tiling_on_sc=False),
        scratch_types=[
            pltpu.VMEM((T * 16,), jnp.int32),
            pltpu.VMEM((ROWS_C,), jnp.int32),
            pltpu.VMEM((ROWS_C,), jnp.int32),
            pltpu.VMEM((GJ, IW), jnp.int32),
            pltpu.VMEM((GJ, IW), jnp.int32),
            pltpu.VMEM((ROWS_C, D), jnp.float32),
            pltpu.VMEM((ROWS_C, D), jnp.float32),
            pltpu.VMEM((CHUNK, D), jnp.float32),
            pltpu.VMEM((CHUNK, D), jnp.float32),
            pltpu.VMEM((CHUNK,), jnp.int32),
            pltpu.VMEM((CHUNK,), jnp.int32),
            pltpu.SemaphoreType.DMA,
            pltpu.SemaphoreType.DMA,
            pltpu.SemaphoreType.DMA,
            pltpu.SemaphoreType.DMA,
            pltpu.SemaphoreType.DMA,
            pltpu.SemaphoreType.DMA,
        ],
    )
    pooled = run(embedding_weights, toff_bcast, sharded_sparse_features)
    return pooled.reshape(B, T, D)

# --- scband reference (transcript-rebuilt; emitter-appended) ---
"""Pipeline reference for scband-table-batched-embedding-bags-48567490183509 (READ-ONLY COPY).

The authoritative reference and input builder live on the scoring server;
editing this copy changes nothing except your own understanding.
"""

import jax, jax.numpy as jnp
import numpy as np

T = 26        # num_tables
E = 100000    # num_embeddings per table
D = 64        # embedding_dim
B = 4096      # batch size
L = 20        # fixed bag length (pooling factor)


def setup_inputs(seed: int = 0) -> dict:
    key = jax.random.key(seed)
    k1, k2 = jax.random.split(key, 2)
    # Learned parameter: batched embedding table [T*E, D]
    embedding_weights = jax.random.normal(k1, (T * E, D), dtype=jnp.float32)
    # Buffer: row offset of each table into the batched table
    table_offsets = (jnp.arange(T, dtype=jnp.int32) * E).astype(jnp.int32)
    # Per-table-local indices, values in [0, E)
    indices = jax.random.randint(k2, (T * B * L,), 0, E, dtype=jnp.int32)
    # CSR-style bag offsets, length T*B+1, fixed bag length L (table-major layout)
    offsets = (jnp.arange(T * B + 1, dtype=jnp.int32) * L).astype(jnp.int32)
    return {
        "embedding_weights": embedding_weights,
        "table_offsets": table_offsets,
        "sharded_sparse_features": indices,
        "sharded_offsets": offsets,
    }


def reference(embedding_weights, table_offsets, sharded_sparse_features, sharded_offsets):
    indices = sharded_sparse_features
    offsets = sharded_offsets
    N = indices.shape[0]
    n_tables = table_offsets.shape[0]
    n_bags = offsets.shape[0] - 1
    Bv = n_bags // n_tables
    # bag id for every index element (faithful to ragged CSR offsets)
    bag_ids = jnp.searchsorted(offsets, jnp.arange(N, dtype=offsets.dtype), side="right") - 1
    # table-major bag layout: bag s belongs to table s // B
    table_ids = bag_ids // Bv
    # convert per-table-local indices to rows in the batched table
    rows = indices + jnp.take(table_offsets, table_ids)
    gathered = jnp.take(embedding_weights, rows, axis=0)          # [N, D]
    pooled = jax.ops.segment_sum(gathered, bag_ids, num_segments=n_bags)  # [T*B, D]
    out = pooled.reshape(n_tables, Bv, -1).transpose(1, 0, 2)     # [B, T, D]
    return out

if __name__ == "__main__":
    import jax
    _d = setup_inputs()
    print(jax.jit(kernel)(*tuple(_d.values())))

</pallas_src>

<mosaic_0001>
#map = affine_map<(d0, d1) -> (0, 0)>
#map1 = affine_map<(d0, d1) -> (0)>
module attributes {stable_mosaic.version = 14 : i64} {
  func.func @_emb_body(%arg0: i32, %arg1: i32, %arg2: memref<2600000x64xf32, #tpu.memory_space<hbm>>, %arg3: memref<416xi32, #tpu.memory_space<hbm>>, %arg4: memref<2129920xi32, #tpu.memory_space<hbm>>, %arg5: memref<106496x64xf32, #tpu.memory_space<hbm>>, %arg6: memref<416xi32, #tpu.memory_space<vmem>>, %arg7: memref<640xi32, #tpu.memory_space<vmem>>, %arg8: memref<640xi32, #tpu.memory_space<vmem>>, %arg9: memref<5x128xi32, #tpu.memory_space<vmem>>, %arg10: memref<5x128xi32, #tpu.memory_space<vmem>>, %arg11: memref<640x64xf32, #tpu.memory_space<vmem>>, %arg12: memref<640x64xf32, #tpu.memory_space<vmem>>, %arg13: memref<32x64xf32, #tpu.memory_space<vmem>>, %arg14: memref<32x64xf32, #tpu.memory_space<vmem>>, %arg15: memref<32xi32, #tpu.memory_space<vmem>>, %arg16: memref<32xi32, #tpu.memory_space<vmem>>, %arg17: memref<!tpu.dma_semaphore, #tpu.memory_space<semaphore_mem>>, %arg18: memref<!tpu.dma_semaphore, #tpu.memory_space<semaphore_mem>>, %arg19: memref<!tpu.dma_semaphore, #tpu.memory_space<semaphore_mem>>, %arg20: memref<!tpu.dma_semaphore, #tpu.memory_space<semaphore_mem>>, %arg21: memref<!tpu.dma_semaphore, #tpu.memory_space<semaphore_mem>>, %arg22: memref<!tpu.dma_semaphore, #tpu.memory_space<semaphore_mem>>) attributes {dimension_semantics = [#tpu.dimension_semantics<core_parallel>, #tpu.dimension_semantics<subcore_parallel>], iteration_bounds = array<i64: 2, 16>, scalar_prefetch = 0 : i64, scratch_operands = 17 : i64, tpu.core_type = #tpu.core_type<sc_vector_subcore>, window_params = [{transform_indices = #map}, {transform_indices = #map1}, {transform_indices = #map1}, {transform_indices = #map}]} {
    %mul3A = arith.constant 2 : i32
    %mul3A_0 = arith.muli %arg1, %mul3A : i32
    %add3A = arith.addi %mul3A_0, %arg0 : i32
    %mul3A_1 = arith.constant 3328 : i32
    %mul3A_2 = arith.muli %add3A, %mul3A_1 : i32
    "tpu.region"() ({
      %run_scoped3A = tpu.sem_alloc : memref<!tpu.dma_semaphore, #tpu.memory_space<semaphore_mem>>
      tpu.enqueue_dma source(%arg3 : memref<416xi32, #tpu.memory_space<hbm>>) target(%arg6 : memref<416xi32, #tpu.memory_space<vmem>>) target_semaphore(%run_scoped3A : memref<!tpu.dma_semaphore, #tpu.memory_space<semaphore_mem>>)
      tpu.wait_dma2 semaphore(%run_scoped3A : memref<!tpu.dma_semaphore, #tpu.memory_space<semaphore_mem>>) src(%arg3 : memref<416xi32, #tpu.memory_space<hbm>>) dst(%arg6 : memref<416xi32, #tpu.memory_space<vmem>>)
      tpu.yield
    }) : () -> ()
    %add3A_3 = arith.constant 0 : i32
    %add3A_4 = arith.addi %mul3A_2, %add3A_3 : i32
    %mul3A_5 = arith.constant 20 : i32
    %mul3A_6 = arith.muli %add3A_4, %mul3A_5 : i32
    %dma_start3A = tpu.memref_slice %arg4[%mul3A_6] : memref<2129920xi32, #tpu.memory_space<hbm>> -> memref<640xi32, #tpu.memory_space<hbm>>
    %dma_start3A_7 = tpu.memref_slice %arg4[%mul3A_6] : memref<2129920xi32, #tpu.memory_space<hbm>> -> memref<640xi32, #tpu.memory_space<hbm>>
    tpu.enqueue_dma source(%dma_start3A_7 : memref<640xi32, #tpu.memory_space<hbm>>) target(%arg7 : memref<640xi32, #tpu.memory_space<vmem>>) target_semaphore(%arg17 : memref<!tpu.dma_semaphore, #tpu.memory_space<semaphore_mem>>)
    %add3A_8 = arith.constant 32 : i32
    %add3A_9 = arith.addi %mul3A_2, %add3A_8 : i32
    %mul3A_10 = arith.constant 20 : i32
    %mul3A_11 = arith.muli %add3A_9, %mul3A_10 : i32
    %dma_start3A_12 = tpu.memref_slice %arg4[%mul3A_11] : memref<2129920xi32, #tpu.memory_space<hbm>> -> memref<640xi32, #tpu.memory_space<hbm>>
    %dma_start3A_13 = tpu.memref_slice %arg4[%mul3A_11] : memref<2129920xi32, #tpu.memory_space<hbm>> -> memref<640xi32, #tpu.memory_space<hbm>>
    tpu.enqueue_dma source(%dma_start3A_13 : memref<640xi32, #tpu.memory_space<hbm>>) target(%arg8 : memref<640xi32, #tpu.memory_space<vmem>>) target_semaphore(%arg18 : memref<!tpu.dma_semaphore, #tpu.memory_space<semaphore_mem>>)
    %add3A_14 = arith.constant 0 : i32
    %add3A_15 = arith.addi %mul3A_2, %add3A_14 : i32
    %jit3A = arith.constant 4096 : i32
    %div3A = arith.divsi %add3A_15, %jit3A : i32
    %sign3A = arith.constant 0 : i32
    %sign3A_16 = arith.cmpi sgt, %add3A_15, %sign3A : i32
    %sign3A_17 = arith.extui %sign3A_16 : i1 to i32
    %sign3A_18 = arith.constant 0 : i32
    %sign3A_19 = arith.cmpi slt, %add3A_15, %sign3A_18 : i32
    %sign3A_20 = arith.extui %sign3A_19 : i1 to i32
    %sign3A_21 = arith.subi %sign3A_17, %sign3A_20 : i32
    %sign3A_22 = arith.constant 0 : i32
    %sign3A_23 = arith.cmpi sgt, %jit3A, %sign3A_22 : i32
    %sign3A_24 = arith.extui %sign3A_23 : i1 to i32
    %sign3A_25 = arith.constant 0 : i32
    %sign3A_26 = arith.cmpi slt, %jit3A, %sign3A_25 : i32
    %sign3A_27 = arith.extui %sign3A_26 : i1 to i32
    %sign3A_28 = arith.subi %sign3A_24, %sign3A_27 : i32
    %ne3A = arith.cmpi ne, %sign3A_21, %sign3A_28 : i32
    %rem3A = arith.remsi %add3A_15, %jit3A : i32
    %ne3A_29 = arith.constant 0 : i32
    %ne3A_30 = arith.cmpi ne, %rem3A, %ne3A_29 : i32
    %and3A = arith.andi %ne3A, %ne3A_30 : i1
    %sub3A = arith.constant 1 : i32
    %sub3A_31 = arith.subi %div3A, %sub3A : i32
    %select_n3A = arith.select %and3A, %sub3A_31, %div3A : i32
    %mul3A_32 = arith.constant 16 : i32
    %mul3A_33 = arith.muli %select_n3A, %mul3A_32 : i32
    %get3A = arith.index_cast %mul3A_33 : i32 to index
    %get3A_34 = tpu.vector_load %arg6[%get3A] {strides = array<i32>} : memref<416xi32, #tpu.memory_space<vmem>>, vector<16xi32>,
    %get3A_35 = vector.shape_cast %get3A_34 : vector<16xi32> to vector<16xi32>
    %dma_wait3A = arith.constant 0 : i32
    %dma_wait3A_36 = tpu.memref_slice %arg4[%dma_wait3A] : memref<2129920xi32, #tpu.memory_space<hbm>> -> memref<640xi32, #tpu.memory_space<hbm>>
    %dma_wait3A_37 = arith.constant 0 : i32
    %dma_wait3A_38 = tpu.memref_slice %arg4[%dma_wait3A_37] : memref<2129920xi32, #tpu.memory_space<hbm>> -> memref<640xi32, #tpu.memory_space<hbm>>
    tpu.wait_dma2 semaphore(%arg17 : memref<!tpu.dma_semaphore, #tpu.memory_space<semaphore_mem>>) src(%dma_wait3A_38 : memref<640xi32, #tpu.memory_space<hbm>>) dst(%arg7 : memref<640xi32, #tpu.memory_space<vmem>>)
    %get3A_39 = arith.constant 0 : index
    %get3A_40 = tpu.vector_load %arg7[%get3A_39] {strides = array<i32>} : memref<640xi32, #tpu.memory_space<vmem>>, vector<16xi32>,
    %get3A_41 = vector.shape_cast %get3A_40 : vector<16xi32> to vector<16xi32>
    %add3A_42 = arith.addi %get3A_41, %get3A_35 : vector<16xi32>
    %swap3A = arith.constant 0 : i32
    %swap3A_43 = arith.index_cast %swap3A : i32 to index
    %swap3A_44 = arith.constant 0 : index
    %swap3A_45 = tpu.vector_load %arg9[%swap3A_43, %swap3A_44] {strides = array<i32>} : memref<5x128xi32, #tpu.memory_space<vmem>>, vector<1x16xi32>,
    %swap3A_46 = vector.shape_cast %swap3A_45 : vector<1x16xi32> to vector<16xi32>
    %swap3A_47 = vector.shape_cast %add3A_42 : vector<16xi32> to vector<1x16xi32>
    tpu.vector_store %arg9[%swap3A_43, %swap3A_44], %swap3A_47 {strides = array<i32>} : memref<5x128xi32, #tpu.memory_space<vmem>>, vector<1x16xi32>,
    %get3A_48 = arith.constant 16 : index
    %get3A_49 = tpu.vector_load %arg7[%get3A_48] {strides = array<i32>} : memref<640xi32, #tpu.memory_space<vmem>>, vector<16xi32>,
    %get3A_50 = vector.shape_cast %get3A_49 : vector<16xi32> to vector<16xi32>
    %add3A_51 = arith.addi %get3A_50, %get3A_35 : vector<16xi32>
    %swap3A_52 = arith.constant 0 : i32
    %swap3A_53 = arith.index_cast %swap3A_52 : i32 to index
    %swap3A_54 = arith.constant 16 : index
    %swap3A_55 = tpu.vector_load %arg9[%swap3A_53, %swap3A_54] {strides = array<i32>} : memref<5x128xi32, #tpu.memory_space<vmem>>, vector<1x16xi32>,
    %swap3A_56 = vector.shape_cast %swap3A_55 : vector<1x16xi32> to vector<16xi32>
    %swap3A_57 = vector.shape_cast %add3A_51 : vector<16xi32> to vector<1x16xi32>
    tpu.vector_store %arg9[%swap3A_53, %swap3A_54], %swap3A_57 {strides = array<i32>} : memref<5x128xi32, #tpu.memory_space<vmem>>, vector<1x16xi32>,
    %get3A_58 = arith.constant 32 : index
    %get3A_59 = tpu.vector_load %arg7[%get3A_58] {strides = array<i32>} : memref<640xi32, #tpu.memory_space<vmem>>, vector<16xi32>,
    %get3A_60 = vector.shape_cast %get3A_59 : vector<16xi32> to vector<16xi32>
    %add3A_61 = arith.addi %get3A_60, %get3A_35 : vector<16xi32>
    %swap3A_62 = arith.constant 0 : i32
    %swap3A_63 = arith.index_cast %swap3A_62 : i32 to index
    %swap3A_64 = arith.constant 32 : index
    %swap3A_65 = tpu.vector_load %arg9[%swap3A_63, %swap3A_64] {strides = array<i32>} : memref<5x128xi32, #tpu.memory_space<vmem>>, vector<1x16xi32>,
    %swap3A_66 = vector.shape_cast %swap3A_65 : vector<1x16xi32> to vector<16xi32>
    %swap3A_67 = vector.shape_cast %add3A_61 : vector<16xi32> to vector<1x16xi32>
    tpu.vector_store %arg9[%swap3A_63, %swap3A_64], %swap3A_67 {strides = array<i32>} : memref<5x128xi32, #tpu.memory_space<vmem>>, vector<1x16xi32>,
    %get3A_68 = arith.constant 48 : index
    %get3A_69 = tpu.vector_load %arg7[%get3A_68] {strides = array<i32>} : memref<640xi32, #tpu.memory_space<vmem>>, vector<16xi32>,
    %get3A_70 = vector.shape_cast %get3A_69 : vector<16xi32> to vector<16xi32>
    %add3A_71 = arith.addi %get3A_70, %get3A_35 : vector<16xi32>
    %swap3A_72 = arith.constant 0 : i32
    %swap3A_73 = arith.index_cast %swap3A_72 : i32 to index
    %swap3A_74 = arith.constant 48 : index
    %swap3A_75 = tpu.vector_load %arg9[%swap3A_73, %swap3A_74] {strides = array<i32>} : memref<5x128xi32, #tpu.memory_space<vmem>>, vector<1x16xi32>,
    %swap3A_76 = vector.shape_cast %swap3A_75 : vector<1x16xi32> to vector<16xi32>
    %swap3A_77 = vector.shape_cast %add3A_71 : vector<16xi32> to vector<1x16xi32>
    tpu.vector_store %arg9[%swap3A_73, %swap3A_74], %swap3A_77 {strides = array<i32>} : memref<5x128xi32, #tpu.memory_space<vmem>>, vector<1x16xi32>,
    %get3A_78 = arith.constant 64 : index
    %get3A_79 = tpu.vector_load %arg7[%get3A_78] {strides = array<i32>} : memref<640xi32, #tpu.memory_space<vmem>>, vector<16xi32>,
    %get3A_80 = vector.shape_cast %get3A_79 : vector<16xi32> to vector<16xi32>
    %add3A_81 = arith.addi %get3A_80, %get3A_35 : vector<16xi32>
    %swap3A_82 = arith.constant 0 : i32
    %swap3A_83 = arith.index_cast %swap3A_82 : i32 to index
    %swap3A_84 = arith.constant 64 : index
    %swap3A_85 = tpu.vector_load %arg9[%swap3A_83, %swap3A_84] {strides = array<i32>} : memref<5x128xi32, #tpu.memory_space<vmem>>, vector<1x16xi32>,
    %swap3A_86 = vector.shape_cast %swap3A_85 : vector<1x16xi32> to vector<16xi32>
    %swap3A_87 = vector.shape_cast %add3A_81 : vector<16xi32> to vector<1x16xi32>
    tpu.vector_store %arg9[%swap3A_83, %swap3A_84], %swap3A_87 {strides = array<i32>} : memref<5x128xi32, #tpu.memory_space<vmem>>, vector<1x16xi32>,
    %get3A_88 = arith.constant 80 : index
    %get3A_89 = tpu.vector_load %arg7[%get3A_88] {strides = array<i32>} : memref<640xi32, #tpu.memory_space<vmem>>, vector<16xi32>,
    %get3A_90 = vector.shape_cast %get3A_89 : vector<16xi32> to vector<16xi32>
    %add3A_91 = arith.addi %get3A_90, %get3A_35 : vector<16xi32>
    %swap3A_92 = arith.constant 0 : i32
    %swap3A_93 = arith.index_cast %swap3A_92 : i32 to index
    %swap3A_94 = arith.constant 80 : index
    %swap3A_95 = tpu.vector_load %arg9[%swap3A_93, %swap3A_94] {strides = array<i32>} : memref<5x128xi32, #tpu.memory_space<vmem>>, vector<1x16xi32>,
    %swap3A_96 = vector.shape_cast %swap3A_95 : vector<1x16xi32> to vector<16xi32>
    %swap3A_97 = vector.shape_cast %add3A_91 : vector<16xi32> to vector<1x16xi32>
    tpu.vector_store %arg9[%swap3A_93, %swap3A_94], %swap3A_97 {strides = array<i32>} : memref<5x128xi32, #tpu.memory_space<vmem>>, vector<1x16xi32>,
    %get3A_98 = arith.constant 96 : index
    %get3A_99 = tpu.vector_load %arg7[%get3A_98] {strides = array<i32>} : memref<640xi32, #tpu.memory_space<vmem>>, vector<16xi32>,
    %get3A_100 = vector.shape_cast %get3A_99 : vector<16xi32> to vector<16xi32>
    %add3A_101 = arith.addi %get3A_100, %get3A_35 : vector<16xi32>
    %swap3A_102 = arith.constant 0 : i32
    %swap3A_103 = arith.index_cast %swap3A_102 : i32 to index
    %swap3A_104 = arith.constant 96 : index
    %swap3A_105 = tpu.vector_load %arg9[%swap3A_103, %swap3A_104] {strides = array<i32>} : memref<5x128xi32, #tpu.memory_space<vmem>>, vector<1x16xi32>,
    %swap3A_106 = vector.shape_cast %swap3A_105 : vector<1x16xi32> to vector<16xi32>
    %swap3A_107 = vector.shape_cast %add3A_101 : vector<16xi32> to vector<1x16xi32>
    tpu.vector_store %arg9[%swap3A_103, %swap3A_104], %swap3A_107 {strides = array<i32>} : memref<5x128xi32, #tpu.memory_space<vmem>>, vector<1x16xi32>,
    %get3A_108 = arith.constant 112 : index
    %get3A_109 = tpu.vector_load %arg7[%get3A_108] {strides = array<i32>} : memref<640xi32, #tpu.memory_space<vmem>>, vector<16xi32>,
    %get3A_110 = vector.shape_cast %get3A_109 : vector<16xi32> to vector<16xi32>
    %add3A_111 = arith.addi %get3A_110, %get3A_35 : vector<16xi32>
    %swap3A_112 = arith.constant 0 : i32
    %swap3A_113 = arith.index_cast %swap3A_112 : i32 to index
    %swap3A_114 = arith.constant 112 : index
    %swap3A_115 = tpu.vector_load %arg9[%swap3A_113, %swap3A_114] {strides = array<i32>} : memref<5x128xi32, #tpu.memory_space<vmem>>, vector<1x16xi32>,
    %swap3A_116 = vector.shape_cast %swap3A_115 : vector<1x16xi32> to vector<16xi32>
    %swap3A_117 = vector.shape_cast %add3A_111 : vector<16xi32> to vector<1x16xi32>
    tpu.vector_store %arg9[%swap3A_113, %swap3A_114], %swap3A_117 {strides = array<i32>} : memref<5x128xi32, #tpu.memory_space<vmem>>, vector<1x16xi32>,
    %get3A_118 = arith.constant 128 : index
    %get3A_119 = tpu.vector_load %arg7[%get3A_118] {strides = array<i32>} : memref<640xi32, #tpu.memory_space<vmem>>, vector<16xi32>,
    %get3A_120 = vector.shape_cast %get3A_119 : vector<16xi32> to vector<16xi32>
    %add3A_121 = arith.addi %get3A_120, %get3A_35 : vector<16xi32>
    %swap3A_122 = arith.constant 1 : i32
    %swap3A_123 = arith.index_cast %swap3A_122 : i32 to index
    %swap3A_124 = arith.constant 0 : index
    %swap3A_125 = tpu.vector_load %arg9[%swap3A_123, %swap3A_124] {strides = array<i32>} : memref<5x128xi32, #tpu.memory_space<vmem>>, vector<1x16xi32>,
    %swap3A_126 = vector.shape_cast %swap3A_125 : vector<1x16xi32> to vector<16xi32>
    %swap3A_127 = vector.shape_cast %add3A_121 : vector<16xi32> to vector<1x16xi32>
    tpu.vector_store %arg9[%swap3A_123, %swap3A_124], %swap3A_127 {strides = array<i32>} : memref<5x128xi32, #tpu.memory_space<vmem>>, vector<1x16xi32>,
    %get3A_128 = arith.constant 144 : index
    %get3A_129 = tpu.vector_load %arg7[%get3A_128] {strides = array<i32>} : memref<640xi32, #tpu.memory_space<vmem>>, vector<16xi32>,
    %get3A_130 = vector.shape_cast %get3A_129 : vector<16xi32> to vector<16xi32>
    %add3A_131 = arith.addi %get3A_130, %get3A_35 : vector<16xi32>
    %swap3A_132 = arith.constant 1 : i32
    %swap3A_133 = arith.index_cast %swap3A_132 : i32 to index
    %swap3A_134 = arith.constant 16 : index
    %swap3A_135 = tpu.vector_load %arg9[%swap3A_133, %swap3A_134] {strides = array<i32>} : memref<5x128xi32, #tpu.memory_space<vmem>>, vector<1x16xi32>,
    %swap3A_136 = vector.shape_cast %swap3A_135 : vector<1x16xi32> to vector<16xi32>
    %swap3A_137 = vector.shape_cast %add3A_131 : vector<16xi32> to vector<1x16xi32>
    tpu.vector_store %arg9[%swap3A_133, %swap3A_134], %swap3A_137 {strides = array<i32>} : memref<5x128xi32, #tpu.memory_space<vmem>>, vector<1x16xi32>,
    %get3A_138 = arith.constant 160 : index
    %get3A_139 = tpu.vector_load %arg7[%get3A_138] {strides = array<i32>} : memref<640xi32, #tpu.memory_space<vmem>>, vector<16xi32>,
    %get3A_140 = vector.shape_cast %get3A_139 : vector<16xi32> to vector<16xi32>
    %add3A_141 = arith.addi %get3A_140, %get3A_35 : vector<16xi32>
    %swap3A_142 = arith.constant 1 : i32
    %swap3A_143 = arith.index_cast %swap3A_142 : i32 to index
    %swap3A_144 = arith.constant 32 : index
    %swap3A_145 = tpu.vector_load %arg9[%swap3A_143, %swap3A_144] {strides = array<i32>} : memref<5x128xi32, #tpu.memory_space<vmem>>, vector<1x16xi32>,
    %swap3A_146 = vector.shape_cast %swap3A_145 : vector<1x16xi32> to vector<16xi32>
    %swap3A_147 = vector.shape_cast %add3A_141 : vector<16xi32> to vector<1x16xi32>
    tpu.vector_store %arg9[%swap3A_143, %swap3A_144], %swap3A_147 {strides = array<i32>} : memref<5x128xi32, #tpu.memory_space<vmem>>, vector<1x16xi32>,
    %get3A_148 = arith.constant 176 : index
    %get3A_149 = tpu.vector_load %arg7[%get3A_148] {strides = array<i32>} : memref<640xi32, #tpu.memory_space<vmem>>, vector<16xi32>,
    %get3A_150 = vector.shape_cast %get3A_149 : vector<16xi32> to vector<16xi32>
    %add3A_151 = arith.addi %get3A_150, %get3A_35 : vector<16xi32>
    %swap3A_152 = arith.constant 1 : i32
    %swap3A_153 = arith.index_cast %swap3A_152 : i32 to index
    %swap3A_154 = arith.constant 48 : index
    %swap3A_155 = tpu.vector_load %arg9[%swap3A_153, %swap3A_154] {strides = array<i32>} : memref<5x128xi32, #tpu.memory_space<vmem>>, vector<1x16xi32>,
    %swap3A_156 = vector.shape_cast %swap3A_155 : vector<1x16xi32> to vector<16xi32>
    %swap3A_157 = vector.shape_cast %add3A_151 : vector<16xi32> to vector<1x16xi32>
    tpu.vector_store %arg9[%swap3A_153, %swap3A_154], %swap3A_157 {strides = array<i32>} : memref<5x128xi32, #tpu.memory_space<vmem>>, vector<1x16xi32>,
    %get3A_158 = arith.constant 192 : index
    %get3A_159 = tpu.vector_load %arg7[%get3A_158] {strides = array<i32>} : memref<640xi32, #tpu.memory_space<vmem>>, vector<16xi32>,
    %get3A_160 = vector.shape_cast %get3A_159 : vector<16xi32> to vector<16xi32>
    %add3A_161 = arith.addi %get3A_160, %get3A_35 : vector<16xi32>
    %swap3A_162 = arith.constant 1 : i32
    %swap3A_163 = arith.index_cast %swap3A_162 : i32 to index
    %swap3A_164 = arith.constant 64 : index
    %swap3A_165 = tpu.vector_load %arg9[%swap3A_163, %swap3A_164] {strides = array<i32>} : memref<5x128xi32, #tpu.memory_space<vmem>>, vector<1x16xi32>,
    %swap3A_166 = vector.shape_cast %swap3A_165 : vector<1x16xi32> to vector<16xi32>
    %swap3A_167 = vector.shape_cast %add3A_161 : vector<16xi32> to vector<1x16xi32>
    tpu.vector_store %arg9[%swap3A_163, %swap3A_164], %swap3A_167 {strides = array<i32>} : memref<5x128xi32, #tpu.memory_space<vmem>>, vector<1x16xi32>,
    %get3A_168 = arith.constant 208 : index
    %get3A_169 = tpu.vector_load %arg7[%get3A_168] {strides = array<i32>} : memref<640xi32, #tpu.memory_space<vmem>>, vector<16xi32>,
    %get3A_170 = vector.shape_cast %get3A_169 : vector<16xi32> to vector<16xi32>
    %add3A_171 = arith.addi %get3A_170, %get3A_35 : vector<16xi32>
    %swap3A_172 = arith.constant 1 : i32
    %swap3A_173 = arith.index_cast %swap3A_172 : i32 to index
    %swap3A_174 = arith.constant 80 : index
    %swap3A_175 = tpu.vector_load %arg9[%swap3A_173, %swap3A_174] {strides = array<i32>} : memref<5x128xi32, #tpu.memory_space<vmem>>, vector<1x16xi32>,
    %swap3A_176 = vector.shape_cast %swap3A_175 : vector<1x16xi32> to vector<16xi32>
    %swap3A_177 = vector.shape_cast %add3A_171 : vector<16xi32> to vector<1x16xi32>
    tpu.vector_store %arg9[%swap3A_173, %swap3A_174], %swap3A_177 {strides = array<i32>} : memref<5x128xi32, #tpu.memory_space<vmem>>, vector<1x16xi32>,
    %get3A_178 = arith.constant 224 : index
    %get3A_179 = tpu.vector_load %arg7[%get3A_178] {strides = array<i32>} : memref<640xi32, #tpu.memory_space<vmem>>, vector<16xi32>,
    %get3A_180 = vector.shape_cast %get3A_179 : vector<16xi32> to vector<16xi32>
    %add3A_181 = arith.addi %get3A_180, %get3A_35 : vector<16xi32>
    %swap3A_182 = arith.constant 1 : i32
    %swap3A_183 = arith.index_cast %swap3A_182 : i32 to index
    %swap3A_184 = arith.constant 96 : index
    %swap3A_185 = tpu.vector_load %arg9[%swap3A_183, %swap3A_184] {strides = array<i32>} : memref<5x128xi32, #tpu.memory_space<vmem>>, vector<1x16xi32>,
    %swap3A_186 = vector.shape_cast %swap3A_185 : vector<1x16xi32> to vector<16xi32>
    %swap3A_187 = vector.shape_cast %add3A_181 : vector<16xi32> to vector<1x16xi32>
    tpu.vector_store %arg9[%swap3A_183, %swap3A_184], %swap3A_187 {strides = array<i32>} : memref<5x128xi32, #tpu.memory_space<vmem>>, vector<1x16xi32>,
    %get3A_188 = arith.constant 240 : index
    %get3A_189 = tpu.vector_load %arg7[%get3A_188] {strides = array<i32>} : memref<640xi32, #tpu.memory_space<vmem>>, vector<16xi32>,
    %get3A_190 = vector.shape_cast %get3A_189 : vector<16xi32> to vector<16xi32>
    %add3A_191 = arith.addi %get3A_190, %get3A_35 : vector<16xi32>
    %swap3A_192 = arith.constant 1 : i32
    %swap3A_193 = arith.index_cast %swap3A_192 : i32 to index
    %swap3A_194 = arith.constant 112 : index
    %swap3A_195 = tpu.vector_load %arg9[%swap3A_193, %swap3A_194] {strides = array<i32>} : memref<5x128xi32, #tpu.memory_space<vmem>>, vector<1x16xi32>,
    %swap3A_196 = vector.shape_cast %swap3A_195 : vector<1x16xi32> to vector<16xi32>
    %swap3A_197 = vector.shape_cast %add3A_191 : vector<16xi32> to vector<1x16xi32>
    tpu.vector_store %arg9[%swap3A_193, %swap3A_194], %swap3A_197 {strides = array<i32>} : memref<5x128xi32, #tpu.memory_space<vmem>>, vector<1x16xi32>,
    %get3A_198 = arith.constant 256 : index
    %get3A_199 = tpu.vector_load %arg7[%get3A_198] {strides = array<i32>} : memref<640xi32, #tpu.memory_space<vmem>>, vector<16xi32>,
    %get3A_200 = vector.shape_cast %get3A_199 : vector<16xi32> to vector<16xi32>
    %add3A_201 = arith.addi %get3A_200, %get3A_35 : vector<16xi32>
    %swap3A_202 = arith.constant 2 : i32
    %swap3A_203 = arith.index_cast %swap3A_202 : i32 to index
    %swap3A_204 = arith.constant 0 : index
    %swap3A_205 = tpu.vector_load %arg9[%swap3A_203, %swap3A_204] {strides = array<i32>} : memref<5x128xi32, #tpu.memory_space<vmem>>, vector<1x16xi32>,
    %swap3A_206 = vector.shape_cast %swap3A_205 : vector<1x16xi32> to vector<16xi32>
    %swap3A_207 = vector.shape_cast %add3A_201 : vector<16xi32> to vector<1x16xi32>
    tpu.vector_store %arg9[%swap3A_203, %swap3A_204], %swap3A_207 {strides = array<i32>} : memref<5x128xi32, #tpu.memory_space<vmem>>, vector<1x16xi32>,
    %get3A_208 = arith.constant 272 : index
    %get3A_209 = tpu.vector_load %arg7[%get3A_208] {strides = array<i32>} : memref<640xi32, #tpu.memory_space<vmem>>, vector<16xi32>,
    %get3A_210 = vector.shape_cast %get3A_209 : vector<16xi32> to vector<16xi32>
    %add3A_211 = arith.addi %get3A_210, %get3A_35 : vector<16xi32>
    %swap3A_212 = arith.constant 2 : i32
    %swap3A_213 = arith.index_cast %swap3A_212 : i32 to index
    %swap3A_214 = arith.constant 16 : index
    %swap3A_215 = tpu.vector_load %arg9[%swap3A_213, %swap3A_214] {strides = array<i32>} : memref<5x128xi32, #tpu.memory_space<vmem>>, vector<1x16xi32>,
    %swap3A_216 = vector.shape_cast %swap3A_215 : vector<1x16xi32> to vector<16xi32>
    %swap3A_217 = vector.shape_cast %add3A_211 : vector<16xi32> to vector<1x16xi32>
    tpu.vector_store %arg9[%swap3A_213, %swap3A_214], %swap3A_217 {strides = array<i32>} : memref<5x128xi32, #tpu.memory_space<vmem>>, vector<1x16xi32>,
    %get3A_218 = arith.constant 288 : index
    %get3A_219 = tpu.vector_load %arg7[%get3A_218] {strides = array<i32>} : memref<640xi32, #tpu.memory_space<vmem>>, vector<16xi32>,
    %get3A_220 = vector.shape_cast %get3A_219 : vector<16xi32> to vector<16xi32>
    %add3A_221 = arith.addi %get3A_220, %get3A_35 : vector<16xi32>
    %swap3A_222 = arith.constant 2 : i32
    %swap3A_223 = arith.index_cast %swap3A_222 : i32 to index
    %swap3A_224 = arith.constant 32 : index
    %swap3A_225 = tpu.vector_load %arg9[%swap3A_223, %swap3A_224] {strides = array<i32>} : memref<5x128xi32, #tpu.memory_space<vmem>>, vector<1x16xi32>,
    %swap3A_226 = vector.shape_cast %swap3A_225 : vector<1x16xi32> to vector<16xi32>
    %swap3A_227 = vector.shape_cast %add3A_221 : vector<16xi32> to vector<1x16xi32>
    tpu.vector_store %arg9[%swap3A_223, %swap3A_224], %swap3A_227 {strides = array<i32>} : memref<5x128xi32, #tpu.memory_space<vmem>>, vector<1x16xi32>,
    %get3A_228 = arith.constant 304 : index
    %get3A_229 = tpu.vector_load %arg7[%get3A_228] {strides = array<i32>} : memref<640xi32, #tpu.memory_space<vmem>>, vector<16xi32>,
    %get3A_230 = vector.shape_cast %get3A_229 : vector<16xi32> to vector<16xi32>
    %add3A_231 = arith.addi %get3A_230, %get3A_35 : vector<16xi32>
    %swap3A_232 = arith.constant 2 : i32
    %swap3A_233 = arith.index_cast %swap3A_232 : i32 to index
    %swap3A_234 = arith.constant 48 : index
    %swap3A_235 = tpu.vector_load %arg9[%swap3A_233, %swap3A_234] {strides = array<i32>} : memref<5x128xi32, #tpu.memory_space<vmem>>, vector<1x16xi32>,
    %swap3A_236 = vector.shape_cast %swap3A_235 : vector<1x16xi32> to vector<16xi32>
    %swap3A_237 = vector.shape_cast %add3A_231 : vector<16xi32> to vector<1x16xi32>
    tpu.vector_store %arg9[%swap3A_233, %swap3A_234], %swap3A_237 {strides = array<i32>} : memref<5x128xi32, #tpu.memory_space<vmem>>, vector<1x16xi32>,
    %get3A_238 = arith.constant 320 : index
    %get3A_239 = tpu.vector_load %arg7[%get3A_238] {strides = array<i32>} : memref<640xi32, #tpu.memory_space<vmem>>, vector<16xi32>,
    %get3A_240 = vector.shape_cast %get3A_239 : vector<16xi32> to vector<16xi32>
    %add3A_241 = arith.addi %get3A_240, %get3A_35 : vector<16xi32>
    %swap3A_242 = arith.constant 2 : i32
    %swap3A_243 = arith.index_cast %swap3A_242 : i32 to index
    %swap3A_244 = arith.constant 64 : index
    %swap3A_245 = tpu.vector_load %arg9[%swap3A_243, %swap3A_244] {strides = array<i32>} : memref<5x128xi32, #tpu.memory_space<vmem>>, vector<1x16xi32>,
    %swap3A_246 = vector.shape_cast %swap3A_245 : vector<1x16xi32> to vector<16xi32>
    %swap3A_247 = vector.shape_cast %add3A_241 : vector<16xi32> to vector<1x16xi32>
    tpu.vector_store %arg9[%swap3A_243, %swap3A_244], %swap3A_247 {strides = array<i32>} : memref<5x128xi32, #tpu.memory_space<vmem>>, vector<1x16xi32>,
    %get3A_248 = arith.constant 336 : index
    %get3A_249 = tpu.vector_load %arg7[%get3A_248] {strides = array<i32>} : memref<640xi32, #tpu.memory_space<vmem>>, vector<16xi32>,
    %get3A_250 = vector.shape_cast %get3A_249 : vector<16xi32> to vector<16xi32>
    %add3A_251 = arith.addi %get3A_250, %get3A_35 : vector<16xi32>
    %swap3A_252 = arith.constant 2 : i32
    %swap3A_253 = arith.index_cast %swap3A_252 : i32 to index
    %swap3A_254 = arith.constant 80 : index
    %swap3A_255 = tpu.vector_load %arg9[%swap3A_253, %swap3A_254] {strides = array<i32>} : memref<5x128xi32, #tpu.memory_space<vmem>>, vector<1x16xi32>,
    %swap3A_256 = vector.shape_cast %swap3A_255 : vector<1x16xi32> to vector<16xi32>
    %swap3A_257 = vector.shape_cast %add3A_251 : vector<16xi32> to vector<1x16xi32>
    tpu.vector_store %arg9[%swap3A_253, %swap3A_254], %swap3A_257 {strides = array<i32>} : memref<5x128xi32, #tpu.memory_space<vmem>>, vector<1x16xi32>,
    %get3A_258 = arith.constant 352 : index
    %get3A_259 = tpu.vector_load %arg7[%get3A_258] {strides = array<i32>} : memref<640xi32, #tpu.memory_space<vmem>>, vector<16xi32>,
    %get3A_260 = vector.shape_cast %get3A_259 : vector<16xi32> to vector<16xi32>
    %add3A_261 = arith.addi %get3A_260, %get3A_35 : vector<16xi32>
    %swap3A_262 = arith.constant 2 : i32
    %swap3A_263 = arith.index_cast %swap3A_262 : i32 to index
    %swap3A_264 = arith.constant 96 : index
    %swap3A_265 = tpu.vector_load %arg9[%swap3A_263, %swap3A_264] {strides = array<i32>} : memref<5x128xi32, #tpu.memory_space<vmem>>, vector<1x16xi32>,
    %swap3A_266 = vector.shape_cast %swap3A_265 : vector<1x16xi32> to vector<16xi32>
    %swap3A_267 = vector.shape_cast %add3A_261 : vector<16xi32> to vector<1x16xi32>
    tpu.vector_store %arg9[%swap3A_263, %swap3A_264], %swap3A_267 {strides = array<i32>} : memref<5x128xi32, #tpu.memory_space<vmem>>, vector<1x16xi32>,
    %get3A_268 = arith.constant 368 : index
    %get3A_269 = tpu.vector_load %arg7[%get3A_268] {strides = array<i32>} : memref<640xi32, #tpu.memory_space<vmem>>, vector<16xi32>,
    %get3A_270 = vector.shape_cast %get3A_269 : vector<16xi32> to vector<16xi32>
    %add3A_271 = arith.addi %get3A_270, %get3A_35 : vector<16xi32>
    %swap3A_272 = arith.constant 2 : i32
    %swap3A_273 = arith.index_cast %swap3A_272 : i32 to index
    %swap3A_274 = arith.constant 112 : index
    %swap3A_275 = tpu.vector_load %arg9[%swap3A_273, %swap3A_274] {strides = array<i32>} : memref<5x128xi32, #tpu.memory_space<vmem>>, vector<1x16xi32>,
    %swap3A_276 = vector.shape_cast %swap3A_275 : vector<1x16xi32> to vector<16xi32>
    %swap3A_277 = vector.shape_cast %add3A_271 : vector<16xi32> to vector<1x16xi32>
    tpu.vector_store %arg9[%swap3A_273, %swap3A_274], %swap3A_277 {strides = array<i32>} : memref<5x128xi32, #tpu.memory_space<vmem>>, vector<1x16xi32>,
    %get3A_278 = arith.constant 384 : index
    %get3A_279 = tpu.vector_load %arg7[%get3A_278] {strides = array<i32>} : memref<640xi32, #tpu.memory_space<vmem>>, vector<16xi32>,
    %get3A_280 = vector.shape_cast %get3A_279 : vector<16xi32> to vector<16xi32>
    %add3A_281 = arith.addi %get3A_280, %get3A_35 : vector<16xi32>
    %swap3A_282 = arith.constant 3 : i32
    %swap3A_283 = arith.index_cast %swap3A_282 : i32 to index
    %swap3A_284 = arith.constant 0 : index
    %swap3A_285 = tpu.vector_load %arg9[%swap3A_283, %swap3A_284] {strides = array<i32>} : memref<5x128xi32, #tpu.memory_space<vmem>>, vector<1x16xi32>,
    %swap3A_286 = vector.shape_cast %swap3A_285 : vector<1x16xi32> to vector<16xi32>
    %swap3A_287 = vector.shape_cast %add3A_281 : vector<16xi32> to vector<1x16xi32>
    tpu.vector_store %arg9[%swap3A_283, %swap3A_284], %swap3A_287 {strides = array<i32>} : memref<5x128xi32, #tpu.memory_space<vmem>>, vector<1x16xi32>,
    %get3A_288 = arith.constant 400 : index
    %get3A_289 = tpu.vector_load %arg7[%get3A_288] {strides = array<i32>} : memref<640xi32, #tpu.memory_space<vmem>>, vector<16xi32>,
    %get3A_290 = vector.shape_cast %get3A_289 : vector<16xi32> to vector<16xi32>
    %add3A_291 = arith.addi %get3A_290, %get3A_35 : vector<16xi32>
    %swap3A_292 = arith.constant 3 : i32
    %swap3A_293 = arith.index_cast %swap3A_292 : i32 to index
    %swap3A_294 = arith.constant 16 : index
    %swap3A_295 = tpu.vector_load %arg9[%swap3A_293, %swap3A_294] {strides = array<i32>} : memref<5x128xi32, #tpu.memory_space<vmem>>, vector<1x16xi32>,
    %swap3A_296 = vector.shape_cast %swap3A_295 : vector<1x16xi32> to vector<16xi32>
    %swap3A_297 = vector.shape_cast %add3A_291 : vector<16xi32> to vector<1x16xi32>
    tpu.vector_store %arg9[%swap3A_293, %swap3A_294], %swap3A_297 {strides = array<i32>} : memref<5x128xi32, #tpu.memory_space<vmem>>, vector<1x16xi32>,
    %get3A_298 = arith.constant 416 : index
    %get3A_299 = tpu.vector_load %arg7[%get3A_298] {strides = array<i32>} : memref<640xi32, #tpu.memory_space<vmem>>, vector<16xi32>,
    %get3A_300 = vector.shape_cast %get3A_299 : vector<16xi32> to vector<16xi32>
    %add3A_301 = arith.addi %get3A_300, %get3A_35 : vector<16xi32>
    %swap3A_302 = arith.constant 3 : i32
    %swap3A_303 = arith.index_cast %swap3A_302 : i32 to index
    %swap3A_304 = arith.constant 32 : index
    %swap3A_305 = tpu.vector_load %arg9[%swap3A_303, %swap3A_304] {strides = array<i32>} : memref<5x128xi32, #tpu.memory_space<vmem>>, vector<1x16xi32>,
    %swap3A_306 = vector.shape_cast %swap3A_305 : vector<1x16xi32> to vector<16xi32>
    %swap3A_307 = vector.shape_cast %add3A_301 : vector<16xi32> to vector<1x16xi32>
    tpu.vector_store %arg9[%swap3A_303, %swap3A_304], %swap3A_307 {strides = array<i32>} : memref<5x128xi32, #tpu.memory_space<vmem>>, vector<1x16xi32>,
    %get3A_308 = arith.constant 432 : index
    %get3A_309 = tpu.vector_load %arg7[%get3A_308] {strides = array<i32>} : memref<640xi32, #tpu.memory_space<vmem>>, vector<16xi32>,
    %get3A_310 = vector.shape_cast %get3A_309 : vector<16xi32> to vector<16xi32>
    %add3A_311 = arith.addi %get3A_310, %get3A_35 : vector<16xi32>
    %swap3A_312 = arith.constant 3 : i32
    %swap3A_313 = arith.index_cast %swap3A_312 : i32 to index
    %swap3A_314 = arith.constant 48 : index
    %swap3A_315 = tpu.vector_load %arg9[%swap3A_313, %swap3A_314] {strides = array<i32>} : memref<5x128xi32, #tpu.memory_space<vmem>>, vector<1x16xi32>,
    %swap3A_316 = vector.shape_cast %swap3A_315 : vector<1x16xi32> to vector<16xi32>
    %swap3A_317 = vector.shape_cast %add3A_311 : vector<16xi32> to vector<1x16xi32>
    tpu.vector_store %arg9[%swap3A_313, %swap3A_314], %swap3A_317 {strides = array<i32>} : memref<5x128xi32, #tpu.memory_space<vmem>>, vector<1x16xi32>,
    %get3A_318 = arith.constant 448 : index
    %get3A_319 = tpu.vector_load %arg7[%get3A_318] {strides = array<i32>} : memref<640xi32, #tpu.memory_space<vmem>>, vector<16xi32>,
    %get3A_320 = vector.shape_cast %get3A_319 : vector<16xi32> to vector<16xi32>
    %add3A_321 = arith.addi %get3A_320, %get3A_35 : vector<16xi32>
    %swap3A_322 = arith.constant 3 : i32
    %swap3A_323 = arith.index_cast %swap3A_322 : i32 to index
    %swap3A_324 = arith.constant 64 : index
    %swap3A_325 = tpu.vector_load %arg9[%swap3A_323, %swap3A_324] {strides = array<i32>} : memref<5x128xi32, #tpu.memory_space<vmem>>, vector<1x16xi32>,
    %swap3A_326 = vector.shape_cast %swap3A_325 : vector<1x16xi32> to vector<16xi32>
    %swap3A_327 = vector.shape_cast %add3A_321 : vector<16xi32> to vector<1x16xi32>
    tpu.vector_store %arg9[%swap3A_323, %swap3A_324], %swap3A_327 {strides = array<i32>} : memref<5x128xi32, #tpu.memory_space<vmem>>, vector<1x16xi32>,
    %get3A_328 = arith.constant 464 : index
    %get3A_329 = tpu.vector_load %arg7[%get3A_328] {strides = array<i32>} : memref<640xi32, #tpu.memory_space<vmem>>, vector<16xi32>,
    %get3A_330 = vector.shape_cast %get3A_329 : vector<16xi32> to vector<16xi32>
    %add3A_331 = arith.addi %get3A_330, %get3A_35 : vector<16xi32>
    %swap3A_332 = arith.constant 3 : i32
    %swap3A_333 = arith.index_cast %swap3A_332 : i32 to index
    %swap3A_334 = arith.constant 80 : index
    %swap3A_335 = tpu.vector_load %arg9[%swap3A_333, %swap3A_334] {strides = array<i32>} : memref<5x128xi32, #tpu.memory_space<vmem>>, vector<1x16xi32>,
    %swap3A_336 = vector.shape_cast %swap3A_335 : vector<1x16xi32> to vector<16xi32>
    %swap3A_337 = vector.shape_cast %add3A_331 : vector<16xi32> to vector<1x16xi32>
    tpu.vector_store %arg9[%swap3A_333, %swap3A_334], %swap3A_337 {strides = array<i32>} : memref<5x128xi32, #tpu.memory_space<vmem>>, vector<1x16xi32>,
    %get3A_338 = arith.constant 480 : index
    %get3A_339 = tpu.vector_load %arg7[%get3A_338] {strides = array<i32>} : memref<640xi32, #tpu.memory_space<vmem>>, vector<16xi32>,
    %get3A_340 = vector.shape_cast %get3A_339 : vector<16xi32> to vector<16xi32>
    %add3A_341 = arith.addi %get3A_340, %get3A_35 : vector<16xi32>
    %swap3A_342 = arith.constant 3 : i32
    %swap3A_343 = arith.index_cast %swap3A_342 : i32 to index
    %swap3A_344 = arith.constant 96 : index
    %swap3A_345 = tpu.vector_load %arg9[%swap3A_343, %swap3A_344] {strides = array<i32>} : memref<5x128xi32, #tpu.memory_space<vmem>>, vector<1x16xi32>,
    %swap3A_346 = vector.shape_cast %swap3A_345 : vector<1x16xi32> to vector<16xi32>
    %swap3A_347 = vector.shape_cast %add3A_341 : vector<16xi32> to vector<1x16xi32>
    tpu.vector_store %arg9[%swap3A_343, %swap3A_344], %swap3A_347 {strides = array<i32>} : memref<5x128xi32, #tpu.memory_space<vmem>>, vector<1x16xi32>,
    %get3A_348 = arith.constant 496 : index
    %get3A_349 = tpu.vector_load %arg7[%get3A_348] {strides = array<i32>} : memref<640xi32, #tpu.memory_space<vmem>>, vector<16xi32>,
    %get3A_350 = vector.shape_cast %get3A_349 : vector<16xi32> to vector<16xi32>
    %add3A_351 = arith.addi %get3A_350, %get3A_35 : vector<16xi32>
    %swap3A_352 = arith.constant 3 : i32
    %swap3A_353 = arith.index_cast %swap3A_352 : i32 to index
    %swap3A_354 = arith.constant 112 : index
    %swap3A_355 = tpu.vector_load %arg9[%swap3A_353, %swap3A_354] {strides = array<i32>} : memref<5x128xi32, #tpu.memory_space<vmem>>, vector<1x16xi32>,
    %swap3A_356 = vector.shape_cast %swap3A_355 : vector<1x16xi32> to vector<16xi32>
    %swap3A_357 = vector.shape_cast %add3A_351 : vector<16xi32> to vector<1x16xi32>
    tpu.vector_store %arg9[%swap3A_353, %swap3A_354], %swap3A_357 {strides = array<i32>} : memref<5x128xi32, #tpu.memory_space<vmem>>, vector<1x16xi32>,
    %get3A_358 = arith.constant 512 : index
    %get3A_359 = tpu.vector_load %arg7[%get3A_358] {strides = array<i32>} : memref<640xi32, #tpu.memory_space<vmem>>, vector<16xi32>,
    %get3A_360 = vector.shape_cast %get3A_359 : vector<16xi32> to vector<16xi32>
    %add3A_361 = arith.addi %get3A_360, %get3A_35 : vector<16xi32>
    %swap3A_362 = arith.constant 4 : i32
    %swap3A_363 = arith.index_cast %swap3A_362 : i32 to index
    %swap3A_364 = arith.constant 0 : index
    %swap3A_365 = tpu.vector_load %arg9[%swap3A_363, %swap3A_364] {strides = array<i32>} : memref<5x128xi32, #tpu.memory_space<vmem>>, vector<1x16xi32>,
    %swap3A_366 = vector.shape_cast %swap3A_365 : vector<1x16xi32> to vector<16xi32>
    %swap3A_367 = vector.shape_cast %add3A_361 : vector<16xi32> to vector<1x16xi32>
    tpu.vector_store %arg9[%swap3A_363, %swap3A_364], %swap3A_367 {strides = array<i32>} : memref<5x128xi32, #tpu.memory_space<vmem>>, vector<1x16xi32>,
    %get3A_368 = arith.constant 528 : index
    %get3A_369 = tpu.vector_load %arg7[%get3A_368] {strides = array<i32>} : memref<640xi32, #tpu.memory_space<vmem>>, vector<16xi32>,
    %get3A_370 = vector.shape_cast %get3A_369 : vector<16xi32> to vector<16xi32>
    %add3A_371 = arith.addi %get3A_370, %get3A_35 : vector<16xi32>
    %swap3A_372 = arith.constant 4 : i32
    %swap3A_373 = arith.index_cast %swap3A_372 : i32 to index
    %swap3A_374 = arith.constant 16 : index
    %swap3A_375 = tpu.vector_load %arg9[%swap3A_373, %swap3A_374] {strides = array<i32>} : memref<5x128xi32, #tpu.memory_space<vmem>>, vector<1x16xi32>,
    %swap3A_376 = vector.shape_cast %swap3A_375 : vector<1x16xi32> to vector<16xi32>
    %swap3A_377 = vector.shape_cast %add3A_371 : vector<16xi32> to vector<1x16xi32>
    tpu.vector_store %arg9[%swap3A_373, %swap3A_374], %swap3A_377 {strides = array<i32>} : memref<5x128xi32, #tpu.memory_space<vmem>>, vector<1x16xi32>,
    %get3A_378 = arith.constant 544 : index
    %get3A_379 = tpu.vector_load %arg7[%get3A_378] {strides = array<i32>} : memref<640xi32, #tpu.memory_space<vmem>>, vector<16xi32>,
    %get3A_380 = vector.shape_cast %get3A_379 : vector<16xi32> to vector<16xi32>
    %add3A_381 = arith.addi %get3A_380, %get3A_35 : vector<16xi32>
    %swap3A_382 = arith.constant 4 : i32
    %swap3A_383 = arith.index_cast %swap3A_382 : i32 to index
    %swap3A_384 = arith.constant 32 : index
    %swap3A_385 = tpu.vector_load %arg9[%swap3A_383, %swap3A_384] {strides = array<i32>} : memref<5x128xi32, #tpu.memory_space<vmem>>, vector<1x16xi32>,
    %swap3A_386 = vector.shape_cast %swap3A_385 : vector<1x16xi32> to vector<16xi32>
    %swap3A_387 = vector.shape_cast %add3A_381 : vector<16xi32> to vector<1x16xi32>
    tpu.vector_store %arg9[%swap3A_383, %swap3A_384], %swap3A_387 {strides = array<i32>} : memref<5x128xi32, #tpu.memory_space<vmem>>, vector<1x16xi32>,
    %get3A_388 = arith.constant 560 : index
    %get3A_389 = tpu.vector_load %arg7[%get3A_388] {strides = array<i32>} : memref<640xi32, #tpu.memory_space<vmem>>, vector<16xi32>,
    %get3A_390 = vector.shape_cast %get3A_389 : vector<16xi32> to vector<16xi32>
    %add3A_391 = arith.addi %get3A_390, %get3A_35 : vector<16xi32>
    %swap3A_392 = arith.constant 4 : i32
    %swap3A_393 = arith.index_cast %swap3A_392 : i32 to index
    %swap3A_394 = arith.constant 48 : index
    %swap3A_395 = tpu.vector_load %arg9[%swap3A_393, %swap3A_394] {strides = array<i32>} : memref<5x128xi32, #tpu.memory_space<vmem>>, vector<1x16xi32>,
    %swap3A_396 = vector.shape_cast %swap3A_395 : vector<1x16xi32> to vector<16xi32>
    %swap3A_397 = vector.shape_cast %add3A_391 : vector<16xi32> to vector<1x16xi32>
    tpu.vector_store %arg9[%swap3A_393, %swap3A_394], %swap3A_397 {strides = array<i32>} : memref<5x128xi32, #tpu.memory_space<vmem>>, vector<1x16xi32>,
    %get3A_398 = arith.constant 576 : index
    %get3A_399 = tpu.vector_load %arg7[%get3A_398] {strides = array<i32>} : memref<640xi32, #tpu.memory_space<vmem>>, vector<16xi32>,
    %get3A_400 = vector.shape_cast %get3A_399 : vector<16xi32> to vector<16xi32>
    %add3A_401 = arith.addi %get3A_400, %get3A_35 : vector<16xi32>
    %swap3A_402 = arith.constant 4 : i32
    %swap3A_403 = arith.index_cast %swap3A_402 : i32 to index
    %swap3A_404 = arith.constant 64 : index
    %swap3A_405 = tpu.vector_load %arg9[%swap3A_403, %swap3A_404] {strides = array<i32>} : memref<5x128xi32, #tpu.memory_space<vmem>>, vector<1x16xi32>,
    %swap3A_406 = vector.shape_cast %swap3A_405 : vector<1x16xi32> to vector<16xi32>
    %swap3A_407 = vector.shape_cast %add3A_401 : vector<16xi32> to vector<1x16xi32>
    tpu.vector_store %arg9[%swap3A_403, %swap3A_404], %swap3A_407 {strides = array<i32>} : memref<5x128xi32, #tpu.memory_space<vmem>>, vector<1x16xi32>,
    %get3A_408 = arith.constant 592 : index
    %get3A_409 = tpu.vector_load %arg7[%get3A_408] {strides = array<i32>} : memref<640xi32, #tpu.memory_space<vmem>>, vector<16xi32>,
    %get3A_410 = vector.shape_cast %get3A_409 : vector<16xi32> to vector<16xi32>
    %add3A_411 = arith.addi %get3A_410, %get3A_35 : vector<16xi32>
    %swap3A_412 = arith.constant 4 : i32
    %swap3A_413 = arith.index_cast %swap3A_412 : i32 to index
    %swap3A_414 = arith.constant 80 : index
    %swap3A_415 = tpu.vector_load %arg9[%swap3A_413, %swap3A_414] {strides = array<i32>} : memref<5x128xi32, #tpu.memory_space<vmem>>, vector<1x16xi32>,
    %swap3A_416 = vector.shape_cast %swap3A_415 : vector<1x16xi32> to vector<16xi32>
    %swap3A_417 = vector.shape_cast %add3A_411 : vector<16xi32> to vector<1x16xi32>
    tpu.vector_store %arg9[%swap3A_413, %swap3A_414], %swap3A_417 {strides = array<i32>} : memref<5x128xi32, #tpu.memory_space<vmem>>, vector<1x16xi32>,
    %get3A_418 = arith.constant 608 : index
    %get3A_419 = tpu.vector_load %arg7[%get3A_418] {strides = array<i32>} : memref<640xi32, #tpu.memory_space<vmem>>, vector<16xi32>,
    %get3A_420 = vector.shape_cast %get3A_419 : vector<16xi32> to vector<16xi32>
    %add3A_421 = arith.addi %get3A_420, %get3A_35 : vector<16xi32>
    %swap3A_422 = arith.constant 4 : i32
    %swap3A_423 = arith.index_cast %swap3A_422 : i32 to index
    %swap3A_424 = arith.constant 96 : index
    %swap3A_425 = tpu.vector_load %arg9[%swap3A_423, %swap3A_424] {strides = array<i32>} : memref<5x128xi32, #tpu.memory_space<vmem>>, vector<1x16xi32>,
    %swap3A_426 = vector.shape_cast %swap3A_425 : vector<1x16xi32> to vector<16xi32>
    %swap3A_427 = vector.shape_cast %add3A_421 : vector<16xi32> to vector<1x16xi32>
    tpu.vector_store %arg9[%swap3A_423, %swap3A_424], %swap3A_427 {strides = array<i32>} : memref<5x128xi32, #tpu.memory_space<vmem>>, vector<1x16xi32>,
    %get3A_428 = arith.constant 624 : index
    %get3A_429 = tpu.vector_load %arg7[%get3A_428] {strides = array<i32>} : memref<640xi32, #tpu.memory_space<vmem>>, vector<16xi32>,
    %get3A_430 = vector.shape_cast %get3A_429 : vector<16xi32> to vector<16xi32>
    %add3A_431 = arith.addi %get3A_430, %get3A_35 : vector<16xi32>
    %swap3A_432 = arith.constant 4 : i32
    %swap3A_433 = arith.index_cast %swap3A_432 : i32 to index
    %swap3A_434 = arith.constant 112 : index
    %swap3A_435 = tpu.vector_load %arg9[%swap3A_433, %swap3A_434] {strides = array<i32>} : memref<5x128xi32, #tpu.memory_space<vmem>>, vector<1x16xi32>,
    %swap3A_436 = vector.shape_cast %swap3A_435 : vector<1x16xi32> to vector<16xi32>
    %swap3A_437 = vector.shape_cast %add3A_431 : vector<16xi32> to vector<1x16xi32>
    tpu.vector_store %arg9[%swap3A_433, %swap3A_434], %swap3A_437 {strides = array<i32>} : memref<5x128xi32, #tpu.memory_space<vmem>>, vector<1x16xi32>,
    %dma_start3A_438 = arith.constant 0 : i32
    %dma_start3A_439 = arith.constant 0 : i32
    %dma_start3A_440 = arith.constant 0 : i32
    %dma_start3A_441 = tpu.memref_slice %arg11[%dma_start3A_439, %dma_start3A_440] : memref<640x64xf32, #tpu.memory_space<vmem>> -> memref<128x64xf32, #tpu.memory_space<vmem>>
    %dma_start3A_442 = arith.constant 0 : i32
    %dma_start3A_443 = tpu.memref_slice %arg9[%dma_start3A_438, %dma_start3A_442] : memref<5x128xi32, #tpu.memory_space<vmem>> -> memref<1x128xi32, #tpu.memory_space<vmem>>
    %dma_start3A_444 = tpu.memref_squeeze %dma_start3A_443 : memref<1x128xi32, #tpu.memory_space<vmem>> -> memref<128xi32, #tpu.memory_space<vmem>>
    %dma_start3A_445 = arith.constant 0 : i32
    %dma_start3A_446 = arith.constant 0 : i32
    %dma_start3A_447 = tpu.memref_slice %arg2[%dma_start3A_445, %dma_start3A_446] : memref<2600000x64xf32, #tpu.memory_space<hbm>> -> memref<2600000x64xf32, #tpu.memory_space<hbm>>
    tpu.enqueue_indirect_dma source(%dma_start3A_447 : memref<2600000x64xf32, #tpu.memory_space<hbm>>) target(%dma_start3A_441 : memref<128x64xf32, #tpu.memory_space<vmem>>) offsets(%dma_start3A_444 : memref<128xi32, #tpu.memory_space<vmem>>) semaphore(%arg19 : memref<!tpu.dma_semaphore, #tpu.memory_space<semaphore_mem>>)
    %dma_start3A_448 = arith.constant 1 : i32
    %dma_start3A_449 = arith.constant 128 : i32
    %dma_start3A_450 = arith.constant 0 : i32
    %dma_start3A_451 = tpu.memref_slice %arg11[%dma_start3A_449, %dma_start3A_450] : memref<640x64xf32, #tpu.memory_space<vmem>> -> memref<128x64xf32, #tpu.memory_space<vmem>>
    %dma_start3A_452 = arith.constant 0 : i32
    %dma_start3A_453 = tpu.memref_slice %arg9[%dma_start3A_448, %dma_start3A_452] : memref<5x128xi32, #tpu.memory_space<vmem>> -> memref<1x128xi32, #tpu.memory_space<vmem>>
    %dma_start3A_454 = tpu.memref_squeeze %dma_start3A_453 : memref<1x128xi32, #tpu.memory_space<vmem>> -> memref<128xi32, #tpu.memory_space<vmem>>
    %dma_start3A_455 = arith.constant 0 : i32
    %dma_start3A_456 = arith.constant 0 : i32
    %dma_start3A_457 = tpu.memref_slice %arg2[%dma_start3A_455, %dma_start3A_456] : memref<2600000x64xf32, #tpu.memory_space<hbm>> -> memref<2600000x64xf32, #tpu.memory_space<hbm>>
    tpu.enqueue_indirect_dma source(%dma_start3A_457 : memref<2600000x64xf32, #tpu.memory_space<hbm>>) target(%dma_start3A_451 : memref<128x64xf32, #tpu.memory_space<vmem>>) offsets(%dma_start3A_454 : memref<128xi32, #tpu.memory_space<vmem>>) semaphore(%arg19 : memref<!tpu.dma_semaphore, #tpu.memory_space<semaphore_mem>>)
    %dma_start3A_458 = arith.constant 2 : i32
    %dma_start3A_459 = arith.constant 256 : i32
    %dma_start3A_460 = arith.constant 0 : i32
    %dma_start3A_461 = tpu.memref_slice %arg11[%dma_start3A_459, %dma_start3A_460] : memref<640x64xf32, #tpu.memory_space<vmem>> -> memref<128x64xf32, #tpu.memory_space<vmem>>
    %dma_start3A_462 = arith.constant 0 : i32
    %dma_start3A_463 = tpu.memref_slice %arg9[%dma_start3A_458, %dma_start3A_462] : memref<5x128xi32, #tpu.memory_space<vmem>> -> memref<1x128xi32, #tpu.memory_space<vmem>>
    %dma_start3A_464 = tpu.memref_squeeze %dma_start3A_463 : memref<1x128xi32, #tpu.memory_space<vmem>> -> memref<128xi32, #tpu.memory_space<vmem>>
    %dma_start3A_465 = arith.constant 0 : i32
    %dma_start3A_466 = arith.constant 0 : i32
    %dma_start3A_467 = tpu.memref_slice %arg2[%dma_start3A_465, %dma_start3A_466] : memref<2600000x64xf32, #tpu.memory_space<hbm>> -> memref<2600000x64xf32, #tpu.memory_space<hbm>>
    tpu.enqueue_indirect_dma source(%dma_start3A_467 : memref<2600000x64xf32, #tpu.memory_space<hbm>>) target(%dma_start3A_461 : memref<128x64xf32, #tpu.memory_space<vmem>>) offsets(%dma_start3A_464 : memref<128xi32, #tpu.memory_space<vmem>>) semaphore(%arg19 : memref<!tpu.dma_semaphore, #tpu.memory_space<semaphore_mem>>)
    %dma_start3A_468 = arith.constant 3 : i32
    %dma_start3A_469 = arith.constant 384 : i32
    %dma_start3A_470 = arith.constant 0 : i32
    %dma_start3A_471 = tpu.memref_slice %arg11[%dma_start3A_469, %dma_start3A_470] : memref<640x64xf32, #tpu.memory_space<vmem>> -> memref<128x64xf32, #tpu.memory_space<vmem>>
    %dma_start3A_472 = arith.constant 0 : i32
    %dma_start3A_473 = tpu.memref_slice %arg9[%dma_start3A_468, %dma_start3A_472] : memref<5x128xi32, #tpu.memory_space<vmem>> -> memref<1x128xi32, #tpu.memory_space<vmem>>
    %dma_start3A_474 = tpu.memref_squeeze %dma_start3A_473 : memref<1x128xi32, #tpu.memory_space<vmem>> -> memref<128xi32, #tpu.memory_space<vmem>>
    %dma_start3A_475 = arith.constant 0 : i32
    %dma_start3A_476 = arith.constant 0 : i32
    %dma_start3A_477 = tpu.memref_slice %arg2[%dma_start3A_475, %dma_start3A_476] : memref<2600000x64xf32, #tpu.memory_space<hbm>> -> memref<2600000x64xf32, #tpu.memory_space<hbm>>
    tpu.enqueue_indirect_dma source(%dma_start3A_477 : memref<2600000x64xf32, #tpu.memory_space<hbm>>) target(%dma_start3A_471 : memref<128x64xf32, #tpu.memory_space<vmem>>) offsets(%dma_start3A_474 : memref<128xi32, #tpu.memory_space<vmem>>) semaphore(%arg19 : memref<!tpu.dma_semaphore, #tpu.memory_space<semaphore_mem>>)
    %dma_start3A_478 = arith.constant 4 : i32
    %dma_start3A_479 = arith.constant 512 : i32
    %dma_start3A_480 = arith.constant 0 : i32
    %dma_start3A_481 = tpu.memref_slice %arg11[%dma_start3A_479, %dma_start3A_480] : memref<640x64xf32, #tpu.memory_space<vmem>> -> memref<128x64xf32, #tpu.memory_space<vmem>>
    %dma_start3A_482 = arith.constant 0 : i32
    %dma_start3A_483 = tpu.memref_slice %arg9[%dma_start3A_478, %dma_start3A_482] : memref<5x128xi32, #tpu.memory_space<vmem>> -> memref<1x128xi32, #tpu.memory_space<vmem>>
    %dma_start3A_484 = tpu.memref_squeeze %dma_start3A_483 : memref<1x128xi32, #tpu.memory_space<vmem>> -> memref<128xi32, #tpu.memory_space<vmem>>
    %dma_start3A_485 = arith.constant 0 : i32
    %dma_start3A_486 = arith.constant 0 : i32
    %dma_start3A_487 = tpu.memref_slice %arg2[%dma_start3A_485, %dma_start3A_486] : memref<2600000x64xf32, #tpu.memory_space<hbm>> -> memref<2600000x64xf32, #tpu.memory_space<hbm>>
    tpu.enqueue_indirect_dma source(%dma_start3A_487 : memref<2600000x64xf32, #tpu.memory_space<hbm>>) target(%dma_start3A_481 : memref<128x64xf32, #tpu.memory_space<vmem>>) offsets(%dma_start3A_484 : memref<128xi32, #tpu.memory_space<vmem>>) semaphore(%arg19 : memref<!tpu.dma_semaphore, #tpu.memory_space<semaphore_mem>>)
    %add3A_488 = arith.constant 64 : i32
    %add3A_489 = arith.addi %mul3A_2, %add3A_488 : i32
    %mul3A_490 = arith.constant 20 : i32
    %mul3A_491 = arith.muli %add3A_489, %mul3A_490 : i32
    %dma_start3A_492 = tpu.memref_slice %arg4[%mul3A_491] : memref<2129920xi32, #tpu.memory_space<hbm>> -> memref<640xi32, #tpu.memory_space<hbm>>
    %dma_start3A_493 = tpu.memref_slice %arg4[%mul3A_491] : memref<2129920xi32, #tpu.memory_space<hbm>> -> memref<640xi32, #tpu.memory_space<hbm>>
    tpu.enqueue_dma source(%dma_start3A_493 : memref<640xi32, #tpu.memory_space<hbm>>) target(%arg7 : memref<640xi32, #tpu.memory_space<vmem>>) target_semaphore(%arg17 : memref<!tpu.dma_semaphore, #tpu.memory_space<semaphore_mem>>)
    %add3A_494 = arith.constant 32 : i32
    %add3A_495 = arith.addi %mul3A_2, %add3A_494 : i32
    %jit3A_496 = arith.constant 4096 : i32
    %div3A_497 = arith.divsi %add3A_495, %jit3A_496 : i32
    %sign3A_498 = arith.constant 0 : i32
    %sign3A_499 = arith.cmpi sgt, %add3A_495, %sign3A_498 : i32
    %sign3A_500 = arith.extui %sign3A_499 : i1 to i32
    %sign3A_501 = arith.constant 0 : i32
    %sign3A_502 = arith.cmpi slt, %add3A_495, %sign3A_501 : i32
    %sign3A_503 = arith.extui %sign3A_502 : i1 to i32
    %sign3A_504 = arith.subi %sign3A_500, %sign3A_503 : i32
    %sign3A_505 = arith.constant 0 : i32
    %sign3A_506 = arith.cmpi sgt, %jit3A_496, %sign3A_505 : i32
    %sign3A_507 = arith.extui %sign3A_506 : i1 to i32
    %sign3A_508 = arith.constant 0 : i32
    %sign3A_509 = arith.cmpi slt, %jit3A_496, %sign3A_508 : i32
    %sign3A_510 = arith.extui %sign3A_509 : i1 to i32
    %sign3A_511 = arith.subi %sign3A_507, %sign3A_510 : i32
    %ne3A_512 = arith.cmpi ne, %sign3A_504, %sign3A_511 : i32
    %rem3A_513 = arith.remsi %add3A_495, %jit3A_496 : i32
    %ne3A_514 = arith.constant 0 : i32
    %ne3A_515 = arith.cmpi ne, %rem3A_513, %ne3A_514 : i32
    %and3A_516 = arith.andi %ne3A_512, %ne3A_515 : i1
    %sub3A_517 = arith.constant 1 : i32
    %sub3A_518 = arith.subi %div3A_497, %sub3A_517 : i32
    %select_n3A_519 = arith.select %and3A_516, %sub3A_518, %div3A_497 : i32
    %mul3A_520 = arith.constant 16 : i32
    %mul3A_521 = arith.muli %select_n3A_519, %mul3A_520 : i32
    %get3A_522 = arith.index_cast %mul3A_521 : i32 to index
    %get3A_523 = tpu.vector_load %arg6[%get3A_522] {strides = array<i32>} : memref<416xi32, #tpu.memory_space<vmem>>, vector<16xi32>,
    %get3A_524 = vector.shape_cast %get3A_523 : vector<16xi32> to vector<16xi32>
    %dma_wait3A_525 = arith.constant 0 : i32
    %dma_wait3A_526 = tpu.memref_slice %arg4[%dma_wait3A_525] : memref<2129920xi32, #tpu.memory_space<hbm>> -> memref<640xi32, #tpu.memory_space<hbm>>
    %dma_wait3A_527 = arith.constant 0 : i32
    %dma_wait3A_528 = tpu.memref_slice %arg4[%dma_wait3A_527] : memref<2129920xi32, #tpu.memory_space<hbm>> -> memref<640xi32, #tpu.memory_space<hbm>>
    tpu.wait_dma2 semaphore(%arg18 : memref<!tpu.dma_semaphore, #tpu.memory_space<semaphore_mem>>) src(%dma_wait3A_528 : memref<640xi32, #tpu.memory_space<hbm>>) dst(%arg8 : memref<640xi32, #tpu.memory_space<vmem>>)
    %get3A_529 = arith.constant 0 : index
    %get3A_530 = tpu.vector_load %arg8[%get3A_529] {strides = array<i32>} : memref<640xi32, #tpu.memory_space<vmem>>, vector<16xi32>,
    %get3A_531 = vector.shape_cast %get3A_530 : vector<16xi32> to vector<16xi32>
    %add3A_532 = arith.addi %get3A_531, %get3A_524 : vector<16xi32>
    %swap3A_533 = arith.constant 0 : i32
    %swap3A_534 = arith.index_cast %swap3A_533 : i32 to index
    %swap3A_535 = arith.constant 0 : index
    %swap3A_536 = tpu.vector_load %arg10[%swap3A_534, %swap3A_535] {strides = array<i32>} : memref<5x128xi32, #tpu.memory_space<vmem>>, vector<1x16xi32>,
    %swap3A_537 = vector.shape_cast %swap3A_536 : vector<1x16xi32> to vector<16xi32>
    %swap3A_538 = vector.shape_cast %add3A_532 : vector<16xi32> to vector<1x16xi32>
    tpu.vector_store %arg10[%swap3A_534, %swap3A_535], %swap3A_538 {strides = array<i32>} : memref<5x128xi32, #tpu.memory_space<vmem>>, vector<1x16xi32>,
    %get3A_539 = arith.constant 16 : index
    %get3A_540 = tpu.vector_load %arg8[%get3A_539] {strides = array<i32>} : memref<640xi32, #tpu.memory_space<vmem>>, vector<16xi32>,
    %get3A_541 = vector.shape_cast %get3A_540 : vector<16xi32> to vector<16xi32>
    %add3A_542 = arith.addi %get3A_541, %get3A_524 : vector<16xi32>
    %swap3A_543 = arith.constant 0 : i32
    %swap3A_544 = arith.index_cast %swap3A_543 : i32 to index
    %swap3A_545 = arith.constant 16 : index
    %swap3A_546 = tpu.vector_load %arg10[%swap3A_544, %swap3A_545] {strides = array<i32>} : memref<5x128xi32, #tpu.memory_space<vmem>>, vector<1x16xi32>,
    %swap3A_547 = vector.shape_cast %swap3A_546 : vector<1x16xi32> to vector<16xi32>
    %swap3A_548 = vector.shape_cast %add3A_542 : vector<16xi32> to vector<1x16xi32>
    tpu.vector_store %arg10[%swap3A_544, %swap3A_545], %swap3A_548 {strides = array<i32>} : memref<5x128xi32, #tpu.memory_space<vmem>>, vector<1x16xi32>,
    %get3A_549 = arith.constant 32 : index
    %get3A_550 = tpu.vector_load %arg8[%get3A_549] {strides = array<i32>} : memref<640xi32, #tpu.memory_space<vmem>>, vector<16xi32>,
    %get3A_551 = vector.shape_cast %get3A_550 : vector<16xi32> to vector<16xi32>
    %add3A_552 = arith.addi %get3A_551, %get3A_524 : vector<16xi32>
    %swap3A_553 = arith.constant 0 : i32
    %swap3A_554 = arith.index_cast %swap3A_553 : i32 to index
    %swap3A_555 = arith.constant 32 : index
    %swap3A_556 = tpu.vector_load %arg10[%swap3A_554, %swap3A_555] {strides = array<i32>} : memref<5x128xi32, #tpu.memory_space<vmem>>, vector<1x16xi32>,
    %swap3A_557 = vector.shape_cast %swap3A_556 : vector<1x16xi32> to vector<16xi32>
    %swap3A_558 = vector.shape_cast %add3A_552 : vector<16xi32> to vector<1x16xi32>
    tpu.vector_store %arg10[%swap3A_554, %swap3A_555], %swap3A_558 {strides = array<i32>} : memref<5x128xi32, #tpu.memory_space<vmem>>, vector<1x16xi32>,
    %get3A_559 = arith.constant 48 : index
    %get3A_560 = tpu.vector_load %arg8[%get3A_559] {strides = array<i32>} : memref<640xi32, #tpu.memory_space<vmem>>, vector<16xi32>,
    %get3A_561 = vector.shape_cast %get3A_560 : vector<16xi32> to vector<16xi32>
    %add3A_562 = arith.addi %get3A_561, %get3A_524 : vector<16xi32>
    %swap3A_563 = arith.constant 0 : i32
    %swap3A_564 = arith.index_cast %swap3A_563 : i32 to index
    %swap3A_565 = arith.constant 48 : index
    %swap3A_566 = tpu.vector_load %arg10[%swap3A_564, %swap3A_565] {strides = array<i32>} : memref<5x128xi32, #tpu.memory_space<vmem>>, vector<1x16xi32>,
    %swap3A_567 = vector.shape_cast %swap3A_566 : vector<1x16xi32> to vector<16xi32>
    %swap3A_568 = vector.shape_cast %add3A_562 : vector<16xi32> to vector<1x16xi32>
    tpu.vector_store %arg10[%swap3A_564, %swap3A_565], %swap3A_568 {strides = array<i32>} : memref<5x128xi32, #tpu.memory_space<vmem>>, vector<1x16xi32>,
    %get3A_569 = arith.constant 64 : index
    %get3A_570 = tpu.vector_load %arg8[%get3A_569] {strides = array<i32>} : memref<640xi32, #tpu.memory_space<vmem>>, vector<16xi32>,
    %get3A_571 = vector.shape_cast %get3A_570 : vector<16xi32> to vector<16xi32>
    %add3A_572 = arith.addi %get3A_571, %get3A_524 : vector<16xi32>
    %swap3A_573 = arith.constant 0 : i32
    %swap3A_574 = arith.index_cast %swap3A_573 : i32 to index
    %swap3A_575 = arith.constant 64 : index
    %swap3A_576 = tpu.vector_load %arg10[%swap3A_574, %swap3A_575] {strides = array<i32>} : memref<5x128xi32, #tpu.memory_space<vmem>>, vector<1x16xi32>,
    %swap3A_577 = vector.shape_cast %swap3A_576 : vector<1x16xi32> to vector<16xi32>
    %swap3A_578 = vector.shape_cast %add3A_572 : vector<16xi32> to vector<1x16xi32>
    tpu.vector_store %arg10[%swap3A_574, %swap3A_575], %swap3A_578 {strides = array<i32>} : memref<5x128xi32, #tpu.memory_space<vmem>>, vector<1x16xi32>,
    %get3A_579 = arith.constant 80 : index
    %get3A_580 = tpu.vector_load %arg8[%get3A_579] {strides = array<i32>} : memref<640xi32, #tpu.memory_space<vmem>>, vector<16xi32>,
    %get3A_581 = vector.shape_cast %get3A_580 : vector<16xi32> to vector<16xi32>
    %add3A_582 = arith.addi %get3A_581, %get3A_524 : vector<16xi32>
    %swap3A_583 = arith.constant 0 : i32
    %swap3A_584 = arith.index_cast %swap3A_583 : i32 to index
    %swap3A_585 = arith.constant 80 : index
    %swap3A_586 = tpu.vector_load %arg10[%swap3A_584, %swap3A_585] {strides = array<i32>} : memref<5x128xi32, #tpu.memory_space<vmem>>, vector<1x16xi32>,
    %swap3A_587 = vector.shape_cast %swap3A_586 : vector<1x16xi32> to vector<16xi32>
    %swap3A_588 = vector.shape_cast %add3A_582 : vector<16xi32> to vector<1x16xi32>
    tpu.vector_store %arg10[%swap3A_584, %swap3A_585], %swap3A_588 {strides = array<i32>} : memref<5x128xi32, #tpu.memory_space<vmem>>, vector<1x16xi32>,
    %get3A_589 = arith.constant 96 : index
    %get3A_590 = tpu.vector_load %arg8[%get3A_589] {strides = array<i32>} : memref<640xi32, #tpu.memory_space<vmem>>, vector<16xi32>,
    %get3A_591 = vector.shape_cast %get3A_590 : vector<16xi32> to vector<16xi32>
    %add3A_592 = arith.addi %get3A_591, %get3A_524 : vector<16xi32>
    %swap3A_593 = arith.constant 0 : i32
    %swap3A_594 = arith.index_cast %swap3A_593 : i32 to index
    %swap3A_595 = arith.constant 96 : index
    %swap3A_596 = tpu.vector_load %arg10[%swap3A_594, %swap3A_595] {strides = array<i32>} : memref<5x128xi32, #tpu.memory_space<vmem>>, vector<1x16xi32>,
    %swap3A_597 = vector.shape_cast %swap3A_596 : vector<1x16xi32> to vector<16xi32>
    %swap3A_598 = vector.shape_cast %add3A_592 : vector<16xi32> to vector<1x16xi32>
    tpu.vector_store %arg10[%swap3A_594, %swap3A_595], %swap3A_598 {strides = array<i32>} : memref<5x128xi32, #tpu.memory_space<vmem>>, vector<1x16xi32>,
    %get3A_599 = arith.constant 112 : index
    %get3A_600 = tpu.vector_load %arg8[%get3A_599] {strides = array<i32>} : memref<640xi32, #tpu.memory_space<vmem>>, vector<16xi32>,
    %get3A_601 = vector.shape_cast %get3A_600 : vector<16xi32> to vector<16xi32>
    %add3A_602 = arith.addi %get3A_601, %get3A_524 : vector<16xi32>
    %swap3A_603 = arith.constant 0 : i32
    %swap3A_604 = arith.index_cast %swap3A_603 : i32 to index
    %swap3A_605 = arith.constant 112 : index
    %swap3A_606 = tpu.vector_load %arg10[%swap3A_604, %swap3A_605] {strides = array<i32>} : memref<5x128xi32, #tpu.memory_space<vmem>>, vector<1x16xi32>,
    %swap3A_607 = vector.shape_cast %swap3A_606 : vector<1x16xi32> to vector<16xi32>
    %swap3A_608 = vector.shape_cast %add3A_602 : vector<16xi32> to vector<1x16xi32>
    tpu.vector_store %arg10[%swap3A_604, %swap3A_605], %swap3A_608 {strides = array<i32>} : memref<5x128xi32, #tpu.memory_space<vmem>>, vector<1x16xi32>,
    %get3A_609 = arith.constant 128 : index
    %get3A_610 = tpu.vector_load %arg8[%get3A_609] {strides = array<i32>} : memref<640xi32, #tpu.memory_space<vmem>>, vector<16xi32>,
    %get3A_611 = vector.shape_cast %get3A_610 : vector<16xi32> to vector<16xi32>
    %add3A_612 = arith.addi %get3A_611, %get3A_524 : vector<16xi32>
    %swap3A_613 = arith.constant 1 : i32
    %swap3A_614 = arith.index_cast %swap3A_613 : i32 to index
    %swap3A_615 = arith.constant 0 : index
    %swap3A_616 = tpu.vector_load %arg10[%swap3A_614, %swap3A_615] {strides = array<i32>} : memref<5x128xi32, #tpu.memory_space<vmem>>, vector<1x16xi32>,
    %swap3A_617 = vector.shape_cast %swap3A_616 : vector<1x16xi32> to vector<16xi32>
    %swap3A_618 = vector.shape_cast %add3A_612 : vector<16xi32> to vector<1x16xi32>
    tpu.vector_store %arg10[%swap3A_614, %swap3A_615], %swap3A_618 {strides = array<i32>} : memref<5x128xi32, #tpu.memory_space<vmem>>, vector<1x16xi32>,
    %get3A_619 = arith.constant 144 : index
    %get3A_620 = tpu.vector_load %arg8[%get3A_619] {strides = array<i32>} : memref<640xi32, #tpu.memory_space<vmem>>, vector<16xi32>,
    %get3A_621 = vector.shape_cast %get3A_620 : vector<16xi32> to vector<16xi32>
    %add3A_622 = arith.addi %get3A_621, %get3A_524 : vector<16xi32>
    %swap3A_623 = arith.constant 1 : i32
    %swap3A_624 = arith.index_cast %swap3A_623 : i32 to index
    %swap3A_625 = arith.constant 16 : index
    %swap3A_626 = tpu.vector_load %arg10[%swap3A_624, %swap3A_625] {strides = array<i32>} : memref<5x128xi32, #tpu.memory_space<vmem>>, vector<1x16xi32>,
    %swap3A_627 = vector.shape_cast %swap3A_626 : vector<1x16xi32> to vector<16xi32>
    %swap3A_628 = vector.shape_cast %add3A_622 : vector<16xi32> to vector<1x16xi32>
    tpu.vector_store %arg10[%swap3A_624, %swap3A_625], %swap3A_628 {strides = array<i32>} : memref<5x128xi32, #tpu.memory_space<vmem>>, vector<1x16xi32>,
    %get3A_629 = arith.constant 160 : index
    %get3A_630 = tpu.vector_load %arg8[%get3A_629] {strides = array<i32>} : memref<640xi32, #tpu.memory_space<vmem>>, vector<16xi32>,
    %get3A_631 = vector.shape_cast %get3A_630 : vector<16xi32> to vector<16xi32>
    %add3A_632 = arith.addi %get3A_631, %get3A_524 : vector<16xi32>
    %swap3A_633 = arith.constant 1 : i32
    %swap3A_634 = arith.index_cast %swap3A_633 : i32 to index
    %swap3A_635 = arith.constant 32 : index
    %swap3A_636 = tpu.vector_load %arg10[%swap3A_634, %swap3A_635] {strides = array<i32>} : memref<5x128xi32, #tpu.memory_space<vmem>>, vector<1x16xi32>,
    %swap3A_637 = vector.shape_cast %swap3A_636 : vector<1x16xi32> to vector<16xi32>
    %swap3A_638 = vector.shape_cast %add3A_632 : vector<16xi32> to vector<1x16xi32>
    tpu.vector_store %arg10[%swap3A_634, %swap3A_635], %swap3A_638 {strides = array<i32>} : memref<5x128xi32, #tpu.memory_space<vmem>>, vector<1x16xi32>,
    %get3A_639 = arith.constant 176 : index
    %get3A_640 = tpu.vector_load %arg8[%get3A_639] {strides = array<i32>} : memref<640xi32, #tpu.memory_space<vmem>>, vector<16xi32>,
    %get3A_641 = vector.shape_cast %get3A_640 : vector<16xi32> to vector<16xi32>
    %add3A_642 = arith.addi %get3A_641, %get3A_524 : vector<16xi32>
    %swap3A_643 = arith.constant 1 : i32
    %swap3A_644 = arith.index_cast %swap3A_643 : i32 to index
    %swap3A_645 = arith.constant 48 : index
    %swap3A_646 = tpu.vector_load %arg10[%swap3A_644, %swap3A_645] {strides = array<i32>} : memref<5x128xi32, #tpu.memory_space<vmem>>, vector<1x16xi32>,
    %swap3A_647 = vector.shape_cast %swap3A_646 : vector<1x16xi32> to vector<16xi32>
    %swap3A_648 = vector.shape_cast %add3A_642 : vector<16xi32> to vector<1x16xi32>
    tpu.vector_store %arg10[%swap3A_644, %swap3A_645], %swap3A_648 {strides = array<i32>} : memref<5x128xi32, #tpu.memory_space<vmem>>, vector<1x16xi32>,
    %get3A_649 = arith.constant 192 : index
    %get3A_650 = tpu.vector_load %arg8[%get3A_649] {strides = array<i32>} : memref<640xi32, #tpu.memory_space<vmem>>, vector<16xi32>,
    %get3A_651 = vector.shape_cast %get3A_650 : vector<16xi32> to vector<16xi32>
    %add3A_652 = arith.addi %get3A_651, %get3A_524 : vector<16xi32>
    %swap3A_653 = arith.constant 1 : i32
    %swap3A_654 = arith.index_cast %swap3A_653 : i32 to index
    %swap3A_655 = arith.constant 64 : index
    %swap3A_656 = tpu.vector_load %arg10[%swap3A_654, %swap3A_655] {strides = array<i32>} : memref<5x128xi32, #tpu.memory_space<vmem>>, vector<1x16xi32>,
    %swap3A_657 = vector.shape_cast %swap3A_656 : vector<1x16xi32> to vector<16xi32>
    %swap3A_658 = vector.shape_cast %add3A_652 : vector<16xi32> to vector<1x16xi32>
    tpu.vector_store %arg10[%swap3A_654, %swap3A_655], %swap3A_658 {strides = array<i32>} : memref<5x128xi32, #tpu.memory_space<vmem>>, vector<1x16xi32>,
    %get3A_659 = arith.constant 208 : index
    %get3A_660 = tpu.vector_load %arg8[%get3A_659] {strides = array<i32>} : memref<640xi32, #tpu.memory_space<vmem>>, vector<16xi32>,
    %get3A_661 = vector.shape_cast %get3A_660 : vector<16xi32> to vector<16xi32>
    %add3A_662 = arith.addi %get3A_661, %get3A_524 : vector<16xi32>
    %swap3A_663 = arith.constant 1 : i32
    %swap3A_664 = arith.index_cast %swap3A_663 : i32 to index
    %swap3A_665 = arith.constant 80 : index
    %swap3A_666 = tpu.vector_load %arg10[%swap3A_664, %swap3A_665] {strides = array<i32>} : memref<5x128xi32, #tpu.memory_space<vmem>>, vector<1x16xi32>,
    %swap3A_667 = vector.shape_cast %swap3A_666 : vector<1x16xi32> to vector<16xi32>
    %swap3A_668 = vector.shape_cast %add3A_662 : vector<16xi32> to vector<1x16xi32>
    tpu.vector_store %arg10[%swap3A_664, %swap3A_665], %swap3A_668 {strides = array<i32>} : memref<5x128xi32, #tpu.memory_space<vmem>>, vector<1x16xi32>,
    %get3A_669 = arith.constant 224 : index
    %get3A_670 = tpu.vector_load %arg8[%get3A_669] {strides = array<i32>} : memref<640xi32, #tpu.memory_space<vmem>>, vector<16xi32>,
    %get3A_671 = vector.shape_cast %get3A_670 : vector<16xi32> to vector<16xi32>
    %add3A_672 = arith.addi %get3A_671, %get3A_524 : vector<16xi32>
    %swap3A_673 = arith.constant 1 : i32
    %swap3A_674 = arith.index_cast %swap3A_673 : i32 to index
    %swap3A_675 = arith.constant 96 : index
    %swap3A_676 = tpu.vector_load %arg10[%swap3A_674, %swap3A_675] {strides = array<i32>} : memref<5x128xi32, #tpu.memory_space<vmem>>, vector<1x16xi32>,
    %swap3A_677 = vector.shape_cast %swap3A_676 : vector<1x16xi32> to vector<16xi32>
    %swap3A_678 = vector.shape_cast %add3A_672 : vector<16xi32> to vector<1x16xi32>
    tpu.vector_store %arg10[%swap3A_674, %swap3A_675], %swap3A_678 {strides = array<i32>} : memref<5x128xi32, #tpu.memory_space<vmem>>, vector<1x16xi32>,
    %get3A_679 = arith.constant 240 : index
    %get3A_680 = tpu.vector_load %arg8[%get3A_679] {strides = array<i32>} : memref<640xi32, #tpu.memory_space<vmem>>, vector<16xi32>,
    %get3A_681 = vector.shape_cast %get3A_680 : vector<16xi32> to vector<16xi32>
    %add3A_682 = arith.addi %get3A_681, %get3A_524 : vector<16xi32>
    %swap3A_683 = arith.constant 1 : i32
    %swap3A_684 = arith.index_cast %swap3A_683 : i32 to index
    %swap3A_685 = arith.constant 112 : index
    %swap3A_686 = tpu.vector_load %arg10[%swap3A_684, %swap3A_685] {strides = array<i32>} : memref<5x128xi32, #tpu.memory_space<vmem>>, vector<1x16xi32>,
    %swap3A_687 = vector.shape_cast %swap3A_686 : vector<1x16xi32> to vector<16xi32>
    %swap3A_688 = vector.shape_cast %add3A_682 : vector<16xi32> to vector<1x16xi32>
    tpu.vector_store %arg10[%swap3A_684, %swap3A_685], %swap3A_688 {strides = array<i32>} : memref<5x128xi32, #tpu.memory_space<vmem>>, vector<1x16xi32>,
    %get3A_689 = arith.constant 256 : index
    %get3A_690 = tpu.vector_load %arg8[%get3A_689] {strides = array<i32>} : memref<640xi32, #tpu.memory_space<vmem>>, vector<16xi32>,
    %get3A_691 = vector.shape_cast %get3A_690 : vector<16xi32> to vector<16xi32>
    %add3A_692 = arith.addi %get3A_691, %get3A_524 : vector<16xi32>
    %swap3A_693 = arith.constant 2 : i32
    %swap3A_694 = arith.index_cast %swap3A_693 : i32 to index
    %swap3A_695 = arith.constant 0 : index
    %swap3A_696 = tpu.vector_load %arg10[%swap3A_694, %swap3A_695] {strides = array<i32>} : memref<5x128xi32, #tpu.memory_space<vmem>>, vector<1x16xi32>,
    %swap3A_697 = vector.shape_cast %swap3A_696 : vector<1x16xi32> to vector<16xi32>
    %swap3A_698 = vector.shape_cast %add3A_692 : vector<16xi32> to vector<1x16xi32>
    tpu.vector_store %arg10[%swap3A_694, %swap3A_695], %swap3A_698 {strides = array<i32>} : memref<5x128xi32, #tpu.memory_space<vmem>>, vector<1x16xi32>,
    %get3A_699 = arith.constant 272 : index
    %get3A_700 = tpu.vector_load %arg8[%get3A_699] {strides = array<i32>} : memref<640xi32, #tpu.memory_space<vmem>>, vector<16xi32>,
    %get3A_701 = vector.shape_cast %get3A_700 : vector<16xi32> to vector<16xi32>
    %add3A_702 = arith.addi %get3A_701, %get3A_524 : vector<16xi32>
    %swap3A_703 = arith.constant 2 : i32
    %swap3A_704 = arith.index_cast %swap3A_703 : i32 to index
    %swap3A_705 = arith.constant 16 : index
    %swap3A_706 = tpu.vector_load %arg10[%swap3A_704, %swap3A_705] {strides = array<i32>} : memref<5x128xi32, #tpu.memory_space<vmem>>, vector<1x16xi32>,
    %swap3A_707 = vector.shape_cast %swap3A_706 : vector<1x16xi32> to vector<16xi32>
    %swap3A_708 = vector.shape_cast %add3A_702 : vector<16xi32> to vector<1x16xi32>
    tpu.vector_store %arg10[%swap3A_704, %swap3A_705], %swap3A_708 {strides = array<i32>} : memref<5x128xi32, #tpu.memory_space<vmem>>, vector<1x16xi32>,
    %get3A_709 = arith.constant 288 : index
    %get3A_710 = tpu.vector_load %arg8[%get3A_709] {strides = array<i32>} : memref<640xi32, #tpu.memory_space<vmem>>, vector<16xi32>,
    %get3A_711 = vector.shape_cast %get3A_710 : vector<16xi32> to vector<16xi32>
    %add3A_712 = arith.addi %get3A_711, %get3A_524 : vector<16xi32>
    %swap3A_713 = arith.constant 2 : i32
    %swap3A_714 = arith.index_cast %swap3A_713 : i32 to index
    %swap3A_715 = arith.constant 32 : index
    %swap3A_716 = tpu.vector_load %arg10[%swap3A_714, %swap3A_715] {strides = array<i32>} : memref<5x128xi32, #tpu.memory_space<vmem>>, vector<1x16xi32>,
    %swap3A_717 = vector.shape_cast %swap3A_716 : vector<1x16xi32> to vector<16xi32>
    %swap3A_718 = vector.shape_cast %add3A_712 : vector<16xi32> to vector<1x16xi32>
    tpu.vector_store %arg10[%swap3A_714, %swap3A_715], %swap3A_718 {strides = array<i32>} : memref<5x128xi32, #tpu.memory_space<vmem>>, vector<1x16xi32>,
    %get3A_719 = arith.constant 304 : index
    %get3A_720 = tpu.vector_load %arg8[%get3A_719] {strides = array<i32>} : memref<640xi32, #tpu.memory_space<vmem>>, vector<16xi32>,
    %get3A_721 = vector.shape_cast %get3A_720 : vector<16xi32> to vector<16xi32>
    %add3A_722 = arith.addi %get3A_721, %get3A_524 : vector<16xi32>
    %swap3A_723 = arith.constant 2 : i32
    %swap3A_724 = arith.index_cast %swap3A_723 : i32 to index
    %swap3A_725 = arith.constant 48 : index
    %swap3A_726 = tpu.vector_load %arg10[%swap3A_724, %swap3A_725] {strides = array<i32>} : memref<5x128xi32, #tpu.memory_space<vmem>>, vector<1x16xi32>,
    %swap3A_727 = vector.shape_cast %swap3A_726 : vector<1x16xi32> to vector<16xi32>
    %swap3A_728 = vector.shape_cast %add3A_722 : vector<16xi32> to vector<1x16xi32>
    tpu.vector_store %arg10[%swap3A_724, %swap3A_725], %swap3A_728 {strides = array<i32>} : memref<5x128xi32, #tpu.memory_space<vmem>>, vector<1x16xi32>,
    %get3A_729 = arith.constant 320 : index
    %get3A_730 = tpu.vector_load %arg8[%get3A_729] {strides = array<i32>} : memref<640xi32, #tpu.memory_space<vmem>>, vector<16xi32>,
    %get3A_731 = vector.shape_cast %get3A_730 : vector<16xi32> to vector<16xi32>
    %add3A_732 = arith.addi %get3A_731, %get3A_524 : vector<16xi32>
    %swap3A_733 = arith.constant 2 : i32
    %swap3A_734 = arith.index_cast %swap3A_733 : i32 to index
    %swap3A_735 = arith.constant 64 : index
    %swap3A_736 = tpu.vector_load %arg10[%swap3A_734, %swap3A_735] {strides = array<i32>} : memref<5x128xi32, #tpu.memory_space<vmem>>, vector<1x16xi32>,
    %swap3A_737 = vector.shape_cast %swap3A_736 : vector<1x16xi32> to vector<16xi32>
    %swap3A_738 = vector.shape_cast %add3A_732 : vector<16xi32> to vector<1x16xi32>
    tpu.vector_store %arg10[%swap3A_734, %swap3A_735], %swap3A_738 {strides = array<i32>} : memref<5x128xi32, #tpu.memory_space<vmem>>, vector<1x16xi32>,
    %get3A_739 = arith.constant 336 : index
    %get3A_740 = tpu.vector_load %arg8[%get3A_739] {strides = array<i32>} : memref<640xi32, #tpu.memory_space<vmem>>, vector<16xi32>,
    %get3A_741 = vector.shape_cast %get3A_740 : vector<16xi32> to vector<16xi32>
    %add3A_742 = arith.addi %get3A_741, %get3A_524 : vector<16xi32>
    %swap3A_743 = arith.constant 2 : i32
    %swap3A_744 = arith.index_cast %swap3A_743 : i32 to index
    %swap3A_745 = arith.constant 80 : index
    %swap3A_746 = tpu.vector_load %arg10[%swap3A_744, %swap3A_745] {strides = array<i32>} : memref<5x128xi32, #tpu.memory_space<vmem>>, vector<1x16xi32>,
    %swap3A_747 = vector.shape_cast %swap3A_746 : vector<1x16xi32> to vector<16xi32>
    %swap3A_748 = vector.shape_cast %add3A_742 : vector<16xi32> to vector<1x16xi32>
    tpu.vector_store %arg10[%swap3A_744, %swap3A_745], %swap3A_748 {strides = array<i32>} : memref<5x128xi32, #tpu.memory_space<vmem>>, vector<1x16xi32>,
    %get3A_749 = arith.constant 352 : index
    %get3A_750 = tpu.vector_load %arg8[%get3A_749] {strides = array<i32>} : memref<640xi32, #tpu.memory_space<vmem>>, vector<16xi32>,
    %get3A_751 = vector.shape_cast %get3A_750 : vector<16xi32> to vector<16xi32>
    %add3A_752 = arith.addi %get3A_751, %get3A_524 : vector<16xi32>
    %swap3A_753 = arith.constant 2 : i32
    %swap3A_754 = arith.index_cast %swap3A_753 : i32 to index
    %swap3A_755 = arith.constant 96 : index
    %swap3A_756 = tpu.vector_load %arg10[%swap3A_754, %swap3A_755] {strides = array<i32>} : memref<5x128xi32, #tpu.memory_space<vmem>>, vector<1x16xi32>,
    %swap3A_757 = vector.shape_cast %swap3A_756 : vector<1x16xi32> to vector<16xi32>
    %swap3A_758 = vector.shape_cast %add3A_752 : vector<16xi32> to vector<1x16xi32>
    tpu.vector_store %arg10[%swap3A_754, %swap3A_755], %swap3A_758 {strides = array<i32>} : memref<5x128xi32, #tpu.memory_space<vmem>>, vector<1x16xi32>,
    %get3A_759 = arith.constant 368 : index
    %get3A_760 = tpu.vector_load %arg8[%get3A_759] {strides = array<i32>} : memref<640xi32, #tpu.memory_space<vmem>>, vector<16xi32>,
    %get3A_761 = vector.shape_cast %get3A_760 : vector<16xi32> to vector<16xi32>
    %add3A_762 = arith.addi %get3A_761, %get3A_524 : vector<16xi32>
    %swap3A_763 = arith.constant 2 : i32
    %swap3A_764 = arith.index_cast %swap3A_763 : i32 to index
    %swap3A_765 = arith.constant 112 : index
    %swap3A_766 = tpu.vector_load %arg10[%swap3A_764, %swap3A_765] {strides = array<i32>} : memref<5x128xi32, #tpu.memory_space<vmem>>, vector<1x16xi32>,
    %swap3A_767 = vector.shape_cast %swap3A_766 : vector<1x16xi32> to vector<16xi32>
    %swap3A_768 = vector.shape_cast %add3A_762 : vector<16xi32> to vector<1x16xi32>
    tpu.vector_store %arg10[%swap3A_764, %swap3A_765], %swap3A_768 {strides = array<i32>} : memref<5x128xi32, #tpu.memory_space<vmem>>, vector<1x16xi32>,
    %get3A_769 = arith.constant 384 : index
    %get3A_770 = tpu.vector_load %arg8[%get3A_769] {strides = array<i32>} : memref<640xi32, #tpu.memory_space<vmem>>, vector<16xi32>,
    %get3A_771 = vector.shape_cast %get3A_770 : vector<16xi32> to vector<16xi32>
    %add3A_772 = arith.addi %get3A_771, %get3A_524 : vector<16xi32>
    %swap3A_773 = arith.constant 3 : i32
    %swap3A_774 = arith.index_cast %swap3A_773 : i32 to index
    %swap3A_775 = arith.constant 0 : index
    %swap3A_776 = tpu.vector_load %arg10[%swap3A_774, %swap3A_775] {strides = array<i32>} : memref<5x128xi32, #tpu.memory_space<vmem>>, vector<1x16xi32>,
    %swap3A_777 = vector.shape_cast %swap3A_776 : vector<1x16xi32> to vector<16xi32>
    %swap3A_778 = vector.shape_cast %add3A_772 : vector<16xi32> to vector<1x16xi32>
    tpu.vector_store %arg10[%swap3A_774, %swap3A_775], %swap3A_778 {strides = array<i32>} : memref<5x128xi32, #tpu.memory_space<vmem>>, vector<1x16xi32>,
    %get3A_779 = arith.constant 400 : index
    %get3A_780 = tpu.vector_load %arg8[%get3A_779] {strides = array<i32>} : memref<640xi32, #tpu.memory_space<vmem>>, vector<16xi32>,
    %get3A_781 = vector.shape_cast %get3A_780 : vector<16xi32> to vector<16xi32>
    %add3A_782 = arith.addi %get3A_781, %get3A_524 : vector<16xi32>
    %swap3A_783 = arith.constant 3 : i32
    %swap3A_784 = arith.index_cast %swap3A_783 : i32 to index
    %swap3A_785 = arith.constant 16 : index
    %swap3A_786 = tpu.vector_load %arg10[%swap3A_784, %swap3A_785] {strides = array<i32>} : memref<5x128xi32, #tpu.memory_space<vmem>>, vector<1x16xi32>,
    %swap3A_787 = vector.shape_cast %swap3A_786 : vector<1x16xi32> to vector<16xi32>
    %swap3A_788 = vector.shape_cast %add3A_782 : vector<16xi32> to vector<1x16xi32>
    tpu.vector_store %arg10[%swap3A_784, %swap3A_785], %swap3A_788 {strides = array<i32>} : memref<5x128xi32, #tpu.memory_space<vmem>>, vector<1x16xi32>,
    %get3A_789 = arith.constant 416 : index
    %get3A_790 = tpu.vector_load %arg8[%get3A_789] {strides = array<i32>} : memref<640xi32, #tpu.memory_space<vmem>>, vector<16xi32>,
    %get3A_791 = vector.shape_cast %get3A_790 : vector<16xi32> to vector<16xi32>
    %add3A_792 = arith.addi %get3A_791, %get3A_524 : vector<16xi32>
    %swap3A_793 = arith.constant 3 : i32
    %swap3A_794 = arith.index_cast %swap3A_793 : i32 to index
    %swap3A_795 = arith.constant 32 : index
    %swap3A_796 = tpu.vector_load %arg10[%swap3A_794, %swap3A_795] {strides = array<i32>} : memref<5x128xi32, #tpu.memory_space<vmem>>, vector<1x16xi32>,
    %swap3A_797 = vector.shape_cast %swap3A_796 : vector<1x16xi32> to vector<16xi32>
    %swap3A_798 = vector.shape_cast %add3A_792 : vector<16xi32> to vector<1x16xi32>
    tpu.vector_store %arg10[%swap3A_794, %swap3A_795], %swap3A_798 {strides = array<i32>} : memref<5x128xi32, #tpu.memory_space<vmem>>, vector<1x16xi32>,
    %get3A_799 = arith.constant 432 : index
    %get3A_800 = tpu.vector_load %arg8[%get3A_799] {strides = array<i32>} : memref<640xi32, #tpu.memory_space<vmem>>, vector<16xi32>,
    %get3A_801 = vector.shape_cast %get3A_800 : vector<16xi32> to vector<16xi32>
    %add3A_802 = arith.addi %get3A_801, %get3A_524 : vector<16xi32>
    %swap3A_803 = arith.constant 3 : i32
    %swap3A_804 = arith.index_cast %swap3A_803 : i32 to index
    %swap3A_805 = arith.constant 48 : index
    %swap3A_806 = tpu.vector_load %arg10[%swap3A_804, %swap3A_805] {strides = array<i32>} : memref<5x128xi32, #tpu.memory_space<vmem>>, vector<1x16xi32>,
    %swap3A_807 = vector.shape_cast %swap3A_806 : vector<1x16xi32> to vector<16xi32>
    %swap3A_808 = vector.shape_cast %add3A_802 : vector<16xi32> to vector<1x16xi32>
    tpu.vector_store %arg10[%swap3A_804, %swap3A_805], %swap3A_808 {strides = array<i32>} : memref<5x128xi32, #tpu.memory_space<vmem>>, vector<1x16xi32>,
    %get3A_809 = arith.constant 448 : index
    %get3A_810 = tpu.vector_load %arg8[%get3A_809] {strides = array<i32>} : memref<640xi32, #tpu.memory_space<vmem>>, vector<16xi32>,
    %get3A_811 = vector.shape_cast %get3A_810 : vector<16xi32> to vector<16xi32>
    %add3A_812 = arith.addi %get3A_811, %get3A_524 : vector<16xi32>
    %swap3A_813 = arith.constant 3 : i32
    %swap3A_814 = arith.index_cast %swap3A_813 : i32 to index
    %swap3A_815 = arith.constant 64 : index
    %swap3A_816 = tpu.vector_load %arg10[%swap3A_814, %swap3A_815] {strides = array<i32>} : memref<5x128xi32, #tpu.memory_space<vmem>>, vector<1x16xi32>,
    %swap3A_817 = vector.shape_cast %swap3A_816 : vector<1x16xi32> to vector<16xi32>
    %swap3A_818 = vector.shape_cast %add3A_812 : vector<16xi32> to vector<1x16xi32>
    tpu.vector_store %arg10[%swap3A_814, %swap3A_815], %swap3A_818 {strides = array<i32>} : memref<5x128xi32, #tpu.memory_space<vmem>>, vector<1x16xi32>,
    %get3A_819 = arith.constant 464 : index
    %get3A_820 = tpu.vector_load %arg8[%get3A_819] {strides = array<i32>} : memref<640xi32, #tpu.memory_space<vmem>>, vector<16xi32>,
    %get3A_821 = vector.shape_cast %get3A_820 : vector<16xi32> to vector<16xi32>
    %add3A_822 = arith.addi %get3A_821, %get3A_524 : vector<16xi32>
    %swap3A_823 = arith.constant 3 : i32
    %swap3A_824 = arith.index_cast %swap3A_823 : i32 to index
    %swap3A_825 = arith.constant 80 : index
    %swap3A_826 = tpu.vector_load %arg10[%swap3A_824, %swap3A_825] {strides = array<i32>} : memref<5x128xi32, #tpu.memory_space<vmem>>, vector<1x16xi32>,
    %swap3A_827 = vector.shape_cast %swap3A_826 : vector<1x16xi32> to vector<16xi32>
    %swap3A_828 = vector.shape_cast %add3A_822 : vector<16xi32> to vector<1x16xi32>
    tpu.vector_store %arg10[%swap3A_824, %swap3A_825], %swap3A_828 {strides = array<i32>} : memref<5x128xi32, #tpu.memory_space<vmem>>, vector<1x16xi32>,
    %get3A_829 = arith.constant 480 : index
    %get3A_830 = tpu.vector_load %arg8[%get3A_829] {strides = array<i32>} : memref<640xi32, #tpu.memory_space<vmem>>, vector<16xi32>,
    %get3A_831 = vector.shape_cast %get3A_830 : vector<16xi32> to vector<16xi32>
    %add3A_832 = arith.addi %get3A_831, %get3A_524 : vector<16xi32>
    %swap3A_833 = arith.constant 3 : i32
    %swap3A_834 = arith.index_cast %swap3A_833 : i32 to index
    %swap3A_835 = arith.constant 96 : index
    %swap3A_836 = tpu.vector_load %arg10[%swap3A_834, %swap3A_835] {strides = array<i32>} : memref<5x128xi32, #tpu.memory_space<vmem>>, vector<1x16xi32>,
    %swap3A_837 = vector.shape_cast %swap3A_836 : vector<1x16xi32> to vector<16xi32>
    %swap3A_838 = vector.shape_cast %add3A_832 : vector<16xi32> to vector<1x16xi32>
    tpu.vector_store %arg10[%swap3A_834, %swap3A_835], %swap3A_838 {strides = array<i32>} : memref<5x128xi32, #tpu.memory_space<vmem>>, vector<1x16xi32>,
    %get3A_839 = arith.constant 496 : index
    %get3A_840 = tpu.vector_load %arg8[%get3A_839] {strides = array<i32>} : memref<640xi32, #tpu.memory_space<vmem>>, vector<16xi32>,
    %get3A_841 = vector.shape_cast %get3A_840 : vector<16xi32> to vector<16xi32>
    %add3A_842 = arith.addi %get3A_841, %get3A_524 : vector<16xi32>
    %swap3A_843 = arith.constant 3 : i32
    %swap3A_844 = arith.index_cast %swap3A_843 : i32 to index
    %swap3A_845 = arith.constant 112 : index
    %swap3A_846 = tpu.vector_load %arg10[%swap3A_844, %swap3A_845] {strides = array<i32>} : memref<5x128xi32, #tpu.memory_space<vmem>>, vector<1x16xi32>,
    %swap3A_847 = vector.shape_cast %swap3A_846 : vector<1x16xi32> to vector<16xi32>
    %swap3A_848 = vector.shape_cast %add3A_842 : vector<16xi32> to vector<1x16xi32>
    tpu.vector_store %arg10[%swap3A_844, %swap3A_845], %swap3A_848 {strides = array<i32>} : memref<5x128xi32, #tpu.memory_space<vmem>>, vector<1x16xi32>,
    %get3A_849 = arith.constant 512 : index
    %get3A_850 = tpu.vector_load %arg8[%get3A_849] {strides = array<i32>} : memref<640xi32, #tpu.memory_space<vmem>>, vector<16xi32>,
    %get3A_851 = vector.shape_cast %get3A_850 : vector<16xi32> to vector<16xi32>
    %add3A_852 = arith.addi %get3A_851, %get3A_524 : vector<16xi32>
    %swap3A_853 = arith.constant 4 : i32
    %swap3A_854 = arith.index_cast %swap3A_853 : i32 to index
    %swap3A_855 = arith.constant 0 : index
    %swap3A_856 = tpu.vector_load %arg10[%swap3A_854, %swap3A_855] {strides = array<i32>} : memref<5x128xi32, #tpu.memory_space<vmem>>, vector<1x16xi32>,
    %swap3A_857 = vector.shape_cast %swap3A_856 : vector<1x16xi32> to vector<16xi32>
    %swap3A_858 = vector.shape_cast %add3A_852 : vector<16xi32> to vector<1x16xi32>
    tpu.vector_store %arg10[%swap3A_854, %swap3A_855], %swap3A_858 {strides = array<i32>} : memref<5x128xi32, #tpu.memory_space<vmem>>, vector<1x16xi32>,
    %get3A_859 = arith.constant 528 : index
    %get3A_860 = tpu.vector_load %arg8[%get3A_859] {strides = array<i32>} : memref<640xi32, #tpu.memory_space<vmem>>, vector<16xi32>,
    %get3A_861 = vector.shape_cast %get3A_860 : vector<16xi32> to vector<16xi32>
    %add3A_862 = arith.addi %get3A_861, %get3A_524 : vector<16xi32>
    %swap3A_863 = arith.constant 4 : i32
    %swap3A_864 = arith.index_cast %swap3A_863 : i32 to index
    %swap3A_865 = arith.constant 16 : index
    %swap3A_866 = tpu.vector_load %arg10[%swap3A_864, %swap3A_865] {strides = array<i32>} : memref<5x128xi32, #tpu.memory_space<vmem>>, vector<1x16xi32>,
    %swap3A_867 = vector.shape_cast %swap3A_866 : vector<1x16xi32> to vector<16xi32>
    %swap3A_868 = vector.shape_cast %add3A_862 : vector<16xi32> to vector<1x16xi32>
    tpu.vector_store %arg10[%swap3A_864, %swap3A_865], %swap3A_868 {strides = array<i32>} : memref<5x128xi32, #tpu.memory_space<vmem>>, vector<1x16xi32>,
    %get3A_869 = arith.constant 544 : index
    %get3A_870 = tpu.vector_load %arg8[%get3A_869] {strides = array<i32>} : memref<640xi32, #tpu.memory_space<vmem>>, vector<16xi32>,
    %get3A_871 = vector.shape_cast %get3A_870 : vector<16xi32> to vector<16xi32>
    %add3A_872 = arith.addi %get3A_871, %get3A_524 : vector<16xi32>
    %swap3A_873 = arith.constant 4 : i32
    %swap3A_874 = arith.index_cast %swap3A_873 : i32 to index
    %swap3A_875 = arith.constant 32 : index
    %swap3A_876 = tpu.vector_load %arg10[%swap3A_874, %swap3A_875] {strides = array<i32>} : memref<5x128xi32, #tpu.memory_space<vmem>>, vector<1x16xi32>,
    %swap3A_877 = vector.shape_cast %swap3A_876 : vector<1x16xi32> to vector<16xi32>
    %swap3A_878 = vector.shape_cast %add3A_872 : vector<16xi32> to vector<1x16xi32>
    tpu.vector_store %arg10[%swap3A_874, %swap3A_875], %swap3A_878 {strides = array<i32>} : memref<5x128xi32, #tpu.memory_space<vmem>>, vector<1x16xi32>,
    %get3A_879 = arith.constant 560 : index
    %get3A_880 = tpu.vector_load %arg8[%get3A_879] {strides = array<i32>} : memref<640xi32, #tpu.memory_space<vmem>>, vector<16xi32>,
    %get3A_881 = vector.shape_cast %get3A_880 : vector<16xi32> to vector<16xi32>
    %add3A_882 = arith.addi %get3A_881, %get3A_524 : vector<16xi32>
    %swap3A_883 = arith.constant 4 : i32
    %swap3A_884 = arith.index_cast %swap3A_883 : i32 to index
    %swap3A_885 = arith.constant 48 : index
    %swap3A_886 = tpu.vector_load %arg10[%swap3A_884, %swap3A_885] {strides = array<i32>} : memref<5x128xi32, #tpu.memory_space<vmem>>, vector<1x16xi32>,
    %swap3A_887 = vector.shape_cast %swap3A_886 : vector<1x16xi32> to vector<16xi32>
    %swap3A_888 = vector.shape_cast %add3A_882 : vector<16xi32> to vector<1x16xi32>
    tpu.vector_store %arg10[%swap3A_884, %swap3A_885], %swap3A_888 {strides = array<i32>} : memref<5x128xi32, #tpu.memory_space<vmem>>, vector<1x16xi32>,
    %get3A_889 = arith.constant 576 : index
    %get3A_890 = tpu.vector_load %arg8[%get3A_889] {strides = array<i32>} : memref<640xi32, #tpu.memory_space<vmem>>, vector<16xi32>,
    %get3A_891 = vector.shape_cast %get3A_890 : vector<16xi32> to vector<16xi32>
    %add3A_892 = arith.addi %get3A_891, %get3A_524 : vector<16xi32>
    %swap3A_893 = arith.constant 4 : i32
    %swap3A_894 = arith.index_cast %swap3A_893 : i32 to index
    %swap3A_895 = arith.constant 64 : index
    %swap3A_896 = tpu.vector_load %arg10[%swap3A_894, %swap3A_895] {strides = array<i32>} : memref<5x128xi32, #tpu.memory_space<vmem>>, vector<1x16xi32>,
    %swap3A_897 = vector.shape_cast %swap3A_896 : vector<1x16xi32> to vector<16xi32>
    %swap3A_898 = vector.shape_cast %add3A_892 : vector<16xi32> to vector<1x16xi32>
    tpu.vector_store %arg10[%swap3A_894, %swap3A_895], %swap3A_898 {strides = array<i32>} : memref<5x128xi32, #tpu.memory_space<vmem>>, vector<1x16xi32>,
    %get3A_899 = arith.constant 592 : index
    %get3A_900 = tpu.vector_load %arg8[%get3A_899] {strides = array<i32>} : memref<640xi32, #tpu.memory_space<vmem>>, vector<16xi32>,
    %get3A_901 = vector.shape_cast %get3A_900 : vector<16xi32> to vector<16xi32>
    %add3A_902 = arith.addi %get3A_901, %get3A_524 : vector<16xi32>
    %swap3A_903 = arith.constant 4 : i32
    %swap3A_904 = arith.index_cast %swap3A_903 : i32 to index
    %swap3A_905 = arith.constant 80 : index
    %swap3A_906 = tpu.vector_load %arg10[%swap3A_904, %swap3A_905] {strides = array<i32>} : memref<5x128xi32, #tpu.memory_space<vmem>>, vector<1x16xi32>,
    %swap3A_907 = vector.shape_cast %swap3A_906 : vector<1x16xi32> to vector<16xi32>
    %swap3A_908 = vector.shape_cast %add3A_902 : vector<16xi32> to vector<1x16xi32>
    tpu.vector_store %arg10[%swap3A_904, %swap3A_905], %swap3A_908 {strides = array<i32>} : memref<5x128xi32, #tpu.memory_space<vmem>>, vector<1x16xi32>,
    %get3A_909 = arith.constant 608 : index
    %get3A_910 = tpu.vector_load %arg8[%get3A_909] {strides = array<i32>} : memref<640xi32, #tpu.memory_space<vmem>>, vector<16xi32>,
    %get3A_911 = vector.shape_cast %get3A_910 : vector<16xi32> to vector<16xi32>
    %add3A_912 = arith.addi %get3A_911, %get3A_524 : vector<16xi32>
    %swap3A_913 = arith.constant 4 : i32
    %swap3A_914 = arith.index_cast %swap3A_913 : i32 to index
    %swap3A_915 = arith.constant 96 : index
    %swap3A_916 = tpu.vector_load %arg10[%swap3A_914, %swap3A_915] {strides = array<i32>} : memref<5x128xi32, #tpu.memory_space<vmem>>, vector<1x16xi32>,
    %swap3A_917 = vector.shape_cast %swap3A_916 : vector<1x16xi32> to vector<16xi32>
    %swap3A_918 = vector.shape_cast %add3A_912 : vector<16xi32> to vector<1x16xi32>
    tpu.vector_store %arg10[%swap3A_914, %swap3A_915], %swap3A_918 {strides = array<i32>} : memref<5x128xi32, #tpu.memory_space<vmem>>, vector<1x16xi32>,
    %get3A_919 = arith.constant 624 : index
    %get3A_920 = tpu.vector_load %arg8[%get3A_919] {strides = array<i32>} : memref<640xi32, #tpu.memory_space<vmem>>, vector<16xi32>,
    %get3A_921 = vector.shape_cast %get3A_920 : vector<16xi32> to vector<16xi32>
    %add3A_922 = arith.addi %get3A_921, %get3A_524 : vector<16xi32>
    %swap3A_923 = arith.constant 4 : i32
    %swap3A_924 = arith.index_cast %swap3A_923 : i32 to index
    %swap3A_925 = arith.constant 112 : index
    %swap3A_926 = tpu.vector_load %arg10[%swap3A_924, %swap3A_925] {strides = array<i32>} : memref<5x128xi32, #tpu.memory_space<vmem>>, vector<1x16xi32>,
    %swap3A_927 = vector.shape_cast %swap3A_926 : vector<1x16xi32> to vector<16xi32>
    %swap3A_928 = vector.shape_cast %add3A_922 : vector<16xi32> to vector<1x16xi32>
    tpu.vector_store %arg10[%swap3A_924, %swap3A_925], %swap3A_928 {strides = array<i32>} : memref<5x128xi32, #tpu.memory_space<vmem>>, vector<1x16xi32>,
    %dma_start3A_929 = arith.constant 0 : i32
    %dma_start3A_930 = arith.constant 0 : i32
    %dma_start3A_931 = arith.constant 0 : i32
    %dma_start3A_932 = tpu.memref_slice %arg12[%dma_start3A_930, %dma_start3A_931] : memref<640x64xf32, #tpu.memory_space<vmem>> -> memref<128x64xf32, #tpu.memory_space<vmem>>
    %dma_start3A_933 = arith.constant 0 : i32
    %dma_start3A_934 = tpu.memref_slice %arg10[%dma_start3A_929, %dma_start3A_933] : memref<5x128xi32, #tpu.memory_space<vmem>> -> memref<1x128xi32, #tpu.memory_space<vmem>>
    %dma_start3A_935 = tpu.memref_squeeze %dma_start3A_934 : memref<1x128xi32, #tpu.memory_space<vmem>> -> memref<128xi32, #tpu.memory_space<vmem>>
    %dma_start3A_936 = arith.constant 0 : i32
    %dma_start3A_937 = arith.constant 0 : i32
    %dma_start3A_938 = tpu.memref_slice %arg2[%dma_start3A_936, %dma_start3A_937] : memref<2600000x64xf32, #tpu.memory_space<hbm>> -> memref<2600000x64xf32, #tpu.memory_space<hbm>>
    tpu.enqueue_indirect_dma source(%dma_start3A_938 : memref<2600000x64xf32, #tpu.memory_space<hbm>>) target(%dma_start3A_932 : memref<128x64xf32, #tpu.memory_space<vmem>>) offsets(%dma_start3A_935 : memref<128xi32, #tpu.memory_space<vmem>>) semaphore(%arg20 : memref<!tpu.dma_semaphore, #tpu.memory_space<semaphore_mem>>)
    %dma_start3A_939 = arith.constant 1 : i32
    %dma_start3A_940 = arith.constant 128 : i32
    %dma_start3A_941 = arith.constant 0 : i32
    %dma_start3A_942 = tpu.memref_slice %arg12[%dma_start3A_940, %dma_start3A_941] : memref<640x64xf32, #tpu.memory_space<vmem>> -> memref<128x64xf32, #tpu.memory_space<vmem>>
    %dma_start3A_943 = arith.constant 0 : i32
    %dma_start3A_944 = tpu.memref_slice %arg10[%dma_start3A_939, %dma_start3A_943] : memref<5x128xi32, #tpu.memory_space<vmem>> -> memref<1x128xi32, #tpu.memory_space<vmem>>
    %dma_start3A_945 = tpu.memref_squeeze %dma_start3A_944 : memref<1x128xi32, #tpu.memory_space<vmem>> -> memref<128xi32, #tpu.memory_space<vmem>>
    %dma_start3A_946 = arith.constant 0 : i32
    %dma_start3A_947 = arith.constant 0 : i32
    %dma_start3A_948 = tpu.memref_slice %arg2[%dma_start3A_946, %dma_start3A_947] : memref<2600000x64xf32, #tpu.memory_space<hbm>> -> memref<2600000x64xf32, #tpu.memory_space<hbm>>
    tpu.enqueue_indirect_dma source(%dma_start3A_948 : memref<2600000x64xf32, #tpu.memory_space<hbm>>) target(%dma_start3A_942 : memref<128x64xf32, #tpu.memory_space<vmem>>) offsets(%dma_start3A_945 : memref<128xi32, #tpu.memory_space<vmem>>) semaphore(%arg20 : memref<!tpu.dma_semaphore, #tpu.memory_space<semaphore_mem>>)
    %dma_start3A_949 = arith.constant 2 : i32
    %dma_start3A_950 = arith.constant 256 : i32
    %dma_start3A_951 = arith.constant 0 : i32
    %dma_start3A_952 = tpu.memref_slice %arg12[%dma_start3A_950, %dma_start3A_951] : memref<640x64xf32, #tpu.memory_space<vmem>> -> memref<128x64xf32, #tpu.memory_space<vmem>>
    %dma_start3A_953 = arith.constant 0 : i32
    %dma_start3A_954 = tpu.memref_slice %arg10[%dma_start3A_949, %dma_start3A_953] : memref<5x128xi32, #tpu.memory_space<vmem>> -> memref<1x128xi32, #tpu.memory_space<vmem>>
    %dma_start3A_955 = tpu.memref_squeeze %dma_start3A_954 : memref<1x128xi32, #tpu.memory_space<vmem>> -> memref<128xi32, #tpu.memory_space<vmem>>
    %dma_start3A_956 = arith.constant 0 : i32
    %dma_start3A_957 = arith.constant 0 : i32
    %dma_start3A_958 = tpu.memref_slice %arg2[%dma_start3A_956, %dma_start3A_957] : memref<2600000x64xf32, #tpu.memory_space<hbm>> -> memref<2600000x64xf32, #tpu.memory_space<hbm>>
    tpu.enqueue_indirect_dma source(%dma_start3A_958 : memref<2600000x64xf32, #tpu.memory_space<hbm>>) target(%dma_start3A_952 : memref<128x64xf32, #tpu.memory_space<vmem>>) offsets(%dma_start3A_955 : memref<128xi32, #tpu.memory_space<vmem>>) semaphore(%arg20 : memref<!tpu.dma_semaphore, #tpu.memory_space<semaphore_mem>>)
    %dma_start3A_959 = arith.constant 3 : i32
    %dma_start3A_960 = arith.constant 384 : i32
    %dma_start3A_961 = arith.constant 0 : i32
    %dma_start3A_962 = tpu.memref_slice %arg12[%dma_start3A_960, %dma_start3A_961] : memref<640x64xf32, #tpu.memory_space<vmem>> -> memref<128x64xf32, #tpu.memory_space<vmem>>
    %dma_start3A_963 = arith.constant 0 : i32
    %dma_start3A_964 = tpu.memref_slice %arg10[%dma_start3A_959, %dma_start3A_963] : memref<5x128xi32, #tpu.memory_space<vmem>> -> memref<1x128xi32, #tpu.memory_space<vmem>>
    %dma_start3A_965 = tpu.memref_squeeze %dma_start3A_964 : memref<1x128xi32, #tpu.memory_space<vmem>> -> memref<128xi32, #tpu.memory_space<vmem>>
    %dma_start3A_966 = arith.constant 0 : i32
    %dma_start3A_967 = arith.constant 0 : i32
    %dma_start3A_968 = tpu.memref_slice %arg2[%dma_start3A_966, %dma_start3A_967] : memref<2600000x64xf32, #tpu.memory_space<hbm>> -> memref<2600000x64xf32, #tpu.memory_space<hbm>>
    tpu.enqueue_indirect_dma source(%dma_start3A_968 : memref<2600000x64xf32, #tpu.memory_space<hbm>>) target(%dma_start3A_962 : memref<128x64xf32, #tpu.memory_space<vmem>>) offsets(%dma_start3A_965 : memref<128xi32, #tpu.memory_space<vmem>>) semaphore(%arg20 : memref<!tpu.dma_semaphore, #tpu.memory_space<semaphore_mem>>)
    %dma_start3A_969 = arith.constant 4 : i32
    %dma_start3A_970 = arith.constant 512 : i32
    %dma_start3A_971 = arith.constant 0 : i32
    %dma_start3A_972 = tpu.memref_slice %arg12[%dma_start3A_970, %dma_start3A_971] : memref<640x64xf32, #tpu.memory_space<vmem>> -> memref<128x64xf32, #tpu.memory_space<vmem>>
    %dma_start3A_973 = arith.constant 0 : i32
    %dma_start3A_974 = tpu.memref_slice %arg10[%dma_start3A_969, %dma_start3A_973] : memref<5x128xi32, #tpu.memory_space<vmem>> -> memref<1x128xi32, #tpu.memory_space<vmem>>
    %dma_start3A_975 = tpu.memref_squeeze %dma_start3A_974 : memref<1x128xi32, #tpu.memory_space<vmem>> -> memref<128xi32, #tpu.memory_space<vmem>>
    %dma_start3A_976 = arith.constant 0 : i32
    %dma_start3A_977 = arith.constant 0 : i32
    %dma_start3A_978 = tpu.memref_slice %arg2[%dma_start3A_976, %dma_start3A_977] : memref<2600000x64xf32, #tpu.memory_space<hbm>> -> memref<2600000x64xf32, #tpu.memory_space<hbm>>
    tpu.enqueue_indirect_dma source(%dma_start3A_978 : memref<2600000x64xf32, #tpu.memory_space<hbm>>) target(%dma_start3A_972 : memref<128x64xf32, #tpu.memory_space<vmem>>) offsets(%dma_start3A_975 : memref<128xi32, #tpu.memory_space<vmem>>) semaphore(%arg20 : memref<!tpu.dma_semaphore, #tpu.memory_space<semaphore_mem>>)
    %add3A_979 = arith.constant 96 : i32
    %add3A_980 = arith.addi %mul3A_2, %add3A_979 : i32
    %mul3A_981 = arith.constant 20 : i32
    %mul3A_982 = arith.muli %add3A_980, %mul3A_981 : i32
    %dma_start3A_983 = tpu.memref_slice %arg4[%mul3A_982] : memref<2129920xi32, #tpu.memory_space<hbm>> -> memref<640xi32, #tpu.memory_space<hbm>>
    %dma_start3A_984 = tpu.memref_slice %arg4[%mul3A_982] : memref<2129920xi32, #tpu.memory_space<hbm>> -> memref<640xi32, #tpu.memory_space<hbm>>
    tpu.enqueue_dma source(%dma_start3A_984 : memref<640xi32, #tpu.memory_space<hbm>>) target(%arg8 : memref<640xi32, #tpu.memory_space<vmem>>) target_semaphore(%arg18 : memref<!tpu.dma_semaphore, #tpu.memory_space<semaphore_mem>>)
    %add3A_985 = arith.constant 0 : i32
    %add3A_986 = arith.addi %mul3A_2, %add3A_985 : i32
    %jit3A_987 = arith.constant 4096 : i32
    %div3A_988 = arith.divsi %add3A_986, %jit3A_987 : i32
    %sign3A_989 = arith.constant 0 : i32
    %sign3A_990 = arith.cmpi sgt, %add3A_986, %sign3A_989 : i32
    %sign3A_991 = arith.extui %sign3A_990 : i1 to i32
    %sign3A_992 = arith.constant 0 : i32
    %sign3A_993 = arith.cmpi slt, %add3A_986, %sign3A_992 : i32
    %sign3A_994 = arith.extui %sign3A_993 : i1 to i32
    %sign3A_995 = arith.subi %sign3A_991, %sign3A_994 : i32
    %sign3A_996 = arith.constant 0 : i32
    %sign3A_997 = arith.cmpi sgt, %jit3A_987, %sign3A_996 : i32
    %sign3A_998 = arith.extui %sign3A_997 : i1 to i32
    %sign3A_999 = arith.constant 0 : i32
    %sign3A_1000 = arith.cmpi slt, %jit3A_987, %sign3A_999 : i32
    %sign3A_1001 = arith.extui %sign3A_1000 : i1 to i32
    %sign3A_1002 = arith.subi %sign3A_998, %sign3A_1001 : i32
    %ne3A_1003 = arith.cmpi ne, %sign3A_995, %sign3A_1002 : i32
    %rem3A_1004 = arith.remsi %add3A_986, %jit3A_987 : i32
    %ne3A_1005 = arith.constant 0 : i32
    %ne3A_1006 = arith.cmpi ne, %rem3A_1004, %ne3A_1005 : i32
    %and3A_1007 = arith.andi %ne3A_1003, %ne3A_1006 : i1
    %sub3A_1008 = arith.constant 1 : i32
    %sub3A_1009 = arith.subi %div3A_988, %sub3A_1008 : i32
    %select_n3A_1010 = arith.select %and3A_1007, %sub3A_1009, %div3A_988 : i32
    %mul3A_1011 = arith.constant 4096 : i32
    %mul3A_1012 = arith.muli %select_n3A_1010, %mul3A_1011 : i32
    %sub3A_1013 = arith.subi %add3A_986, %mul3A_1012 : i32
    %iota3A = tpu.iota {dimensions = array<i32: 0>} : vector<16xi32>
    %add3A_1014 = arith.constant 0 : i32
    %add3A_1015 = arith.addi %sub3A_1013, %add3A_1014 : i32
    %add3A_1016 = vector.broadcast %add3A_1015 : i32 to vector<16xi32>
    %add3A_1017 = arith.addi %add3A_1016, %iota3A : vector<16xi32>
    %mul3A_1018 = arith.constant 26 : i32
    %mul3A_1019 = vector.broadcast %mul3A_1018 : i32 to vector<16xi32>
    %mul3A_1020 = arith.muli %add3A_1017, %mul3A_1019 : vector<16xi32>
    %add3A_1021 = vector.broadcast %select_n3A_1010 : i32 to vector<16xi32>
    %add3A_1022 = arith.addi %mul3A_1020, %add3A_1021 : vector<16xi32>
    %swap3A_1023 = arith.constant 0 : index
    %swap3A_1024 = tpu.vector_load %arg15[%swap3A_1023] {strides = array<i32>} : memref<32xi32, #tpu.memory_space<vmem>>, vector<16xi32>,
    %swap3A_1025 = vector.shape_cast %swap3A_1024 : vector<16xi32> to vector<16xi32>
    %swap3A_1026 = vector.shape_cast %add3A_1022 : vector<16xi32> to vector<16xi32>
    tpu.vector_store %arg15[%swap3A_1023], %swap3A_1026 {strides = array<i32>} : memref<32xi32, #tpu.memory_space<vmem>>, vector<16xi32>,
    %add3A_1027 = arith.constant 16 : i32
    %add3A_1028 = arith.addi %sub3A_1013, %add3A_1027 : i32
    %add3A_1029 = vector.broadcast %add3A_1028 : i32 to vector<16xi32>
    %add3A_1030 = arith.addi %add3A_1029, %iota3A : vector<16xi32>
    %mul3A_1031 = arith.constant 26 : i32
    %mul3A_1032 = vector.broadcast %mul3A_1031 : i32 to vector<16xi32>
    %mul3A_1033 = arith.muli %add3A_1030, %mul3A_1032 : vector<16xi32>
    %add3A_1034 = vector.broadcast %select_n3A_1010 : i32 to vector<16xi32>
    %add3A_1035 = arith.addi %mul3A_1033, %add3A_1034 : vector<16xi32>
    %swap3A_1036 = arith.constant 16 : index
    %swap3A_1037 = tpu.vector_load %arg15[%swap3A_1036] {strides = array<i32>} : memref<32xi32, #tpu.memory_space<vmem>>, vector<16xi32>,
    %swap3A_1038 = vector.shape_cast %swap3A_1037 : vector<16xi32> to vector<16xi32>
    %swap3A_1039 = vector.shape_cast %add3A_1035 : vector<16xi32> to vector<16xi32>
    tpu.vector_store %arg15[%swap3A_1036], %swap3A_1039 {strides = array<i32>} : memref<32xi32, #tpu.memory_space<vmem>>, vector<16xi32>,
    %add3A_1040 = arith.constant 32 : i32
    %add3A_1041 = arith.addi %mul3A_2, %add3A_1040 : i32
    %jit3A_1042 = arith.constant 4096 : i32
    %div3A_1043 = arith.divsi %add3A_1041, %jit3A_1042 : i32
    %sign3A_1044 = arith.constant 0 : i32
    %sign3A_1045 = arith.cmpi sgt, %add3A_1041, %sign3A_1044 : i32
    %sign3A_1046 = arith.extui %sign3A_1045 : i1 to i32
    %sign3A_1047 = arith.constant 0 : i32
    %sign3A_1048 = arith.cmpi slt, %add3A_1041, %sign3A_1047 : i32
    %sign3A_1049 = arith.extui %sign3A_1048 : i1 to i32
    %sign3A_1050 = arith.subi %sign3A_1046, %sign3A_1049 : i32
    %sign3A_1051 = arith.constant 0 : i32
    %sign3A_1052 = arith.cmpi sgt, %jit3A_1042, %sign3A_1051 : i32
    %sign3A_1053 = arith.extui %sign3A_1052 : i1 to i32
    %sign3A_1054 = arith.constant 0 : i32
    %sign3A_1055 = arith.cmpi slt, %jit3A_1042, %sign3A_1054 : i32
    %sign3A_1056 = arith.extui %sign3A_1055 : i1 to i32
    %sign3A_1057 = arith.subi %sign3A_1053, %sign3A_1056 : i32
    %ne3A_1058 = arith.cmpi ne, %sign3A_1050, %sign3A_1057 : i32
    %rem3A_1059 = arith.remsi %add3A_1041, %jit3A_1042 : i32
    %ne3A_1060 = arith.constant 0 : i32
    %ne3A_1061 = arith.cmpi ne, %rem3A_1059, %ne3A_1060 : i32
    %and3A_1062 = arith.andi %ne3A_1058, %ne3A_1061 : i1
    %sub3A_1063 = arith.constant 1 : i32
    %sub3A_1064 = arith.subi %div3A_1043, %sub3A_1063 : i32
    %select_n3A_1065 = arith.select %and3A_1062, %sub3A_1064, %div3A_1043 : i32
    %mul3A_1066 = arith.constant 4096 : i32
    %mul3A_1067 = arith.muli %select_n3A_1065, %mul3A_1066 : i32
    %sub3A_1068 = arith.subi %add3A_1041, %mul3A_1067 : i32
    %iota3A_1069 = tpu.iota {dimensions = array<i32: 0>} : vector<16xi32>
    %add3A_1070 = arith.constant 0 : i32
    %add3A_1071 = arith.addi %sub3A_1068, %add3A_1070 : i32
    %add3A_1072 = vector.broadcast %add3A_1071 : i32 to vector<16xi32>
    %add3A_1073 = arith.addi %add3A_1072, %iota3A_1069 : vector<16xi32>
    %mul3A_1074 = arith.constant 26 : i32
    %mul3A_1075 = vector.broadcast %mul3A_1074 : i32 to vector<16xi32>
    %mul3A_1076 = arith.muli %add3A_1073, %mul3A_1075 : vector<16xi32>
    %add3A_1077 = vector.broadcast %select_n3A_1065 : i32 to vector<16xi32>
    %add3A_1078 = arith.addi %mul3A_1076, %add3A_1077 : vector<16xi32>
    %swap3A_1079 = arith.constant 0 : index
    %swap3A_1080 = tpu.vector_load %arg16[%swap3A_1079] {strides = array<i32>} : memref<32xi32, #tpu.memory_space<vmem>>, vector<16xi32>,
    %swap3A_1081 = vector.shape_cast %swap3A_1080 : vector<16xi32> to vector<16xi32>
    %swap3A_1082 = vector.shape_cast %add3A_1078 : vector<16xi32> to vector<16xi32>
    tpu.vector_store %arg16[%swap3A_1079], %swap3A_1082 {strides = array<i32>} : memref<32xi32, #tpu.memory_space<vmem>>, vector<16xi32>,
    %add3A_1083 = arith.constant 16 : i32
    %add3A_1084 = arith.addi %sub3A_1068, %add3A_1083 : i32
    %add3A_1085 = vector.broadcast %add3A_1084 : i32 to vector<16xi32>
    %add3A_1086 = arith.addi %add3A_1085, %iota3A_1069 : vector<16xi32>
    %mul3A_1087 = arith.constant 26 : i32
    %mul3A_1088 = vector.broadcast %mul3A_1087 : i32 to vector<16xi32>
    %mul3A_1089 = arith.muli %add3A_1086, %mul3A_1088 : vector<16xi32>
    %add3A_1090 = vector.broadcast %select_n3A_1065 : i32 to vector<16xi32>
    %add3A_1091 = arith.addi %mul3A_1089, %add3A_1090 : vector<16xi32>
    %swap3A_1092 = arith.constant 16 : index
    %swap3A_1093 = tpu.vector_load %arg16[%swap3A_1092] {strides = array<i32>} : memref<32xi32, #tpu.memory_space<vmem>>, vector<16xi32>,
    %swap3A_1094 = vector.shape_cast %swap3A_1093 : vector<16xi32> to vector<16xi32>
    %swap3A_1095 = vector.shape_cast %add3A_1091 : vector<16xi32> to vector<16xi32>
    tpu.vector_store %arg16[%swap3A_1092], %swap3A_1095 {strides = array<i32>} : memref<32xi32, #tpu.memory_space<vmem>>, vector<16xi32>,
    %dma_start3A_1096 = arith.constant 0 : i32
    %dma_start3A_1097 = arith.constant 0 : i32
    %dma_start3A_1098 = tpu.memref_slice %arg5[%dma_start3A_1096, %dma_start3A_1097] : memref<106496x64xf32, #tpu.memory_space<hbm>> -> memref<106496x64xf32, #tpu.memory_space<hbm>>
    tpu.enqueue_indirect_dma source(%arg13 : memref<32x64xf32, #tpu.memory_space<vmem>>) target(%dma_start3A_1098 : memref<106496x64xf32, #tpu.memory_space<hbm>>) offsets(%arg15 : memref<32xi32, #tpu.memory_space<vmem>>) semaphore(%arg21 : memref<!tpu.dma_semaphore, #tpu.memory_space<semaphore_mem>>)
    %dma_start3A_1099 = arith.constant 0 : i32
    %dma_start3A_1100 = arith.constant 0 : i32
    %dma_start3A_1101 = tpu.memref_slice %arg5[%dma_start3A_1099, %dma_start3A_1100] : memref<106496x64xf32, #tpu.memory_space<hbm>> -> memref<106496x64xf32, #tpu.memory_space<hbm>>
    tpu.enqueue_indirect_dma source(%arg14 : memref<32x64xf32, #tpu.memory_space<vmem>>) target(%dma_start3A_1101 : memref<106496x64xf32, #tpu.memory_space<hbm>>) offsets(%arg16 : memref<32xi32, #tpu.memory_space<vmem>>) semaphore(%arg22 : memref<!tpu.dma_semaphore, #tpu.memory_space<semaphore_mem>>)
    %scan3A = arith.constant 0 : i32
    %scan3A_1102 = arith.constant 0 : i32
    %scan3A_1103 = arith.constant 52 : i32
    %scan3A_1104 = arith.addi %scan3A_1102, %scan3A_1103 : i32
    %scan3A_1105 = arith.constant 1 : i32
    scf.for %scan3A_1113 = %scan3A_1102 to %scan3A_1104 step %scan3A_1105  : i32 {
      %mul3A_1114 = arith.constant 2 : i32
      %mul3A_1115 = arith.muli %mul3A_1114, %scan3A_1113 : i32
      %add3A_1116 = arith.constant 0 : i32
      %add3A_1117 = arith.addi %mul3A_1115, %add3A_1116 : i32
      %dma_wait3A_1118 = arith.constant 0 : i32
      %dma_wait3A_1119 = arith.constant 0 : i32
      %dma_wait3A_1120 = tpu.memref_slice %arg2[%dma_wait3A_1118, %dma_wait3A_1119] : memref<2600000x64xf32, #tpu.memory_space<hbm>> -> memref<640x64xf32, #tpu.memory_space<hbm>>
      %dma_wait3A_1121 = arith.constant 0 : i32
      %dma_wait3A_1122 = arith.constant 0 : i32
      %dma_wait3A_1123 = tpu.memref_slice %arg2[%dma_wait3A_1121, %dma_wait3A_1122] : memref<2600000x64xf32, #tpu.memory_space<hbm>> -> memref<640x64xf32, #tpu.memory_space<hbm>>
      tpu.wait_dma2 semaphore(%arg19 : memref<!tpu.dma_semaphore, #tpu.memory_space<semaphore_mem>>) src(%dma_wait3A_1123 : memref<640x64xf32, #tpu.memory_space<hbm>>) dst(%arg11 : memref<640x64xf32, #tpu.memory_space<vmem>>)
      %dma_wait3A_1124 = arith.constant 0 : i32
      %dma_wait3A_1125 = arith.constant 0 : i32
      %dma_wait3A_1126 = tpu.memref_slice %arg5[%dma_wait3A_1124, %dma_wait3A_1125] : memref<106496x64xf32, #tpu.memory_space<hbm>> -> memref<106496x64xf32, #tpu.memory_space<hbm>>
      tpu.wait_indirect_dma semaphore(%arg21 : memref<!tpu.dma_semaphore, #tpu.memory_space<semaphore_mem>>) src(%arg13 : memref<32x64xf32, #tpu.memory_space<vmem>>) dst(%dma_wait3A_1126 : memref<106496x64xf32, #tpu.memory_space<hbm>>)
      %scan3A_1127 = arith.constant 0 : i32
      %scan3A_1128 = arith.constant 0 : i32
      %scan3A_1129 = arith.constant 32 : i32
      %scan3A_1130 = arith.addi %scan3A_1128, %scan3A_1129 : i32
      %scan3A_1131 = arith.constant 1 : i32
      scf.for %scan3A_1297 = %scan3A_1128 to %scan3A_1130 step %scan3A_1131  : i32 {
        %mul3A_1298 = arith.constant 20 : i32
        %mul3A_1299 = arith.muli %scan3A_1297, %mul3A_1298 : i32
        %get3A_1300 = arith.index_cast %mul3A_1299 : i32 to index
        %get3A_1301 = arith.constant 0 : index
        %get3A_1302 = tpu.vector_load %arg11[%get3A_1300, %get3A_1301] {strides = array<i32>} : memref<640x64xf32, #tpu.memory_space<vmem>>, vector<1x16xf32>,
        %get3A_1303 = vector.shape_cast %get3A_1302 : vector<1x16xf32> to vector<16xf32>
        %add3A_1304 = arith.constant 1 : i32
        %add3A_1305 = arith.addi %mul3A_1299, %add3A_1304 : i32
        %get3A_1306 = arith.index_cast %add3A_1305 : i32 to index
        %get3A_1307 = arith.constant 0 : index
        %get3A_1308 = tpu.vector_load %arg11[%get3A_1306, %get3A_1307] {strides = array<i32>} : memref<640x64xf32, #tpu.memory_space<vmem>>, vector<1x16xf32>,
        %get3A_1309 = vector.shape_cast %get3A_1308 : vector<1x16xf32> to vector<16xf32>
        %add3A_1310 = arith.addf %get3A_1303, %get3A_1309 : vector<16xf32>
        %add3A_1311 = arith.constant 2 : i32
        %add3A_1312 = arith.addi %mul3A_1299, %add3A_1311 : i32
        %get3A_1313 = arith.index_cast %add3A_1312 : i32 to index
        %get3A_1314 = arith.constant 0 : index
        %get3A_1315 = tpu.vector_load %arg11[%get3A_1313, %get3A_1314] {strides = array<i32>} : memref<640x64xf32, #tpu.memory_space<vmem>>, vector<1x16xf32>,
        %get3A_1316 = vector.shape_cast %get3A_1315 : vector<1x16xf32> to vector<16xf32>
        %add3A_1317 = arith.addf %add3A_1310, %get3A_1316 : vector<16xf32>
        %add3A_1318 = arith.constant 3 : i32
        %add3A_1319 = arith.addi %mul3A_1299, %add3A_1318 : i32
        %get3A_1320 = arith.index_cast %add3A_1319 : i32 to index
        %get3A_1321 = arith.constant 0 : index
        %get3A_1322 = tpu.vector_load %arg11[%get3A_1320, %get3A_1321] {strides = array<i32>} : memref<640x64xf32, #tpu.memory_space<vmem>>, vector<1x16xf32>,
        %get3A_1323 = vector.shape_cast %get3A_1322 : vector<1x16xf32> to vector<16xf32>
        %add3A_1324 = arith.addf %add3A_1317, %get3A_1323 : vector<16xf32>
        %add3A_1325 = arith.constant 4 : i32
        %add3A_1326 = arith.addi %mul3A_1299, %add3A_1325 : i32
        %get3A_1327 = arith.index_cast %add3A_1326 : i32 to index
        %get3A_1328 = arith.constant 0 : index
        %get3A_1329 = tpu.vector_load %arg11[%get3A_1327, %get3A_1328] {strides = array<i32>} : memref<640x64xf32, #tpu.memory_space<vmem>>, vector<1x16xf32>,
        %get3A_1330 = vector.shape_cast %get3A_1329 : vector<1x16xf32> to vector<16xf32>
        %add3A_1331 = arith.addf %add3A_1324, %get3A_1330 : vector<16xf32>
        %add3A_1332 = arith.constant 5 : i32
        %add3A_1333 = arith.addi %mul3A_1299, %add3A_1332 : i32
        %get3A_1334 = arith.index_cast %add3A_1333 : i32 to index
        %get3A_1335 = arith.constant 0 : index
        %get3A_1336 = tpu.vector_load %arg11[%get3A_1334, %get3A_1335] {strides = array<i32>} : memref<640x64xf32, #tpu.memory_space<vmem>>, vector<1x16xf32>,
        %get3A_1337 = vector.shape_cast %get3A_1336 : vector<1x16xf32> to vector<16xf32>
        %add3A_1338 = arith.addf %add3A_1331, %get3A_1337 : vector<16xf32>
        %add3A_1339 = arith.constant 6 : i32
        %add3A_1340 = arith.addi %mul3A_1299, %add3A_1339 : i32
        %get3A_1341 = arith.index_cast %add3A_1340 : i32 to index
        %get3A_1342 = arith.constant 0 : index
        %get3A_1343 = tpu.vector_load %arg11[%get3A_1341, %get3A_1342] {strides = array<i32>} : memref<640x64xf32, #tpu.memory_space<vmem>>, vector<1x16xf32>,
        %get3A_1344 = vector.shape_cast %get3A_1343 : vector<1x16xf32> to vector<16xf32>
        %add3A_1345 = arith.addf %add3A_1338, %get3A_1344 : vector<16xf32>
        %add3A_1346 = arith.constant 7 : i32
        %add3A_1347 = arith.addi %mul3A_1299, %add3A_1346 : i32
        %get3A_1348 = arith.index_cast %add3A_1347 : i32 to index
        %get3A_1349 = arith.constant 0 : index
        %get3A_1350 = tpu.vector_load %arg11[%get3A_1348, %get3A_1349] {strides = array<i32>} : memref<640x64xf32, #tpu.memory_space<vmem>>, vector<1x16xf32>,
        %get3A_1351 = vector.shape_cast %get3A_1350 : vector<1x16xf32> to vector<16xf32>
        %add3A_1352 = arith.addf %add3A_1345, %get3A_1351 : vector<16xf32>
        %add3A_1353 = arith.constant 8 : i32
        %add3A_1354 = arith.addi %mul3A_1299, %add3A_1353 : i32
        %get3A_1355 = arith.index_cast %add3A_1354 : i32 to index
        %get3A_1356 = arith.constant 0 : index
        %get3A_1357 = tpu.vector_load %arg11[%get3A_1355, %get3A_1356] {strides = array<i32>} : memref<640x64xf32, #tpu.memory_space<vmem>>, vector<1x16xf32>,
        %get3A_1358 = vector.shape_cast %get3A_1357 : vector<1x16xf32> to vector<16xf32>
        %add3A_1359 = arith.addf %add3A_1352, %get3A_1358 : vector<16xf32>
        %add3A_1360 = arith.constant 9 : i32
        %add3A_1361 = arith.addi %mul3A_1299, %add3A_1360 : i32
        %get3A_1362 = arith.index_cast %add3A_1361 : i32 to index
        %get3A_1363 = arith.constant 0 : index
        %get3A_1364 = tpu.vector_load %arg11[%get3A_1362, %get3A_1363] {strides = array<i32>} : memref<640x64xf32, #tpu.memory_space<vmem>>, vector<1x16xf32>,
        %get3A_1365 = vector.shape_cast %get3A_1364 : vector<1x16xf32> to vector<16xf32>
        %add3A_1366 = arith.addf %add3A_1359, %get3A_1365 : vector<16xf32>
        %add3A_1367 = arith.constant 10 : i32
        %add3A_1368 = arith.addi %mul3A_1299, %add3A_1367 : i32
        %get3A_1369 = arith.index_cast %add3A_1368 : i32 to index
        %get3A_1370 = arith.constant 0 : index
        %get3A_1371 = tpu.vector_load %arg11[%get3A_1369, %get3A_1370] {strides = array<i32>} : memref<640x64xf32, #tpu.memory_space<vmem>>, vector<1x16xf32>,
        %get3A_1372 = vector.shape_cast %get3A_1371 : vector<1x16xf32> to vector<16xf32>
        %add3A_1373 = arith.addf %add3A_1366, %get3A_1372 : vector<16xf32>
        %add3A_1374 = arith.constant 11 : i32
        %add3A_1375 = arith.addi %mul3A_1299, %add3A_1374 : i32
        %get3A_1376 = arith.index_cast %add3A_1375 : i32 to index
        %get3A_1377 = arith.constant 0 : index
        %get3A_1378 = tpu.vector_load %arg11[%get3A_1376, %get3A_1377] {strides = array<i32>} : memref<640x64xf32, #tpu.memory_space<vmem>>, vector<1x16xf32>,
        %get3A_1379 = vector.shape_cast %get3A_1378 : vector<1x16xf32> to vector<16xf32>
        %add3A_1380 = arith.addf %add3A_1373, %get3A_1379 : vector<16xf32>
        %add3A_1381 = arith.constant 12 : i32
        %add3A_1382 = arith.addi %mul3A_1299, %add3A_1381 : i32
        %get3A_1383 = arith.index_cast %add3A_1382 : i32 to index
        %get3A_1384 = arith.constant 0 : index
        %get3A_1385 = tpu.vector_load %arg11[%get3A_1383, %get3A_1384] {strides = array<i32>} : memref<640x64xf32, #tpu.memory_space<vmem>>, vector<1x16xf32>,
        %get3A_1386 = vector.shape_cast %get3A_1385 : vector<1x16xf32> to vector<16xf32>
        %add3A_1387 = arith.addf %add3A_1380, %get3A_1386 : vector<16xf32>
        %add3A_1388 = arith.constant 13 : i32
        %add3A_1389 = arith.addi %mul3A_1299, %add3A_1388 : i32
        %get3A_1390 = arith.index_cast %add3A_1389 : i32 to index
        %get3A_1391 = arith.constant 0 : index
        %get3A_1392 = tpu.vector_load %arg11[%get3A_1390, %get3A_1391] {strides = array<i32>} : memref<640x64xf32, #tpu.memory_space<vmem>>, vector<1x16xf32>,
        %get3A_1393 = vector.shape_cast %get3A_1392 : vector<1x16xf32> to vector<16xf32>
        %add3A_1394 = arith.addf %add3A_1387, %get3A_1393 : vector<16xf32>
        %add3A_1395 = arith.constant 14 : i32
        %add3A_1396 = arith.addi %mul3A_1299, %add3A_1395 : i32
        %get3A_1397 = arith.index_cast %add3A_1396 : i32 to index
        %get3A_1398 = arith.constant 0 : index
        %get3A_1399 = tpu.vector_load %arg11[%get3A_1397, %get3A_1398] {strides = array<i32>} : memref<640x64xf32, #tpu.memory_space<vmem>>, vector<1x16xf32>,
        %get3A_1400 = vector.shape_cast %get3A_1399 : vector<1x16xf32> to vector<16xf32>
        %add3A_1401 = arith.addf %add3A_1394, %get3A_1400 : vector<16xf32>
        %add3A_1402 = arith.constant 15 : i32
        %add3A_1403 = arith.addi %mul3A_1299, %add3A_1402 : i32
        %get3A_1404 = arith.index_cast %add3A_1403 : i32 to index
        %get3A_1405 = arith.constant 0 : index
        %get3A_1406 = tpu.vector_load %arg11[%get3A_1404, %get3A_1405] {strides = array<i32>} : memref<640x64xf32, #tpu.memory_space<vmem>>, vector<1x16xf32>,
        %get3A_1407 = vector.shape_cast %get3A_1406 : vector<1x16xf32> to vector<16xf32>
        %add3A_1408 = arith.addf %add3A_1401, %get3A_1407 : vector<16xf32>
        %add3A_1409 = arith.constant 16 : i32
        %add3A_1410 = arith.addi %mul3A_1299, %add3A_1409 : i32
        %get3A_1411 = arith.index_cast %add3A_1410 : i32 to index
        %get3A_1412 = arith.constant 0 : index
        %get3A_1413 = tpu.vector_load %arg11[%get3A_1411, %get3A_1412] {strides = array<i32>} : memref<640x64xf32, #tpu.memory_space<vmem>>, vector<1x16xf32>,
        %get3A_1414 = vector.shape_cast %get3A_1413 : vector<1x16xf32> to vector<16xf32>
        %add3A_1415 = arith.addf %add3A_1408, %get3A_1414 : vector<16xf32>
        %add3A_1416 = arith.constant 17 : i32
        %add3A_1417 = arith.addi %mul3A_1299, %add3A_1416 : i32
        %get3A_1418 = arith.index_cast %add3A_1417 : i32 to index
        %get3A_1419 = arith.constant 0 : index
        %get3A_1420 = tpu.vector_load %arg11[%get3A_1418, %get3A_1419] {strides = array<i32>} : memref<640x64xf32, #tpu.memory_space<vmem>>, vector<1x16xf32>,
        %get3A_1421 = vector.shape_cast %get3A_1420 : vector<1x16xf32> to vector<16xf32>
        %add3A_1422 = arith.addf %add3A_1415, %get3A_1421 : vector<16xf32>
        %add3A_1423 = arith.constant 18 : i32
        %add3A_1424 = arith.addi %mul3A_1299, %add3A_1423 : i32
        %get3A_1425 = arith.index_cast %add3A_1424 : i32 to index
        %get3A_1426 = arith.constant 0 : index
        %get3A_1427 = tpu.vector_load %arg11[%get3A_1425, %get3A_1426] {strides = array<i32>} : memref<640x64xf32, #tpu.memory_space<vmem>>, vector<1x16xf32>,
        %get3A_1428 = vector.shape_cast %get3A_1427 : vector<1x16xf32> to vector<16xf32>
        %add3A_1429 = arith.addf %add3A_1422, %get3A_1428 : vector<16xf32>
        %add3A_1430 = arith.constant 19 : i32
        %add3A_1431 = arith.addi %mul3A_1299, %add3A_1430 : i32
        %get3A_1432 = arith.index_cast %add3A_1431 : i32 to index
        %get3A_1433 = arith.constant 0 : index
        %get3A_1434 = tpu.vector_load %arg11[%get3A_1432, %get3A_1433] {strides = array<i32>} : memref<640x64xf32, #tpu.memory_space<vmem>>, vector<1x16xf32>,
        %get3A_1435 = vector.shape_cast %get3A_1434 : vector<1x16xf32> to vector<16xf32>
        %add3A_1436 = arith.addf %add3A_1429, %get3A_1435 : vector<16xf32>
        %swap3A_1437 = arith.index_cast %scan3A_1297 : i32 to index
        %swap3A_1438 = arith.constant 0 : index
        %swap3A_1439 = tpu.vector_load %arg13[%swap3A_1437, %swap3A_1438] {strides = array<i32>} : memref<32x64xf32, #tpu.memory_space<vmem>>, vector<1x16xf32>,
        %swap3A_1440 = vector.shape_cast %swap3A_1439 : vector<1x16xf32> to vector<16xf32>
        %swap3A_1441 = vector.shape_cast %add3A_1436 : vector<16xf32> to vector<1x16xf32>
        tpu.vector_store %arg13[%swap3A_1437, %swap3A_1438], %swap3A_1441 {strides = array<i32>} : memref<32x64xf32, #tpu.memory_space<vmem>>, vector<1x16xf32>,
        %get3A_1442 = arith.index_cast %mul3A_1299 : i32 to index
        %get3A_1443 = arith.constant 16 : index
        %get3A_1444 = tpu.vector_load %arg11[%get3A_1442, %get3A_1443] {strides = array<i32>} : memref<640x64xf32, #tpu.memory_space<vmem>>, vector<1x16xf32>,
        %get3A_1445 = vector.shape_cast %get3A_1444 : vector<1x16xf32> to vector<16xf32>
        %add3A_1446 = arith.constant 1 : i32
        %add3A_1447 = arith.addi %mul3A_1299, %add3A_1446 : i32
        %get3A_1448 = arith.index_cast %add3A_1447 : i32 to index
        %get3A_1449 = arith.constant 16 : index
        %get3A_1450 = tpu.vector_load %arg11[%get3A_1448, %get3A_1449] {strides = array<i32>} : memref<640x64xf32, #tpu.memory_space<vmem>>, vector<1x16xf32>,
        %get3A_1451 = vector.shape_cast %get3A_1450 : vector<1x16xf32> to vector<16xf32>
        %add3A_1452 = arith.addf %get3A_1445, %get3A_1451 : vector<16xf32>
        %add3A_1453 = arith.constant 2 : i32
        %add3A_1454 = arith.addi %mul3A_1299, %add3A_1453 : i32
        %get3A_1455 = arith.index_cast %add3A_1454 : i32 to index
        %get3A_1456 = arith.constant 16 : index
        %get3A_1457 = tpu.vector_load %arg11[%get3A_1455, %get3A_1456] {strides = array<i32>} : memref<640x64xf32, #tpu.memory_space<vmem>>, vector<1x16xf32>,
        %get3A_1458 = vector.shape_cast %get3A_1457 : vector<1x16xf32> to vector<16xf32>
        %add3A_1459 = arith.addf %add3A_1452, %get3A_1458 : vector<16xf32>
        %add3A_1460 = arith.constant 3 : i32
        %add3A_1461 = arith.addi %mul3A_1299, %add3A_1460 : i32
        %get3A_1462 = arith.index_cast %add3A_1461 : i32 to index
        %get3A_1463 = arith.constant 16 : index
        %get3A_1464 = tpu.vector_load %arg11[%get3A_1462, %get3A_1463] {strides = array<i32>} : memref<640x64xf32, #tpu.memory_space<vmem>>, vector<1x16xf32>,
        %get3A_1465 = vector.shape_cast %get3A_1464 : vector<1x16xf32> to vector<16xf32>
        %add3A_1466 = arith.addf %add3A_1459, %get3A_1465 : vector<16xf32>
        %add3A_1467 = arith.constant 4 : i32
        %add3A_1468 = arith.addi %mul3A_1299, %add3A_1467 : i32
        %get3A_1469 = arith.index_cast %add3A_1468 : i32 to index
        %get3A_1470 = arith.constant 16 : index
        %get3A_1471 = tpu.vector_load %arg11[%get3A_1469, %get3A_1470] {strides = array<i32>} : memref<640x64xf32, #tpu.memory_space<vmem>>, vector<1x16xf32>,
        %get3A_1472 = vector.shape_cast %get3A_1471 : vector<1x16xf32> to vector<16xf32>
        %add3A_1473 = arith.addf %add3A_1466, %get3A_1472 : vector<16xf32>
        %add3A_1474 = arith.constant 5 : i32
        %add3A_1475 = arith.addi %mul3A_1299, %add3A_1474 : i32
        %get3A_1476 = arith.index_cast %add3A_1475 : i32 to index
        %get3A_1477 = arith.constant 16 : index
        %get3A_1478 = tpu.vector_load %arg11[%get3A_1476, %get3A_1477] {strides = array<i32>} : memref<640x64xf32, #tpu.memory_space<vmem>>, vector<1x16xf32>,
        %get3A_1479 = vector.shape_cast %get3A_1478 : vector<1x16xf32> to vector<16xf32>
        %add3A_1480 = arith.addf %add3A_1473, %get3A_1479 : vector<16xf32>
        %add3A_1481 = arith.constant 6 : i32
        %add3A_1482 = arith.addi %mul3A_1299, %add3A_1481 : i32
        %get3A_1483 = arith.index_cast %add3A_1482 : i32 to index
        %get3A_1484 = arith.constant 16 : index
        %get3A_1485 = tpu.vector_load %arg11[%get3A_1483, %get3A_1484] {strides = array<i32>} : memref<640x64xf32, #tpu.memory_space<vmem>>, vector<1x16xf32>,
        %get3A_1486 = vector.shape_cast %get3A_1485 : vector<1x16xf32> to vector<16xf32>
        %add3A_1487 = arith.addf %add3A_1480, %get3A_1486 : vector<16xf32>
        %add3A_1488 = arith.constant 7 : i32
        %add3A_1489 = arith.addi %mul3A_1299, %add3A_1488 : i32
        %get3A_1490 = arith.index_cast %add3A_1489 : i32 to index
        %get3A_1491 = arith.constant 16 : index
        %get3A_1492 = tpu.vector_load %arg11[%get3A_1490, %get3A_1491] {strides = array<i32>} : memref<640x64xf32, #tpu.memory_space<vmem>>, vector<1x16xf32>,
        %get3A_1493 = vector.shape_cast %get3A_1492 : vector<1x16xf32> to vector<16xf32>
        %add3A_1494 = arith.addf %add3A_1487, %get3A_1493 : vector<16xf32>
        %add3A_1495 = arith.constant 8 : i32
        %add3A_1496 = arith.addi %mul3A_1299, %add3A_1495 : i32
        %get3A_1497 = arith.index_cast %add3A_1496 : i32 to index
        %get3A_1498 = arith.constant 16 : index
        %get3A_1499 = tpu.vector_load %arg11[%get3A_1497, %get3A_1498] {strides = array<i32>} : memref<640x64xf32, #tpu.memory_space<vmem>>, vector<1x16xf32>,
        %get3A_1500 = vector.shape_cast %get3A_1499 : vector<1x16xf32> to vector<16xf32>
        %add3A_1501 = arith.addf %add3A_1494, %get3A_1500 : vector<16xf32>
        %add3A_1502 = arith.constant 9 : i32
        %add3A_1503 = arith.addi %mul3A_1299, %add3A_1502 : i32
        %get3A_1504 = arith.index_cast %add3A_1503 : i32 to index
        %get3A_1505 = arith.constant 16 : index
        %get3A_1506 = tpu.vector_load %arg11[%get3A_1504, %get3A_1505] {strides = array<i32>} : memref<640x64xf32, #tpu.memory_space<vmem>>, vector<1x16xf32>,
        %get3A_1507 = vector.shape_cast %get3A_1506 : vector<1x16xf32> to vector<16xf32>
        %add3A_1508 = arith.addf %add3A_1501, %get3A_1507 : vector<16xf32>
        %add3A_1509 = arith.constant 10 : i32
        %add3A_1510 = arith.addi %mul3A_1299, %add3A_1509 : i32
        %get3A_1511 = arith.index_cast %add3A_1510 : i32 to index
        %get3A_1512 = arith.constant 16 : index
        %get3A_1513 = tpu.vector_load %arg11[%get3A_1511, %get3A_1512] {strides = array<i32>} : memref<640x64xf32, #tpu.memory_space<vmem>>, vector<1x16xf32>,
        %get3A_1514 = vector.shape_cast %get3A_1513 : vector<1x16xf32> to vector<16xf32>
        %add3A_1515 = arith.addf %add3A_1508, %get3A_1514 : vector<16xf32>
        %add3A_1516 = arith.constant 11 : i32
        %add3A_1517 = arith.addi %mul3A_1299, %add3A_1516 : i32
        %get3A_1518 = arith.index_cast %add3A_1517 : i32 to index
        %get3A_1519 = arith.constant 16 : index
        %get3A_1520 = tpu.vector_load %arg11[%get3A_1518, %get3A_1519] {strides = array<i32>} : memref<640x64xf32, #tpu.memory_space<vmem>>, vector<1x16xf32>,
        %get3A_1521 = vector.shape_cast %get3A_1520 : vector<1x16xf32> to vector<16xf32>
        %add3A_1522 = arith.addf %add3A_1515, %get3A_1521 : vector<16xf32>
        %add3A_1523 = arith.constant 12 : i32
        %add3A_1524 = arith.addi %mul3A_1299, %add3A_1523 : i32
        %get3A_1525 = arith.index_cast %add3A_1524 : i32 to index
        %get3A_1526 = arith.constant 16 : index
        %get3A_1527 = tpu.vector_load %arg11[%get3A_1525, %get3A_1526] {strides = array<i32>} : memref<640x64xf32, #tpu.memory_space<vmem>>, vector<1x16xf32>,
        %get3A_1528 = vector.shape_cast %get3A_1527 : vector<1x16xf32> to vector<16xf32>
        %add3A_1529 = arith.addf %add3A_1522, %get3A_1528 : vector<16xf32>
        %add3A_1530 = arith.constant 13 : i32
        %add3A_1531 = arith.addi %mul3A_1299, %add3A_1530 : i32
        %get3A_1532 = arith.index_cast %add3A_1531 : i32 to index
        %get3A_1533 = arith.constant 16 : index
        %get3A_1534 = tpu.vector_load %arg11[%get3A_1532, %get3A_1533] {strides = array<i32>} : memref<640x64xf32, #tpu.memory_space<vmem>>, vector<1x16xf32>,
        %get3A_1535 = vector.shape_cast %get3A_1534 : vector<1x16xf32> to vector<16xf32>
        %add3A_1536 = arith.addf %add3A_1529, %get3A_1535 : vector<16xf32>
        %add3A_1537 = arith.constant 14 : i32
        %add3A_1538 = arith.addi %mul3A_1299, %add3A_1537 : i32
        %get3A_1539 = arith.index_cast %add3A_1538 : i32 to index
        %get3A_1540 = arith.constant 16 : index
        %get3A_1541 = tpu.vector_load %arg11[%get3A_1539, %get3A_1540] {strides = array<i32>} : memref<640x64xf32, #tpu.memory_space<vmem>>, vector<1x16xf32>,
        %get3A_1542 = vector.shape_cast %get3A_1541 : vector<1x16xf32> to vector<16xf32>
        %add3A_1543 = arith.addf %add3A_1536, %get3A_1542 : vector<16xf32>
        %add3A_1544 = arith.constant 15 : i32
        %add3A_1545 = arith.addi %mul3A_1299, %add3A_1544 : i32
        %get3A_1546 = arith.index_cast %add3A_1545 : i32 to index
        %get3A_1547 = arith.constant 16 : index
        %get3A_1548 = tpu.vector_load %arg11[%get3A_1546, %get3A_1547] {strides = array<i32>} : memref<640x64xf32, #tpu.memory_space<vmem>>, vector<1x16xf32>,
        %get3A_1549 = vector.shape_cast %get3A_1548 : vector<1x16xf32> to vector<16xf32>
        %add3A_1550 = arith.addf %add3A_1543, %get3A_1549 : vector<16xf32>
        %add3A_1551 = arith.constant 16 : i32
        %add3A_1552 = arith.addi %mul3A_1299, %add3A_1551 : i32
        %get3A_1553 = arith.index_cast %add3A_1552 : i32 to index
        %get3A_1554 = arith.constant 16 : index
        %get3A_1555 = tpu.vector_load %arg11[%get3A_1553, %get3A_1554] {strides = array<i32>} : memref<640x64xf32, #tpu.memory_space<vmem>>, vector<1x16xf32>,
        %get3A_1556 = vector.shape_cast %get3A_1555 : vector<1x16xf32> to vector<16xf32>
        %add3A_1557 = arith.addf %add3A_1550, %get3A_1556 : vector<16xf32>
        %add3A_1558 = arith.constant 17 : i32
        %add3A_1559 = arith.addi %mul3A_1299, %add3A_1558 : i32
        %get3A_1560 = arith.index_cast %add3A_1559 : i32 to index
        %get3A_1561 = arith.constant 16 : index
        %get3A_1562 = tpu.vector_load %arg11[%get3A_1560, %get3A_1561] {strides = array<i32>} : memref<640x64xf32, #tpu.memory_space<vmem>>, vector<1x16xf32>,
        %get3A_1563 = vector.shape_cast %get3A_1562 : vector<1x16xf32> to vector<16xf32>
        %add3A_1564 = arith.addf %add3A_1557, %get3A_1563 : vector<16xf32>
        %add3A_1565 = arith.constant 18 : i32
        %add3A_1566 = arith.addi %mul3A_1299, %add3A_1565 : i32
        %get3A_1567 = arith.index_cast %add3A_1566 : i32 to index
        %get3A_1568 = arith.constant 16 : index
        %get3A_1569 = tpu.vector_load %arg11[%get3A_1567, %get3A_1568] {strides = array<i32>} : memref<640x64xf32, #tpu.memory_space<vmem>>, vector<1x16xf32>,
        %get3A_1570 = vector.shape_cast %get3A_1569 : vector<1x16xf32> to vector<16xf32>
        %add3A_1571 = arith.addf %add3A_1564, %get3A_1570 : vector<16xf32>
        %add3A_1572 = arith.constant 19 : i32
        %add3A_1573 = arith.addi %mul3A_1299, %add3A_1572 : i32
        %get3A_1574 = arith.index_cast %add3A_1573 : i32 to index
        %get3A_1575 = arith.constant 16 : index
        %get3A_1576 = tpu.vector_load %arg11[%get3A_1574, %get3A_1575] {strides = array<i32>} : memref<640x64xf32, #tpu.memory_space<vmem>>, vector<1x16xf32>,
        %get3A_1577 = vector.shape_cast %get3A_1576 : vector<1x16xf32> to vector<16xf32>
        %add3A_1578 = arith.addf %add3A_1571, %get3A_1577 : vector<16xf32>
        %swap3A_1579 = arith.index_cast %scan3A_1297 : i32 to index
        %swap3A_1580 = arith.constant 16 : index
        %swap3A_1581 = tpu.vector_load %arg13[%swap3A_1579, %swap3A_1580] {strides = array<i32>} : memref<32x64xf32, #tpu.memory_space<vmem>>, vector<1x16xf32>,
        %swap3A_1582 = vector.shape_cast %swap3A_1581 : vector<1x16xf32> to vector<16xf32>
        %swap3A_1583 = vector.shape_cast %add3A_1578 : vector<16xf32> to vector<1x16xf32>
        tpu.vector_store %arg13[%swap3A_1579, %swap3A_1580], %swap3A_1583 {strides = array<i32>} : memref<32x64xf32, #tpu.memory_space<vmem>>, vector<1x16xf32>,
        %get3A_1584 = arith.index_cast %mul3A_1299 : i32 to index
        %get3A_1585 = arith.constant 32 : index
        %get3A_1586 = tpu.vector_load %arg11[%get3A_1584, %get3A_1585] {strides = array<i32>} : memref<640x64xf32, #tpu.memory_space<vmem>>, vector<1x16xf32>,
        %get3A_1587 = vector.shape_cast %get3A_1586 : vector<1x16xf32> to vector<16xf32>
        %add3A_1588 = arith.constant 1 : i32
        %add3A_1589 = arith.addi %mul3A_1299, %add3A_1588 : i32
        %get3A_1590 = arith.index_cast %add3A_1589 : i32 to index
        %get3A_1591 = arith.constant 32 : index
        %get3A_1592 = tpu.vector_load %arg11[%get3A_1590, %get3A_1591] {strides = array<i32>} : memref<640x64xf32, #tpu.memory_space<vmem>>, vector<1x16xf32>,
        %get3A_1593 = vector.shape_cast %get3A_1592 : vector<1x16xf32> to vector<16xf32>
        %add3A_1594 = arith.addf %get3A_1587, %get3A_1593 : vector<16xf32>
        %add3A_1595 = arith.constant 2 : i32
        %add3A_1596 = arith.addi %mul3A_1299, %add3A_1595 : i32
        %get3A_1597 = arith.index_cast %add3A_1596 : i32 to index
        %get3A_1598 = arith.constant 32 : index
        %get3A_1599 = tpu.vector_load %arg11[%get3A_1597, %get3A_1598] {strides = array<i32>} : memref<640x64xf32, #tpu.memory_space<vmem>>, vector<1x16xf32>,
        %get3A_1600 = vector.shape_cast %get3A_1599 : vector<1x16xf32> to vector<16xf32>
        %add3A_1601 = arith.addf %add3A_1594, %get3A_1600 : vector<16xf32>
        %add3A_1602 = arith.constant 3 : i32
        %add3A_1603 = arith.addi %mul3A_1299, %add3A_1602 : i32
        %get3A_1604 = arith.index_cast %add3A_1603 : i32 to index
        %get3A_1605 = arith.constant 32 : index
        %get3A_1606 = tpu.vector_load %arg11[%get3A_1604, %get3A_1605] {strides = array<i32>} : memref<640x64xf32, #tpu.memory_space<vmem>>, vector<1x16xf32>,
        %get3A_1607 = vector.shape_cast %get3A_1606 : vector<1x16xf32> to vector<16xf32>
        %add3A_1608 = arith.addf %add3A_1601, %get3A_1607 : vector<16xf32>
        %add3A_1609 = arith.constant 4 : i32
        %add3A_1610 = arith.addi %mul3A_1299, %add3A_1609 : i32
        %get3A_1611 = arith.index_cast %add3A_1610 : i32 to index
        %get3A_1612 = arith.constant 32 : index
        %get3A_1613 = tpu.vector_load %arg11[%get3A_1611, %get3A_1612] {strides = array<i32>} : memref<640x64xf32, #tpu.memory_space<vmem>>, vector<1x16xf32>,
        %get3A_1614 = vector.shape_cast %get3A_1613 : vector<1x16xf32> to vector<16xf32>
        %add3A_1615 = arith.addf %add3A_1608, %get3A_1614 : vector<16xf32>
        %add3A_1616 = arith.constant 5 : i32
        %add3A_1617 = arith.addi %mul3A_1299, %add3A_1616 : i32
        %get3A_1618 = arith.index_cast %add3A_1617 : i32 to index
        %get3A_1619 = arith.constant 32 : index
        %get3A_1620 = tpu.vector_load %arg11[%get3A_1618, %get3A_1619] {strides = array<i32>} : memref<640x64xf32, #tpu.memory_space<vmem>>, vector<1x16xf32>,
        %get3A_1621 = vector.shape_cast %get3A_1620 : vector<1x16xf32> to vector<16xf32>
        %add3A_1622 = arith.addf %add3A_1615, %get3A_1621 : vector<16xf32>
        %add3A_1623 = arith.constant 6 : i32
        %add3A_1624 = arith.addi %mul3A_1299, %add3A_1623 : i32
        %get3A_1625 = arith.index_cast %add3A_1624 : i32 to index
        %get3A_1626 = arith.constant 32 : index
        %get3A_1627 = tpu.vector_load %arg11[%get3A_1625, %get3A_1626] {strides = array<i32>} : memref<640x64xf32, #tpu.memory_space<vmem>>, vector<1x16xf32>,
        %get3A_1628 = vector.shape_cast %get3A_1627 : vector<1x16xf32> to vector<16xf32>
        %add3A_1629 = arith.addf %add3A_1622, %get3A_1628 : vector<16xf32>
        %add3A_1630 = arith.constant 7 : i32
        %add3A_1631 = arith.addi %mul3A_1299, %add3A_1630 : i32
        %get3A_1632 = arith.index_cast %add3A_1631 : i32 to index
        %get3A_1633 = arith.constant 32 : index
        %get3A_1634 = tpu.vector_load %arg11[%get3A_1632, %get3A_1633] {strides = array<i32>} : memref<640x64xf32, #tpu.memory_space<vmem>>, vector<1x16xf32>,
        %get3A_1635 = vector.shape_cast %get3A_1634 : vector<1x16xf32> to vector<16xf32>
        %add3A_1636 = arith.addf %add3A_1629, %get3A_1635 : vector<16xf32>
        %add3A_1637 = arith.constant 8 : i32
        %add3A_1638 = arith.addi %mul3A_1299, %add3A_1637 : i32
        %get3A_1639 = arith.index_cast %add3A_1638 : i32 to index
        %get3A_1640 = arith.constant 32 : index
        %get3A_1641 = tpu.vector_load %arg11[%get3A_1639, %get3A_1640] {strides = array<i32>} : memref<640x64xf32, #tpu.memory_space<vmem>>, vector<1x16xf32>,
        %get3A_1642 = vector.shape_cast %get3A_1641 : vector<1x16xf32> to vector<16xf32>
        %add3A_1643 = arith.addf %add3A_1636, %get3A_1642 : vector<16xf32>
        %add3A_1644 = arith.constant 9 : i32
        %add3A_1645 = arith.addi %mul3A_1299, %add3A_1644 : i32
        %get3A_1646 = arith.index_cast %add3A_1645 : i32 to index
        %get3A_1647 = arith.constant 32 : index
        %get3A_1648 = tpu.vector_load %arg11[%get3A_1646, %get3A_1647] {strides = array<i32>} : memref<640x64xf32, #tpu.memory_space<vmem>>, vector<1x16xf32>,
        %get3A_1649 = vector.shape_cast %get3A_1648 : vector<1x16xf32> to vector<16xf32>
        %add3A_1650 = arith.addf %add3A_1643, %get3A_1649 : vector<16xf32>
        %add3A_1651 = arith.constant 10 : i32
        %add3A_1652 = arith.addi %mul3A_1299, %add3A_1651 : i32
        %get3A_1653 = arith.index_cast %add3A_1652 : i32 to index
        %get3A_1654 = arith.constant 32 : index
        %get3A_1655 = tpu.vector_load %arg11[%get3A_1653, %get3A_1654] {strides = array<i32>} : memref<640x64xf32, #tpu.memory_space<vmem>>, vector<1x16xf32>,
        %get3A_1656 = vector.shape_cast %get3A_1655 : vector<1x16xf32> to vector<16xf32>
        %add3A_1657 = arith.addf %add3A_1650, %get3A_1656 : vector<16xf32>
        %add3A_1658 = arith.constant 11 : i32
        %add3A_1659 = arith.addi %mul3A_1299, %add3A_1658 : i32
        %get3A_1660 = arith.index_cast %add3A_1659 : i32 to index
        %get3A_1661 = arith.constant 32 : index
        %get3A_1662 = tpu.vector_load %arg11[%get3A_1660, %get3A_1661] {strides = array<i32>} : memref<640x64xf32, #tpu.memory_space<vmem>>, vector<1x16xf32>,
        %get3A_1663 = vector.shape_cast %get3A_1662 : vector<1x16xf32> to vector<16xf32>
        %add3A_1664 = arith.addf %add3A_1657, %get3A_1663 : vector<16xf32>
        %add3A_1665 = arith.constant 12 : i32
        %add3A_1666 = arith.addi %mul3A_1299, %add3A_1665 : i32
        %get3A_1667 = arith.index_cast %add3A_1666 : i32 to index
        %get3A_1668 = arith.constant 32 : index
        %get3A_1669 = tpu.vector_load %arg11[%get3A_1667, %get3A_1668] {strides = array<i32>} : memref<640x64xf32, #tpu.memory_space<vmem>>, vector<1x16xf32>,
        %get3A_1670 = vector.shape_cast %get3A_1669 : vector<1x16xf32> to vector<16xf32>
        %add3A_1671 = arith.addf %add3A_1664, %get3A_1670 : vector<16xf32>
        %add3A_1672 = arith.constant 13 : i32
        %add3A_1673 = arith.addi %mul3A_1299, %add3A_1672 : i32
        %get3A_1674 = arith.index_cast %add3A_1673 : i32 to index
        %get3A_1675 = arith.constant 32 : index
        %get3A_1676 = tpu.vector_load %arg11[%get3A_1674, %get3A_1675] {strides = array<i32>} : memref<640x64xf32, #tpu.memory_space<vmem>>, vector<1x16xf32>,
        %get3A_1677 = vector.shape_cast %get3A_1676 : vector<1x16xf32> to vector<16xf32>
        %add3A_1678 = arith.addf %add3A_1671, %get3A_1677 : vector<16xf32>
        %add3A_1679 = arith.constant 14 : i32
        %add3A_1680 = arith.addi %mul3A_1299, %add3A_1679 : i32
        %get3A_1681 = arith.index_cast %add3A_1680 : i32 to index
        %get3A_1682 = arith.constant 32 : index
        %get3A_1683 = tpu.vector_load %arg11[%get3A_1681, %get3A_1682] {strides = array<i32>} : memref<640x64xf32, #tpu.memory_space<vmem>>, vector<1x16xf32>,
        %get3A_1684 = vector.shape_cast %get3A_1683 : vector<1x16xf32> to vector<16xf32>
        %add3A_1685 = arith.addf %add3A_1678, %get3A_1684 : vector<16xf32>
        %add3A_1686 = arith.constant 15 : i32
        %add3A_1687 = arith.addi %mul3A_1299, %add3A_1686 : i32
        %get3A_1688 = arith.index_cast %add3A_1687 : i32 to index
        %get3A_1689 = arith.constant 32 : index
        %get3A_1690 = tpu.vector_load %arg11[%get3A_1688, %get3A_1689] {strides = array<i32>} : memref<640x64xf32, #tpu.memory_space<vmem>>, vector<1x16xf32>,
        %get3A_1691 = vector.shape_cast %get3A_1690 : vector<1x16xf32> to vector<16xf32>
        %add3A_1692 = arith.addf %add3A_1685, %get3A_1691 : vector<16xf32>
        %add3A_1693 = arith.constant 16 : i32
        %add3A_1694 = arith.addi %mul3A_1299, %add3A_1693 : i32
        %get3A_1695 = arith.index_cast %add3A_1694 : i32 to index
        %get3A_1696 = arith.constant 32 : index
        %get3A_1697 = tpu.vector_load %arg11[%get3A_1695, %get3A_1696] {strides = array<i32>} : memref<640x64xf32, #tpu.memory_space<vmem>>, vector<1x16xf32>,
        %get3A_1698 = vector.shape_cast %get3A_1697 : vector<1x16xf32> to vector<16xf32>
        %add3A_1699 = arith.addf %add3A_1692, %get3A_1698 : vector<16xf32>
        %add3A_1700 = arith.constant 17 : i32
        %add3A_1701 = arith.addi %mul3A_1299, %add3A_1700 : i32
        %get3A_1702 = arith.index_cast %add3A_1701 : i32 to index
        %get3A_1703 = arith.constant 32 : index
        %get3A_1704 = tpu.vector_load %arg11[%get3A_1702, %get3A_1703] {strides = array<i32>} : memref<640x64xf32, #tpu.memory_space<vmem>>, vector<1x16xf32>,
        %get3A_1705 = vector.shape_cast %get3A_1704 : vector<1x16xf32> to vector<16xf32>
        %add3A_1706 = arith.addf %add3A_1699, %get3A_1705 : vector<16xf32>
        %add3A_1707 = arith.constant 18 : i32
        %add3A_1708 = arith.addi %mul3A_1299, %add3A_1707 : i32
        %get3A_1709 = arith.index_cast %add3A_1708 : i32 to index
        %get3A_1710 = arith.constant 32 : index
        %get3A_1711 = tpu.vector_load %arg11[%get3A_1709, %get3A_1710] {strides = array<i32>} : memref<640x64xf32, #tpu.memory_space<vmem>>, vector<1x16xf32>,
        %get3A_1712 = vector.shape_cast %get3A_1711 : vector<1x16xf32> to vector<16xf32>
        %add3A_1713 = arith.addf %add3A_1706, %get3A_1712 : vector<16xf32>
        %add3A_1714 = arith.constant 19 : i32
        %add3A_1715 = arith.addi %mul3A_1299, %add3A_1714 : i32
        %get3A_1716 = arith.index_cast %add3A_1715 : i32 to index
        %get3A_1717 = arith.constant 32 : index
        %get3A_1718 = tpu.vector_load %arg11[%get3A_1716, %get3A_1717] {strides = array<i32>} : memref<640x64xf32, #tpu.memory_space<vmem>>, vector<1x16xf32>,
        %get3A_1719 = vector.shape_cast %get3A_1718 : vector<1x16xf32> to vector<16xf32>
        %add3A_1720 = arith.addf %add3A_1713, %get3A_1719 : vector<16xf32>
        %swap3A_1721 = arith.index_cast %scan3A_1297 : i32 to index
        %swap3A_1722 = arith.constant 32 : index
        %swap3A_1723 = tpu.vector_load %arg13[%swap3A_1721, %swap3A_1722] {strides = array<i32>} : memref<32x64xf32, #tpu.memory_space<vmem>>, vector<1x16xf32>,
        %swap3A_1724 = vector.shape_cast %swap3A_1723 : vector<1x16xf32> to vector<16xf32>
        %swap3A_1725 = vector.shape_cast %add3A_1720 : vector<16xf32> to vector<1x16xf32>
        tpu.vector_store %arg13[%swap3A_1721, %swap3A_1722], %swap3A_1725 {strides = array<i32>} : memref<32x64xf32, #tpu.memory_space<vmem>>, vector<1x16xf32>,
        %get3A_1726 = arith.index_cast %mul3A_1299 : i32 to index
        %get3A_1727 = arith.constant 48 : index
        %get3A_1728 = tpu.vector_load %arg11[%get3A_1726, %get3A_1727] {strides = array<i32>} : memref<640x64xf32, #tpu.memory_space<vmem>>, vector<1x16xf32>,
        %get3A_1729 = vector.shape_cast %get3A_1728 : vector<1x16xf32> to vector<16xf32>
        %add3A_1730 = arith.constant 1 : i32
        %add3A_1731 = arith.addi %mul3A_1299, %add3A_1730 : i32
        %get3A_1732 = arith.index_cast %add3A_1731 : i32 to index
        %get3A_1733 = arith.constant 48 : index
        %get3A_1734 = tpu.vector_load %arg11[%get3A_1732, %get3A_1733] {strides = array<i32>} : memref<640x64xf32, #tpu.memory_space<vmem>>, vector<1x16xf32>,
        %get3A_1735 = vector.shape_cast %get3A_1734 : vector<1x16xf32> to vector<16xf32>
        %add3A_1736 = arith.addf %get3A_1729, %get3A_1735 : vector<16xf32>
        %add3A_1737 = arith.constant 2 : i32
        %add3A_1738 = arith.addi %mul3A_1299, %add3A_1737 : i32
        %get3A_1739 = arith.index_cast %add3A_1738 : i32 to index
        %get3A_1740 = arith.constant 48 : index
        %get3A_1741 = tpu.vector_load %arg11[%get3A_1739, %get3A_1740] {strides = array<i32>} : memref<640x64xf32, #tpu.memory_space<vmem>>, vector<1x16xf32>,
        %get3A_1742 = vector.shape_cast %get3A_1741 : vector<1x16xf32> to vector<16xf32>
        %add3A_1743 = arith.addf %add3A_1736, %get3A_1742 : vector<16xf32>
        %add3A_1744 = arith.constant 3 : i32
        %add3A_1745 = arith.addi %mul3A_1299, %add3A_1744 : i32
        %get3A_1746 = arith.index_cast %add3A_1745 : i32 to index
        %get3A_1747 = arith.constant 48 : index
        %get3A_1748 = tpu.vector_load %arg11[%get3A_1746, %get3A_1747] {strides = array<i32>} : memref<640x64xf32, #tpu.memory_space<vmem>>, vector<1x16xf32>,
        %get3A_1749 = vector.shape_cast %get3A_1748 : vector<1x16xf32> to vector<16xf32>
        %add3A_1750 = arith.addf %add3A_1743, %get3A_1749 : vector<16xf32>
        %add3A_1751 = arith.constant 4 : i32
        %add3A_1752 = arith.addi %mul3A_1299, %add3A_1751 : i32
        %get3A_1753 = arith.index_cast %add3A_1752 : i32 to index
        %get3A_1754 = arith.constant 48 : index
        %get3A_1755 = tpu.vector_load %arg11[%get3A_1753, %get3A_1754] {strides = array<i32>} : memref<640x64xf32, #tpu.memory_space<vmem>>, vector<1x16xf32>,
        %get3A_1756 = vector.shape_cast %get3A_1755 : vector<1x16xf32> to vector<16xf32>
        %add3A_1757 = arith.addf %add3A_1750, %get3A_1756 : vector<16xf32>
        %add3A_1758 = arith.constant 5 : i32
        %add3A_1759 = arith.addi %mul3A_1299, %add3A_1758 : i32
        %get3A_1760 = arith.index_cast %add3A_1759 : i32 to index
        %get3A_1761 = arith.constant 48 : index
        %get3A_1762 = tpu.vector_load %arg11[%get3A_1760, %get3A_1761] {strides = array<i32>} : memref<640x64xf32, #tpu.memory_space<vmem>>, vector<1x16xf32>,
        %get3A_1763 = vector.shape_cast %get3A_1762 : vector<1x16xf32> to vector<16xf32>
        %add3A_1764 = arith.addf %add3A_1757, %get3A_1763 : vector<16xf32>
        %add3A_1765 = arith.constant 6 : i32
        %add3A_1766 = arith.addi %mul3A_1299, %add3A_1765 : i32
        %get3A_1767 = arith.index_cast %add3A_1766 : i32 to index
        %get3A_1768 = arith.constant 48 : index
        %get3A_1769 = tpu.vector_load %arg11[%get3A_1767, %get3A_1768] {strides = array<i32>} : memref<640x64xf32, #tpu.memory_space<vmem>>, vector<1x16xf32>,
        %get3A_1770 = vector.shape_cast %get3A_1769 : vector<1x16xf32> to vector<16xf32>
        %add3A_1771 = arith.addf %add3A_1764, %get3A_1770 : vector<16xf32>
        %add3A_1772 = arith.constant 7 : i32
        %add3A_1773 = arith.addi %mul3A_1299, %add3A_1772 : i32
        %get3A_1774 = arith.index_cast %add3A_1773 : i32 to index
        %get3A_1775 = arith.constant 48 : index
        %get3A_1776 = tpu.vector_load %arg11[%get3A_1774, %get3A_1775] {strides = array<i32>} : memref<640x64xf32, #tpu.memory_space<vmem>>, vector<1x16xf32>,
        %get3A_1777 = vector.shape_cast %get3A_1776 : vector<1x16xf32> to vector<16xf32>
        %add3A_1778 = arith.addf %add3A_1771, %get3A_1777 : vector<16xf32>
        %add3A_1779 = arith.constant 8 : i32
        %add3A_1780 = arith.addi %mul3A_1299, %add3A_1779 : i32
        %get3A_1781 = arith.index_cast %add3A_1780 : i32 to index
        %get3A_1782 = arith.constant 48 : index
        %get3A_1783 = tpu.vector_load %arg11[%get3A_1781, %get3A_1782] {strides = array<i32>} : memref<640x64xf32, #tpu.memory_space<vmem>>, vector<1x16xf32>,
        %get3A_1784 = vector.shape_cast %get3A_1783 : vector<1x16xf32> to vector<16xf32>
        %add3A_1785 = arith.addf %add3A_1778, %get3A_1784 : vector<16xf32>
        %add3A_1786 = arith.constant 9 : i32
        %add3A_1787 = arith.addi %mul3A_1299, %add3A_1786 : i32
        %get3A_1788 = arith.index_cast %add3A_1787 : i32 to index
        %get3A_1789 = arith.constant 48 : index
        %get3A_1790 = tpu.vector_load %arg11[%get3A_1788, %get3A_1789] {strides = array<i32>} : memref<640x64xf32, #tpu.memory_space<vmem>>, vector<1x16xf32>,
        %get3A_1791 = vector.shape_cast %get3A_1790 : vector<1x16xf32> to vector<16xf32>
        %add3A_1792 = arith.addf %add3A_1785, %get3A_1791 : vector<16xf32>
        %add3A_1793 = arith.constant 10 : i32
        %add3A_1794 = arith.addi %mul3A_1299, %add3A_1793 : i32
        %get3A_1795 = arith.index_cast %add3A_1794 : i32 to index
        %get3A_1796 = arith.constant 48 : index
        %get3A_1797 = tpu.vector_load %arg11[%get3A_1795, %get3A_1796] {strides = array<i32>} : memref<640x64xf32, #tpu.memory_space<vmem>>, vector<1x16xf32>,
        %get3A_1798 = vector.shape_cast %get3A_1797 : vector<1x16xf32> to vector<16xf32>
        %add3A_1799 = arith.addf %add3A_1792, %get3A_1798 : vector<16xf32>
        %add3A_1800 = arith.constant 11 : i32
        %add3A_1801 = arith.addi %mul3A_1299, %add3A_1800 : i32
        %get3A_1802 = arith.index_cast %add3A_1801 : i32 to index
        %get3A_1803 = arith.constant 48 : index
        %get3A_1804 = tpu.vector_load %arg11[%get3A_1802, %get3A_1803] {strides = array<i32>} : memref<640x64xf32, #tpu.memory_space<vmem>>, vector<1x16xf32>,
        %get3A_1805 = vector.shape_cast %get3A_1804 : vector<1x16xf32> to vector<16xf32>
        %add3A_1806 = arith.addf %add3A_1799, %get3A_1805 : vector<16xf32>
        %add3A_1807 = arith.constant 12 : i32
        %add3A_1808 = arith.addi %mul3A_1299, %add3A_1807 : i32
        %get3A_1809 = arith.index_cast %add3A_1808 : i32 to index
        %get3A_1810 = arith.constant 48 : index
        %get3A_1811 = tpu.vector_load %arg11[%get3A_1809, %get3A_1810] {strides = array<i32>} : memref<640x64xf32, #tpu.memory_space<vmem>>, vector<1x16xf32>,
        %get3A_1812 = vector.shape_cast %get3A_1811 : vector<1x16xf32> to vector<16xf32>
        %add3A_1813 = arith.addf %add3A_1806, %get3A_1812 : vector<16xf32>
        %add3A_1814 = arith.constant 13 : i32
        %add3A_1815 = arith.addi %mul3A_1299, %add3A_1814 : i32
        %get3A_1816 = arith.index_cast %add3A_1815 : i32 to index
        %get3A_1817 = arith.constant 48 : index
        %get3A_1818 = tpu.vector_load %arg11[%get3A_1816, %get3A_1817] {strides = array<i32>} : memref<640x64xf32, #tpu.memory_space<vmem>>, vector<1x16xf32>,
        %get3A_1819 = vector.shape_cast %get3A_1818 : vector<1x16xf32> to vector<16xf32>
        %add3A_1820 = arith.addf %add3A_1813, %get3A_1819 : vector<16xf32>
        %add3A_1821 = arith.constant 14 : i32
        %add3A_1822 = arith.addi %mul3A_1299, %add3A_1821 : i32
        %get3A_1823 = arith.index_cast %add3A_1822 : i32 to index
        %get3A_1824 = arith.constant 48 : index
        %get3A_1825 = tpu.vector_load %arg11[%get3A_1823, %get3A_1824] {strides = array<i32>} : memref<640x64xf32, #tpu.memory_space<vmem>>, vector<1x16xf32>,
        %get3A_1826 = vector.shape_cast %get3A_1825 : vector<1x16xf32> to vector<16xf32>
        %add3A_1827 = arith.addf %add3A_1820, %get3A_1826 : vector<16xf32>
        %add3A_1828 = arith.constant 15 : i32
        %add3A_1829 = arith.addi %mul3A_1299, %add3A_1828 : i32
        %get3A_1830 = arith.index_cast %add3A_1829 : i32 to index
        %get3A_1831 = arith.constant 48 : index
        %get3A_1832 = tpu.vector_load %arg11[%get3A_1830, %get3A_1831] {strides = array<i32>} : memref<640x64xf32, #tpu.memory_space<vmem>>, vector<1x16xf32>,
        %get3A_1833 = vector.shape_cast %get3A_1832 : vector<1x16xf32> to vector<16xf32>
        %add3A_1834 = arith.addf %add3A_1827, %get3A_1833 : vector<16xf32>
        %add3A_1835 = arith.constant 16 : i32
        %add3A_1836 = arith.addi %mul3A_1299, %add3A_1835 : i32
        %get3A_1837 = arith.index_cast %add3A_1836 : i32 to index
        %get3A_1838 = arith.constant 48 : index
        %get3A_1839 = tpu.vector_load %arg11[%get3A_1837, %get3A_1838] {strides = array<i32>} : memref<640x64xf32, #tpu.memory_space<vmem>>, vector<1x16xf32>,
        %get3A_1840 = vector.shape_cast %get3A_1839 : vector<1x16xf32> to vector<16xf32>
        %add3A_1841 = arith.addf %add3A_1834, %get3A_1840 : vector<16xf32>
        %add3A_1842 = arith.constant 17 : i32
        %add3A_1843 = arith.addi %mul3A_1299, %add3A_1842 : i32
        %get3A_1844 = arith.index_cast %add3A_1843 : i32 to index
        %get3A_1845 = arith.constant 48 : index
        %get3A_1846 = tpu.vector_load %arg11[%get3A_1844, %get3A_1845] {strides = array<i32>} : memref<640x64xf32, #tpu.memory_space<vmem>>, vector<1x16xf32>,
        %get3A_1847 = vector.shape_cast %get3A_1846 : vector<1x16xf32> to vector<16xf32>
        %add3A_1848 = arith.addf %add3A_1841, %get3A_1847 : vector<16xf32>
        %add3A_1849 = arith.constant 18 : i32
        %add3A_1850 = arith.addi %mul3A_1299, %add3A_1849 : i32
        %get3A_1851 = arith.index_cast %add3A_1850 : i32 to index
        %get3A_1852 = arith.constant 48 : index
        %get3A_1853 = tpu.vector_load %arg11[%get3A_1851, %get3A_1852] {strides = array<i32>} : memref<640x64xf32, #tpu.memory_space<vmem>>, vector<1x16xf32>,
        %get3A_1854 = vector.shape_cast %get3A_1853 : vector<1x16xf32> to vector<16xf32>
        %add3A_1855 = arith.addf %add3A_1848, %get3A_1854 : vector<16xf32>
        %add3A_1856 = arith.constant 19 : i32
        %add3A_1857 = arith.addi %mul3A_1299, %add3A_1856 : i32
        %get3A_1858 = arith.index_cast %add3A_1857 : i32 to index
        %get3A_1859 = arith.constant 48 : index
        %get3A_1860 = tpu.vector_load %arg11[%get3A_1858, %get3A_1859] {strides = array<i32>} : memref<640x64xf32, #tpu.memory_space<vmem>>, vector<1x16xf32>,
        %get3A_1861 = vector.shape_cast %get3A_1860 : vector<1x16xf32> to vector<16xf32>
        %add3A_1862 = arith.addf %add3A_1855, %get3A_1861 : vector<16xf32>
        %swap3A_1863 = arith.index_cast %scan3A_1297 : i32 to index
        %swap3A_1864 = arith.constant 48 : index
        %swap3A_1865 = tpu.vector_load %arg13[%swap3A_1863, %swap3A_1864] {strides = array<i32>} : memref<32x64xf32, #tpu.memory_space<vmem>>, vector<1x16xf32>,
        %swap3A_1866 = vector.shape_cast %swap3A_1865 : vector<1x16xf32> to vector<16xf32>
        %swap3A_1867 = vector.shape_cast %add3A_1862 : vector<16xf32> to vector<1x16xf32>
        tpu.vector_store %arg13[%swap3A_1863, %swap3A_1864], %swap3A_1867 {strides = array<i32>} : memref<32x64xf32, #tpu.memory_space<vmem>>, vector<1x16xf32>,
      }
      %scan3A_1132 = arith.constant 32 : i32
      %mul3A_1133 = arith.constant 32 : i32
      %mul3A_1134 = arith.muli %add3A_1117, %mul3A_1133 : i32
      %add3A_1135 = arith.addi %mul3A_2, %mul3A_1134 : i32
      %jit3A_1136 = arith.constant 4096 : i32
      %div3A_1137 = arith.divsi %add3A_1135, %jit3A_1136 : i32
      %sign3A_1138 = arith.constant 0 : i32
      %sign3A_1139 = arith.cmpi sgt, %add3A_1135, %sign3A_1138 : i32
      %sign3A_1140 = arith.extui %sign3A_1139 : i1 to i32
      %sign3A_1141 = arith.constant 0 : i32
      %sign3A_1142 = arith.cmpi slt, %add3A_1135, %sign3A_1141 : i32
      %sign3A_1143 = arith.extui %sign3A_1142 : i1 to i32
      %sign3A_1144 = arith.subi %sign3A_1140, %sign3A_1143 : i32
      %sign3A_1145 = arith.constant 0 : i32
      %sign3A_1146 = arith.cmpi sgt, %jit3A_1136, %sign3A_1145 : i32
      %sign3A_1147 = arith.extui %sign3A_1146 : i1 to i32
      %sign3A_1148 = arith.constant 0 : i32
      %sign3A_1149 = arith.cmpi slt, %jit3A_1136, %sign3A_1148 : i32
      %sign3A_1150 = arith.extui %sign3A_1149 : i1 to i32
      %sign3A_1151 = arith.subi %sign3A_1147, %sign3A_1150 : i32
      %ne3A_1152 = arith.cmpi ne, %sign3A_1144, %sign3A_1151 : i32
      %rem3A_1153 = arith.remsi %add3A_1135, %jit3A_1136 : i32
      %ne3A_1154 = arith.constant 0 : i32
      %ne3A_1155 = arith.cmpi ne, %rem3A_1153, %ne3A_1154 : i32
      %and3A_1156 = arith.andi %ne3A_1152, %ne3A_1155 : i1
      %sub3A_1157 = arith.constant 1 : i32
      %sub3A_1158 = arith.subi %div3A_1137, %sub3A_1157 : i32
      %select_n3A_1159 = arith.select %and3A_1156, %sub3A_1158, %div3A_1137 : i32
      %mul3A_1160 = arith.constant 4096 : i32
      %mul3A_1161 = arith.muli %select_n3A_1159, %mul3A_1160 : i32
      %sub3A_1162 = arith.subi %add3A_1135, %mul3A_1161 : i32
      %iota3A_1163 = tpu.iota {dimensions = array<i32: 0>} : vector<16xi32>
      %add3A_1164 = arith.constant 0 : i32
      %add3A_1165 = arith.addi %sub3A_1162, %add3A_1164 : i32
      %add3A_1166 = vector.broadcast %add3A_1165 : i32 to vector<16xi32>
      %add3A_1167 = arith.addi %add3A_1166, %iota3A_1163 : vector<16xi32>
      %mul3A_1168 = arith.constant 26 : i32
      %mul3A_1169 = vector.broadcast %mul3A_1168 : i32 to vector<16xi32>
      %mul3A_1170 = arith.muli %add3A_1167, %mul3A_1169 : vector<16xi32>
      %add3A_1171 = vector.broadcast %select_n3A_1159 : i32 to vector<16xi32>
      %add3A_1172 = arith.addi %mul3A_1170, %add3A_1171 : vector<16xi32>
      %swap3A_1173 = arith.constant 0 : index
      %swap3A_1174 = tpu.vector_load %arg15[%swap3A_1173] {strides = array<i32>} : memref<32xi32, #tpu.memory_space<vmem>>, vector<16xi32>,
      %swap3A_1175 = vector.shape_cast %swap3A_1174 : vector<16xi32> to vector<16xi32>
      %swap3A_1176 = vector.shape_cast %add3A_1172 : vector<16xi32> to vector<16xi32>
      tpu.vector_store %arg15[%swap3A_1173], %swap3A_1176 {strides = array<i32>} : memref<32xi32, #tpu.memory_space<vmem>>, vector<16xi32>,
      %add3A_1177 = arith.constant 16 : i32
      %add3A_1178 = arith.addi %sub3A_1162, %add3A_1177 : i32
      %add3A_1179 = vector.broadcast %add3A_1178 : i32 to vector<16xi32>
      %add3A_1180 = arith.addi %add3A_1179, %iota3A_1163 : vector<16xi32>
      %mul3A_1181 = arith.constant 26 : i32
      %mul3A_1182 = vector.broadcast %mul3A_1181 : i32 to vector<16xi32>
      %mul3A_1183 = arith.muli %add3A_1180, %mul3A_1182 : vector<16xi32>
      %add3A_1184 = vector.broadcast %select_n3A_1159 : i32 to vector<16xi32>
      %add3A_1185 = arith.addi %mul3A_1183, %add3A_1184 : vector<16xi32>
      %swap3A_1186 = arith.constant 16 : index
      %swap3A_1187 = tpu.vector_load %arg15[%swap3A_1186] {strides = array<i32>} : memref<32xi32, #tpu.memory_space<vmem>>, vector<16xi32>,
      %swap3A_1188 = vector.shape_cast %swap3A_1187 : vector<16xi32> to vector<16xi32>
      %swap3A_1189 = vector.shape_cast %add3A_1185 : vector<16xi32> to vector<16xi32>
      tpu.vector_store %arg15[%swap3A_1186], %swap3A_1189 {strides = array<i32>} : memref<32xi32, #tpu.memory_space<vmem>>, vector<16xi32>,
      %dma_start3A_1190 = arith.constant 0 : i32
      %dma_start3A_1191 = arith.constant 0 : i32
      %dma_start3A_1192 = tpu.memref_slice %arg5[%dma_start3A_1190, %dma_start3A_1191] : memref<106496x64xf32, #tpu.memory_space<hbm>> -> memref<106496x64xf32, #tpu.memory_space<hbm>>
      tpu.enqueue_indirect_dma source(%arg13 : memref<32x64xf32, #tpu.memory_space<vmem>>) target(%dma_start3A_1192 : memref<106496x64xf32, #tpu.memory_space<hbm>>) offsets(%arg15 : memref<32xi32, #tpu.memory_space<vmem>>) semaphore(%arg21 : memref<!tpu.dma_semaphore, #tpu.memory_space<semaphore_mem>>)
      %add3A_1193 = arith.constant 2 : i32
      %add3A_1194 = arith.addi %add3A_1117, %add3A_1193 : i32
      %lt3A = arith.constant 104 : i32
      %lt3A_1195 = arith.cmpi slt, %add3A_1194, %lt3A : i32
      %convert_element_type3A = arith.extui %lt3A_1195 : i1 to i32
      %cond3A = arith.constant 0 : i32
      %cond3A_1196 = arith.cmpi ne, %convert_element_type3A, %cond3A : i32
      scf.if %cond3A_1196 {
        %add3A_1297 = arith.constant 2 : i32
        %add3A_1298 = arith.addi %add3A_1117, %add3A_1297 : i32
        %mul3A_1299 = arith.constant 32 : i32
        %mul3A_1300 = arith.muli %add3A_1298, %mul3A_1299 : i32
        %add3A_1301 = arith.addi %mul3A_2, %mul3A_1300 : i32
        %jit3A_1302 = arith.constant 4096 : i32
        %div3A_1303 = arith.divsi %add3A_1301, %jit3A_1302 : i32
        %sign3A_1304 = arith.constant 0 : i32
        %sign3A_1305 = arith.cmpi sgt, %add3A_1301, %sign3A_1304 : i32
        %sign3A_1306 = arith.extui %sign3A_1305 : i1 to i32
        %sign3A_1307 = arith.constant 0 : i32
        %sign3A_1308 = arith.cmpi slt, %add3A_1301, %sign3A_1307 : i32
        %sign3A_1309 = arith.extui %sign3A_1308 : i1 to i32
        %sign3A_1310 = arith.subi %sign3A_1306, %sign3A_1309 : i32
        %sign3A_1311 = arith.constant 0 : i32
        %sign3A_1312 = arith.cmpi sgt, %jit3A_1302, %sign3A_1311 : i32
        %sign3A_1313 = arith.extui %sign3A_1312 : i1 to i32
        %sign3A_1314 = arith.constant 0 : i32
        %sign3A_1315 = arith.cmpi slt, %jit3A_1302, %sign3A_1314 : i32
        %sign3A_1316 = arith.extui %sign3A_1315 : i1 to i32
        %sign3A_1317 = arith.subi %sign3A_1313, %sign3A_1316 : i32
        %ne3A_1318 = arith.cmpi ne, %sign3A_1310, %sign3A_1317 : i32
        %rem3A_1319 = arith.remsi %add3A_1301, %jit3A_1302 : i32
        %ne3A_1320 = arith.constant 0 : i32
        %ne3A_1321 = arith.cmpi ne, %rem3A_1319, %ne3A_1320 : i32
        %and3A_1322 = arith.andi %ne3A_1318, %ne3A_1321 : i1
        %sub3A_1323 = arith.constant 1 : i32
        %sub3A_1324 = arith.subi %div3A_1303, %sub3A_1323 : i32
        %select_n3A_1325 = arith.select %and3A_1322, %sub3A_1324, %div3A_1303 : i32
        %mul3A_1326 = arith.constant 16 : i32
        %mul3A_1327 = arith.muli %select_n3A_1325, %mul3A_1326 : i32
        %get3A_1328 = arith.index_cast %mul3A_1327 : i32 to index
        %get3A_1329 = tpu.vector_load %arg6[%get3A_1328] {strides = array<i32>} : memref<416xi32, #tpu.memory_space<vmem>>, vector<16xi32>,
        %get3A_1330 = vector.shape_cast %get3A_1329 : vector<16xi32> to vector<16xi32>
        %dma_wait3A_1331 = arith.constant 0 : i32
        %dma_wait3A_1332 = tpu.memref_slice %arg4[%dma_wait3A_1331] : memref<2129920xi32, #tpu.memory_space<hbm>> -> memref<640xi32, #tpu.memory_space<hbm>>
        %dma_wait3A_1333 = arith.constant 0 : i32
        %dma_wait3A_1334 = tpu.memref_slice %arg4[%dma_wait3A_1333] : memref<2129920xi32, #tpu.memory_space<hbm>> -> memref<640xi32, #tpu.memory_space<hbm>>
        tpu.wait_dma2 semaphore(%arg17 : memref<!tpu.dma_semaphore, #tpu.memory_space<semaphore_mem>>) src(%dma_wait3A_1334 : memref<640xi32, #tpu.memory_space<hbm>>) dst(%arg7 : memref<640xi32, #tpu.memory_space<vmem>>)
        %get3A_1335 = arith.constant 0 : index
        %get3A_1336 = tpu.vector_load %arg7[%get3A_1335] {strides = array<i32>} : memref<640xi32, #tpu.memory_space<vmem>>, vector<16xi32>,
        %get3A_1337 = vector.shape_cast %get3A_1336 : vector<16xi32> to vector<16xi32>
        %add3A_1338 = arith.addi %get3A_1337, %get3A_1330 : vector<16xi32>
        %swap3A_1339 = arith.constant 0 : i32
        %swap3A_1340 = arith.index_cast %swap3A_1339 : i32 to index
        %swap3A_1341 = arith.constant 0 : index
        %swap3A_1342 = tpu.vector_load %arg9[%swap3A_1340, %swap3A_1341] {strides = array<i32>} : memref<5x128xi32, #tpu.memory_space<vmem>>, vector<1x16xi32>,
        %swap3A_1343 = vector.shape_cast %swap3A_1342 : vector<1x16xi32> to vector<16xi32>
        %swap3A_1344 = vector.shape_cast %add3A_1338 : vector<16xi32> to vector<1x16xi32>
        tpu.vector_store %arg9[%swap3A_1340, %swap3A_1341], %swap3A_1344 {strides = array<i32>} : memref<5x128xi32, #tpu.memory_space<vmem>>, vector<1x16xi32>,
        %get3A_1345 = arith.constant 16 : index
        %get3A_1346 = tpu.vector_load %arg7[%get3A_1345] {strides = array<i32>} : memref<640xi32, #tpu.memory_space<vmem>>, vector<16xi32>,
        %get3A_1347 = vector.shape_cast %get3A_1346 : vector<16xi32> to vector<16xi32>
        %add3A_1348 = arith.addi %get3A_1347, %get3A_1330 : vector<16xi32>
        %swap3A_1349 = arith.constant 0 : i32
        %swap3A_1350 = arith.index_cast %swap3A_1349 : i32 to index
        %swap3A_1351 = arith.constant 16 : index
        %swap3A_1352 = tpu.vector_load %arg9[%swap3A_1350, %swap3A_1351] {strides = array<i32>} : memref<5x128xi32, #tpu.memory_space<vmem>>, vector<1x16xi32>,
        %swap3A_1353 = vector.shape_cast %swap3A_1352 : vector<1x16xi32> to vector<16xi32>
        %swap3A_1354 = vector.shape_cast %add3A_1348 : vector<16xi32> to vector<1x16xi32>
        tpu.vector_store %arg9[%swap3A_1350, %swap3A_1351], %swap3A_1354 {strides = array<i32>} : memref<5x128xi32, #tpu.memory_space<vmem>>, vector<1x16xi32>,
        %get3A_1355 = arith.constant 32 : index
        %get3A_1356 = tpu.vector_load %arg7[%get3A_1355] {strides = array<i32>} : memref<640xi32, #tpu.memory_space<vmem>>, vector<16xi32>,
        %get3A_1357 = vector.shape_cast %get3A_1356 : vector<16xi32> to vector<16xi32>
        %add3A_1358 = arith.addi %get3A_1357, %get3A_1330 : vector<16xi32>
        %swap3A_1359 = arith.constant 0 : i32
        %swap3A_1360 = arith.index_cast %swap3A_1359 : i32 to index
        %swap3A_1361 = arith.constant 32 : index
        %swap3A_1362 = tpu.vector_load %arg9[%swap3A_1360, %swap3A_1361] {strides = array<i32>} : memref<5x128xi32, #tpu.memory_space<vmem>>, vector<1x16xi32>,
        %swap3A_1363 = vector.shape_cast %swap3A_1362 : vector<1x16xi32> to vector<16xi32>
        %swap3A_1364 = vector.shape_cast %add3A_1358 : vector<16xi32> to vector<1x16xi32>
        tpu.vector_store %arg9[%swap3A_1360, %swap3A_1361], %swap3A_1364 {strides = array<i32>} : memref<5x128xi32, #tpu.memory_space<vmem>>, vector<1x16xi32>,
        %get3A_1365 = arith.constant 48 : index
        %get3A_1366 = tpu.vector_load %arg7[%get3A_1365] {strides = array<i32>} : memref<640xi32, #tpu.memory_space<vmem>>, vector<16xi32>,
        %get3A_1367 = vector.shape_cast %get3A_1366 : vector<16xi32> to vector<16xi32>
        %add3A_1368 = arith.addi %get3A_1367, %get3A_1330 : vector<16xi32>
        %swap3A_1369 = arith.constant 0 : i32
        %swap3A_1370 = arith.index_cast %swap3A_1369 : i32 to index
        %swap3A_1371 = arith.constant 48 : index
        %swap3A_1372 = tpu.vector_load %arg9[%swap3A_1370, %swap3A_1371] {strides = array<i32>} : memref<5x128xi32, #tpu.memory_space<vmem>>, vector<1x16xi32>,
        %swap3A_1373 = vector.shape_cast %swap3A_1372 : vector<1x16xi32> to vector<16xi32>
        %swap3A_1374 = vector.shape_cast %add3A_1368 : vector<16xi32> to vector<1x16xi32>
        tpu.vector_store %arg9[%swap3A_1370, %swap3A_1371], %swap3A_1374 {strides = array<i32>} : memref<5x128xi32, #tpu.memory_space<vmem>>, vector<1x16xi32>,
        %get3A_1375 = arith.constant 64 : index
        %get3A_1376 = tpu.vector_load %arg7[%get3A_1375] {strides = array<i32>} : memref<640xi32, #tpu.memory_space<vmem>>, vector<16xi32>,
        %get3A_1377 = vector.shape_cast %get3A_1376 : vector<16xi32> to vector<16xi32>
        %add3A_1378 = arith.addi %get3A_1377, %get3A_1330 : vector<16xi32>
        %swap3A_1379 = arith.constant 0 : i32
        %swap3A_1380 = arith.index_cast %swap3A_1379 : i32 to index
        %swap3A_1381 = arith.constant 64 : index
        %swap3A_1382 = tpu.vector_load %arg9[%swap3A_1380, %swap3A_1381] {strides = array<i32>} : memref<5x128xi32, #tpu.memory_space<vmem>>, vector<1x16xi32>,
        %swap3A_1383 = vector.shape_cast %swap3A_1382 : vector<1x16xi32> to vector<16xi32>
        %swap3A_1384 = vector.shape_cast %add3A_1378 : vector<16xi32> to vector<1x16xi32>
        tpu.vector_store %arg9[%swap3A_1380, %swap3A_1381], %swap3A_1384 {strides = array<i32>} : memref<5x128xi32, #tpu.memory_space<vmem>>, vector<1x16xi32>,
        %get3A_1385 = arith.constant 80 : index
        %get3A_1386 = tpu.vector_load %arg7[%get3A_1385] {strides = array<i32>} : memref<640xi32, #tpu.memory_space<vmem>>, vector<16xi32>,
        %get3A_1387 = vector.shape_cast %get3A_1386 : vector<16xi32> to vector<16xi32>
        %add3A_1388 = arith.addi %get3A_1387, %get3A_1330 : vector<16xi32>
        %swap3A_1389 = arith.constant 0 : i32
        %swap3A_1390 = arith.index_cast %swap3A_1389 : i32 to index
        %swap3A_1391 = arith.constant 80 : index
        %swap3A_1392 = tpu.vector_load %arg9[%swap3A_1390, %swap3A_1391] {strides = array<i32>} : memref<5x128xi32, #tpu.memory_space<vmem>>, vector<1x16xi32>,
        %swap3A_1393 = vector.shape_cast %swap3A_1392 : vector<1x16xi32> to vector<16xi32>
        %swap3A_1394 = vector.shape_cast %add3A_1388 : vector<16xi32> to vector<1x16xi32>
        tpu.vector_store %arg9[%swap3A_1390, %swap3A_1391], %swap3A_1394 {strides = array<i32>} : memref<5x128xi32, #tpu.memory_space<vmem>>, vector<1x16xi32>,
        %get3A_1395 = arith.constant 96 : index
        %get3A_1396 = tpu.vector_load %arg7[%get3A_1395] {strides = array<i32>} : memref<640xi32, #tpu.memory_space<vmem>>, vector<16xi32>,
        %get3A_1397 = vector.shape_cast %get3A_1396 : vector<16xi32> to vector<16xi32>
        %add3A_1398 = arith.addi %get3A_1397, %get3A_1330 : vector<16xi32>
        %swap3A_1399 = arith.constant 0 : i32
        %swap3A_1400 = arith.index_cast %swap3A_1399 : i32 to index
        %swap3A_1401 = arith.constant 96 : index
        %swap3A_1402 = tpu.vector_load %arg9[%swap3A_1400, %swap3A_1401] {strides = array<i32>} : memref<5x128xi32, #tpu.memory_space<vmem>>, vector<1x16xi32>,
        %swap3A_1403 = vector.shape_cast %swap3A_1402 : vector<1x16xi32> to vector<16xi32>
        %swap3A_1404 = vector.shape_cast %add3A_1398 : vector<16xi32> to vector<1x16xi32>
        tpu.vector_store %arg9[%swap3A_1400, %swap3A_1401], %swap3A_1404 {strides = array<i32>} : memref<5x128xi32, #tpu.memory_space<vmem>>, vector<1x16xi32>,
        %get3A_1405 = arith.constant 112 : index
        %get3A_1406 = tpu.vector_load %arg7[%get3A_1405] {strides = array<i32>} : memref<640xi32, #tpu.memory_space<vmem>>, vector<16xi32>,
        %get3A_1407 = vector.shape_cast %get3A_1406 : vector<16xi32> to vector<16xi32>
        %add3A_1408 = arith.addi %get3A_1407, %get3A_1330 : vector<16xi32>
        %swap3A_1409 = arith.constant 0 : i32
        %swap3A_1410 = arith.index_cast %swap3A_1409 : i32 to index
        %swap3A_1411 = arith.constant 112 : index
        %swap3A_1412 = tpu.vector_load %arg9[%swap3A_1410, %swap3A_1411] {strides = array<i32>} : memref<5x128xi32, #tpu.memory_space<vmem>>, vector<1x16xi32>,
        %swap3A_1413 = vector.shape_cast %swap3A_1412 : vector<1x16xi32> to vector<16xi32>
        %swap3A_1414 = vector.shape_cast %add3A_1408 : vector<16xi32> to vector<1x16xi32>
        tpu.vector_store %arg9[%swap3A_1410, %swap3A_1411], %swap3A_1414 {strides = array<i32>} : memref<5x128xi32, #tpu.memory_space<vmem>>, vector<1x16xi32>,
        %get3A_1415 = arith.constant 128 : index
        %get3A_1416 = tpu.vector_load %arg7[%get3A_1415] {strides = array<i32>} : memref<640xi32, #tpu.memory_space<vmem>>, vector<16xi32>,
        %get3A_1417 = vector.shape_cast %get3A_1416 : vector<16xi32> to vector<16xi32>
        %add3A_1418 = arith.addi %get3A_1417, %get3A_1330 : vector<16xi32>
        %swap3A_1419 = arith.constant 1 : i32
        %swap3A_1420 = arith.index_cast %swap3A_1419 : i32 to index
        %swap3A_1421 = arith.constant 0 : index
        %swap3A_1422 = tpu.vector_load %arg9[%swap3A_1420, %swap3A_1421] {strides = array<i32>} : memref<5x128xi32, #tpu.memory_space<vmem>>, vector<1x16xi32>,
        %swap3A_1423 = vector.shape_cast %swap3A_1422 : vector<1x16xi32> to vector<16xi32>
        %swap3A_1424 = vector.shape_cast %add3A_1418 : vector<16xi32> to vector<1x16xi32>
        tpu.vector_store %arg9[%swap3A_1420, %swap3A_1421], %swap3A_1424 {strides = array<i32>} : memref<5x128xi32, #tpu.memory_space<vmem>>, vector<1x16xi32>,
        %get3A_1425 = arith.constant 144 : index
        %get3A_1426 = tpu.vector_load %arg7[%get3A_1425] {strides = array<i32>} : memref<640xi32, #tpu.memory_space<vmem>>, vector<16xi32>,
        %get3A_1427 = vector.shape_cast %get3A_1426 : vector<16xi32> to vector<16xi32>
        %add3A_1428 = arith.addi %get3A_1427, %get3A_1330 : vector<16xi32>
        %swap3A_1429 = arith.constant 1 : i32
        %swap3A_1430 = arith.index_cast %swap3A_1429 : i32 to index
        %swap3A_1431 = arith.constant 16 : index
        %swap3A_1432 = tpu.vector_load %arg9[%swap3A_1430, %swap3A_1431] {strides = array<i32>} : memref<5x128xi32, #tpu.memory_space<vmem>>, vector<1x16xi32>,
        %swap3A_1433 = vector.shape_cast %swap3A_1432 : vector<1x16xi32> to vector<16xi32>
        %swap3A_1434 = vector.shape_cast %add3A_1428 : vector<16xi32> to vector<1x16xi32>
        tpu.vector_store %arg9[%swap3A_1430, %swap3A_1431], %swap3A_1434 {strides = array<i32>} : memref<5x128xi32, #tpu.memory_space<vmem>>, vector<1x16xi32>,
        %get3A_1435 = arith.constant 160 : index
        %get3A_1436 = tpu.vector_load %arg7[%get3A_1435] {strides = array<i32>} : memref<640xi32, #tpu.memory_space<vmem>>, vector<16xi32>,
        %get3A_1437 = vector.shape_cast %get3A_1436 : vector<16xi32> to vector<16xi32>
        %add3A_1438 = arith.addi %get3A_1437, %get3A_1330 : vector<16xi32>
        %swap3A_1439 = arith.constant 1 : i32
        %swap3A_1440 = arith.index_cast %swap3A_1439 : i32 to index
        %swap3A_1441 = arith.constant 32 : index
        %swap3A_1442 = tpu.vector_load %arg9[%swap3A_1440, %swap3A_1441] {strides = array<i32>} : memref<5x128xi32, #tpu.memory_space<vmem>>, vector<1x16xi32>,
        %swap3A_1443 = vector.shape_cast %swap3A_1442 : vector<1x16xi32> to vector<16xi32>
        %swap3A_1444 = vector.shape_cast %add3A_1438 : vector<16xi32> to vector<1x16xi32>
        tpu.vector_store %arg9[%swap3A_1440, %swap3A_1441], %swap3A_1444 {strides = array<i32>} : memref<5x128xi32, #tpu.memory_space<vmem>>, vector<1x16xi32>,
        %get3A_1445 = arith.constant 176 : index
        %get3A_1446 = tpu.vector_load %arg7[%get3A_1445] {strides = array<i32>} : memref<640xi32, #tpu.memory_space<vmem>>, vector<16xi32>,
        %get3A_1447 = vector.shape_cast %get3A_1446 : vector<16xi32> to vector<16xi32>
        %add3A_1448 = arith.addi %get3A_1447, %get3A_1330 : vector<16xi32>
        %swap3A_1449 = arith.constant 1 : i32
        %swap3A_1450 = arith.index_cast %swap3A_1449 : i32 to index
        %swap3A_1451 = arith.constant 48 : index
        %swap3A_1452 = tpu.vector_load %arg9[%swap3A_1450, %swap3A_1451] {strides = array<i32>} : memref<5x128xi32, #tpu.memory_space<vmem>>, vector<1x16xi32>,
        %swap3A_1453 = vector.shape_cast %swap3A_1452 : vector<1x16xi32> to vector<16xi32>
        %swap3A_1454 = vector.shape_cast %add3A_1448 : vector<16xi32> to vector<1x16xi32>
        tpu.vector_store %arg9[%swap3A_1450, %swap3A_1451], %swap3A_1454 {strides = array<i32>} : memref<5x128xi32, #tpu.memory_space<vmem>>, vector<1x16xi32>,
        %get3A_1455 = arith.constant 192 : index
        %get3A_1456 = tpu.vector_load %arg7[%get3A_1455] {strides = array<i32>} : memref<640xi32, #tpu.memory_space<vmem>>, vector<16xi32>,
        %get3A_1457 = vector.shape_cast %get3A_1456 : vector<16xi32> to vector<16xi32>
        %add3A_1458 = arith.addi %get3A_1457, %get3A_1330 : vector<16xi32>
        %swap3A_1459 = arith.constant 1 : i32
        %swap3A_1460 = arith.index_cast %swap3A_1459 : i32 to index
        %swap3A_1461 = arith.constant 64 : index
        %swap3A_1462 = tpu.vector_load %arg9[%swap3A_1460, %swap3A_1461] {strides = array<i32>} : memref<5x128xi32, #tpu.memory_space<vmem>>, vector<1x16xi32>,
        %swap3A_1463 = vector.shape_cast %swap3A_1462 : vector<1x16xi32> to vector<16xi32>
        %swap3A_1464 = vector.shape_cast %add3A_1458 : vector<16xi32> to vector<1x16xi32>
        tpu.vector_store %arg9[%swap3A_1460, %swap3A_1461], %swap3A_1464 {strides = array<i32>} : memref<5x128xi32, #tpu.memory_space<vmem>>, vector<1x16xi32>,
        %get3A_1465 = arith.constant 208 : index
        %get3A_1466 = tpu.vector_load %arg7[%get3A_1465] {strides = array<i32>} : memref<640xi32, #tpu.memory_space<vmem>>, vector<16xi32>,
        %get3A_1467 = vector.shape_cast %get3A_1466 : vector<16xi32> to vector<16xi32>
        %add3A_1468 = arith.addi %get3A_1467, %get3A_1330 : vector<16xi32>
        %swap3A_1469 = arith.constant 1 : i32
        %swap3A_1470 = arith.index_cast %swap3A_1469 : i32 to index
        %swap3A_1471 = arith.constant 80 : index
        %swap3A_1472 = tpu.vector_load %arg9[%swap3A_1470, %swap3A_1471] {strides = array<i32>} : memref<5x128xi32, #tpu.memory_space<vmem>>, vector<1x16xi32>,
        %swap3A_1473 = vector.shape_cast %swap3A_1472 : vector<1x16xi32> to vector<16xi32>
        %swap3A_1474 = vector.shape_cast %add3A_1468 : vector<16xi32> to vector<1x16xi32>
        tpu.vector_store %arg9[%swap3A_1470, %swap3A_1471], %swap3A_1474 {strides = array<i32>} : memref<5x128xi32, #tpu.memory_space<vmem>>, vector<1x16xi32>,
        %get3A_1475 = arith.constant 224 : index
        %get3A_1476 = tpu.vector_load %arg7[%get3A_1475] {strides = array<i32>} : memref<640xi32, #tpu.memory_space<vmem>>, vector<16xi32>,
        %get3A_1477 = vector.shape_cast %get3A_1476 : vector<16xi32> to vector<16xi32>
        %add3A_1478 = arith.addi %get3A_1477, %get3A_1330 : vector<16xi32>
        %swap3A_1479 = arith.constant 1 : i32
        %swap3A_1480 = arith.index_cast %swap3A_1479 : i32 to index
        %swap3A_1481 = arith.constant 96 : index
        %swap3A_1482 = tpu.vector_load %arg9[%swap3A_1480, %swap3A_1481] {strides = array<i32>} : memref<5x128xi32, #tpu.memory_space<vmem>>, vector<1x16xi32>,
        %swap3A_1483 = vector.shape_cast %swap3A_1482 : vector<1x16xi32> to vector<16xi32>
        %swap3A_1484 = vector.shape_cast %add3A_1478 : vector<16xi32> to vector<1x16xi32>
        tpu.vector_store %arg9[%swap3A_1480, %swap3A_1481], %swap3A_1484 {strides = array<i32>} : memref<5x128xi32, #tpu.memory_space<vmem>>, vector<1x16xi32>,
        %get3A_1485 = arith.constant 240 : index
        %get3A_1486 = tpu.vector_load %arg7[%get3A_1485] {strides = array<i32>} : memref<640xi32, #tpu.memory_space<vmem>>, vector<16xi32>,
        %get3A_1487 = vector.shape_cast %get3A_1486 : vector<16xi32> to vector<16xi32>
        %add3A_1488 = arith.addi %get3A_1487, %get3A_1330 : vector<16xi32>
        %swap3A_1489 = arith.constant 1 : i32
        %swap3A_1490 = arith.index_cast %swap3A_1489 : i32 to index
        %swap3A_1491 = arith.constant 112 : index
        %swap3A_1492 = tpu.vector_load %arg9[%swap3A_1490, %swap3A_1491] {strides = array<i32>} : memref<5x128xi32, #tpu.memory_space<vmem>>, vector<1x16xi32>,
        %swap3A_1493 = vector.shape_cast %swap3A_1492 : vector<1x16xi32> to vector<16xi32>
        %swap3A_1494 = vector.shape_cast %add3A_1488 : vector<16xi32> to vector<1x16xi32>
        tpu.vector_store %arg9[%swap3A_1490, %swap3A_1491], %swap3A_1494 {strides = array<i32>} : memref<5x128xi32, #tpu.memory_space<vmem>>, vector<1x16xi32>,
        %get3A_1495 = arith.constant 256 : index
        %get3A_1496 = tpu.vector_load %arg7[%get3A_1495] {strides = array<i32>} : memref<640xi32, #tpu.memory_space<vmem>>, vector<16xi32>,
        %get3A_1497 = vector.shape_cast %get3A_1496 : vector<16xi32> to vector<16xi32>
        %add3A_1498 = arith.addi %get3A_1497, %get3A_1330 : vector<16xi32>
        %swap3A_1499 = arith.constant 2 : i32
        %swap3A_1500 = arith.index_cast %swap3A_1499 : i32 to index
        %swap3A_1501 = arith.constant 0 : index
        %swap3A_1502 = tpu.vector_load %arg9[%swap3A_1500, %swap3A_1501] {strides = array<i32>} : memref<5x128xi32, #tpu.memory_space<vmem>>, vector<1x16xi32>,
        %swap3A_1503 = vector.shape_cast %swap3A_1502 : vector<1x16xi32> to vector<16xi32>
        %swap3A_1504 = vector.shape_cast %add3A_1498 : vector<16xi32> to vector<1x16xi32>
        tpu.vector_store %arg9[%swap3A_1500, %swap3A_1501], %swap3A_1504 {strides = array<i32>} : memref<5x128xi32, #tpu.memory_space<vmem>>, vector<1x16xi32>,
        %get3A_1505 = arith.constant 272 : index
        %get3A_1506 = tpu.vector_load %arg7[%get3A_1505] {strides = array<i32>} : memref<640xi32, #tpu.memory_space<vmem>>, vector<16xi32>,
        %get3A_1507 = vector.shape_cast %get3A_1506 : vector<16xi32> to vector<16xi32>
        %add3A_1508 = arith.addi %get3A_1507, %get3A_1330 : vector<16xi32>
        %swap3A_1509 = arith.constant 2 : i32
        %swap3A_1510 = arith.index_cast %swap3A_1509 : i32 to index
        %swap3A_1511 = arith.constant 16 : index
        %swap3A_1512 = tpu.vector_load %arg9[%swap3A_1510, %swap3A_1511] {strides = array<i32>} : memref<5x128xi32, #tpu.memory_space<vmem>>, vector<1x16xi32>,
        %swap3A_1513 = vector.shape_cast %swap3A_1512 : vector<1x16xi32> to vector<16xi32>
        %swap3A_1514 = vector.shape_cast %add3A_1508 : vector<16xi32> to vector<1x16xi32>
        tpu.vector_store %arg9[%swap3A_1510, %swap3A_1511], %swap3A_1514 {strides = array<i32>} : memref<5x128xi32, #tpu.memory_space<vmem>>, vector<1x16xi32>,
        %get3A_1515 = arith.constant 288 : index
        %get3A_1516 = tpu.vector_load %arg7[%get3A_1515] {strides = array<i32>} : memref<640xi32, #tpu.memory_space<vmem>>, vector<16xi32>,
        %get3A_1517 = vector.shape_cast %get3A_1516 : vector<16xi32> to vector<16xi32>
        %add3A_1518 = arith.addi %get3A_1517, %get3A_1330 : vector<16xi32>
        %swap3A_1519 = arith.constant 2 : i32
        %swap3A_1520 = arith.index_cast %swap3A_1519 : i32 to index
        %swap3A_1521 = arith.constant 32 : index
        %swap3A_1522 = tpu.vector_load %arg9[%swap3A_1520, %swap3A_1521] {strides = array<i32>} : memref<5x128xi32, #tpu.memory_space<vmem>>, vector<1x16xi32>,
        %swap3A_1523 = vector.shape_cast %swap3A_1522 : vector<1x16xi32> to vector<16xi32>
        %swap3A_1524 = vector.shape_cast %add3A_1518 : vector<16xi32> to vector<1x16xi32>
        tpu.vector_store %arg9[%swap3A_1520, %swap3A_1521], %swap3A_1524 {strides = array<i32>} : memref<5x128xi32, #tpu.memory_space<vmem>>, vector<1x16xi32>,
        %get3A_1525 = arith.constant 304 : index
        %get3A_1526 = tpu.vector_load %arg7[%get3A_1525] {strides = array<i32>} : memref<640xi32, #tpu.memory_space<vmem>>, vector<16xi32>,
        %get3A_1527 = vector.shape_cast %get3A_1526 : vector<16xi32> to vector<16xi32>
        %add3A_1528 = arith.addi %get3A_1527, %get3A_1330 : vector<16xi32>
        %swap3A_1529 = arith.constant 2 : i32
        %swap3A_1530 = arith.index_cast %swap3A_1529 : i32 to index
        %swap3A_1531 = arith.constant 48 : index
        %swap3A_1532 = tpu.vector_load %arg9[%swap3A_1530, %swap3A_1531] {strides = array<i32>} : memref<5x128xi32, #tpu.memory_space<vmem>>, vector<1x16xi32>,
        %swap3A_1533 = vector.shape_cast %swap3A_1532 : vector<1x16xi32> to vector<16xi32>
        %swap3A_1534 = vector.shape_cast %add3A_1528 : vector<16xi32> to vector<1x16xi32>
        tpu.vector_store %arg9[%swap3A_1530, %swap3A_1531], %swap3A_1534 {strides = array<i32>} : memref<5x128xi32, #tpu.memory_space<vmem>>, vector<1x16xi32>,
        %get3A_1535 = arith.constant 320 : index
        %get3A_1536 = tpu.vector_load %arg7[%get3A_1535] {strides = array<i32>} : memref<640xi32, #tpu.memory_space<vmem>>, vector<16xi32>,
        %get3A_1537 = vector.shape_cast %get3A_1536 : vector<16xi32> to vector<16xi32>
        %add3A_1538 = arith.addi %get3A_1537, %get3A_1330 : vector<16xi32>
        %swap3A_1539 = arith.constant 2 : i32
        %swap3A_1540 = arith.index_cast %swap3A_1539 : i32 to index
        %swap3A_1541 = arith.constant 64 : index
        %swap3A_1542 = tpu.vector_load %arg9[%swap3A_1540, %swap3A_1541] {strides = array<i32>} : memref<5x128xi32, #tpu.memory_space<vmem>>, vector<1x16xi32>,
        %swap3A_1543 = vector.shape_cast %swap3A_1542 : vector<1x16xi32> to vector<16xi32>
        %swap3A_1544 = vector.shape_cast %add3A_1538 : vector<16xi32> to vector<1x16xi32>
        tpu.vector_store %arg9[%swap3A_1540, %swap3A_1541], %swap3A_1544 {strides = array<i32>} : memref<5x128xi32, #tpu.memory_space<vmem>>, vector<1x16xi32>,
        %get3A_1545 = arith.constant 336 : index
        %get3A_1546 = tpu.vector_load %arg7[%get3A_1545] {strides = array<i32>} : memref<640xi32, #tpu.memory_space<vmem>>, vector<16xi32>,
        %get3A_1547 = vector.shape_cast %get3A_1546 : vector<16xi32> to vector<16xi32>
        %add3A_1548 = arith.addi %get3A_1547, %get3A_1330 : vector<16xi32>
        %swap3A_1549 = arith.constant 2 : i32
        %swap3A_1550 = arith.index_cast %swap3A_1549 : i32 to index
        %swap3A_1551 = arith.constant 80 : index
        %swap3A_1552 = tpu.vector_load %arg9[%swap3A_1550, %swap3A_1551] {strides = array<i32>} : memref<5x128xi32, #tpu.memory_space<vmem>>, vector<1x16xi32>,
        %swap3A_1553 = vector.shape_cast %swap3A_1552 : vector<1x16xi32> to vector<16xi32>
        %swap3A_1554 = vector.shape_cast %add3A_1548 : vector<16xi32> to vector<1x16xi32>
        tpu.vector_store %arg9[%swap3A_1550, %swap3A_1551], %swap3A_1554 {strides = array<i32>} : memref<5x128xi32, #tpu.memory_space<vmem>>, vector<1x16xi32>,
        %get3A_1555 = arith.constant 352 : index
        %get3A_1556 = tpu.vector_load %arg7[%get3A_1555] {strides = array<i32>} : memref<640xi32, #tpu.memory_space<vmem>>, vector<16xi32>,
        %get3A_1557 = vector.shape_cast %get3A_1556 : vector<16xi32> to vector<16xi32>
        %add3A_1558 = arith.addi %get3A_1557, %get3A_1330 : vector<16xi32>
        %swap3A_1559 = arith.constant 2 : i32
        %swap3A_1560 = arith.index_cast %swap3A_1559 : i32 to index
        %swap3A_1561 = arith.constant 96 : index
        %swap3A_1562 = tpu.vector_load %arg9[%swap3A_1560, %swap3A_1561] {strides = array<i32>} : memref<5x128xi32, #tpu.memory_space<vmem>>, vector<1x16xi32>,
        %swap3A_1563 = vector.shape_cast %swap3A_1562 : vector<1x16xi32> to vector<16xi32>
        %swap3A_1564 = vector.shape_cast %add3A_1558 : vector<16xi32> to vector<1x16xi32>
        tpu.vector_store %arg9[%swap3A_1560, %swap3A_1561], %swap3A_1564 {strides = array<i32>} : memref<5x128xi32, #tpu.memory_space<vmem>>, vector<1x16xi32>,
        %get3A_1565 = arith.constant 368 : index
        %get3A_1566 = tpu.vector_load %arg7[%get3A_1565] {strides = array<i32>} : memref<640xi32, #tpu.memory_space<vmem>>, vector<16xi32>,
        %get3A_1567 = vector.shape_cast %get3A_1566 : vector<16xi32> to vector<16xi32>
        %add3A_1568 = arith.addi %get3A_1567, %get3A_1330 : vector<16xi32>
        %swap3A_1569 = arith.constant 2 : i32
        %swap3A_1570 = arith.index_cast %swap3A_1569 : i32 to index
        %swap3A_1571 = arith.constant 112 : index
        %swap3A_1572 = tpu.vector_load %arg9[%swap3A_1570, %swap3A_1571] {strides = array<i32>} : memref<5x128xi32, #tpu.memory_space<vmem>>, vector<1x16xi32>,
        %swap3A_1573 = vector.shape_cast %swap3A_1572 : vector<1x16xi32> to vector<16xi32>
        %swap3A_1574 = vector.shape_cast %add3A_1568 : vector<16xi32> to vector<1x16xi32>
        tpu.vector_store %arg9[%swap3A_1570, %swap3A_1571], %swap3A_1574 {strides = array<i32>} : memref<5x128xi32, #tpu.memory_space<vmem>>, vector<1x16xi32>,
        %get3A_1575 = arith.constant 384 : index
        %get3A_1576 = tpu.vector_load %arg7[%get3A_1575] {strides = array<i32>} : memref<640xi32, #tpu.memory_space<vmem>>, vector<16xi32>,
        %get3A_1577 = vector.shape_cast %get3A_1576 : vector<16xi32> to vector<16xi32>
        %add3A_1578 = arith.addi %get3A_1577, %get3A_1330 : vector<16xi32>
        %swap3A_1579 = arith.constant 3 : i32
        %swap3A_1580 = arith.index_cast %swap3A_1579 : i32 to index
        %swap3A_1581 = arith.constant 0 : index
        %swap3A_1582 = tpu.vector_load %arg9[%swap3A_1580, %swap3A_1581] {strides = array<i32>} : memref<5x128xi32, #tpu.memory_space<vmem>>, vector<1x16xi32>,
        %swap3A_1583 = vector.shape_cast %swap3A_1582 : vector<1x16xi32> to vector<16xi32>
        %swap3A_1584 = vector.shape_cast %add3A_1578 : vector<16xi32> to vector<1x16xi32>
        tpu.vector_store %arg9[%swap3A_1580, %swap3A_1581], %swap3A_1584 {strides = array<i32>} : memref<5x128xi32, #tpu.memory_space<vmem>>, vector<1x16xi32>,
        %get3A_1585 = arith.constant 400 : index
        %get3A_1586 = tpu.vector_load %arg7[%get3A_1585] {strides = array<i32>} : memref<640xi32, #tpu.memory_space<vmem>>, vector<16xi32>,
        %get3A_1587 = vector.shape_cast %get3A_1586 : vector<16xi32> to vector<16xi32>
        %add3A_1588 = arith.addi %get3A_1587, %get3A_1330 : vector<16xi32>
        %swap3A_1589 = arith.constant 3 : i32
        %swap3A_1590 = arith.index_cast %swap3A_1589 : i32 to index
        %swap3A_1591 = arith.constant 16 : index
        %swap3A_1592 = tpu.vector_load %arg9[%swap3A_1590, %swap3A_1591] {strides = array<i32>} : memref<5x128xi32, #tpu.memory_space<vmem>>, vector<1x16xi32>,
        %swap3A_1593 = vector.shape_cast %swap3A_1592 : vector<1x16xi32> to vector<16xi32>
        %swap3A_1594 = vector.shape_cast %add3A_1588 : vector<16xi32> to vector<1x16xi32>
        tpu.vector_store %arg9[%swap3A_1590, %swap3A_1591], %swap3A_1594 {strides = array<i32>} : memref<5x128xi32, #tpu.memory_space<vmem>>, vector<1x16xi32>,
        %get3A_1595 = arith.constant 416 : index
        %get3A_1596 = tpu.vector_load %arg7[%get3A_1595] {strides = array<i32>} : memref<640xi32, #tpu.memory_space<vmem>>, vector<16xi32>,
        %get3A_1597 = vector.shape_cast %get3A_1596 : vector<16xi32> to vector<16xi32>
        %add3A_1598 = arith.addi %get3A_1597, %get3A_1330 : vector<16xi32>
        %swap3A_1599 = arith.constant 3 : i32
        %swap3A_1600 = arith.index_cast %swap3A_1599 : i32 to index
        %swap3A_1601 = arith.constant 32 : index
        %swap3A_1602 = tpu.vector_load %arg9[%swap3A_1600, %swap3A_1601] {strides = array<i32>} : memref<5x128xi32, #tpu.memory_space<vmem>>, vector<1x16xi32>,
        %swap3A_1603 = vector.shape_cast %swap3A_1602 : vector<1x16xi32> to vector<16xi32>
        %swap3A_1604 = vector.shape_cast %add3A_1598 : vector<16xi32> to vector<1x16xi32>
        tpu.vector_store %arg9[%swap3A_1600, %swap3A_1601], %swap3A_1604 {strides = array<i32>} : memref<5x128xi32, #tpu.memory_space<vmem>>, vector<1x16xi32>,
        %get3A_1605 = arith.constant 432 : index
        %get3A_1606 = tpu.vector_load %arg7[%get3A_1605] {strides = array<i32>} : memref<640xi32, #tpu.memory_space<vmem>>, vector<16xi32>,
        %get3A_1607 = vector.shape_cast %get3A_1606 : vector<16xi32> to vector<16xi32>
        %add3A_1608 = arith.addi %get3A_1607, %get3A_1330 : vector<16xi32>
        %swap3A_1609 = arith.constant 3 : i32
        %swap3A_1610 = arith.index_cast %swap3A_1609 : i32 to index
        %swap3A_1611 = arith.constant 48 : index
        %swap3A_1612 = tpu.vector_load %arg9[%swap3A_1610, %swap3A_1611] {strides = array<i32>} : memref<5x128xi32, #tpu.memory_space<vmem>>, vector<1x16xi32>,
        %swap3A_1613 = vector.shape_cast %swap3A_1612 : vector<1x16xi32> to vector<16xi32>
        %swap3A_1614 = vector.shape_cast %add3A_1608 : vector<16xi32> to vector<1x16xi32>
        tpu.vector_store %arg9[%swap3A_1610, %swap3A_1611], %swap3A_1614 {strides = array<i32>} : memref<5x128xi32, #tpu.memory_space<vmem>>, vector<1x16xi32>,
        %get3A_1615 = arith.constant 448 : index
        %get3A_1616 = tpu.vector_load %arg7[%get3A_1615] {strides = array<i32>} : memref<640xi32, #tpu.memory_space<vmem>>, vector<16xi32>,
        %get3A_1617 = vector.shape_cast %get3A_1616 : vector<16xi32> to vector<16xi32>
        %add3A_1618 = arith.addi %get3A_1617, %get3A_1330 : vector<16xi32>
        %swap3A_1619 = arith.constant 3 : i32
        %swap3A_1620 = arith.index_cast %swap3A_1619 : i32 to index
        %swap3A_1621 = arith.constant 64 : index
        %swap3A_1622 = tpu.vector_load %arg9[%swap3A_1620, %swap3A_1621] {strides = array<i32>} : memref<5x128xi32, #tpu.memory_space<vmem>>, vector<1x16xi32>,
        %swap3A_1623 = vector.shape_cast %swap3A_1622 : vector<1x16xi32> to vector<16xi32>
        %swap3A_1624 = vector.shape_cast %add3A_1618 : vector<16xi32> to vector<1x16xi32>
        tpu.vector_store %arg9[%swap3A_1620, %swap3A_1621], %swap3A_1624 {strides = array<i32>} : memref<5x128xi32, #tpu.memory_space<vmem>>, vector<1x16xi32>,
        %get3A_1625 = arith.constant 464 : index
        %get3A_1626 = tpu.vector_load %arg7[%get3A_1625] {strides = array<i32>} : memref<640xi32, #tpu.memory_space<vmem>>, vector<16xi32>,
        %get3A_1627 = vector.shape_cast %get3A_1626 : vector<16xi32> to vector<16xi32>
        %add3A_1628 = arith.addi %get3A_1627, %get3A_1330 : vector<16xi32>
        %swap3A_1629 = arith.constant 3 : i32
        %swap3A_1630 = arith.index_cast %swap3A_1629 : i32 to index
        %swap3A_1631 = arith.constant 80 : index
        %swap3A_1632 = tpu.vector_load %arg9[%swap3A_1630, %swap3A_1631] {strides = array<i32>} : memref<5x128xi32, #tpu.memory_space<vmem>>, vector<1x16xi32>,
        %swap3A_1633 = vector.shape_cast %swap3A_1632 : vector<1x16xi32> to vector<16xi32>
        %swap3A_1634 = vector.shape_cast %add3A_1628 : vector<16xi32> to vector<1x16xi32>
        tpu.vector_store %arg9[%swap3A_1630, %swap3A_1631], %swap3A_1634 {strides = array<i32>} : memref<5x128xi32, #tpu.memory_space<vmem>>, vector<1x16xi32>,
        %get3A_1635 = arith.constant 480 : index
        %get3A_1636 = tpu.vector_load %arg7[%get3A_1635] {strides = array<i32>} : memref<640xi32, #tpu.memory_space<vmem>>, vector<16xi32>,
        %get3A_1637 = vector.shape_cast %get3A_1636 : vector<16xi32> to vector<16xi32>
        %add3A_1638 = arith.addi %get3A_1637, %get3A_1330 : vector<16xi32>
        %swap3A_1639 = arith.constant 3 : i32
        %swap3A_1640 = arith.index_cast %swap3A_1639 : i32 to index
        %swap3A_1641 = arith.constant 96 : index
        %swap3A_1642 = tpu.vector_load %arg9[%swap3A_1640, %swap3A_1641] {strides = array<i32>} : memref<5x128xi32, #tpu.memory_space<vmem>>, vector<1x16xi32>,
        %swap3A_1643 = vector.shape_cast %swap3A_1642 : vector<1x16xi32> to vector<16xi32>
        %swap3A_1644 = vector.shape_cast %add3A_1638 : vector<16xi32> to vector<1x16xi32>
        tpu.vector_store %arg9[%swap3A_1640, %swap3A_1641], %swap3A_1644 {strides = array<i32>} : memref<5x128xi32, #tpu.memory_space<vmem>>, vector<1x16xi32>,
        %get3A_1645 = arith.constant 496 : index
        %get3A_1646 = tpu.vector_load %arg7[%get3A_1645] {strides = array<i32>} : memref<640xi32, #tpu.memory_space<vmem>>, vector<16xi32>,
        %get3A_1647 = vector.shape_cast %get3A_1646 : vector<16xi32> to vector<16xi32>
        %add3A_1648 = arith.addi %get3A_1647, %get3A_1330 : vector<16xi32>
        %swap3A_1649 = arith.constant 3 : i32
        %swap3A_1650 = arith.index_cast %swap3A_1649 : i32 to index
        %swap3A_1651 = arith.constant 112 : index
        %swap3A_1652 = tpu.vector_load %arg9[%swap3A_1650, %swap3A_1651] {strides = array<i32>} : memref<5x128xi32, #tpu.memory_space<vmem>>, vector<1x16xi32>,
        %swap3A_1653 = vector.shape_cast %swap3A_1652 : vector<1x16xi32> to vector<16xi32>
        %swap3A_1654 = vector.shape_cast %add3A_1648 : vector<16xi32> to vector<1x16xi32>
        tpu.vector_store %arg9[%swap3A_1650, %swap3A_1651], %swap3A_1654 {strides = array<i32>} : memref<5x128xi32, #tpu.memory_space<vmem>>, vector<1x16xi32>,
        %get3A_1655 = arith.constant 512 : index
        %get3A_1656 = tpu.vector_load %arg7[%get3A_1655] {strides = array<i32>} : memref<640xi32, #tpu.memory_space<vmem>>, vector<16xi32>,
        %get3A_1657 = vector.shape_cast %get3A_1656 : vector<16xi32> to vector<16xi32>
        %add3A_1658 = arith.addi %get3A_1657, %get3A_1330 : vector<16xi32>
        %swap3A_1659 = arith.constant 4 : i32
        %swap3A_1660 = arith.index_cast %swap3A_1659 : i32 to index
        %swap3A_1661 = arith.constant 0 : index
        %swap3A_1662 = tpu.vector_load %arg9[%swap3A_1660, %swap3A_1661] {strides = array<i32>} : memref<5x128xi32, #tpu.memory_space<vmem>>, vector<1x16xi32>,
        %swap3A_1663 = vector.shape_cast %swap3A_1662 : vector<1x16xi32> to vector<16xi32>
        %swap3A_1664 = vector.shape_cast %add3A_1658 : vector<16xi32> to vector<1x16xi32>
        tpu.vector_store %arg9[%swap3A_1660, %swap3A_1661], %swap3A_1664 {strides = array<i32>} : memref<5x128xi32, #tpu.memory_space<vmem>>, vector<1x16xi32>,
        %get3A_1665 = arith.constant 528 : index
        %get3A_1666 = tpu.vector_load %arg7[%get3A_1665] {strides = array<i32>} : memref<640xi32, #tpu.memory_space<vmem>>, vector<16xi32>,
        %get3A_1667 = vector.shape_cast %get3A_1666 : vector<16xi32> to vector<16xi32>
        %add3A_1668 = arith.addi %get3A_1667, %get3A_1330 : vector<16xi32>
        %swap3A_1669 = arith.constant 4 : i32
        %swap3A_1670 = arith.index_cast %swap3A_1669 : i32 to index
        %swap3A_1671 = arith.constant 16 : index
        %swap3A_1672 = tpu.vector_load %arg9[%swap3A_1670, %swap3A_1671] {strides = array<i32>} : memref<5x128xi32, #tpu.memory_space<vmem>>, vector<1x16xi32>,
        %swap3A_1673 = vector.shape_cast %swap3A_1672 : vector<1x16xi32> to vector<16xi32>
        %swap3A_1674 = vector.shape_cast %add3A_1668 : vector<16xi32> to vector<1x16xi32>
        tpu.vector_store %arg9[%swap3A_1670, %swap3A_1671], %swap3A_1674 {strides = array<i32>} : memref<5x128xi32, #tpu.memory_space<vmem>>, vector<1x16xi32>,
        %get3A_1675 = arith.constant 544 : index
        %get3A_1676 = tpu.vector_load %arg7[%get3A_1675] {strides = array<i32>} : memref<640xi32, #tpu.memory_space<vmem>>, vector<16xi32>,
        %get3A_1677 = vector.shape_cast %get3A_1676 : vector<16xi32> to vector<16xi32>
        %add3A_1678 = arith.addi %get3A_1677, %get3A_1330 : vector<16xi32>
        %swap3A_1679 = arith.constant 4 : i32
        %swap3A_1680 = arith.index_cast %swap3A_1679 : i32 to index
        %swap3A_1681 = arith.constant 32 : index
        %swap3A_1682 = tpu.vector_load %arg9[%swap3A_1680, %swap3A_1681] {strides = array<i32>} : memref<5x128xi32, #tpu.memory_space<vmem>>, vector<1x16xi32>,
        %swap3A_1683 = vector.shape_cast %swap3A_1682 : vector<1x16xi32> to vector<16xi32>
        %swap3A_1684 = vector.shape_cast %add3A_1678 : vector<16xi32> to vector<1x16xi32>
        tpu.vector_store %arg9[%swap3A_1680, %swap3A_1681], %swap3A_1684 {strides = array<i32>} : memref<5x128xi32, #tpu.memory_space<vmem>>, vector<1x16xi32>,
        %get3A_1685 = arith.constant 560 : index
        %get3A_1686 = tpu.vector_load %arg7[%get3A_1685] {strides = array<i32>} : memref<640xi32, #tpu.memory_space<vmem>>, vector<16xi32>,
        %get3A_1687 = vector.shape_cast %get3A_1686 : vector<16xi32> to vector<16xi32>
        %add3A_1688 = arith.addi %get3A_1687, %get3A_1330 : vector<16xi32>
        %swap3A_1689 = arith.constant 4 : i32
        %swap3A_1690 = arith.index_cast %swap3A_1689 : i32 to index
        %swap3A_1691 = arith.constant 48 : index
        %swap3A_1692 = tpu.vector_load %arg9[%swap3A_1690, %swap3A_1691] {strides = array<i32>} : memref<5x128xi32, #tpu.memory_space<vmem>>, vector<1x16xi32>,
        %swap3A_1693 = vector.shape_cast %swap3A_1692 : vector<1x16xi32> to vector<16xi32>
        %swap3A_1694 = vector.shape_cast %add3A_1688 : vector<16xi32> to vector<1x16xi32>
        tpu.vector_store %arg9[%swap3A_1690, %swap3A_1691], %swap3A_1694 {strides = array<i32>} : memref<5x128xi32, #tpu.memory_space<vmem>>, vector<1x16xi32>,
        %get3A_1695 = arith.constant 576 : index
        %get3A_1696 = tpu.vector_load %arg7[%get3A_1695] {strides = array<i32>} : memref<640xi32, #tpu.memory_space<vmem>>, vector<16xi32>,
        %get3A_1697 = vector.shape_cast %get3A_1696 : vector<16xi32> to vector<16xi32>
        %add3A_1698 = arith.addi %get3A_1697, %get3A_1330 : vector<16xi32>
        %swap3A_1699 = arith.constant 4 : i32
        %swap3A_1700 = arith.index_cast %swap3A_1699 : i32 to index
        %swap3A_1701 = arith.constant 64 : index
        %swap3A_1702 = tpu.vector_load %arg9[%swap3A_1700, %swap3A_1701] {strides = array<i32>} : memref<5x128xi32, #tpu.memory_space<vmem>>, vector<1x16xi32>,
        %swap3A_1703 = vector.shape_cast %swap3A_1702 : vector<1x16xi32> to vector<16xi32>
        %swap3A_1704 = vector.shape_cast %add3A_1698 : vector<16xi32> to vector<1x16xi32>
        tpu.vector_store %arg9[%swap3A_1700, %swap3A_1701], %swap3A_1704 {strides = array<i32>} : memref<5x128xi32, #tpu.memory_space<vmem>>, vector<1x16xi32>,
        %get3A_1705 = arith.constant 592 : index
        %get3A_1706 = tpu.vector_load %arg7[%get3A_1705] {strides = array<i32>} : memref<640xi32, #tpu.memory_space<vmem>>, vector<16xi32>,
        %get3A_1707 = vector.shape_cast %get3A_1706 : vector<16xi32> to vector<16xi32>
        %add3A_1708 = arith.addi %get3A_1707, %get3A_1330 : vector<16xi32>
        %swap3A_1709 = arith.constant 4 : i32
        %swap3A_1710 = arith.index_cast %swap3A_1709 : i32 to index
        %swap3A_1711 = arith.constant 80 : index
        %swap3A_1712 = tpu.vector_load %arg9[%swap3A_1710, %swap3A_1711] {strides = array<i32>} : memref<5x128xi32, #tpu.memory_space<vmem>>, vector<1x16xi32>,
        %swap3A_1713 = vector.shape_cast %swap3A_1712 : vector<1x16xi32> to vector<16xi32>
        %swap3A_1714 = vector.shape_cast %add3A_1708 : vector<16xi32> to vector<1x16xi32>
        tpu.vector_store %arg9[%swap3A_1710, %swap3A_1711], %swap3A_1714 {strides = array<i32>} : memref<5x128xi32, #tpu.memory_space<vmem>>, vector<1x16xi32>,
        %get3A_1715 = arith.constant 608 : index
        %get3A_1716 = tpu.vector_load %arg7[%get3A_1715] {strides = array<i32>} : memref<640xi32, #tpu.memory_space<vmem>>, vector<16xi32>,
        %get3A_1717 = vector.shape_cast %get3A_1716 : vector<16xi32> to vector<16xi32>
        %add3A_1718 = arith.addi %get3A_1717, %get3A_1330 : vector<16xi32>
        %swap3A_1719 = arith.constant 4 : i32
        %swap3A_1720 = arith.index_cast %swap3A_1719 : i32 to index
        %swap3A_1721 = arith.constant 96 : index
        %swap3A_1722 = tpu.vector_load %arg9[%swap3A_1720, %swap3A_1721] {strides = array<i32>} : memref<5x128xi32, #tpu.memory_space<vmem>>, vector<1x16xi32>,
        %swap3A_1723 = vector.shape_cast %swap3A_1722 : vector<1x16xi32> to vector<16xi32>
        %swap3A_1724 = vector.shape_cast %add3A_1718 : vector<16xi32> to vector<1x16xi32>
        tpu.vector_store %arg9[%swap3A_1720, %swap3A_1721], %swap3A_1724 {strides = array<i32>} : memref<5x128xi32, #tpu.memory_space<vmem>>, vector<1x16xi32>,
        %get3A_1725 = arith.constant 624 : index
        %get3A_1726 = tpu.vector_load %arg7[%get3A_1725] {strides = array<i32>} : memref<640xi32, #tpu.memory_space<vmem>>, vector<16xi32>,
        %get3A_1727 = vector.shape_cast %get3A_1726 : vector<16xi32> to vector<16xi32>
        %add3A_1728 = arith.addi %get3A_1727, %get3A_1330 : vector<16xi32>
        %swap3A_1729 = arith.constant 4 : i32
        %swap3A_1730 = arith.index_cast %swap3A_1729 : i32 to index
        %swap3A_1731 = arith.constant 112 : index
        %swap3A_1732 = tpu.vector_load %arg9[%swap3A_1730, %swap3A_1731] {strides = array<i32>} : memref<5x128xi32, #tpu.memory_space<vmem>>, vector<1x16xi32>,
        %swap3A_1733 = vector.shape_cast %swap3A_1732 : vector<1x16xi32> to vector<16xi32>
        %swap3A_1734 = vector.shape_cast %add3A_1728 : vector<16xi32> to vector<1x16xi32>
        tpu.vector_store %arg9[%swap3A_1730, %swap3A_1731], %swap3A_1734 {strides = array<i32>} : memref<5x128xi32, #tpu.memory_space<vmem>>, vector<1x16xi32>,
        %dma_start3A_1735 = arith.constant 0 : i32
        %dma_start3A_1736 = arith.constant 0 : i32
        %dma_start3A_1737 = arith.constant 0 : i32
        %dma_start3A_1738 = tpu.memref_slice %arg11[%dma_start3A_1736, %dma_start3A_1737] : memref<640x64xf32, #tpu.memory_space<vmem>> -> memref<128x64xf32, #tpu.memory_space<vmem>>
        %dma_start3A_1739 = arith.constant 0 : i32
        %dma_start3A_1740 = tpu.memref_slice %arg9[%dma_start3A_1735, %dma_start3A_1739] : memref<5x128xi32, #tpu.memory_space<vmem>> -> memref<1x128xi32, #tpu.memory_space<vmem>>
        %dma_start3A_1741 = tpu.memref_squeeze %dma_start3A_1740 : memref<1x128xi32, #tpu.memory_space<vmem>> -> memref<128xi32, #tpu.memory_space<vmem>>
        %dma_start3A_1742 = arith.constant 0 : i32
        %dma_start3A_1743 = arith.constant 0 : i32
        %dma_start3A_1744 = tpu.memref_slice %arg2[%dma_start3A_1742, %dma_start3A_1743] : memref<2600000x64xf32, #tpu.memory_space<hbm>> -> memref<2600000x64xf32, #tpu.memory_space<hbm>>
        tpu.enqueue_indirect_dma source(%dma_start3A_1744 : memref<2600000x64xf32, #tpu.memory_space<hbm>>) target(%dma_start3A_1738 : memref<128x64xf32, #tpu.memory_space<vmem>>) offsets(%dma_start3A_1741 : memref<128xi32, #tpu.memory_space<vmem>>) semaphore(%arg19 : memref<!tpu.dma_semaphore, #tpu.memory_space<semaphore_mem>>)
        %dma_start3A_1745 = arith.constant 1 : i32
        %dma_start3A_1746 = arith.constant 128 : i32
        %dma_start3A_1747 = arith.constant 0 : i32
        %dma_start3A_1748 = tpu.memref_slice %arg11[%dma_start3A_1746, %dma_start3A_1747] : memref<640x64xf32, #tpu.memory_space<vmem>> -> memref<128x64xf32, #tpu.memory_space<vmem>>
        %dma_start3A_1749 = arith.constant 0 : i32
        %dma_start3A_1750 = tpu.memref_slice %arg9[%dma_start3A_1745, %dma_start3A_1749] : memref<5x128xi32, #tpu.memory_space<vmem>> -> memref<1x128xi32, #tpu.memory_space<vmem>>
        %dma_start3A_1751 = tpu.memref_squeeze %dma_start3A_1750 : memref<1x128xi32, #tpu.memory_space<vmem>> -> memref<128xi32, #tpu.memory_space<vmem>>
        %dma_start3A_1752 = arith.constant 0 : i32
        %dma_start3A_1753 = arith.constant 0 : i32
        %dma_start3A_1754 = tpu.memref_slice %arg2[%dma_start3A_1752, %dma_start3A_1753] : memref<2600000x64xf32, #tpu.memory_space<hbm>> -> memref<2600000x64xf32, #tpu.memory_space<hbm>>
        tpu.enqueue_indirect_dma source(%dma_start3A_1754 : memref<2600000x64xf32, #tpu.memory_space<hbm>>) target(%dma_start3A_1748 : memref<128x64xf32, #tpu.memory_space<vmem>>) offsets(%dma_start3A_1751 : memref<128xi32, #tpu.memory_space<vmem>>) semaphore(%arg19 : memref<!tpu.dma_semaphore, #tpu.memory_space<semaphore_mem>>)
        %dma_start3A_1755 = arith.constant 2 : i32
        %dma_start3A_1756 = arith.constant 256 : i32
        %dma_start3A_1757 = arith.constant 0 : i32
        %dma_start3A_1758 = tpu.memref_slice %arg11[%dma_start3A_1756, %dma_start3A_1757] : memref<640x64xf32, #tpu.memory_space<vmem>> -> memref<128x64xf32, #tpu.memory_space<vmem>>
        %dma_start3A_1759 = arith.constant 0 : i32
        %dma_start3A_1760 = tpu.memref_slice %arg9[%dma_start3A_1755, %dma_start3A_1759] : memref<5x128xi32, #tpu.memory_space<vmem>> -> memref<1x128xi32, #tpu.memory_space<vmem>>
        %dma_start3A_1761 = tpu.memref_squeeze %dma_start3A_1760 : memref<1x128xi32, #tpu.memory_space<vmem>> -> memref<128xi32, #tpu.memory_space<vmem>>
        %dma_start3A_1762 = arith.constant 0 : i32
        %dma_start3A_1763 = arith.constant 0 : i32
        %dma_start3A_1764 = tpu.memref_slice %arg2[%dma_start3A_1762, %dma_start3A_1763] : memref<2600000x64xf32, #tpu.memory_space<hbm>> -> memref<2600000x64xf32, #tpu.memory_space<hbm>>
        tpu.enqueue_indirect_dma source(%dma_start3A_1764 : memref<2600000x64xf32, #tpu.memory_space<hbm>>) target(%dma_start3A_1758 : memref<128x64xf32, #tpu.memory_space<vmem>>) offsets(%dma_start3A_1761 : memref<128xi32, #tpu.memory_space<vmem>>) semaphore(%arg19 : memref<!tpu.dma_semaphore, #tpu.memory_space<semaphore_mem>>)
        %dma_start3A_1765 = arith.constant 3 : i32
        %dma_start3A_1766 = arith.constant 384 : i32
        %dma_start3A_1767 = arith.constant 0 : i32
        %dma_start3A_1768 = tpu.memref_slice %arg11[%dma_start3A_1766, %dma_start3A_1767] : memref<640x64xf32, #tpu.memory_space<vmem>> -> memref<128x64xf32, #tpu.memory_space<vmem>>
        %dma_start3A_1769 = arith.constant 0 : i32
        %dma_start3A_1770 = tpu.memref_slice %arg9[%dma_start3A_1765, %dma_start3A_1769] : memref<5x128xi32, #tpu.memory_space<vmem>> -> memref<1x128xi32, #tpu.memory_space<vmem>>
        %dma_start3A_1771 = tpu.memref_squeeze %dma_start3A_1770 : memref<1x128xi32, #tpu.memory_space<vmem>> -> memref<128xi32, #tpu.memory_space<vmem>>
        %dma_start3A_1772 = arith.constant 0 : i32
        %dma_start3A_1773 = arith.constant 0 : i32
        %dma_start3A_1774 = tpu.memref_slice %arg2[%dma_start3A_1772, %dma_start3A_1773] : memref<2600000x64xf32, #tpu.memory_space<hbm>> -> memref<2600000x64xf32, #tpu.memory_space<hbm>>
        tpu.enqueue_indirect_dma source(%dma_start3A_1774 : memref<2600000x64xf32, #tpu.memory_space<hbm>>) target(%dma_start3A_1768 : memref<128x64xf32, #tpu.memory_space<vmem>>) offsets(%dma_start3A_1771 : memref<128xi32, #tpu.memory_space<vmem>>) semaphore(%arg19 : memref<!tpu.dma_semaphore, #tpu.memory_space<semaphore_mem>>)
        %dma_start3A_1775 = arith.constant 4 : i32
        %dma_start3A_1776 = arith.constant 512 : i32
        %dma_start3A_1777 = arith.constant 0 : i32
        %dma_start3A_1778 = tpu.memref_slice %arg11[%dma_start3A_1776, %dma_start3A_1777] : memref<640x64xf32, #tpu.memory_space<vmem>> -> memref<128x64xf32, #tpu.memory_space<vmem>>
        %dma_start3A_1779 = arith.constant 0 : i32
        %dma_start3A_1780 = tpu.memref_slice %arg9[%dma_start3A_1775, %dma_start3A_1779] : memref<5x128xi32, #tpu.memory_space<vmem>> -> memref<1x128xi32, #tpu.memory_space<vmem>>
        %dma_start3A_1781 = tpu.memref_squeeze %dma_start3A_1780 : memref<1x128xi32, #tpu.memory_space<vmem>> -> memref<128xi32, #tpu.memory_space<vmem>>
        %dma_start3A_1782 = arith.constant 0 : i32
        %dma_start3A_1783 = arith.constant 0 : i32
        %dma_start3A_1784 = tpu.memref_slice %arg2[%dma_start3A_1782, %dma_start3A_1783] : memref<2600000x64xf32, #tpu.memory_space<hbm>> -> memref<2600000x64xf32, #tpu.memory_space<hbm>>
        tpu.enqueue_indirect_dma source(%dma_start3A_1784 : memref<2600000x64xf32, #tpu.memory_space<hbm>>) target(%dma_start3A_1778 : memref<128x64xf32, #tpu.memory_space<vmem>>) offsets(%dma_start3A_1781 : memref<128xi32, #tpu.memory_space<vmem>>) semaphore(%arg19 : memref<!tpu.dma_semaphore, #tpu.memory_space<semaphore_mem>>)
      } else {
      }
      %add3A_1197 = arith.constant 4 : i32
      %add3A_1198 = arith.addi %add3A_1117, %add3A_1197 : i32
      %lt3A_1199 = arith.constant 104 : i32
      %lt3A_1200 = arith.cmpi slt, %add3A_1198, %lt3A_1199 : i32
      %convert_element_type3A_1201 = arith.extui %lt3A_1200 : i1 to i32
      %cond3A_1202 = arith.constant 0 : i32
      %cond3A_1203 = arith.cmpi ne, %convert_element_type3A_1201, %cond3A_1202 : i32
      scf.if %cond3A_1203 {
        %add3A_1297 = arith.constant 4 : i32
        %add3A_1298 = arith.addi %add3A_1117, %add3A_1297 : i32
        %mul3A_1299 = arith.constant 32 : i32
        %mul3A_1300 = arith.muli %add3A_1298, %mul3A_1299 : i32
        %add3A_1301 = arith.addi %mul3A_2, %mul3A_1300 : i32
        %mul3A_1302 = arith.constant 20 : i32
        %mul3A_1303 = arith.muli %add3A_1301, %mul3A_1302 : i32
        %dma_start3A_1304 = tpu.memref_slice %arg4[%mul3A_1303] : memref<2129920xi32, #tpu.memory_space<hbm>> -> memref<640xi32, #tpu.memory_space<hbm>>
        %dma_start3A_1305 = tpu.memref_slice %arg4[%mul3A_1303] : memref<2129920xi32, #tpu.memory_space<hbm>> -> memref<640xi32, #tpu.memory_space<hbm>>
        tpu.enqueue_dma source(%dma_start3A_1305 : memref<640xi32, #tpu.memory_space<hbm>>) target(%arg7 : memref<640xi32, #tpu.memory_space<vmem>>) target_semaphore(%arg17 : memref<!tpu.dma_semaphore, #tpu.memory_space<semaphore_mem>>)
      } else {
      }
      %mul3A_1204 = arith.constant 2 : i32
      %mul3A_1205 = arith.muli %mul3A_1204, %scan3A_1113 : i32
      %add3A_1206 = arith.constant 1 : i32
      %add3A_1207 = arith.addi %mul3A_1205, %add3A_1206 : i32
      %dma_wait3A_1208 = arith.constant 0 : i32
      %dma_wait3A_1209 = arith.constant 0 : i32
      %dma_wait3A_1210 = tpu.memref_slice %arg2[%dma_wait3A_1208, %dma_wait3A_1209] : memref<2600000x64xf32, #tpu.memory_space<hbm>> -> memref<640x64xf32, #tpu.memory_space<hbm>>
      %dma_wait3A_1211 = arith.constant 0 : i32
      %dma_wait3A_1212 = arith.constant 0 : i32
      %dma_wait3A_1213 = tpu.memref_slice %arg2[%dma_wait3A_1211, %dma_wait3A_1212] : memref<2600000x64xf32, #tpu.memory_space<hbm>> -> memref<640x64xf32, #tpu.memory_space<hbm>>
      tpu.wait_dma2 semaphore(%arg20 : memref<!tpu.dma_semaphore, #tpu.memory_space<semaphore_mem>>) src(%dma_wait3A_1213 : memref<640x64xf32, #tpu.memory_space<hbm>>) dst(%arg12 : memref<640x64xf32, #tpu.memory_space<vmem>>)
      %dma_wait3A_1214 = arith.constant 0 : i32
      %dma_wait3A_1215 = arith.constant 0 : i32
      %dma_wait3A_1216 = tpu.memref_slice %arg5[%dma_wait3A_1214, %dma_wait3A_1215] : memref<106496x64xf32, #tpu.memory_space<hbm>> -> memref<106496x64xf32, #tpu.memory_space<hbm>>
      tpu.wait_indirect_dma semaphore(%arg22 : memref<!tpu.dma_semaphore, #tpu.memory_space<semaphore_mem>>) src(%arg14 : memref<32x64xf32, #tpu.memory_space<vmem>>) dst(%dma_wait3A_1216 : memref<106496x64xf32, #tpu.memory_space<hbm>>)
      %scan3A_1217 = arith.constant 0 : i32
      %scan3A_1218 = arith.constant 0 : i32
      %scan3A_1219 = arith.constant 32 : i32
      %scan3A_1220 = arith.addi %scan3A_1218, %scan3A_1219 : i32
      %scan3A_1221 = arith.constant 1 : i32
      scf.for %scan3A_1297 = %scan3A_1218 to %scan3A_1220 step %scan3A_1221  : i32 {
        %mul3A_1298 = arith.constant 20 : i32
        %mul3A_1299 = arith.muli %scan3A_1297, %mul3A_1298 : i32
        %get3A_1300 = arith.index_cast %mul3A_1299 : i32 to index
        %get3A_1301 = arith.constant 0 : index
        %get3A_1302 = tpu.vector_load %arg12[%get3A_1300, %get3A_1301] {strides = array<i32>} : memref<640x64xf32, #tpu.memory_space<vmem>>, vector<1x16xf32>,
        %get3A_1303 = vector.shape_cast %get3A_1302 : vector<1x16xf32> to vector<16xf32>
        %add3A_1304 = arith.constant 1 : i32
        %add3A_1305 = arith.addi %mul3A_1299, %add3A_1304 : i32
        %get3A_1306 = arith.index_cast %add3A_1305 : i32 to index
        %get3A_1307 = arith.constant 0 : index
        %get3A_1308 = tpu.vector_load %arg12[%get3A_1306, %get3A_1307] {strides = array<i32>} : memref<640x64xf32, #tpu.memory_space<vmem>>, vector<1x16xf32>,
        %get3A_1309 = vector.shape_cast %get3A_1308 : vector<1x16xf32> to vector<16xf32>
        %add3A_1310 = arith.addf %get3A_1303, %get3A_1309 : vector<16xf32>
        %add3A_1311 = arith.constant 2 : i32
        %add3A_1312 = arith.addi %mul3A_1299, %add3A_1311 : i32
        %get3A_1313 = arith.index_cast %add3A_1312 : i32 to index
        %get3A_1314 = arith.constant 0 : index
        %get3A_1315 = tpu.vector_load %arg12[%get3A_1313, %get3A_1314] {strides = array<i32>} : memref<640x64xf32, #tpu.memory_space<vmem>>, vector<1x16xf32>,
        %get3A_1316 = vector.shape_cast %get3A_1315 : vector<1x16xf32> to vector<16xf32>
        %add3A_1317 = arith.addf %add3A_1310, %get3A_1316 : vector<16xf32>
        %add3A_1318 = arith.constant 3 : i32
        %add3A_1319 = arith.addi %mul3A_1299, %add3A_1318 : i32
        %get3A_1320 = arith.index_cast %add3A_1319 : i32 to index
        %get3A_1321 = arith.constant 0 : index
        %get3A_1322 = tpu.vector_load %arg12[%get3A_1320, %get3A_1321] {strides = array<i32>} : memref<640x64xf32, #tpu.memory_space<vmem>>, vector<1x16xf32>,
        %get3A_1323 = vector.shape_cast %get3A_1322 : vector<1x16xf32> to vector<16xf32>
        %add3A_1324 = arith.addf %add3A_1317, %get3A_1323 : vector<16xf32>
        %add3A_1325 = arith.constant 4 : i32
        %add3A_1326 = arith.addi %mul3A_1299, %add3A_1325 : i32
        %get3A_1327 = arith.index_cast %add3A_1326 : i32 to index
        %get3A_1328 = arith.constant 0 : index
        %get3A_1329 = tpu.vector_load %arg12[%get3A_1327, %get3A_1328] {strides = array<i32>} : memref<640x64xf32, #tpu.memory_space<vmem>>, vector<1x16xf32>,
        %get3A_1330 = vector.shape_cast %get3A_1329 : vector<1x16xf32> to vector<16xf32>
        %add3A_1331 = arith.addf %add3A_1324, %get3A_1330 : vector<16xf32>
        %add3A_1332 = arith.constant 5 : i32
        %add3A_1333 = arith.addi %mul3A_1299, %add3A_1332 : i32
        %get3A_1334 = arith.index_cast %add3A_1333 : i32 to index
        %get3A_1335 = arith.constant 0 : index
        %get3A_1336 = tpu.vector_load %arg12[%get3A_1334, %get3A_1335] {strides = array<i32>} : memref<640x64xf32, #tpu.memory_space<vmem>>, vector<1x16xf32>,
        %get3A_1337 = vector.shape_cast %get3A_1336 : vector<1x16xf32> to vector<16xf32>
        %add3A_1338 = arith.addf %add3A_1331, %get3A_1337 : vector<16xf32>
        %add3A_1339 = arith.constant 6 : i32
        %add3A_1340 = arith.addi %mul3A_1299, %add3A_1339 : i32
        %get3A_1341 = arith.index_cast %add3A_1340 : i32 to index
        %get3A_1342 = arith.constant 0 : index
        %get3A_1343 = tpu.vector_load %arg12[%get3A_1341, %get3A_1342] {strides = array<i32>} : memref<640x64xf32, #tpu.memory_space<vmem>>, vector<1x16xf32>,
        %get3A_1344 = vector.shape_cast %get3A_1343 : vector<1x16xf32> to vector<16xf32>
        %add3A_1345 = arith.addf %add3A_1338, %get3A_1344 : vector<16xf32>
        %add3A_1346 = arith.constant 7 : i32
        %add3A_1347 = arith.addi %mul3A_1299, %add3A_1346 : i32
        %get3A_1348 = arith.index_cast %add3A_1347 : i32 to index
        %get3A_1349 = arith.constant 0 : index
        %get3A_1350 = tpu.vector_load %arg12[%get3A_1348, %get3A_1349] {strides = array<i32>} : memref<640x64xf32, #tpu.memory_space<vmem>>, vector<1x16xf32>,
        %get3A_1351 = vector.shape_cast %get3A_1350 : vector<1x16xf32> to vector<16xf32>
        %add3A_1352 = arith.addf %add3A_1345, %get3A_1351 : vector<16xf32>
        %add3A_1353 = arith.constant 8 : i32
        %add3A_1354 = arith.addi %mul3A_1299, %add3A_1353 : i32
        %get3A_1355 = arith.index_cast %add3A_1354 : i32 to index
        %get3A_1356 = arith.constant 0 : index
        %get3A_1357 = tpu.vector_load %arg12[%get3A_1355, %get3A_1356] {strides = array<i32>} : memref<640x64xf32, #tpu.memory_space<vmem>>, vector<1x16xf32>,
        %get3A_1358 = vector.shape_cast %get3A_1357 : vector<1x16xf32> to vector<16xf32>
        %add3A_1359 = arith.addf %add3A_1352, %get3A_1358 : vector<16xf32>
        %add3A_1360 = arith.constant 9 : i32
        %add3A_1361 = arith.addi %mul3A_1299, %add3A_1360 : i32
        %get3A_1362 = arith.index_cast %add3A_1361 : i32 to index
        %get3A_1363 = arith.constant 0 : index
        %get3A_1364 = tpu.vector_load %arg12[%get3A_1362, %get3A_1363] {strides = array<i32>} : memref<640x64xf32, #tpu.memory_space<vmem>>, vector<1x16xf32>,
        %get3A_1365 = vector.shape_cast %get3A_1364 : vector<1x16xf32> to vector<16xf32>
        %add3A_1366 = arith.addf %add3A_1359, %get3A_1365 : vector<16xf32>
        %add3A_1367 = arith.constant 10 : i32
        %add3A_1368 = arith.addi %mul3A_1299, %add3A_1367 : i32
        %get3A_1369 = arith.index_cast %add3A_1368 : i32 to index
        %get3A_1370 = arith.constant 0 : index
        %get3A_1371 = tpu.vector_load %arg12[%get3A_1369, %get3A_1370] {strides = array<i32>} : memref<640x64xf32, #tpu.memory_space<vmem>>, vector<1x16xf32>,
        %get3A_1372 = vector.shape_cast %get3A_1371 : vector<1x16xf32> to vector<16xf32>
        %add3A_1373 = arith.addf %add3A_1366, %get3A_1372 : vector<16xf32>
        %add3A_1374 = arith.constant 11 : i32
        %add3A_1375 = arith.addi %mul3A_1299, %add3A_1374 : i32
        %get3A_1376 = arith.index_cast %add3A_1375 : i32 to index
        %get3A_1377 = arith.constant 0 : index
        %get3A_1378 = tpu.vector_load %arg12[%get3A_1376, %get3A_1377] {strides = array<i32>} : memref<640x64xf32, #tpu.memory_space<vmem>>, vector<1x16xf32>,
        %get3A_1379 = vector.shape_cast %get3A_1378 : vector<1x16xf32> to vector<16xf32>
        %add3A_1380 = arith.addf %add3A_1373, %get3A_1379 : vector<16xf32>
        %add3A_1381 = arith.constant 12 : i32
        %add3A_1382 = arith.addi %mul3A_1299, %add3A_1381 : i32
        %get3A_1383 = arith.index_cast %add3A_1382 : i32 to index
        %get3A_1384 = arith.constant 0 : index
        %get3A_1385 = tpu.vector_load %arg12[%get3A_1383, %get3A_1384] {strides = array<i32>} : memref<640x64xf32, #tpu.memory_space<vmem>>, vector<1x16xf32>,
        %get3A_1386 = vector.shape_cast %get3A_1385 : vector<1x16xf32> to vector<16xf32>
        %add3A_1387 = arith.addf %add3A_1380, %get3A_1386 : vector<16xf32>
        %add3A_1388 = arith.constant 13 : i32
        %add3A_1389 = arith.addi %mul3A_1299, %add3A_1388 : i32
        %get3A_1390 = arith.index_cast %add3A_1389 : i32 to index
        %get3A_1391 = arith.constant 0 : index
        %get3A_1392 = tpu.vector_load %arg12[%get3A_1390, %get3A_1391] {strides = array<i32>} : memref<640x64xf32, #tpu.memory_space<vmem>>, vector<1x16xf32>,
        %get3A_1393 = vector.shape_cast %get3A_1392 : vector<1x16xf32> to vector<16xf32>
        %add3A_1394 = arith.addf %add3A_1387, %get3A_1393 : vector<16xf32>
        %add3A_1395 = arith.constant 14 : i32
        %add3A_1396 = arith.addi %mul3A_1299, %add3A_1395 : i32
        %get3A_1397 = arith.index_cast %add3A_1396 : i32 to index
        %get3A_1398 = arith.constant 0 : index
        %get3A_1399 = tpu.vector_load %arg12[%get3A_1397, %get3A_1398] {strides = array<i32>} : memref<640x64xf32, #tpu.memory_space<vmem>>, vector<1x16xf32>,
        %get3A_1400 = vector.shape_cast %get3A_1399 : vector<1x16xf32> to vector<16xf32>
        %add3A_1401 = arith.addf %add3A_1394, %get3A_1400 : vector<16xf32>
        %add3A_1402 = arith.constant 15 : i32
        %add3A_1403 = arith.addi %mul3A_1299, %add3A_1402 : i32
        %get3A_1404 = arith.index_cast %add3A_1403 : i32 to index
        %get3A_1405 = arith.constant 0 : index
        %get3A_1406 = tpu.vector_load %arg12[%get3A_1404, %get3A_1405] {strides = array<i32>} : memref<640x64xf32, #tpu.memory_space<vmem>>, vector<1x16xf32>,
        %get3A_1407 = vector.shape_cast %get3A_1406 : vector<1x16xf32> to vector<16xf32>
        %add3A_1408 = arith.addf %add3A_1401, %get3A_1407 : vector<16xf32>
        %add3A_1409 = arith.constant 16 : i32
        %add3A_1410 = arith.addi %mul3A_1299, %add3A_1409 : i32
        %get3A_1411 = arith.index_cast %add3A_1410 : i32 to index
        %get3A_1412 = arith.constant 0 : index
        %get3A_1413 = tpu.vector_load %arg12[%get3A_1411, %get3A_1412] {strides = array<i32>} : memref<640x64xf32, #tpu.memory_space<vmem>>, vector<1x16xf32>,
        %get3A_1414 = vector.shape_cast %get3A_1413 : vector<1x16xf32> to vector<16xf32>
        %add3A_1415 = arith.addf %add3A_1408, %get3A_1414 : vector<16xf32>
        %add3A_1416 = arith.constant 17 : i32
        %add3A_1417 = arith.addi %mul3A_1299, %add3A_1416 : i32
        %get3A_1418 = arith.index_cast %add3A_1417 : i32 to index
        %get3A_1419 = arith.constant 0 : index
        %get3A_1420 = tpu.vector_load %arg12[%get3A_1418, %get3A_1419] {strides = array<i32>} : memref<640x64xf32, #tpu.memory_space<vmem>>, vector<1x16xf32>,
        %get3A_1421 = vector.shape_cast %get3A_1420 : vector<1x16xf32> to vector<16xf32>
        %add3A_1422 = arith.addf %add3A_1415, %get3A_1421 : vector<16xf32>
        %add3A_1423 = arith.constant 18 : i32
        %add3A_1424 = arith.addi %mul3A_1299, %add3A_1423 : i32
        %get3A_1425 = arith.index_cast %add3A_1424 : i32 to index
        %get3A_1426 = arith.constant 0 : index
        %get3A_1427 = tpu.vector_load %arg12[%get3A_1425, %get3A_1426] {strides = array<i32>} : memref<640x64xf32, #tpu.memory_space<vmem>>, vector<1x16xf32>,
        %get3A_1428 = vector.shape_cast %get3A_1427 : vector<1x16xf32> to vector<16xf32>
        %add3A_1429 = arith.addf %add3A_1422, %get3A_1428 : vector<16xf32>
        %add3A_1430 = arith.constant 19 : i32
        %add3A_1431 = arith.addi %mul3A_1299, %add3A_1430 : i32
        %get3A_1432 = arith.index_cast %add3A_1431 : i32 to index
        %get3A_1433 = arith.constant 0 : index
        %get3A_1434 = tpu.vector_load %arg12[%get3A_1432, %get3A_1433] {strides = array<i32>} : memref<640x64xf32, #tpu.memory_space<vmem>>, vector<1x16xf32>,
        %get3A_1435 = vector.shape_cast %get3A_1434 : vector<1x16xf32> to vector<16xf32>
        %add3A_1436 = arith.addf %add3A_1429, %get3A_1435 : vector<16xf32>
        %swap3A_1437 = arith.index_cast %scan3A_1297 : i32 to index
        %swap3A_1438 = arith.constant 0 : index
        %swap3A_1439 = tpu.vector_load %arg14[%swap3A_1437, %swap3A_1438] {strides = array<i32>} : memref<32x64xf32, #tpu.memory_space<vmem>>, vector<1x16xf32>,
        %swap3A_1440 = vector.shape_cast %swap3A_1439 : vector<1x16xf32> to vector<16xf32>
        %swap3A_1441 = vector.shape_cast %add3A_1436 : vector<16xf32> to vector<1x16xf32>
        tpu.vector_store %arg14[%swap3A_1437, %swap3A_1438], %swap3A_1441 {strides = array<i32>} : memref<32x64xf32, #tpu.memory_space<vmem>>, vector<1x16xf32>,
        %get3A_1442 = arith.index_cast %mul3A_1299 : i32 to index
        %get3A_1443 = arith.constant 16 : index
        %get3A_1444 = tpu.vector_load %arg12[%get3A_1442, %get3A_1443] {strides = array<i32>} : memref<640x64xf32, #tpu.memory_space<vmem>>, vector<1x16xf32>,
        %get3A_1445 = vector.shape_cast %get3A_1444 : vector<1x16xf32> to vector<16xf32>
        %add3A_1446 = arith.constant 1 : i32
        %add3A_1447 = arith.addi %mul3A_1299, %add3A_1446 : i32
        %get3A_1448 = arith.index_cast %add3A_1447 : i32 to index
        %get3A_1449 = arith.constant 16 : index
        %get3A_1450 = tpu.vector_load %arg12[%get3A_1448, %get3A_1449] {strides = array<i32>} : memref<640x64xf32, #tpu.memory_space<vmem>>, vector<1x16xf32>,
        %get3A_1451 = vector.shape_cast %get3A_1450 : vector<1x16xf32> to vector<16xf32>
        %add3A_1452 = arith.addf %get3A_1445, %get3A_1451 : vector<16xf32>
        %add3A_1453 = arith.constant 2 : i32
        %add3A_1454 = arith.addi %mul3A_1299, %add3A_1453 : i32
        %get3A_1455 = arith.index_cast %add3A_1454 : i32 to index
        %get3A_1456 = arith.constant 16 : index
        %get3A_1457 = tpu.vector_load %arg12[%get3A_1455, %get3A_1456] {strides = array<i32>} : memref<640x64xf32, #tpu.memory_space<vmem>>, vector<1x16xf32>,
        %get3A_1458 = vector.shape_cast %get3A_1457 : vector<1x16xf32> to vector<16xf32>
        %add3A_1459 = arith.addf %add3A_1452, %get3A_1458 : vector<16xf32>
        %add3A_1460 = arith.constant 3 : i32
        %add3A_1461 = arith.addi %mul3A_1299, %add3A_1460 : i32
        %get3A_1462 = arith.index_cast %add3A_1461 : i32 to index
        %get3A_1463 = arith.constant 16 : index
        %get3A_1464 = tpu.vector_load %arg12[%get3A_1462, %get3A_1463] {strides = array<i32>} : memref<640x64xf32, #tpu.memory_space<vmem>>, vector<1x16xf32>,
        %get3A_1465 = vector.shape_cast %get3A_1464 : vector<1x16xf32> to vector<16xf32>
        %add3A_1466 = arith.addf %add3A_1459, %get3A_1465 : vector<16xf32>
        %add3A_1467 = arith.constant 4 : i32
        %add3A_1468 = arith.addi %mul3A_1299, %add3A_1467 : i32
        %get3A_1469 = arith.index_cast %add3A_1468 : i32 to index
        %get3A_1470 = arith.constant 16 : index
        %get3A_1471 = tpu.vector_load %arg12[%get3A_1469, %get3A_1470] {strides = array<i32>} : memref<640x64xf32, #tpu.memory_space<vmem>>, vector<1x16xf32>,
        %get3A_1472 = vector.shape_cast %get3A_1471 : vector<1x16xf32> to vector<16xf32>
        %add3A_1473 = arith.addf %add3A_1466, %get3A_1472 : vector<16xf32>
        %add3A_1474 = arith.constant 5 : i32
        %add3A_1475 = arith.addi %mul3A_1299, %add3A_1474 : i32
        %get3A_1476 = arith.index_cast %add3A_1475 : i32 to index
        %get3A_1477 = arith.constant 16 : index
        %get3A_1478 = tpu.vector_load %arg12[%get3A_1476, %get3A_1477] {strides = array<i32>} : memref<640x64xf32, #tpu.memory_space<vmem>>, vector<1x16xf32>,
        %get3A_1479 = vector.shape_cast %get3A_1478 : vector<1x16xf32> to vector<16xf32>
        %add3A_1480 = arith.addf %add3A_1473, %get3A_1479 : vector<16xf32>
        %add3A_1481 = arith.constant 6 : i32
        %add3A_1482 = arith.addi %mul3A_1299, %add3A_1481 : i32
        %get3A_1483 = arith.index_cast %add3A_1482 : i32 to index
        %get3A_1484 = arith.constant 16 : index
        %get3A_1485 = tpu.vector_load %arg12[%get3A_1483, %get3A_1484] {strides = array<i32>} : memref<640x64xf32, #tpu.memory_space<vmem>>, vector<1x16xf32>,
        %get3A_1486 = vector.shape_cast %get3A_1485 : vector<1x16xf32> to vector<16xf32>
        %add3A_1487 = arith.addf %add3A_1480, %get3A_1486 : vector<16xf32>
        %add3A_1488 = arith.constant 7 : i32
        %add3A_1489 = arith.addi %mul3A_1299, %add3A_1488 : i32
        %get3A_1490 = arith.index_cast %add3A_1489 : i32 to index
        %get3A_1491 = arith.constant 16 : index
        %get3A_1492 = tpu.vector_load %arg12[%get3A_1490, %get3A_1491] {strides = array<i32>} : memref<640x64xf32, #tpu.memory_space<vmem>>, vector<1x16xf32>,
        %get3A_1493 = vector.shape_cast %get3A_1492 : vector<1x16xf32> to vector<16xf32>
        %add3A_1494 = arith.addf %add3A_1487, %get3A_1493 : vector<16xf32>
        %add3A_1495 = arith.constant 8 : i32
        %add3A_1496 = arith.addi %mul3A_1299, %add3A_1495 : i32
        %get3A_1497 = arith.index_cast %add3A_1496 : i32 to index
        %get3A_1498 = arith.constant 16 : index
        %get3A_1499 = tpu.vector_load %arg12[%get3A_1497, %get3A_1498] {strides = array<i32>} : memref<640x64xf32, #tpu.memory_space<vmem>>, vector<1x16xf32>,
        %get3A_1500 = vector.shape_cast %get3A_1499 : vector<1x16xf32> to vector<16xf32>
        %add3A_1501 = arith.addf %add3A_1494, %get3A_1500 : vector<16xf32>
        %add3A_1502 = arith.constant 9 : i32
        %add3A_1503 = arith.addi %mul3A_1299, %add3A_1502 : i32
        %get3A_1504 = arith.index_cast %add3A_1503 : i32 to index
        %get3A_1505 = arith.constant 16 : index
        %get3A_1506 = tpu.vector_load %arg12[%get3A_1504, %get3A_1505] {strides = array<i32>} : memref<640x64xf32, #tpu.memory_space<vmem>>, vector<1x16xf32>,
        %get3A_1507 = vector.shape_cast %get3A_1506 : vector<1x16xf32> to vector<16xf32>
        %add3A_1508 = arith.addf %add3A_1501, %get3A_1507 : vector<16xf32>
        %add3A_1509 = arith.constant 10 : i32
        %add3A_1510 = arith.addi %mul3A_1299, %add3A_1509 : i32
        %get3A_1511 = arith.index_cast %add3A_1510 : i32 to index
        %get3A_1512 = arith.constant 16 : index
        %get3A_1513 = tpu.vector_load %arg12[%get3A_1511, %get3A_1512] {strides = array<i32>} : memref<640x64xf32, #tpu.memory_space<vmem>>, vector<1x16xf32>,
        %get3A_1514 = vector.shape_cast %get3A_1513 : vector<1x16xf32> to vector<16xf32>
        %add3A_1515 = arith.addf %add3A_1508, %get3A_1514 : vector<16xf32>
        %add3A_1516 = arith.constant 11 : i32
        %add3A_1517 = arith.addi %mul3A_1299, %add3A_1516 : i32
        %get3A_1518 = arith.index_cast %add3A_1517 : i32 to index
        %get3A_1519 = arith.constant 16 : index
        %get3A_1520 = tpu.vector_load %arg12[%get3A_1518, %get3A_1519] {strides = array<i32>} : memref<640x64xf32, #tpu.memory_space<vmem>>, vector<1x16xf32>,
        %get3A_1521 = vector.shape_cast %get3A_1520 : vector<1x16xf32> to vector<16xf32>
        %add3A_1522 = arith.addf %add3A_1515, %get3A_1521 : vector<16xf32>
        %add3A_1523 = arith.constant 12 : i32
        %add3A_1524 = arith.addi %mul3A_1299, %add3A_1523 : i32
        %get3A_1525 = arith.index_cast %add3A_1524 : i32 to index
        %get3A_1526 = arith.constant 16 : index
        %get3A_1527 = tpu.vector_load %arg12[%get3A_1525, %get3A_1526] {strides = array<i32>} : memref<640x64xf32, #tpu.memory_space<vmem>>, vector<1x16xf32>,
        %get3A_1528 = vector.shape_cast %get3A_1527 : vector<1x16xf32> to vector<16xf32>
        %add3A_1529 = arith.addf %add3A_1522, %get3A_1528 : vector<16xf32>
        %add3A_1530 = arith.constant 13 : i32
        %add3A_1531 = arith.addi %mul3A_1299, %add3A_1530 : i32
        %get3A_1532 = arith.index_cast %add3A_1531 : i32 to index
        %get3A_1533 = arith.constant 16 : index
        %get3A_1534 = tpu.vector_load %arg12[%get3A_1532, %get3A_1533] {strides = array<i32>} : memref<640x64xf32, #tpu.memory_space<vmem>>, vector<1x16xf32>,
        %get3A_1535 = vector.shape_cast %get3A_1534 : vector<1x16xf32> to vector<16xf32>
        %add3A_1536 = arith.addf %add3A_1529, %get3A_1535 : vector<16xf32>
        %add3A_1537 = arith.constant 14 : i32
        %add3A_1538 = arith.addi %mul3A_1299, %add3A_1537 : i32
        %get3A_1539 = arith.index_cast %add3A_1538 : i32 to index
        %get3A_1540 = arith.constant 16 : index
        %get3A_1541 = tpu.vector_load %arg12[%get3A_1539, %get3A_1540] {strides = array<i32>} : memref<640x64xf32, #tpu.memory_space<vmem>>, vector<1x16xf32>,
        %get3A_1542 = vector.shape_cast %get3A_1541 : vector<1x16xf32> to vector<16xf32>
        %add3A_1543 = arith.addf %add3A_1536, %get3A_1542 : vector<16xf32>
        %add3A_1544 = arith.constant 15 : i32
        %add3A_1545 = arith.addi %mul3A_1299, %add3A_1544 : i32
        %get3A_1546 = arith.index_cast %add3A_1545 : i32 to index
        %get3A_1547 = arith.constant 16 : index
        %get3A_1548 = tpu.vector_load %arg12[%get3A_1546, %get3A_1547] {strides = array<i32>} : memref<640x64xf32, #tpu.memory_space<vmem>>, vector<1x16xf32>,
        %get3A_1549 = vector.shape_cast %get3A_1548 : vector<1x16xf32> to vector<16xf32>
        %add3A_1550 = arith.addf %add3A_1543, %get3A_1549 : vector<16xf32>
        %add3A_1551 = arith.constant 16 : i32
        %add3A_1552 = arith.addi %mul3A_1299, %add3A_1551 : i32
        %get3A_1553 = arith.index_cast %add3A_1552 : i32 to index
        %get3A_1554 = arith.constant 16 : index
        %get3A_1555 = tpu.vector_load %arg12[%get3A_1553, %get3A_1554] {strides = array<i32>} : memref<640x64xf32, #tpu.memory_space<vmem>>, vector<1x16xf32>,
        %get3A_1556 = vector.shape_cast %get3A_1555 : vector<1x16xf32> to vector<16xf32>
        %add3A_1557 = arith.addf %add3A_1550, %get3A_1556 : vector<16xf32>
        %add3A_1558 = arith.constant 17 : i32
        %add3A_1559 = arith.addi %mul3A_1299, %add3A_1558 : i32
        %get3A_1560 = arith.index_cast %add3A_1559 : i32 to index
        %get3A_1561 = arith.constant 16 : index
        %get3A_1562 = tpu.vector_load %arg12[%get3A_1560, %get3A_1561] {strides = array<i32>} : memref<640x64xf32, #tpu.memory_space<vmem>>, vector<1x16xf32>,
        %get3A_1563 = vector.shape_cast %get3A_1562 : vector<1x16xf32> to vector<16xf32>
        %add3A_1564 = arith.addf %add3A_1557, %get3A_1563 : vector<16xf32>
        %add3A_1565 = arith.constant 18 : i32
        %add3A_1566 = arith.addi %mul3A_1299, %add3A_1565 : i32
        %get3A_1567 = arith.index_cast %add3A_1566 : i32 to index
        %get3A_1568 = arith.constant 16 : index
        %get3A_1569 = tpu.vector_load %arg12[%get3A_1567, %get3A_1568] {strides = array<i32>} : memref<640x64xf32, #tpu.memory_space<vmem>>, vector<1x16xf32>,
        %get3A_1570 = vector.shape_cast %get3A_1569 : vector<1x16xf32> to vector<16xf32>
        %add3A_1571 = arith.addf %add3A_1564, %get3A_1570 : vector<16xf32>
        %add3A_1572 = arith.constant 19 : i32
        %add3A_1573 = arith.addi %mul3A_1299, %add3A_1572 : i32
        %get3A_1574 = arith.index_cast %add3A_1573 : i32 to index
        %get3A_1575 = arith.constant 16 : index
        %get3A_1576 = tpu.vector_load %arg12[%get3A_1574, %get3A_1575] {strides = array<i32>} : memref<640x64xf32, #tpu.memory_space<vmem>>, vector<1x16xf32>,
        %get3A_1577 = vector.shape_cast %get3A_1576 : vector<1x16xf32> to vector<16xf32>
        %add3A_1578 = arith.addf %add3A_1571, %get3A_1577 : vector<16xf32>
        %swap3A_1579 = arith.index_cast %scan3A_1297 : i32 to index
        %swap3A_1580 = arith.constant 16 : index
        %swap3A_1581 = tpu.vector_load %arg14[%swap3A_1579, %swap3A_1580] {strides = array<i32>} : memref<32x64xf32, #tpu.memory_space<vmem>>, vector<1x16xf32>,
        %swap3A_1582 = vector.shape_cast %swap3A_1581 : vector<1x16xf32> to vector<16xf32>
        %swap3A_1583 = vector.shape_cast %add3A_1578 : vector<16xf32> to vector<1x16xf32>
        tpu.vector_store %arg14[%swap3A_1579, %swap3A_1580], %swap3A_1583 {strides = array<i32>} : memref<32x64xf32, #tpu.memory_space<vmem>>, vector<1x16xf32>,
        %get3A_1584 = arith.index_cast %mul3A_1299 : i32 to index
        %get3A_1585 = arith.constant 32 : index
        %get3A_1586 = tpu.vector_load %arg12[%get3A_1584, %get3A_1585] {strides = array<i32>} : memref<640x64xf32, #tpu.memory_space<vmem>>, vector<1x16xf32>,
        %get3A_1587 = vector.shape_cast %get3A_1586 : vector<1x16xf32> to vector<16xf32>
        %add3A_1588 = arith.constant 1 : i32
        %add3A_1589 = arith.addi %mul3A_1299, %add3A_1588 : i32
        %get3A_1590 = arith.index_cast %add3A_1589 : i32 to index
        %get3A_1591 = arith.constant 32 : index
        %get3A_1592 = tpu.vector_load %arg12[%get3A_1590, %get3A_1591] {strides = array<i32>} : memref<640x64xf32, #tpu.memory_space<vmem>>, vector<1x16xf32>,
        %get3A_1593 = vector.shape_cast %get3A_1592 : vector<1x16xf32> to vector<16xf32>
        %add3A_1594 = arith.addf %get3A_1587, %get3A_1593 : vector<16xf32>
        %add3A_1595 = arith.constant 2 : i32
        %add3A_1596 = arith.addi %mul3A_1299, %add3A_1595 : i32
        %get3A_1597 = arith.index_cast %add3A_1596 : i32 to index
        %get3A_1598 = arith.constant 32 : index
        %get3A_1599 = tpu.vector_load %arg12[%get3A_1597, %get3A_1598] {strides = array<i32>} : memref<640x64xf32, #tpu.memory_space<vmem>>, vector<1x16xf32>,
        %get3A_1600 = vector.shape_cast %get3A_1599 : vector<1x16xf32> to vector<16xf32>
        %add3A_1601 = arith.addf %add3A_1594, %get3A_1600 : vector<16xf32>
        %add3A_1602 = arith.constant 3 : i32
        %add3A_1603 = arith.addi %mul3A_1299, %add3A_1602 : i32
        %get3A_1604 = arith.index_cast %add3A_1603 : i32 to index
        %get3A_1605 = arith.constant 32 : index
        %get3A_1606 = tpu.vector_load %arg12[%get3A_1604, %get3A_1605] {strides = array<i32>} : memref<640x64xf32, #tpu.memory_space<vmem>>, vector<1x16xf32>,
        %get3A_1607 = vector.shape_cast %get3A_1606 : vector<1x16xf32> to vector<16xf32>
        %add3A_1608 = arith.addf %add3A_1601, %get3A_1607 : vector<16xf32>
        %add3A_1609 = arith.constant 4 : i32
        %add3A_1610 = arith.addi %mul3A_1299, %add3A_1609 : i32
        %get3A_1611 = arith.index_cast %add3A_1610 : i32 to index
        %get3A_1612 = arith.constant 32 : index
        %get3A_1613 = tpu.vector_load %arg12[%get3A_1611, %get3A_1612] {strides = array<i32>} : memref<640x64xf32, #tpu.memory_space<vmem>>, vector<1x16xf32>,
        %get3A_1614 = vector.shape_cast %get3A_1613 : vector<1x16xf32> to vector<16xf32>
        %add3A_1615 = arith.addf %add3A_1608, %get3A_1614 : vector<16xf32>
        %add3A_1616 = arith.constant 5 : i32
        %add3A_1617 = arith.addi %mul3A_1299, %add3A_1616 : i32
        %get3A_1618 = arith.index_cast %add3A_1617 : i32 to index
        %get3A_1619 = arith.constant 32 : index
        %get3A_1620 = tpu.vector_load %arg12[%get3A_1618, %get3A_1619] {strides = array<i32>} : memref<640x64xf32, #tpu.memory_space<vmem>>, vector<1x16xf32>,
        %get3A_1621 = vector.shape_cast %get3A_1620 : vector<1x16xf32> to vector<16xf32>
        %add3A_1622 = arith.addf %add3A_1615, %get3A_1621 : vector<16xf32>
        %add3A_1623 = arith.constant 6 : i32
        %add3A_1624 = arith.addi %mul3A_1299, %add3A_1623 : i32
        %get3A_1625 = arith.index_cast %add3A_1624 : i32 to index
        %get3A_1626 = arith.constant 32 : index
        %get3A_1627 = tpu.vector_load %arg12[%get3A_1625, %get3A_1626] {strides = array<i32>} : memref<640x64xf32, #tpu.memory_space<vmem>>, vector<1x16xf32>,
        %get3A_1628 = vector.shape_cast %get3A_1627 : vector<1x16xf32> to vector<16xf32>
        %add3A_1629 = arith.addf %add3A_1622, %get3A_1628 : vector<16xf32>
        %add3A_1630 = arith.constant 7 : i32
        %add3A_1631 = arith.addi %mul3A_1299, %add3A_1630 : i32
        %get3A_1632 = arith.index_cast %add3A_1631 : i32 to index
        %get3A_1633 = arith.constant 32 : index
        %get3A_1634 = tpu.vector_load %arg12[%get3A_1632, %get3A_1633] {strides = array<i32>} : memref<640x64xf32, #tpu.memory_space<vmem>>, vector<1x16xf32>,
        %get3A_1635 = vector.shape_cast %get3A_1634 : vector<1x16xf32> to vector<16xf32>
        %add3A_1636 = arith.addf %add3A_1629, %get3A_1635 : vector<16xf32>
        %add3A_1637 = arith.constant 8 : i32
        %add3A_1638 = arith.addi %mul3A_1299, %add3A_1637 : i32
        %get3A_1639 = arith.index_cast %add3A_1638 : i32 to index
        %get3A_1640 = arith.constant 32 : index
        %get3A_1641 = tpu.vector_load %arg12[%get3A_1639, %get3A_1640] {strides = array<i32>} : memref<640x64xf32, #tpu.memory_space<vmem>>, vector<1x16xf32>,
        %get3A_1642 = vector.shape_cast %get3A_1641 : vector<1x16xf32> to vector<16xf32>
        %add3A_1643 = arith.addf %add3A_1636, %get3A_1642 : vector<16xf32>
        %add3A_1644 = arith.constant 9 : i32
        %add3A_1645 = arith.addi %mul3A_1299, %add3A_1644 : i32
        %get3A_1646 = arith.index_cast %add3A_1645 : i32 to index
        %get3A_1647 = arith.constant 32 : index
        %get3A_1648 = tpu.vector_load %arg12[%get3A_1646, %get3A_1647] {strides = array<i32>} : memref<640x64xf32, #tpu.memory_space<vmem>>, vector<1x16xf32>,
        %get3A_1649 = vector.shape_cast %get3A_1648 : vector<1x16xf32> to vector<16xf32>
        %add3A_1650 = arith.addf %add3A_1643, %get3A_1649 : vector<16xf32>
        %add3A_1651 = arith.constant 10 : i32
        %add3A_1652 = arith.addi %mul3A_1299, %add3A_1651 : i32
        %get3A_1653 = arith.index_cast %add3A_1652 : i32 to index
        %get3A_1654 = arith.constant 32 : index
        %get3A_1655 = tpu.vector_load %arg12[%get3A_1653, %get3A_1654] {strides = array<i32>} : memref<640x64xf32, #tpu.memory_space<vmem>>, vector<1x16xf32>,
        %get3A_1656 = vector.shape_cast %get3A_1655 : vector<1x16xf32> to vector<16xf32>
        %add3A_1657 = arith.addf %add3A_1650, %get3A_1656 : vector<16xf32>
        %add3A_1658 = arith.constant 11 : i32
        %add3A_1659 = arith.addi %mul3A_1299, %add3A_1658 : i32
        %get3A_1660 = arith.index_cast %add3A_1659 : i32 to index
        %get3A_1661 = arith.constant 32 : index
        %get3A_1662 = tpu.vector_load %arg12[%get3A_1660, %get3A_1661] {strides = array<i32>} : memref<640x64xf32, #tpu.memory_space<vmem>>, vector<1x16xf32>,
        %get3A_1663 = vector.shape_cast %get3A_1662 : vector<1x16xf32> to vector<16xf32>
        %add3A_1664 = arith.addf %add3A_1657, %get3A_1663 : vector<16xf32>
        %add3A_1665 = arith.constant 12 : i32
        %add3A_1666 = arith.addi %mul3A_1299, %add3A_1665 : i32
        %get3A_1667 = arith.index_cast %add3A_1666 : i32 to index
        %get3A_1668 = arith.constant 32 : index
        %get3A_1669 = tpu.vector_load %arg12[%get3A_1667, %get3A_1668] {strides = array<i32>} : memref<640x64xf32, #tpu.memory_space<vmem>>, vector<1x16xf32>,
        %get3A_1670 = vector.shape_cast %get3A_1669 : vector<1x16xf32> to vector<16xf32>
        %add3A_1671 = arith.addf %add3A_1664, %get3A_1670 : vector<16xf32>
        %add3A_1672 = arith.constant 13 : i32
        %add3A_1673 = arith.addi %mul3A_1299, %add3A_1672 : i32
        %get3A_1674 = arith.index_cast %add3A_1673 : i32 to index
        %get3A_1675 = arith.constant 32 : index
        %get3A_1676 = tpu.vector_load %arg12[%get3A_1674, %get3A_1675] {strides = array<i32>} : memref<640x64xf32, #tpu.memory_space<vmem>>, vector<1x16xf32>,
        %get3A_1677 = vector.shape_cast %get3A_1676 : vector<1x16xf32> to vector<16xf32>
        %add3A_1678 = arith.addf %add3A_1671, %get3A_1677 : vector<16xf32>
        %add3A_1679 = arith.constant 14 : i32
        %add3A_1680 = arith.addi %mul3A_1299, %add3A_1679 : i32
        %get3A_1681 = arith.index_cast %add3A_1680 : i32 to index
        %get3A_1682 = arith.constant 32 : index
        %get3A_1683 = tpu.vector_load %arg12[%get3A_1681, %get3A_1682] {strides = array<i32>} : memref<640x64xf32, #tpu.memory_space<vmem>>, vector<1x16xf32>,
        %get3A_1684 = vector.shape_cast %get3A_1683 : vector<1x16xf32> to vector<16xf32>
        %add3A_1685 = arith.addf %add3A_1678, %get3A_1684 : vector<16xf32>
        %add3A_1686 = arith.constant 15 : i32
        %add3A_1687 = arith.addi %mul3A_1299, %add3A_1686 : i32
        %get3A_1688 = arith.index_cast %add3A_1687 : i32 to index
        %get3A_1689 = arith.constant 32 : index
        %get3A_1690 = tpu.vector_load %arg12[%get3A_1688, %get3A_1689] {strides = array<i32>} : memref<640x64xf32, #tpu.memory_space<vmem>>, vector<1x16xf32>,
        %get3A_1691 = vector.shape_cast %get3A_1690 : vector<1x16xf32> to vector<16xf32>
        %add3A_1692 = arith.addf %add3A_1685, %get3A_1691 : vector<16xf32>
        %add3A_1693 = arith.constant 16 : i32
        %add3A_1694 = arith.addi %mul3A_1299, %add3A_1693 : i32
        %get3A_1695 = arith.index_cast %add3A_1694 : i32 to index
        %get3A_1696 = arith.constant 32 : index
        %get3A_1697 = tpu.vector_load %arg12[%get3A_1695, %get3A_1696] {strides = array<i32>} : memref<640x64xf32, #tpu.memory_space<vmem>>, vector<1x16xf32>,
        %get3A_1698 = vector.shape_cast %get3A_1697 : vector<1x16xf32> to vector<16xf32>
        %add3A_1699 = arith.addf %add3A_1692, %get3A_1698 : vector<16xf32>
        %add3A_1700 = arith.constant 17 : i32
        %add3A_1701 = arith.addi %mul3A_1299, %add3A_1700 : i32
        %get3A_1702 = arith.index_cast %add3A_1701 : i32 to index
        %get3A_1703 = arith.constant 32 : index
        %get3A_1704 = tpu.vector_load %arg12[%get3A_1702, %get3A_1703] {strides = array<i32>} : memref<640x64xf32, #tpu.memory_space<vmem>>, vector<1x16xf32>,
        %get3A_1705 = vector.shape_cast %get3A_1704 : vector<1x16xf32> to vector<16xf32>
        %add3A_1706 = arith.addf %add3A_1699, %get3A_1705 : vector<16xf32>
        %add3A_1707 = arith.constant 18 : i32
        %add3A_1708 = arith.addi %mul3A_1299, %add3A_1707 : i32
        %get3A_1709 = arith.index_cast %add3A_1708 : i32 to index
        %get3A_1710 = arith.constant 32 : index
        %get3A_1711 = tpu.vector_load %arg12[%get3A_1709, %get3A_1710] {strides = array<i32>} : memref<640x64xf32, #tpu.memory_space<vmem>>, vector<1x16xf32>,
        %get3A_1712 = vector.shape_cast %get3A_1711 : vector<1x16xf32> to vector<16xf32>
        %add3A_1713 = arith.addf %add3A_1706, %get3A_1712 : vector<16xf32>
        %add3A_1714 = arith.constant 19 : i32
        %add3A_1715 = arith.addi %mul3A_1299, %add3A_1714 : i32
        %get3A_1716 = arith.index_cast %add3A_1715 : i32 to index
        %get3A_1717 = arith.constant 32 : index
        %get3A_1718 = tpu.vector_load %arg12[%get3A_1716, %get3A_1717] {strides = array<i32>} : memref<640x64xf32, #tpu.memory_space<vmem>>, vector<1x16xf32>,
        %get3A_1719 = vector.shape_cast %get3A_1718 : vector<1x16xf32> to vector<16xf32>
        %add3A_1720 = arith.addf %add3A_1713, %get3A_1719 : vector<16xf32>
        %swap3A_1721 = arith.index_cast %scan3A_1297 : i32 to index
        %swap3A_1722 = arith.constant 32 : index
        %swap3A_1723 = tpu.vector_load %arg14[%swap3A_1721, %swap3A_1722] {strides = array<i32>} : memref<32x64xf32, #tpu.memory_space<vmem>>, vector<1x16xf32>,
        %swap3A_1724 = vector.shape_cast %swap3A_1723 : vector<1x16xf32> to vector<16xf32>
        %swap3A_1725 = vector.shape_cast %add3A_1720 : vector<16xf32> to vector<1x16xf32>
        tpu.vector_store %arg14[%swap3A_1721, %swap3A_1722], %swap3A_1725 {strides = array<i32>} : memref<32x64xf32, #tpu.memory_space<vmem>>, vector<1x16xf32>,
        %get3A_1726 = arith.index_cast %mul3A_1299 : i32 to index
        %get3A_1727 = arith.constant 48 : index
        %get3A_1728 = tpu.vector_load %arg12[%get3A_1726, %get3A_1727] {strides = array<i32>} : memref<640x64xf32, #tpu.memory_space<vmem>>, vector<1x16xf32>,
        %get3A_1729 = vector.shape_cast %get3A_1728 : vector<1x16xf32> to vector<16xf32>
        %add3A_1730 = arith.constant 1 : i32
        %add3A_1731 = arith.addi %mul3A_1299, %add3A_1730 : i32
        %get3A_1732 = arith.index_cast %add3A_1731 : i32 to index
        %get3A_1733 = arith.constant 48 : index
        %get3A_1734 = tpu.vector_load %arg12[%get3A_1732, %get3A_1733] {strides = array<i32>} : memref<640x64xf32, #tpu.memory_space<vmem>>, vector<1x16xf32>,
        %get3A_1735 = vector.shape_cast %get3A_1734 : vector<1x16xf32> to vector<16xf32>
        %add3A_1736 = arith.addf %get3A_1729, %get3A_1735 : vector<16xf32>
        %add3A_1737 = arith.constant 2 : i32
        %add3A_1738 = arith.addi %mul3A_1299, %add3A_1737 : i32
        %get3A_1739 = arith.index_cast %add3A_1738 : i32 to index
        %get3A_1740 = arith.constant 48 : index
        %get3A_1741 = tpu.vector_load %arg12[%get3A_1739, %get3A_1740] {strides = array<i32>} : memref<640x64xf32, #tpu.memory_space<vmem>>, vector<1x16xf32>,
        %get3A_1742 = vector.shape_cast %get3A_1741 : vector<1x16xf32> to vector<16xf32>
        %add3A_1743 = arith.addf %add3A_1736, %get3A_1742 : vector<16xf32>
        %add3A_1744 = arith.constant 3 : i32
        %add3A_1745 = arith.addi %mul3A_1299, %add3A_1744 : i32
        %get3A_1746 = arith.index_cast %add3A_1745 : i32 to index
        %get3A_1747 = arith.constant 48 : index
        %get3A_1748 = tpu.vector_load %arg12[%get3A_1746, %get3A_1747] {strides = array<i32>} : memref<640x64xf32, #tpu.memory_space<vmem>>, vector<1x16xf32>,
        %get3A_1749 = vector.shape_cast %get3A_1748 : vector<1x16xf32> to vector<16xf32>
        %add3A_1750 = arith.addf %add3A_1743, %get3A_1749 : vector<16xf32>
        %add3A_1751 = arith.constant 4 : i32
        %add3A_1752 = arith.addi %mul3A_1299, %add3A_1751 : i32
        %get3A_1753 = arith.index_cast %add3A_1752 : i32 to index
        %get3A_1754 = arith.constant 48 : index
        %get3A_1755 = tpu.vector_load %arg12[%get3A_1753, %get3A_1754] {strides = array<i32>} : memref<640x64xf32, #tpu.memory_space<vmem>>, vector<1x16xf32>,
        %get3A_1756 = vector.shape_cast %get3A_1755 : vector<1x16xf32> to vector<16xf32>
        %add3A_1757 = arith.addf %add3A_1750, %get3A_1756 : vector<16xf32>
        %add3A_1758 = arith.constant 5 : i32
        %add3A_1759 = arith.addi %mul3A_1299, %add3A_1758 : i32
        %get3A_1760 = arith.index_cast %add3A_1759 : i32 to index
        %get3A_1761 = arith.constant 48 : index
        %get3A_1762 = tpu.vector_load %arg12[%get3A_1760, %get3A_1761] {strides = array<i32>} : memref<640x64xf32, #tpu.memory_space<vmem>>, vector<1x16xf32>,
        %get3A_1763 = vector.shape_cast %get3A_1762 : vector<1x16xf32> to vector<16xf32>
        %add3A_1764 = arith.addf %add3A_1757, %get3A_1763 : vector<16xf32>
        %add3A_1765 = arith.constant 6 : i32
        %add3A_1766 = arith.addi %mul3A_1299, %add3A_1765 : i32
        %get3A_1767 = arith.index_cast %add3A_1766 : i32 to index
        %get3A_1768 = arith.constant 48 : index
        %get3A_1769 = tpu.vector_load %arg12[%get3A_1767, %get3A_1768] {strides = array<i32>} : memref<640x64xf32, #tpu.memory_space<vmem>>, vector<1x16xf32>,
        %get3A_1770 = vector.shape_cast %get3A_1769 : vector<1x16xf32> to vector<16xf32>
        %add3A_1771 = arith.addf %add3A_1764, %get3A_1770 : vector<16xf32>
        %add3A_1772 = arith.constant 7 : i32
        %add3A_1773 = arith.addi %mul3A_1299, %add3A_1772 : i32
        %get3A_1774 = arith.index_cast %add3A_1773 : i32 to index
        %get3A_1775 = arith.constant 48 : index
        %get3A_1776 = tpu.vector_load %arg12[%get3A_1774, %get3A_1775] {strides = array<i32>} : memref<640x64xf32, #tpu.memory_space<vmem>>, vector<1x16xf32>,
        %get3A_1777 = vector.shape_cast %get3A_1776 : vector<1x16xf32> to vector<16xf32>
        %add3A_1778 = arith.addf %add3A_1771, %get3A_1777 : vector<16xf32>
        %add3A_1779 = arith.constant 8 : i32
        %add3A_1780 = arith.addi %mul3A_1299, %add3A_1779 : i32
        %get3A_1781 = arith.index_cast %add3A_1780 : i32 to index
        %get3A_1782 = arith.constant 48 : index
        %get3A_1783 = tpu.vector_load %arg12[%get3A_1781, %get3A_1782] {strides = array<i32>} : memref<640x64xf32, #tpu.memory_space<vmem>>, vector<1x16xf32>,
        %get3A_1784 = vector.shape_cast %get3A_1783 : vector<1x16xf32> to vector<16xf32>
        %add3A_1785 = arith.addf %add3A_1778, %get3A_1784 : vector<16xf32>
        %add3A_1786 = arith.constant 9 : i32
        %add3A_1787 = arith.addi %mul3A_1299, %add3A_1786 : i32
        %get3A_1788 = arith.index_cast %add3A_1787 : i32 to index
        %get3A_1789 = arith.constant 48 : index
        %get3A_1790 = tpu.vector_load %arg12[%get3A_1788, %get3A_1789] {strides = array<i32>} : memref<640x64xf32, #tpu.memory_space<vmem>>, vector<1x16xf32>,
        %get3A_1791 = vector.shape_cast %get3A_1790 : vector<1x16xf32> to vector<16xf32>
        %add3A_1792 = arith.addf %add3A_1785, %get3A_1791 : vector<16xf32>
        %add3A_1793 = arith.constant 10 : i32
        %add3A_1794 = arith.addi %mul3A_1299, %add3A_1793 : i32
        %get3A_1795 = arith.index_cast %add3A_1794 : i32 to index
        %get3A_1796 = arith.constant 48 : index
        %get3A_1797 = tpu.vector_load %arg12[%get3A_1795, %get3A_1796] {strides = array<i32>} : memref<640x64xf32, #tpu.memory_space<vmem>>, vector<1x16xf32>,
        %get3A_1798 = vector.shape_cast %get3A_1797 : vector<1x16xf32> to vector<16xf32>
        %add3A_1799 = arith.addf %add3A_1792, %get3A_1798 : vector<16xf32>
        %add3A_1800 = arith.constant 11 : i32
        %add3A_1801 = arith.addi %mul3A_1299, %add3A_1800 : i32
        %get3A_1802 = arith.index_cast %add3A_1801 : i32 to index
        %get3A_1803 = arith.constant 48 : index
        %get3A_1804 = tpu.vector_load %arg12[%get3A_1802, %get3A_1803] {strides = array<i32>} : memref<640x64xf32, #tpu.memory_space<vmem>>, vector<1x16xf32>,
        %get3A_1805 = vector.shape_cast %get3A_1804 : vector<1x16xf32> to vector<16xf32>
        %add3A_1806 = arith.addf %add3A_1799, %get3A_1805 : vector<16xf32>
        %add3A_1807 = arith.constant 12 : i32
        %add3A_1808 = arith.addi %mul3A_1299, %add3A_1807 : i32
        %get3A_1809 = arith.index_cast %add3A_1808 : i32 to index
        %get3A_1810 = arith.constant 48 : index
        %get3A_1811 = tpu.vector_load %arg12[%get3A_1809, %get3A_1810] {strides = array<i32>} : memref<640x64xf32, #tpu.memory_space<vmem>>, vector<1x16xf32>,
        %get3A_1812 = vector.shape_cast %get3A_1811 : vector<1x16xf32> to vector<16xf32>
        %add3A_1813 = arith.addf %add3A_1806, %get3A_1812 : vector<16xf32>
        %add3A_1814 = arith.constant 13 : i32
        %add3A_1815 = arith.addi %mul3A_1299, %add3A_1814 : i32
        %get3A_1816 = arith.index_cast %add3A_1815 : i32 to index
        %get3A_1817 = arith.constant 48 : index
        %get3A_1818 = tpu.vector_load %arg12[%get3A_1816, %get3A_1817] {strides = array<i32>} : memref<640x64xf32, #tpu.memory_space<vmem>>, vector<1x16xf32>,
        %get3A_1819 = vector.shape_cast %get3A_1818 : vector<1x16xf32> to vector<16xf32>
        %add3A_1820 = arith.addf %add3A_1813, %get3A_1819 : vector<16xf32>
        %add3A_1821 = arith.constant 14 : i32
        %add3A_1822 = arith.addi %mul3A_1299, %add3A_1821 : i32
        %get3A_1823 = arith.index_cast %add3A_1822 : i32 to index
        %get3A_1824 = arith.constant 48 : index
        %get3A_1825 = tpu.vector_load %arg12[%get3A_1823, %get3A_1824] {strides = array<i32>} : memref<640x64xf32, #tpu.memory_space<vmem>>, vector<1x16xf32>,
        %get3A_1826 = vector.shape_cast %get3A_1825 : vector<1x16xf32> to vector<16xf32>
        %add3A_1827 = arith.addf %add3A_1820, %get3A_1826 : vector<16xf32>
        %add3A_1828 = arith.constant 15 : i32
        %add3A_1829 = arith.addi %mul3A_1299, %add3A_1828 : i32
        %get3A_1830 = arith.index_cast %add3A_1829 : i32 to index
        %get3A_1831 = arith.constant 48 : index
        %get3A_1832 = tpu.vector_load %arg12[%get3A_1830, %get3A_1831] {strides = array<i32>} : memref<640x64xf32, #tpu.memory_space<vmem>>, vector<1x16xf32>,
        %get3A_1833 = vector.shape_cast %get3A_1832 : vector<1x16xf32> to vector<16xf32>
        %add3A_1834 = arith.addf %add3A_1827, %get3A_1833 : vector<16xf32>
        %add3A_1835 = arith.constant 16 : i32
        %add3A_1836 = arith.addi %mul3A_1299, %add3A_1835 : i32
        %get3A_1837 = arith.index_cast %add3A_1836 : i32 to index
        %get3A_1838 = arith.constant 48 : index
        %get3A_1839 = tpu.vector_load %arg12[%get3A_1837, %get3A_1838] {strides = array<i32>} : memref<640x64xf32, #tpu.memory_space<vmem>>, vector<1x16xf32>,
        %get3A_1840 = vector.shape_cast %get3A_1839 : vector<1x16xf32> to vector<16xf32>
        %add3A_1841 = arith.addf %add3A_1834, %get3A_1840 : vector<16xf32>
        %add3A_1842 = arith.constant 17 : i32
        %add3A_1843 = arith.addi %mul3A_1299, %add3A_1842 : i32
        %get3A_1844 = arith.index_cast %add3A_1843 : i32 to index
        %get3A_1845 = arith.constant 48 : index
        %get3A_1846 = tpu.vector_load %arg12[%get3A_1844, %get3A_1845] {strides = array<i32>} : memref<640x64xf32, #tpu.memory_space<vmem>>, vector<1x16xf32>,
        %get3A_1847 = vector.shape_cast %get3A_1846 : vector<1x16xf32> to vector<16xf32>
        %add3A_1848 = arith.addf %add3A_1841, %get3A_1847 : vector<16xf32>
        %add3A_1849 = arith.constant 18 : i32
        %add3A_1850 = arith.addi %mul3A_1299, %add3A_1849 : i32
        %get3A_1851 = arith.index_cast %add3A_1850 : i32 to index
        %get3A_1852 = arith.constant 48 : index
        %get3A_1853 = tpu.vector_load %arg12[%get3A_1851, %get3A_1852] {strides = array<i32>} : memref<640x64xf32, #tpu.memory_space<vmem>>, vector<1x16xf32>,
        %get3A_1854 = vector.shape_cast %get3A_1853 : vector<1x16xf32> to vector<16xf32>
        %add3A_1855 = arith.addf %add3A_1848, %get3A_1854 : vector<16xf32>
        %add3A_1856 = arith.constant 19 : i32
        %add3A_1857 = arith.addi %mul3A_1299, %add3A_1856 : i32
        %get3A_1858 = arith.index_cast %add3A_1857 : i32 to index
        %get3A_1859 = arith.constant 48 : index
        %get3A_1860 = tpu.vector_load %arg12[%get3A_1858, %get3A_1859] {strides = array<i32>} : memref<640x64xf32, #tpu.memory_space<vmem>>, vector<1x16xf32>,
        %get3A_1861 = vector.shape_cast %get3A_1860 : vector<1x16xf32> to vector<16xf32>
        %add3A_1862 = arith.addf %add3A_1855, %get3A_1861 : vector<16xf32>
        %swap3A_1863 = arith.index_cast %scan3A_1297 : i32 to index
        %swap3A_1864 = arith.constant 48 : index
        %swap3A_1865 = tpu.vector_load %arg14[%swap3A_1863, %swap3A_1864] {strides = array<i32>} : memref<32x64xf32, #tpu.memory_space<vmem>>, vector<1x16xf32>,
        %swap3A_1866 = vector.shape_cast %swap3A_1865 : vector<1x16xf32> to vector<16xf32>
        %swap3A_1867 = vector.shape_cast %add3A_1862 : vector<16xf32> to vector<1x16xf32>
        tpu.vector_store %arg14[%swap3A_1863, %swap3A_1864], %swap3A_1867 {strides = array<i32>} : memref<32x64xf32, #tpu.memory_space<vmem>>, vector<1x16xf32>,
      }
      %scan3A_1222 = arith.constant 32 : i32
      %mul3A_1223 = arith.constant 32 : i32
      %mul3A_1224 = arith.muli %add3A_1207, %mul3A_1223 : i32
      %add3A_1225 = arith.addi %mul3A_2, %mul3A_1224 : i32
      %jit3A_1226 = arith.constant 4096 : i32
      %div3A_1227 = arith.divsi %add3A_1225, %jit3A_1226 : i32
      %sign3A_1228 = arith.constant 0 : i32
      %sign3A_1229 = arith.cmpi sgt, %add3A_1225, %sign3A_1228 : i32
      %sign3A_1230 = arith.extui %sign3A_1229 : i1 to i32
      %sign3A_1231 = arith.constant 0 : i32
      %sign3A_1232 = arith.cmpi slt, %add3A_1225, %sign3A_1231 : i32
      %sign3A_1233 = arith.extui %sign3A_1232 : i1 to i32
      %sign3A_1234 = arith.subi %sign3A_1230, %sign3A_1233 : i32
      %sign3A_1235 = arith.constant 0 : i32
      %sign3A_1236 = arith.cmpi sgt, %jit3A_1226, %sign3A_1235 : i32
      %sign3A_1237 = arith.extui %sign3A_1236 : i1 to i32
      %sign3A_1238 = arith.constant 0 : i32
      %sign3A_1239 = arith.cmpi slt, %jit3A_1226, %sign3A_1238 : i32
      %sign3A_1240 = arith.extui %sign3A_1239 : i1 to i32
      %sign3A_1241 = arith.subi %sign3A_1237, %sign3A_1240 : i32
      %ne3A_1242 = arith.cmpi ne, %sign3A_1234, %sign3A_1241 : i32
      %rem3A_1243 = arith.remsi %add3A_1225, %jit3A_1226 : i32
      %ne3A_1244 = arith.constant 0 : i32
      %ne3A_1245 = arith.cmpi ne, %rem3A_1243, %ne3A_1244 : i32
      %and3A_1246 = arith.andi %ne3A_1242, %ne3A_1245 : i1
      %sub3A_1247 = arith.constant 1 : i32
      %sub3A_1248 = arith.subi %div3A_1227, %sub3A_1247 : i32
      %select_n3A_1249 = arith.select %and3A_1246, %sub3A_1248, %div3A_1227 : i32
      %mul3A_1250 = arith.constant 4096 : i32
      %mul3A_1251 = arith.muli %select_n3A_1249, %mul3A_1250 : i32
      %sub3A_1252 = arith.subi %add3A_1225, %mul3A_1251 : i32
      %iota3A_1253 = tpu.iota {dimensions = array<i32: 0>} : vector<16xi32>
      %add3A_1254 = arith.constant 0 : i32
      %add3A_1255 = arith.addi %sub3A_1252, %add3A_1254 : i32
      %add3A_1256 = vector.broadcast %add3A_1255 : i32 to vector<16xi32>
      %add3A_1257 = arith.addi %add3A_1256, %iota3A_1253 : vector<16xi32>
      %mul3A_1258 = arith.constant 26 : i32
      %mul3A_1259 = vector.broadcast %mul3A_1258 : i32 to vector<16xi32>
      %mul3A_1260 = arith.muli %add3A_1257, %mul3A_1259 : vector<16xi32>
      %add3A_1261 = vector.broadcast %select_n3A_1249 : i32 to vector<16xi32>
      %add3A_1262 = arith.addi %mul3A_1260, %add3A_1261 : vector<16xi32>
      %swap3A_1263 = arith.constant 0 : index
      %swap3A_1264 = tpu.vector_load %arg16[%swap3A_1263] {strides = array<i32>} : memref<32xi32, #tpu.memory_space<vmem>>, vector<16xi32>,
      %swap3A_1265 = vector.shape_cast %swap3A_1264 : vector<16xi32> to vector<16xi32>
      %swap3A_1266 = vector.shape_cast %add3A_1262 : vector<16xi32> to vector<16xi32>
      tpu.vector_store %arg16[%swap3A_1263], %swap3A_1266 {strides = array<i32>} : memref<32xi32, #tpu.memory_space<vmem>>, vector<16xi32>,
      %add3A_1267 = arith.constant 16 : i32
      %add3A_1268 = arith.addi %sub3A_1252, %add3A_1267 : i32
      %add3A_1269 = vector.broadcast %add3A_1268 : i32 to vector<16xi32>
      %add3A_1270 = arith.addi %add3A_1269, %iota3A_1253 : vector<16xi32>
      %mul3A_1271 = arith.constant 26 : i32
      %mul3A_1272 = vector.broadcast %mul3A_1271 : i32 to vector<16xi32>
      %mul3A_1273 = arith.muli %add3A_1270, %mul3A_1272 : vector<16xi32>
      %add3A_1274 = vector.broadcast %select_n3A_1249 : i32 to vector<16xi32>
      %add3A_1275 = arith.addi %mul3A_1273, %add3A_1274 : vector<16xi32>
      %swap3A_1276 = arith.constant 16 : index
      %swap3A_1277 = tpu.vector_load %arg16[%swap3A_1276] {strides = array<i32>} : memref<32xi32, #tpu.memory_space<vmem>>, vector<16xi32>,
      %swap3A_1278 = vector.shape_cast %swap3A_1277 : vector<16xi32> to vector<16xi32>
      %swap3A_1279 = vector.shape_cast %add3A_1275 : vector<16xi32> to vector<16xi32>
      tpu.vector_store %arg16[%swap3A_1276], %swap3A_1279 {strides = array<i32>} : memref<32xi32, #tpu.memory_space<vmem>>, vector<16xi32>,
      %dma_start3A_1280 = arith.constant 0 : i32
      %dma_start3A_1281 = arith.constant 0 : i32
      %dma_start3A_1282 = tpu.memref_slice %arg5[%dma_start3A_1280, %dma_start3A_1281] : memref<106496x64xf32, #tpu.memory_space<hbm>> -> memref<106496x64xf32, #tpu.memory_space<hbm>>
      tpu.enqueue_indirect_dma source(%arg14 : memref<32x64xf32, #tpu.memory_space<vmem>>) target(%dma_start3A_1282 : memref<106496x64xf32, #tpu.memory_space<hbm>>) offsets(%arg16 : memref<32xi32, #tpu.memory_space<vmem>>) semaphore(%arg22 : memref<!tpu.dma_semaphore, #tpu.memory_space<semaphore_mem>>)
      %add3A_1283 = arith.constant 2 : i32
      %add3A_1284 = arith.addi %add3A_1207, %add3A_1283 : i32
      %lt3A_1285 = arith.constant 104 : i32
      %lt3A_1286 = arith.cmpi slt, %add3A_1284, %lt3A_1285 : i32
      %convert_element_type3A_1287 = arith.extui %lt3A_1286 : i1 to i32
      %cond3A_1288 = arith.constant 0 : i32
      %cond3A_1289 = arith.cmpi ne, %convert_element_type3A_1287, %cond3A_1288 : i32
      scf.if %cond3A_1289 {
        %add3A_1297 = arith.constant 2 : i32
        %add3A_1298 = arith.addi %add3A_1207, %add3A_1297 : i32
        %mul3A_1299 = arith.constant 32 : i32
        %mul3A_1300 = arith.muli %add3A_1298, %mul3A_1299 : i32
        %add3A_1301 = arith.addi %mul3A_2, %mul3A_1300 : i32
        %jit3A_1302 = arith.constant 4096 : i32
        %div3A_1303 = arith.divsi %add3A_1301, %jit3A_1302 : i32
        %sign3A_1304 = arith.constant 0 : i32
        %sign3A_1305 = arith.cmpi sgt, %add3A_1301, %sign3A_1304 : i32
        %sign3A_1306 = arith.extui %sign3A_1305 : i1 to i32
        %sign3A_1307 = arith.constant 0 : i32
        %sign3A_1308 = arith.cmpi slt, %add3A_1301, %sign3A_1307 : i32
        %sign3A_1309 = arith.extui %sign3A_1308 : i1 to i32
        %sign3A_1310 = arith.subi %sign3A_1306, %sign3A_1309 : i32
        %sign3A_1311 = arith.constant 0 : i32
        %sign3A_1312 = arith.cmpi sgt, %jit3A_1302, %sign3A_1311 : i32
        %sign3A_1313 = arith.extui %sign3A_1312 : i1 to i32
        %sign3A_1314 = arith.constant 0 : i32
        %sign3A_1315 = arith.cmpi slt, %jit3A_1302, %sign3A_1314 : i32
        %sign3A_1316 = arith.extui %sign3A_1315 : i1 to i32
        %sign3A_1317 = arith.subi %sign3A_1313, %sign3A_1316 : i32
        %ne3A_1318 = arith.cmpi ne, %sign3A_1310, %sign3A_1317 : i32
        %rem3A_1319 = arith.remsi %add3A_1301, %jit3A_1302 : i32
        %ne3A_1320 = arith.constant 0 : i32
        %ne3A_1321 = arith.cmpi ne, %rem3A_1319, %ne3A_1320 : i32
        %and3A_1322 = arith.andi %ne3A_1318, %ne3A_1321 : i1
        %sub3A_1323 = arith.constant 1 : i32
        %sub3A_1324 = arith.subi %div3A_1303, %sub3A_1323 : i32
        %select_n3A_1325 = arith.select %and3A_1322, %sub3A_1324, %div3A_1303 : i32
        %mul3A_1326 = arith.constant 16 : i32
        %mul3A_1327 = arith.muli %select_n3A_1325, %mul3A_1326 : i32
        %get3A_1328 = arith.index_cast %mul3A_1327 : i32 to index
        %get3A_1329 = tpu.vector_load %arg6[%get3A_1328] {strides = array<i32>} : memref<416xi32, #tpu.memory_space<vmem>>, vector<16xi32>,
        %get3A_1330 = vector.shape_cast %get3A_1329 : vector<16xi32> to vector<16xi32>
        %dma_wait3A_1331 = arith.constant 0 : i32
        %dma_wait3A_1332 = tpu.memref_slice %arg4[%dma_wait3A_1331] : memref<2129920xi32, #tpu.memory_space<hbm>> -> memref<640xi32, #tpu.memory_space<hbm>>
        %dma_wait3A_1333 = arith.constant 0 : i32
        %dma_wait3A_1334 = tpu.memref_slice %arg4[%dma_wait3A_1333] : memref<2129920xi32, #tpu.memory_space<hbm>> -> memref<640xi32, #tpu.memory_space<hbm>>
        tpu.wait_dma2 semaphore(%arg18 : memref<!tpu.dma_semaphore, #tpu.memory_space<semaphore_mem>>) src(%dma_wait3A_1334 : memref<640xi32, #tpu.memory_space<hbm>>) dst(%arg8 : memref<640xi32, #tpu.memory_space<vmem>>)
        %get3A_1335 = arith.constant 0 : index
        %get3A_1336 = tpu.vector_load %arg8[%get3A_1335] {strides = array<i32>} : memref<640xi32, #tpu.memory_space<vmem>>, vector<16xi32>,
        %get3A_1337 = vector.shape_cast %get3A_1336 : vector<16xi32> to vector<16xi32>
        %add3A_1338 = arith.addi %get3A_1337, %get3A_1330 : vector<16xi32>
        %swap3A_1339 = arith.constant 0 : i32
        %swap3A_1340 = arith.index_cast %swap3A_1339 : i32 to index
        %swap3A_1341 = arith.constant 0 : index
        %swap3A_1342 = tpu.vector_load %arg10[%swap3A_1340, %swap3A_1341] {strides = array<i32>} : memref<5x128xi32, #tpu.memory_space<vmem>>, vector<1x16xi32>,
        %swap3A_1343 = vector.shape_cast %swap3A_1342 : vector<1x16xi32> to vector<16xi32>
        %swap3A_1344 = vector.shape_cast %add3A_1338 : vector<16xi32> to vector<1x16xi32>
        tpu.vector_store %arg10[%swap3A_1340, %swap3A_1341], %swap3A_1344 {strides = array<i32>} : memref<5x128xi32, #tpu.memory_space<vmem>>, vector<1x16xi32>,
        %get3A_1345 = arith.constant 16 : index
        %get3A_1346 = tpu.vector_load %arg8[%get3A_1345] {strides = array<i32>} : memref<640xi32, #tpu.memory_space<vmem>>, vector<16xi32>,
        %get3A_1347 = vector.shape_cast %get3A_1346 : vector<16xi32> to vector<16xi32>
        %add3A_1348 = arith.addi %get3A_1347, %get3A_1330 : vector<16xi32>
        %swap3A_1349 = arith.constant 0 : i32
        %swap3A_1350 = arith.index_cast %swap3A_1349 : i32 to index
        %swap3A_1351 = arith.constant 16 : index
        %swap3A_1352 = tpu.vector_load %arg10[%swap3A_1350, %swap3A_1351] {strides = array<i32>} : memref<5x128xi32, #tpu.memory_space<vmem>>, vector<1x16xi32>,
        %swap3A_1353 = vector.shape_cast %swap3A_1352 : vector<1x16xi32> to vector<16xi32>
        %swap3A_1354 = vector.shape_cast %add3A_1348 : vector<16xi32> to vector<1x16xi32>
        tpu.vector_store %arg10[%swap3A_1350, %swap3A_1351], %swap3A_1354 {strides = array<i32>} : memref<5x128xi32, #tpu.memory_space<vmem>>, vector<1x16xi32>,
        %get3A_1355 = arith.constant 32 : index
        %get3A_1356 = tpu.vector_load %arg8[%get3A_1355] {strides = array<i32>} : memref<640xi32, #tpu.memory_space<vmem>>, vector<16xi32>,
        %get3A_1357 = vector.shape_cast %get3A_1356 : vector<16xi32> to vector<16xi32>
        %add3A_1358 = arith.addi %get3A_1357, %get3A_1330 : vector<16xi32>
        %swap3A_1359 = arith.constant 0 : i32
        %swap3A_1360 = arith.index_cast %swap3A_1359 : i32 to index
        %swap3A_1361 = arith.constant 32 : index
        %swap3A_1362 = tpu.vector_load %arg10[%swap3A_1360, %swap3A_1361] {strides = array<i32>} : memref<5x128xi32, #tpu.memory_space<vmem>>, vector<1x16xi32>,
        %swap3A_1363 = vector.shape_cast %swap3A_1362 : vector<1x16xi32> to vector<16xi32>
        %swap3A_1364 = vector.shape_cast %add3A_1358 : vector<16xi32> to vector<1x16xi32>
        tpu.vector_store %arg10[%swap3A_1360, %swap3A_1361], %swap3A_1364 {strides = array<i32>} : memref<5x128xi32, #tpu.memory_space<vmem>>, vector<1x16xi32>,
        %get3A_1365 = arith.constant 48 : index
        %get3A_1366 = tpu.vector_load %arg8[%get3A_1365] {strides = array<i32>} : memref<640xi32, #tpu.memory_space<vmem>>, vector<16xi32>,
        %get3A_1367 = vector.shape_cast %get3A_1366 : vector<16xi32> to vector<16xi32>
        %add3A_1368 = arith.addi %get3A_1367, %get3A_1330 : vector<16xi32>
        %swap3A_1369 = arith.constant 0 : i32
        %swap3A_1370 = arith.index_cast %swap3A_1369 : i32 to index
        %swap3A_1371 = arith.constant 48 : index
        %swap3A_1372 = tpu.vector_load %arg10[%swap3A_1370, %swap3A_1371] {strides = array<i32>} : memref<5x128xi32, #tpu.memory_space<vmem>>, vector<1x16xi32>,
        %swap3A_1373 = vector.shape_cast %swap3A_1372 : vector<1x16xi32> to vector<16xi32>
        %swap3A_1374 = vector.shape_cast %add3A_1368 : vector<16xi32> to vector<1x16xi32>
        tpu.vector_store %arg10[%swap3A_1370, %swap3A_1371], %swap3A_1374 {strides = array<i32>} : memref<5x128xi32, #tpu.memory_space<vmem>>, vector<1x16xi32>,
        %get3A_1375 = arith.constant 64 : index
        %get3A_1376 = tpu.vector_load %arg8[%get3A_1375] {strides = array<i32>} : memref<640xi32, #tpu.memory_space<vmem>>, vector<16xi32>,
        %get3A_1377 = vector.shape_cast %get3A_1376 : vector<16xi32> to vector<16xi32>
        %add3A_1378 = arith.addi %get3A_1377, %get3A_1330 : vector<16xi32>
        %swap3A_1379 = arith.constant 0 : i32
        %swap3A_1380 = arith.index_cast %swap3A_1379 : i32 to index
        %swap3A_1381 = arith.constant 64 : index
        %swap3A_1382 = tpu.vector_load %arg10[%swap3A_1380, %swap3A_1381] {strides = array<i32>} : memref<5x128xi32, #tpu.memory_space<vmem>>, vector<1x16xi32>,
        %swap3A_1383 = vector.shape_cast %swap3A_1382 : vector<1x16xi32> to vector<16xi32>
        %swap3A_1384 = vector.shape_cast %add3A_1378 : vector<16xi32> to vector<1x16xi32>
        tpu.vector_store %arg10[%swap3A_1380, %swap3A_1381], %swap3A_1384 {strides = array<i32>} : memref<5x128xi32, #tpu.memory_space<vmem>>, vector<1x16xi32>,
        %get3A_1385 = arith.constant 80 : index
        %get3A_1386 = tpu.vector_load %arg8[%get3A_1385] {strides = array<i32>} : memref<640xi32, #tpu.memory_space<vmem>>, vector<16xi32>,
        %get3A_1387 = vector.shape_cast %get3A_1386 : vector<16xi32> to vector<16xi32>
        %add3A_1388 = arith.addi %get3A_1387, %get3A_1330 : vector<16xi32>
        %swap3A_1389 = arith.constant 0 : i32
        %swap3A_1390 = arith.index_cast %swap3A_1389 : i32 to index
        %swap3A_1391 = arith.constant 80 : index
        %swap3A_1392 = tpu.vector_load %arg10[%swap3A_1390, %swap3A_1391] {strides = array<i32>} : memref<5x128xi32, #tpu.memory_space<vmem>>, vector<1x16xi32>,
        %swap3A_1393 = vector.shape_cast %swap3A_1392 : vector<1x16xi32> to vector<16xi32>
        %swap3A_1394 = vector.shape_cast %add3A_1388 : vector<16xi32> to vector<1x16xi32>
        tpu.vector_store %arg10[%swap3A_1390, %swap3A_1391], %swap3A_1394 {strides = array<i32>} : memref<5x128xi32, #tpu.memory_space<vmem>>, vector<1x16xi32>,
        %get3A_1395 = arith.constant 96 : index
        %get3A_1396 = tpu.vector_load %arg8[%get3A_1395] {strides = array<i32>} : memref<640xi32, #tpu.memory_space<vmem>>, vector<16xi32>,
        %get3A_1397 = vector.shape_cast %get3A_1396 : vector<16xi32> to vector<16xi32>
        %add3A_1398 = arith.addi %get3A_1397, %get3A_1330 : vector<16xi32>
        %swap3A_1399 = arith.constant 0 : i32
        %swap3A_1400 = arith.index_cast %swap3A_1399 : i32 to index
        %swap3A_1401 = arith.constant 96 : index
        %swap3A_1402 = tpu.vector_load %arg10[%swap3A_1400, %swap3A_1401] {strides = array<i32>} : memref<5x128xi32, #tpu.memory_space<vmem>>, vector<1x16xi32>,
        %swap3A_1403 = vector.shape_cast %swap3A_1402 : vector<1x16xi32> to vector<16xi32>
        %swap3A_1404 = vector.shape_cast %add3A_1398 : vector<16xi32> to vector<1x16xi32>
        tpu.vector_store %arg10[%swap3A_1400, %swap3A_1401], %swap3A_1404 {strides = array<i32>} : memref<5x128xi32, #tpu.memory_space<vmem>>, vector<1x16xi32>,
        %get3A_1405 = arith.constant 112 : index
        %get3A_1406 = tpu.vector_load %arg8[%get3A_1405] {strides = array<i32>} : memref<640xi32, #tpu.memory_space<vmem>>, vector<16xi32>,
        %get3A_1407 = vector.shape_cast %get3A_1406 : vector<16xi32> to vector<16xi32>
        %add3A_1408 = arith.addi %get3A_1407, %get3A_1330 : vector<16xi32>
        %swap3A_1409 = arith.constant 0 : i32
        %swap3A_1410 = arith.index_cast %swap3A_1409 : i32 to index
        %swap3A_1411 = arith.constant 112 : index
        %swap3A_1412 = tpu.vector_load %arg10[%swap3A_1410, %swap3A_1411] {strides = array<i32>} : memref<5x128xi32, #tpu.memory_space<vmem>>, vector<1x16xi32>,
        %swap3A_1413 = vector.shape_cast %swap3A_1412 : vector<1x16xi32> to vector<16xi32>
        %swap3A_1414 = vector.shape_cast %add3A_1408 : vector<16xi32> to vector<1x16xi32>
        tpu.vector_store %arg10[%swap3A_1410, %swap3A_1411], %swap3A_1414 {strides = array<i32>} : memref<5x128xi32, #tpu.memory_space<vmem>>, vector<1x16xi32>,
        %get3A_1415 = arith.constant 128 : index
        %get3A_1416 = tpu.vector_load %arg8[%get3A_1415] {strides = array<i32>} : memref<640xi32, #tpu.memory_space<vmem>>, vector<16xi32>,
        %get3A_1417 = vector.shape_cast %get3A_1416 : vector<16xi32> to vector<16xi32>
        %add3A_1418 = arith.addi %get3A_1417, %get3A_1330 : vector<16xi32>
        %swap3A_1419 = arith.constant 1 : i32
        %swap3A_1420 = arith.index_cast %swap3A_1419 : i32 to index
        %swap3A_1421 = arith.constant 0 : index
        %swap3A_1422 = tpu.vector_load %arg10[%swap3A_1420, %swap3A_1421] {strides = array<i32>} : memref<5x128xi32, #tpu.memory_space<vmem>>, vector<1x16xi32>,
        %swap3A_1423 = vector.shape_cast %swap3A_1422 : vector<1x16xi32> to vector<16xi32>
        %swap3A_1424 = vector.shape_cast %add3A_1418 : vector<16xi32> to vector<1x16xi32>
        tpu.vector_store %arg10[%swap3A_1420, %swap3A_1421], %swap3A_1424 {strides = array<i32>} : memref<5x128xi32, #tpu.memory_space<vmem>>, vector<1x16xi32>,
        %get3A_1425 = arith.constant 144 : index
        %get3A_1426 = tpu.vector_load %arg8[%get3A_1425] {strides = array<i32>} : memref<640xi32, #tpu.memory_space<vmem>>, vector<16xi32>,
        %get3A_1427 = vector.shape_cast %get3A_1426 : vector<16xi32> to vector<16xi32>
        %add3A_1428 = arith.addi %get3A_1427, %get3A_1330 : vector<16xi32>
        %swap3A_1429 = arith.constant 1 : i32
        %swap3A_1430 = arith.index_cast %swap3A_1429 : i32 to index
        %swap3A_1431 = arith.constant 16 : index
        %swap3A_1432 = tpu.vector_load %arg10[%swap3A_1430, %swap3A_1431] {strides = array<i32>} : memref<5x128xi32, #tpu.memory_space<vmem>>, vector<1x16xi32>,
        %swap3A_1433 = vector.shape_cast %swap3A_1432 : vector<1x16xi32> to vector<16xi32>
        %swap3A_1434 = vector.shape_cast %add3A_1428 : vector<16xi32> to vector<1x16xi32>
        tpu.vector_store %arg10[%swap3A_1430, %swap3A_1431], %swap3A_1434 {strides = array<i32>} : memref<5x128xi32, #tpu.memory_space<vmem>>, vector<1x16xi32>,
        %get3A_1435 = arith.constant 160 : index
        %get3A_1436 = tpu.vector_load %arg8[%get3A_1435] {strides = array<i32>} : memref<640xi32, #tpu.memory_space<vmem>>, vector<16xi32>,
        %get3A_1437 = vector.shape_cast %get3A_1436 : vector<16xi32> to vector<16xi32>
        %add3A_1438 = arith.addi %get3A_1437, %get3A_1330 : vector<16xi32>
        %swap3A_1439 = arith.constant 1 : i32
        %swap3A_1440 = arith.index_cast %swap3A_1439 : i32 to index
        %swap3A_1441 = arith.constant 32 : index
        %swap3A_1442 = tpu.vector_load %arg10[%swap3A_1440, %swap3A_1441] {strides = array<i32>} : memref<5x128xi32, #tpu.memory_space<vmem>>, vector<1x16xi32>,
        %swap3A_1443 = vector.shape_cast %swap3A_1442 : vector<1x16xi32> to vector<16xi32>
        %swap3A_1444 = vector.shape_cast %add3A_1438 : vector<16xi32> to vector<1x16xi32>
        tpu.vector_store %arg10[%swap3A_1440, %swap3A_1441], %swap3A_1444 {strides = array<i32>} : memref<5x128xi32, #tpu.memory_space<vmem>>, vector<1x16xi32>,
        %get3A_1445 = arith.constant 176 : index
        %get3A_1446 = tpu.vector_load %arg8[%get3A_1445] {strides = array<i32>} : memref<640xi32, #tpu.memory_space<vmem>>, vector<16xi32>,
        %get3A_1447 = vector.shape_cast %get3A_1446 : vector<16xi32> to vector<16xi32>
        %add3A_1448 = arith.addi %get3A_1447, %get3A_1330 : vector<16xi32>
        %swap3A_1449 = arith.constant 1 : i32
        %swap3A_1450 = arith.index_cast %swap3A_1449 : i32 to index
        %swap3A_1451 = arith.constant 48 : index
        %swap3A_1452 = tpu.vector_load %arg10[%swap3A_1450, %swap3A_1451] {strides = array<i32>} : memref<5x128xi32, #tpu.memory_space<vmem>>, vector<1x16xi32>,
        %swap3A_1453 = vector.shape_cast %swap3A_1452 : vector<1x16xi32> to vector<16xi32>
        %swap3A_1454 = vector.shape_cast %add3A_1448 : vector<16xi32> to vector<1x16xi32>
        tpu.vector_store %arg10[%swap3A_1450, %swap3A_1451], %swap3A_1454 {strides = array<i32>} : memref<5x128xi32, #tpu.memory_space<vmem>>, vector<1x16xi32>,
        %get3A_1455 = arith.constant 192 : index
        %get3A_1456 = tpu.vector_load %arg8[%get3A_1455] {strides = array<i32>} : memref<640xi32, #tpu.memory_space<vmem>>, vector<16xi32>,
        %get3A_1457 = vector.shape_cast %get3A_1456 : vector<16xi32> to vector<16xi32>
        %add3A_1458 = arith.addi %get3A_1457, %get3A_1330 : vector<16xi32>
        %swap3A_1459 = arith.constant 1 : i32
        %swap3A_1460 = arith.index_cast %swap3A_1459 : i32 to index
        %swap3A_1461 = arith.constant 64 : index
        %swap3A_1462 = tpu.vector_load %arg10[%swap3A_1460, %swap3A_1461] {strides = array<i32>} : memref<5x128xi32, #tpu.memory_space<vmem>>, vector<1x16xi32>,
        %swap3A_1463 = vector.shape_cast %swap3A_1462 : vector<1x16xi32> to vector<16xi32>
        %swap3A_1464 = vector.shape_cast %add3A_1458 : vector<16xi32> to vector<1x16xi32>
        tpu.vector_store %arg10[%swap3A_1460, %swap3A_1461], %swap3A_1464 {strides = array<i32>} : memref<5x128xi32, #tpu.memory_space<vmem>>, vector<1x16xi32>,
        %get3A_1465 = arith.constant 208 : index
        %get3A_1466 = tpu.vector_load %arg8[%get3A_1465] {strides = array<i32>} : memref<640xi32, #tpu.memory_space<vmem>>, vector<16xi32>,
        %get3A_1467 = vector.shape_cast %get3A_1466 : vector<16xi32> to vector<16xi32>
        %add3A_1468 = arith.addi %get3A_1467, %get3A_1330 : vector<16xi32>
        %swap3A_1469 = arith.constant 1 : i32
        %swap3A_1470 = arith.index_cast %swap3A_1469 : i32 to index
        %swap3A_1471 = arith.constant 80 : index
        %swap3A_1472 = tpu.vector_load %arg10[%swap3A_1470, %swap3A_1471] {strides = array<i32>} : memref<5x128xi32, #tpu.memory_space<vmem>>, vector<1x16xi32>,
        %swap3A_1473 = vector.shape_cast %swap3A_1472 : vector<1x16xi32> to vector<16xi32>
        %swap3A_1474 = vector.shape_cast %add3A_1468 : vector<16xi32> to vector<1x16xi32>
        tpu.vector_store %arg10[%swap3A_1470, %swap3A_1471], %swap3A_1474 {strides = array<i32>} : memref<5x128xi32, #tpu.memory_space<vmem>>, vector<1x16xi32>,
        %get3A_1475 = arith.constant 224 : index
        %get3A_1476 = tpu.vector_load %arg8[%get3A_1475] {strides = array<i32>} : memref<640xi32, #tpu.memory_space<vmem>>, vector<16xi32>,
        %get3A_1477 = vector.shape_cast %get3A_1476 : vector<16xi32> to vector<16xi32>
        %add3A_1478 = arith.addi %get3A_1477, %get3A_1330 : vector<16xi32>
        %swap3A_1479 = arith.constant 1 : i32
        %swap3A_1480 = arith.index_cast %swap3A_1479 : i32 to index
        %swap3A_1481 = arith.constant 96 : index
        %swap3A_1482 = tpu.vector_load %arg10[%swap3A_1480, %swap3A_1481] {strides = array<i32>} : memref<5x128xi32, #tpu.memory_space<vmem>>, vector<1x16xi32>,
        %swap3A_1483 = vector.shape_cast %swap3A_1482 : vector<1x16xi32> to vector<16xi32>
        %swap3A_1484 = vector.shape_cast %add3A_1478 : vector<16xi32> to vector<1x16xi32>
        tpu.vector_store %arg10[%swap3A_1480, %swap3A_1481], %swap3A_1484 {strides = array<i32>} : memref<5x128xi32, #tpu.memory_space<vmem>>, vector<1x16xi32>,
        %get3A_1485 = arith.constant 240 : index
        %get3A_1486 = tpu.vector_load %arg8[%get3A_1485] {strides = array<i32>} : memref<640xi32, #tpu.memory_space<vmem>>, vector<16xi32>,
        %get3A_1487 = vector.shape_cast %get3A_1486 : vector<16xi32> to vector<16xi32>
        %add3A_1488 = arith.addi %get3A_1487, %get3A_1330 : vector<16xi32>
        %swap3A_1489 = arith.constant 1 : i32
        %swap3A_1490 = arith.index_cast %swap3A_1489 : i32 to index
        %swap3A_1491 = arith.constant 112 : index
        %swap3A_1492 = tpu.vector_load %arg10[%swap3A_1490, %swap3A_1491] {strides = array<i32>} : memref<5x128xi32, #tpu.memory_space<vmem>>, vector<1x16xi32>,
        %swap3A_1493 = vector.shape_cast %swap3A_1492 : vector<1x16xi32> to vector<16xi32>
        %swap3A_1494 = vector.shape_cast %add3A_1488 : vector<16xi32> to vector<1x16xi32>
        tpu.vector_store %arg10[%swap3A_1490, %swap3A_1491], %swap3A_1494 {strides = array<i32>} : memref<5x128xi32, #tpu.memory_space<vmem>>, vector<1x16xi32>,
        %get3A_1495 = arith.constant 256 : index
        %get3A_1496 = tpu.vector_load %arg8[%get3A_1495] {strides = array<i32>} : memref<640xi32, #tpu.memory_space<vmem>>, vector<16xi32>,
        %get3A_1497 = vector.shape_cast %get3A_1496 : vector<16xi32> to vector<16xi32>
        %add3A_1498 = arith.addi %get3A_1497, %get3A_1330 : vector<16xi32>
        %swap3A_1499 = arith.constant 2 : i32
        %swap3A_1500 = arith.index_cast %swap3A_1499 : i32 to index
        %swap3A_1501 = arith.constant 0 : index
        %swap3A_1502 = tpu.vector_load %arg10[%swap3A_1500, %swap3A_1501] {strides = array<i32>} : memref<5x128xi32, #tpu.memory_space<vmem>>, vector<1x16xi32>,
        %swap3A_1503 = vector.shape_cast %swap3A_1502 : vector<1x16xi32> to vector<16xi32>
        %swap3A_1504 = vector.shape_cast %add3A_1498 : vector<16xi32> to vector<1x16xi32>
        tpu.vector_store %arg10[%swap3A_1500, %swap3A_1501], %swap3A_1504 {strides = array<i32>} : memref<5x128xi32, #tpu.memory_space<vmem>>, vector<1x16xi32>,
        %get3A_1505 = arith.constant 272 : index
        %get3A_1506 = tpu.vector_load %arg8[%get3A_1505] {strides = array<i32>} : memref<640xi32, #tpu.memory_space<vmem>>, vector<16xi32>,
        %get3A_1507 = vector.shape_cast %get3A_1506 : vector<16xi32> to vector<16xi32>
        %add3A_1508 = arith.addi %get3A_1507, %get3A_1330 : vector<16xi32>
        %swap3A_1509 = arith.constant 2 : i32
        %swap3A_1510 = arith.index_cast %swap3A_1509 : i32 to index
        %swap3A_1511 = arith.constant 16 : index
        %swap3A_1512 = tpu.vector_load %arg10[%swap3A_1510, %swap3A_1511] {strides = array<i32>} : memref<5x128xi32, #tpu.memory_space<vmem>>, vector<1x16xi32>,
        %swap3A_1513 = vector.shape_cast %swap3A_1512 : vector<1x16xi32> to vector<16xi32>
        %swap3A_1514 = vector.shape_cast %add3A_1508 : vector<16xi32> to vector<1x16xi32>
        tpu.vector_store %arg10[%swap3A_1510, %swap3A_1511], %swap3A_1514 {strides = array<i32>} : memref<5x128xi32, #tpu.memory_space<vmem>>, vector<1x16xi32>,
        %get3A_1515 = arith.constant 288 : index
        %get3A_1516 = tpu.vector_load %arg8[%get3A_1515] {strides = array<i32>} : memref<640xi32, #tpu.memory_space<vmem>>, vector<16xi32>,
        %get3A_1517 = vector.shape_cast %get3A_1516 : vector<16xi32> to vector<16xi32>
        %add3A_1518 = arith.addi %get3A_1517, %get3A_1330 : vector<16xi32>
        %swap3A_1519 = arith.constant 2 : i32
        %swap3A_1520 = arith.index_cast %swap3A_1519 : i32 to index
        %swap3A_1521 = arith.constant 32 : index
        %swap3A_1522 = tpu.vector_load %arg10[%swap3A_1520, %swap3A_1521] {strides = array<i32>} : memref<5x128xi32, #tpu.memory_space<vmem>>, vector<1x16xi32>,
        %swap3A_1523 = vector.shape_cast %swap3A_1522 : vector<1x16xi32> to vector<16xi32>
        %swap3A_1524 = vector.shape_cast %add3A_1518 : vector<16xi32> to vector<1x16xi32>
        tpu.vector_store %arg10[%swap3A_1520, %swap3A_1521], %swap3A_1524 {strides = array<i32>} : memref<5x128xi32, #tpu.memory_space<vmem>>, vector<1x16xi32>,
        %get3A_1525 = arith.constant 304 : index
        %get3A_1526 = tpu.vector_load %arg8[%get3A_1525] {strides = array<i32>} : memref<640xi32, #tpu.memory_space<vmem>>, vector<16xi32>,
        %get3A_1527 = vector.shape_cast %get3A_1526 : vector<16xi32> to vector<16xi32>
        %add3A_1528 = arith.addi %get3A_1527, %get3A_1330 : vector<16xi32>
        %swap3A_1529 = arith.constant 2 : i32
        %swap3A_1530 = arith.index_cast %swap3A_1529 : i32 to index
        %swap3A_1531 = arith.constant 48 : index
        %swap3A_1532 = tpu.vector_load %arg10[%swap3A_1530, %swap3A_1531] {strides = array<i32>} : memref<5x128xi32, #tpu.memory_space<vmem>>, vector<1x16xi32>,
        %swap3A_1533 = vector.shape_cast %swap3A_1532 : vector<1x16xi32> to vector<16xi32>
        %swap3A_1534 = vector.shape_cast %add3A_1528 : vector<16xi32> to vector<1x16xi32>
        tpu.vector_store %arg10[%swap3A_1530, %swap3A_1531], %swap3A_1534 {strides = array<i32>} : memref<5x128xi32, #tpu.memory_space<vmem>>, vector<1x16xi32>,
        %get3A_1535 = arith.constant 320 : index
        %get3A_1536 = tpu.vector_load %arg8[%get3A_1535] {strides = array<i32>} : memref<640xi32, #tpu.memory_space<vmem>>, vector<16xi32>,
        %get3A_1537 = vector.shape_cast %get3A_1536 : vector<16xi32> to vector<16xi32>
        %add3A_1538 = arith.addi %get3A_1537, %get3A_1330 : vector<16xi32>
        %swap3A_1539 = arith.constant 2 : i32
        %swap3A_1540 = arith.index_cast %swap3A_1539 : i32 to index
        %swap3A_1541 = arith.constant 64 : index
        %swap3A_1542 = tpu.vector_load %arg10[%swap3A_1540, %swap3A_1541] {strides = array<i32>} : memref<5x128xi32, #tpu.memory_space<vmem>>, vector<1x16xi32>,
        %swap3A_1543 = vector.shape_cast %swap3A_1542 : vector<1x16xi32> to vector<16xi32>
        %swap3A_1544 = vector.shape_cast %add3A_1538 : vector<16xi32> to vector<1x16xi32>
        tpu.vector_store %arg10[%swap3A_1540, %swap3A_1541], %swap3A_1544 {strides = array<i32>} : memref<5x128xi32, #tpu.memory_space<vmem>>, vector<1x16xi32>,
        %get3A_1545 = arith.constant 336 : index
        %get3A_1546 = tpu.vector_load %arg8[%get3A_1545] {strides = array<i32>} : memref<640xi32, #tpu.memory_space<vmem>>, vector<16xi32>,
        %get3A_1547 = vector.shape_cast %get3A_1546 : vector<16xi32> to vector<16xi32>
        %add3A_1548 = arith.addi %get3A_1547, %get3A_1330 : vector<16xi32>
        %swap3A_1549 = arith.constant 2 : i32
        %swap3A_1550 = arith.index_cast %swap3A_1549 : i32 to index
        %swap3A_1551 = arith.constant 80 : index
        %swap3A_1552 = tpu.vector_load %arg10[%swap3A_1550, %swap3A_1551] {strides = array<i32>} : memref<5x128xi32, #tpu.memory_space<vmem>>, vector<1x16xi32>,
        %swap3A_1553 = vector.shape_cast %swap3A_1552 : vector<1x16xi32> to vector<16xi32>
        %swap3A_1554 = vector.shape_cast %add3A_1548 : vector<16xi32> to vector<1x16xi32>
        tpu.vector_store %arg10[%swap3A_1550, %swap3A_1551], %swap3A_1554 {strides = array<i32>} : memref<5x128xi32, #tpu.memory_space<vmem>>, vector<1x16xi32>,
        %get3A_1555 = arith.constant 352 : index
        %get3A_1556 = tpu.vector_load %arg8[%get3A_1555] {strides = array<i32>} : memref<640xi32, #tpu.memory_space<vmem>>, vector<16xi32>,
        %get3A_1557 = vector.shape_cast %get3A_1556 : vector<16xi32> to vector<16xi32>
        %add3A_1558 = arith.addi %get3A_1557, %get3A_1330 : vector<16xi32>
        %swap3A_1559 = arith.constant 2 : i32
        %swap3A_1560 = arith.index_cast %swap3A_1559 : i32 to index
        %swap3A_1561 = arith.constant 96 : index
        %swap3A_1562 = tpu.vector_load %arg10[%swap3A_1560, %swap3A_1561] {strides = array<i32>} : memref<5x128xi32, #tpu.memory_space<vmem>>, vector<1x16xi32>,
        %swap3A_1563 = vector.shape_cast %swap3A_1562 : vector<1x16xi32> to vector<16xi32>
        %swap3A_1564 = vector.shape_cast %add3A_1558 : vector<16xi32> to vector<1x16xi32>
        tpu.vector_store %arg10[%swap3A_1560, %swap3A_1561], %swap3A_1564 {strides = array<i32>} : memref<5x128xi32, #tpu.memory_space<vmem>>, vector<1x16xi32>,
        %get3A_1565 = arith.constant 368 : index
        %get3A_1566 = tpu.vector_load %arg8[%get3A_1565] {strides = array<i32>} : memref<640xi32, #tpu.memory_space<vmem>>, vector<16xi32>,
        %get3A_1567 = vector.shape_cast %get3A_1566 : vector<16xi32> to vector<16xi32>
        %add3A_1568 = arith.addi %get3A_1567, %get3A_1330 : vector<16xi32>
        %swap3A_1569 = arith.constant 2 : i32
        %swap3A_1570 = arith.index_cast %swap3A_1569 : i32 to index
        %swap3A_1571 = arith.constant 112 : index
        %swap3A_1572 = tpu.vector_load %arg10[%swap3A_1570, %swap3A_1571] {strides = array<i32>} : memref<5x128xi32, #tpu.memory_space<vmem>>, vector<1x16xi32>,
        %swap3A_1573 = vector.shape_cast %swap3A_1572 : vector<1x16xi32> to vector<16xi32>
        %swap3A_1574 = vector.shape_cast %add3A_1568 : vector<16xi32> to vector<1x16xi32>
        tpu.vector_store %arg10[%swap3A_1570, %swap3A_1571], %swap3A_1574 {strides = array<i32>} : memref<5x128xi32, #tpu.memory_space<vmem>>, vector<1x16xi32>,
        %get3A_1575 = arith.constant 384 : index
        %get3A_1576 = tpu.vector_load %arg8[%get3A_1575] {strides = array<i32>} : memref<640xi32, #tpu.memory_space<vmem>>, vector<16xi32>,
        %get3A_1577 = vector.shape_cast %get3A_1576 : vector<16xi32> to vector<16xi32>
        %add3A_1578 = arith.addi %get3A_1577, %get3A_1330 : vector<16xi32>
        %swap3A_1579 = arith.constant 3 : i32
        %swap3A_1580 = arith.index_cast %swap3A_1579 : i32 to index
        %swap3A_1581 = arith.constant 0 : index
        %swap3A_1582 = tpu.vector_load %arg10[%swap3A_1580, %swap3A_1581] {strides = array<i32>} : memref<5x128xi32, #tpu.memory_space<vmem>>, vector<1x16xi32>,
        %swap3A_1583 = vector.shape_cast %swap3A_1582 : vector<1x16xi32> to vector<16xi32>
        %swap3A_1584 = vector.shape_cast %add3A_1578 : vector<16xi32> to vector<1x16xi32>
        tpu.vector_store %arg10[%swap3A_1580, %swap3A_1581], %swap3A_1584 {strides = array<i32>} : memref<5x128xi32, #tpu.memory_space<vmem>>, vector<1x16xi32>,
        %get3A_1585 = arith.constant 400 : index
        %get3A_1586 = tpu.vector_load %arg8[%get3A_1585] {strides = array<i32>} : memref<640xi32, #tpu.memory_space<vmem>>, vector<16xi32>,
        %get3A_1587 = vector.shape_cast %get3A_1586 : vector<16xi32> to vector<16xi32>
        %add3A_1588 = arith.addi %get3A_1587, %get3A_1330 : vector<16xi32>
        %swap3A_1589 = arith.constant 3 : i32
        %swap3A_1590 = arith.index_cast %swap3A_1589 : i32 to index
        %swap3A_1591 = arith.constant 16 : index
        %swap3A_1592 = tpu.vector_load %arg10[%swap3A_1590, %swap3A_1591] {strides = array<i32>} : memref<5x128xi32, #tpu.memory_space<vmem>>, vector<1x16xi32>,
        %swap3A_1593 = vector.shape_cast %swap3A_1592 : vector<1x16xi32> to vector<16xi32>
        %swap3A_1594 = vector.shape_cast %add3A_1588 : vector<16xi32> to vector<1x16xi32>
        tpu.vector_store %arg10[%swap3A_1590, %swap3A_1591], %swap3A_1594 {strides = array<i32>} : memref<5x128xi32, #tpu.memory_space<vmem>>, vector<1x16xi32>,
        %get3A_1595 = arith.constant 416 : index
        %get3A_1596 = tpu.vector_load %arg8[%get3A_1595] {strides = array<i32>} : memref<640xi32, #tpu.memory_space<vmem>>, vector<16xi32>,
        %get3A_1597 = vector.shape_cast %get3A_1596 : vector<16xi32> to vector<16xi32>
        %add3A_1598 = arith.addi %get3A_1597, %get3A_1330 : vector<16xi32>
        %swap3A_1599 = arith.constant 3 : i32
        %swap3A_1600 = arith.index_cast %swap3A_1599 : i32 to index
        %swap3A_1601 = arith.constant 32 : index
        %swap3A_1602 = tpu.vector_load %arg10[%swap3A_1600, %swap3A_1601] {strides = array<i32>} : memref<5x128xi32, #tpu.memory_space<vmem>>, vector<1x16xi32>,
        %swap3A_1603 = vector.shape_cast %swap3A_1602 : vector<1x16xi32> to vector<16xi32>
        %swap3A_1604 = vector.shape_cast %add3A_1598 : vector<16xi32> to vector<1x16xi32>
        tpu.vector_store %arg10[%swap3A_1600, %swap3A_1601], %swap3A_1604 {strides = array<i32>} : memref<5x128xi32, #tpu.memory_space<vmem>>, vector<1x16xi32>,
        %get3A_1605 = arith.constant 432 : index
        %get3A_1606 = tpu.vector_load %arg8[%get3A_1605] {strides = array<i32>} : memref<640xi32, #tpu.memory_space<vmem>>, vector<16xi32>,
        %get3A_1607 = vector.shape_cast %get3A_1606 : vector<16xi32> to vector<16xi32>
        %add3A_1608 = arith.addi %get3A_1607, %get3A_1330 : vector<16xi32>
        %swap3A_1609 = arith.constant 3 : i32
        %swap3A_1610 = arith.index_cast %swap3A_1609 : i32 to index
        %swap3A_1611 = arith.constant 48 : index
        %swap3A_1612 = tpu.vector_load %arg10[%swap3A_1610, %swap3A_1611] {strides = array<i32>} : memref<5x128xi32, #tpu.memory_space<vmem>>, vector<1x16xi32>,
        %swap3A_1613 = vector.shape_cast %swap3A_1612 : vector<1x16xi32> to vector<16xi32>
        %swap3A_1614 = vector.shape_cast %add3A_1608 : vector<16xi32> to vector<1x16xi32>
        tpu.vector_store %arg10[%swap3A_1610, %swap3A_1611], %swap3A_1614 {strides = array<i32>} : memref<5x128xi32, #tpu.memory_space<vmem>>, vector<1x16xi32>,
        %get3A_1615 = arith.constant 448 : index
        %get3A_1616 = tpu.vector_load %arg8[%get3A_1615] {strides = array<i32>} : memref<640xi32, #tpu.memory_space<vmem>>, vector<16xi32>,
        %get3A_1617 = vector.shape_cast %get3A_1616 : vector<16xi32> to vector<16xi32>
        %add3A_1618 = arith.addi %get3A_1617, %get3A_1330 : vector<16xi32>
        %swap3A_1619 = arith.constant 3 : i32
        %swap3A_1620 = arith.index_cast %swap3A_1619 : i32 to index
        %swap3A_1621 = arith.constant 64 : index
        %swap3A_1622 = tpu.vector_load %arg10[%swap3A_1620, %swap3A_1621] {strides = array<i32>} : memref<5x128xi32, #tpu.memory_space<vmem>>, vector<1x16xi32>,
        %swap3A_1623 = vector.shape_cast %swap3A_1622 : vector<1x16xi32> to vector<16xi32>
        %swap3A_1624 = vector.shape_cast %add3A_1618 : vector<16xi32> to vector<1x16xi32>
        tpu.vector_store %arg10[%swap3A_1620, %swap3A_1621], %swap3A_1624 {strides = array<i32>} : memref<5x128xi32, #tpu.memory_space<vmem>>, vector<1x16xi32>,
        %get3A_1625 = arith.constant 464 : index
        %get3A_1626 = tpu.vector_load %arg8[%get3A_1625] {strides = array<i32>} : memref<640xi32, #tpu.memory_space<vmem>>, vector<16xi32>,
        %get3A_1627 = vector.shape_cast %get3A_1626 : vector<16xi32> to vector<16xi32>
        %add3A_1628 = arith.addi %get3A_1627, %get3A_1330 : vector<16xi32>
        %swap3A_1629 = arith.constant 3 : i32
        %swap3A_1630 = arith.index_cast %swap3A_1629 : i32 to index
        %swap3A_1631 = arith.constant 80 : index
        %swap3A_1632 = tpu.vector_load %arg10[%swap3A_1630, %swap3A_1631] {strides = array<i32>} : memref<5x128xi32, #tpu.memory_space<vmem>>, vector<1x16xi32>,
        %swap3A_1633 = vector.shape_cast %swap3A_1632 : vector<1x16xi32> to vector<16xi32>
        %swap3A_1634 = vector.shape_cast %add3A_1628 : vector<16xi32> to vector<1x16xi32>
        tpu.vector_store %arg10[%swap3A_1630, %swap3A_1631], %swap3A_1634 {strides = array<i32>} : memref<5x128xi32, #tpu.memory_space<vmem>>, vector<1x16xi32>,
        %get3A_1635 = arith.constant 480 : index
        %get3A_1636 = tpu.vector_load %arg8[%get3A_1635] {strides = array<i32>} : memref<640xi32, #tpu.memory_space<vmem>>, vector<16xi32>,
        %get3A_1637 = vector.shape_cast %get3A_1636 : vector<16xi32> to vector<16xi32>
        %add3A_1638 = arith.addi %get3A_1637, %get3A_1330 : vector<16xi32>
        %swap3A_1639 = arith.constant 3 : i32
        %swap3A_1640 = arith.index_cast %swap3A_1639 : i32 to index
        %swap3A_1641 = arith.constant 96 : index
        %swap3A_1642 = tpu.vector_load %arg10[%swap3A_1640, %swap3A_1641] {strides = array<i32>} : memref<5x128xi32, #tpu.memory_space<vmem>>, vector<1x16xi32>,
        %swap3A_1643 = vector.shape_cast %swap3A_1642 : vector<1x16xi32> to vector<16xi32>
        %swap3A_1644 = vector.shape_cast %add3A_1638 : vector<16xi32> to vector<1x16xi32>
        tpu.vector_store %arg10[%swap3A_1640, %swap3A_1641], %swap3A_1644 {strides = array<i32>} : memref<5x128xi32, #tpu.memory_space<vmem>>, vector<1x16xi32>,
        %get3A_1645 = arith.constant 496 : index
        %get3A_1646 = tpu.vector_load %arg8[%get3A_1645] {strides = array<i32>} : memref<640xi32, #tpu.memory_space<vmem>>, vector<16xi32>,
        %get3A_1647 = vector.shape_cast %get3A_1646 : vector<16xi32> to vector<16xi32>
        %add3A_1648 = arith.addi %get3A_1647, %get3A_1330 : vector<16xi32>
        %swap3A_1649 = arith.constant 3 : i32
        %swap3A_1650 = arith.index_cast %swap3A_1649 : i32 to index
        %swap3A_1651 = arith.constant 112 : index
        %swap3A_1652 = tpu.vector_load %arg10[%swap3A_1650, %swap3A_1651] {strides = array<i32>} : memref<5x128xi32, #tpu.memory_space<vmem>>, vector<1x16xi32>,
        %swap3A_1653 = vector.shape_cast %swap3A_1652 : vector<1x16xi32> to vector<16xi32>
        %swap3A_1654 = vector.shape_cast %add3A_1648 : vector<16xi32> to vector<1x16xi32>
        tpu.vector_store %arg10[%swap3A_1650, %swap3A_1651], %swap3A_1654 {strides = array<i32>} : memref<5x128xi32, #tpu.memory_space<vmem>>, vector<1x16xi32>,
        %get3A_1655 = arith.constant 512 : index
        %get3A_1656 = tpu.vector_load %arg8[%get3A_1655] {strides = array<i32>} : memref<640xi32, #tpu.memory_space<vmem>>, vector<16xi32>,
        %get3A_1657 = vector.shape_cast %get3A_1656 : vector<16xi32> to vector<16xi32>
        %add3A_1658 = arith.addi %get3A_1657, %get3A_1330 : vector<16xi32>
        %swap3A_1659 = arith.constant 4 : i32
        %swap3A_1660 = arith.index_cast %swap3A_1659 : i32 to index
        %swap3A_1661 = arith.constant 0 : index
        %swap3A_1662 = tpu.vector_load %arg10[%swap3A_1660, %swap3A_1661] {strides = array<i32>} : memref<5x128xi32, #tpu.memory_space<vmem>>, vector<1x16xi32>,
        %swap3A_1663 = vector.shape_cast %swap3A_1662 : vector<1x16xi32> to vector<16xi32>
        %swap3A_1664 = vector.shape_cast %add3A_1658 : vector<16xi32> to vector<1x16xi32>
        tpu.vector_store %arg10[%swap3A_1660, %swap3A_1661], %swap3A_1664 {strides = array<i32>} : memref<5x128xi32, #tpu.memory_space<vmem>>, vector<1x16xi32>,
        %get3A_1665 = arith.constant 528 : index
        %get3A_1666 = tpu.vector_load %arg8[%get3A_1665] {strides = array<i32>} : memref<640xi32, #tpu.memory_space<vmem>>, vector<16xi32>,
        %get3A_1667 = vector.shape_cast %get3A_1666 : vector<16xi32> to vector<16xi32>
        %add3A_1668 = arith.addi %get3A_1667, %get3A_1330 : vector<16xi32>
        %swap3A_1669 = arith.constant 4 : i32
        %swap3A_1670 = arith.index_cast %swap3A_1669 : i32 to index
        %swap3A_1671 = arith.constant 16 : index
        %swap3A_1672 = tpu.vector_load %arg10[%swap3A_1670, %swap3A_1671] {strides = array<i32>} : memref<5x128xi32, #tpu.memory_space<vmem>>, vector<1x16xi32>,
        %swap3A_1673 = vector.shape_cast %swap3A_1672 : vector<1x16xi32> to vector<16xi32>
        %swap3A_1674 = vector.shape_cast %add3A_1668 : vector<16xi32> to vector<1x16xi32>
        tpu.vector_store %arg10[%swap3A_1670, %swap3A_1671], %swap3A_1674 {strides = array<i32>} : memref<5x128xi32, #tpu.memory_space<vmem>>, vector<1x16xi32>,
        %get3A_1675 = arith.constant 544 : index
        %get3A_1676 = tpu.vector_load %arg8[%get3A_1675] {strides = array<i32>} : memref<640xi32, #tpu.memory_space<vmem>>, vector<16xi32>,
        %get3A_1677 = vector.shape_cast %get3A_1676 : vector<16xi32> to vector<16xi32>
        %add3A_1678 = arith.addi %get3A_1677, %get3A_1330 : vector<16xi32>
        %swap3A_1679 = arith.constant 4 : i32
        %swap3A_1680 = arith.index_cast %swap3A_1679 : i32 to index
        %swap3A_1681 = arith.constant 32 : index
        %swap3A_1682 = tpu.vector_load %arg10[%swap3A_1680, %swap3A_1681] {strides = array<i32>} : memref<5x128xi32, #tpu.memory_space<vmem>>, vector<1x16xi32>,
        %swap3A_1683 = vector.shape_cast %swap3A_1682 : vector<1x16xi32> to vector<16xi32>
        %swap3A_1684 = vector.shape_cast %add3A_1678 : vector<16xi32> to vector<1x16xi32>
        tpu.vector_store %arg10[%swap3A_1680, %swap3A_1681], %swap3A_1684 {strides = array<i32>} : memref<5x128xi32, #tpu.memory_space<vmem>>, vector<1x16xi32>,
        %get3A_1685 = arith.constant 560 : index
        %get3A_1686 = tpu.vector_load %arg8[%get3A_1685] {strides = array<i32>} : memref<640xi32, #tpu.memory_space<vmem>>, vector<16xi32>,
        %get3A_1687 = vector.shape_cast %get3A_1686 : vector<16xi32> to vector<16xi32>
        %add3A_1688 = arith.addi %get3A_1687, %get3A_1330 : vector<16xi32>
        %swap3A_1689 = arith.constant 4 : i32
        %swap3A_1690 = arith.index_cast %swap3A_1689 : i32 to index
        %swap3A_1691 = arith.constant 48 : index
        %swap3A_1692 = tpu.vector_load %arg10[%swap3A_1690, %swap3A_1691] {strides = array<i32>} : memref<5x128xi32, #tpu.memory_space<vmem>>, vector<1x16xi32>,
        %swap3A_1693 = vector.shape_cast %swap3A_1692 : vector<1x16xi32> to vector<16xi32>
        %swap3A_1694 = vector.shape_cast %add3A_1688 : vector<16xi32> to vector<1x16xi32>
        tpu.vector_store %arg10[%swap3A_1690, %swap3A_1691], %swap3A_1694 {strides = array<i32>} : memref<5x128xi32, #tpu.memory_space<vmem>>, vector<1x16xi32>,
        %get3A_1695 = arith.constant 576 : index
        %get3A_1696 = tpu.vector_load %arg8[%get3A_1695] {strides = array<i32>} : memref<640xi32, #tpu.memory_space<vmem>>, vector<16xi32>,
        %get3A_1697 = vector.shape_cast %get3A_1696 : vector<16xi32> to vector<16xi32>
        %add3A_1698 = arith.addi %get3A_1697, %get3A_1330 : vector<16xi32>
        %swap3A_1699 = arith.constant 4 : i32
        %swap3A_1700 = arith.index_cast %swap3A_1699 : i32 to index
        %swap3A_1701 = arith.constant 64 : index
        %swap3A_1702 = tpu.vector_load %arg10[%swap3A_1700, %swap3A_1701] {strides = array<i32>} : memref<5x128xi32, #tpu.memory_space<vmem>>, vector<1x16xi32>,
        %swap3A_1703 = vector.shape_cast %swap3A_1702 : vector<1x16xi32> to vector<16xi32>
        %swap3A_1704 = vector.shape_cast %add3A_1698 : vector<16xi32> to vector<1x16xi32>
        tpu.vector_store %arg10[%swap3A_1700, %swap3A_1701], %swap3A_1704 {strides = array<i32>} : memref<5x128xi32, #tpu.memory_space<vmem>>, vector<1x16xi32>,
        %get3A_1705 = arith.constant 592 : index
        %get3A_1706 = tpu.vector_load %arg8[%get3A_1705] {strides = array<i32>} : memref<640xi32, #tpu.memory_space<vmem>>, vector<16xi32>,
        %get3A_1707 = vector.shape_cast %get3A_1706 : vector<16xi32> to vector<16xi32>
        %add3A_1708 = arith.addi %get3A_1707, %get3A_1330 : vector<16xi32>
        %swap3A_1709 = arith.constant 4 : i32
        %swap3A_1710 = arith.index_cast %swap3A_1709 : i32 to index
        %swap3A_1711 = arith.constant 80 : index
        %swap3A_1712 = tpu.vector_load %arg10[%swap3A_1710, %swap3A_1711] {strides = array<i32>} : memref<5x128xi32, #tpu.memory_space<vmem>>, vector<1x16xi32>,
        %swap3A_1713 = vector.shape_cast %swap3A_1712 : vector<1x16xi32> to vector<16xi32>
        %swap3A_1714 = vector.shape_cast %add3A_1708 : vector<16xi32> to vector<1x16xi32>
        tpu.vector_store %arg10[%swap3A_1710, %swap3A_1711], %swap3A_1714 {strides = array<i32>} : memref<5x128xi32, #tpu.memory_space<vmem>>, vector<1x16xi32>,
        %get3A_1715 = arith.constant 608 : index
        %get3A_1716 = tpu.vector_load %arg8[%get3A_1715] {strides = array<i32>} : memref<640xi32, #tpu.memory_space<vmem>>, vector<16xi32>,
        %get3A_1717 = vector.shape_cast %get3A_1716 : vector<16xi32> to vector<16xi32>
        %add3A_1718 = arith.addi %get3A_1717, %get3A_1330 : vector<16xi32>
        %swap3A_1719 = arith.constant 4 : i32
        %swap3A_1720 = arith.index_cast %swap3A_1719 : i32 to index
        %swap3A_1721 = arith.constant 96 : index
        %swap3A_1722 = tpu.vector_load %arg10[%swap3A_1720, %swap3A_1721] {strides = array<i32>} : memref<5x128xi32, #tpu.memory_space<vmem>>, vector<1x16xi32>,
        %swap3A_1723 = vector.shape_cast %swap3A_1722 : vector<1x16xi32> to vector<16xi32>
        %swap3A_1724 = vector.shape_cast %add3A_1718 : vector<16xi32> to vector<1x16xi32>
        tpu.vector_store %arg10[%swap3A_1720, %swap3A_1721], %swap3A_1724 {strides = array<i32>} : memref<5x128xi32, #tpu.memory_space<vmem>>, vector<1x16xi32>,
        %get3A_1725 = arith.constant 624 : index
        %get3A_1726 = tpu.vector_load %arg8[%get3A_1725] {strides = array<i32>} : memref<640xi32, #tpu.memory_space<vmem>>, vector<16xi32>,
        %get3A_1727 = vector.shape_cast %get3A_1726 : vector<16xi32> to vector<16xi32>
        %add3A_1728 = arith.addi %get3A_1727, %get3A_1330 : vector<16xi32>
        %swap3A_1729 = arith.constant 4 : i32
        %swap3A_1730 = arith.index_cast %swap3A_1729 : i32 to index
        %swap3A_1731 = arith.constant 112 : index
        %swap3A_1732 = tpu.vector_load %arg10[%swap3A_1730, %swap3A_1731] {strides = array<i32>} : memref<5x128xi32, #tpu.memory_space<vmem>>, vector<1x16xi32>,
        %swap3A_1733 = vector.shape_cast %swap3A_1732 : vector<1x16xi32> to vector<16xi32>
        %swap3A_1734 = vector.shape_cast %add3A_1728 : vector<16xi32> to vector<1x16xi32>
        tpu.vector_store %arg10[%swap3A_1730, %swap3A_1731], %swap3A_1734 {strides = array<i32>} : memref<5x128xi32, #tpu.memory_space<vmem>>, vector<1x16xi32>,
        %dma_start3A_1735 = arith.constant 0 : i32
        %dma_start3A_1736 = arith.constant 0 : i32
        %dma_start3A_1737 = arith.constant 0 : i32
        %dma_start3A_1738 = tpu.memref_slice %arg12[%dma_start3A_1736, %dma_start3A_1737] : memref<640x64xf32, #tpu.memory_space<vmem>> -> memref<128x64xf32, #tpu.memory_space<vmem>>
        %dma_start3A_1739 = arith.constant 0 : i32
        %dma_start3A_1740 = tpu.memref_slice %arg10[%dma_start3A_1735, %dma_start3A_1739] : memref<5x128xi32, #tpu.memory_space<vmem>> -> memref<1x128xi32, #tpu.memory_space<vmem>>
        %dma_start3A_1741 = tpu.memref_squeeze %dma_start3A_1740 : memref<1x128xi32, #tpu.memory_space<vmem>> -> memref<128xi32, #tpu.memory_space<vmem>>
        %dma_start3A_1742 = arith.constant 0 : i32
        %dma_start3A_1743 = arith.constant 0 : i32
        %dma_start3A_1744 = tpu.memref_slice %arg2[%dma_start3A_1742, %dma_start3A_1743] : memref<2600000x64xf32, #tpu.memory_space<hbm>> -> memref<2600000x64xf32, #tpu.memory_space<hbm>>
        tpu.enqueue_indirect_dma source(%dma_start3A_1744 : memref<2600000x64xf32, #tpu.memory_space<hbm>>) target(%dma_start3A_1738 : memref<128x64xf32, #tpu.memory_space<vmem>>) offsets(%dma_start3A_1741 : memref<128xi32, #tpu.memory_space<vmem>>) semaphore(%arg20 : memref<!tpu.dma_semaphore, #tpu.memory_space<semaphore_mem>>)
        %dma_start3A_1745 = arith.constant 1 : i32
        %dma_start3A_1746 = arith.constant 128 : i32
        %dma_start3A_1747 = arith.constant 0 : i32
        %dma_start3A_1748 = tpu.memref_slice %arg12[%dma_start3A_1746, %dma_start3A_1747] : memref<640x64xf32, #tpu.memory_space<vmem>> -> memref<128x64xf32, #tpu.memory_space<vmem>>
        %dma_start3A_1749 = arith.constant 0 : i32
        %dma_start3A_1750 = tpu.memref_slice %arg10[%dma_start3A_1745, %dma_start3A_1749] : memref<5x128xi32, #tpu.memory_space<vmem>> -> memref<1x128xi32, #tpu.memory_space<vmem>>
        %dma_start3A_1751 = tpu.memref_squeeze %dma_start3A_1750 : memref<1x128xi32, #tpu.memory_space<vmem>> -> memref<128xi32, #tpu.memory_space<vmem>>
        %dma_start3A_1752 = arith.constant 0 : i32
        %dma_start3A_1753 = arith.constant 0 : i32
        %dma_start3A_1754 = tpu.memref_slice %arg2[%dma_start3A_1752, %dma_start3A_1753] : memref<2600000x64xf32, #tpu.memory_space<hbm>> -> memref<2600000x64xf32, #tpu.memory_space<hbm>>
        tpu.enqueue_indirect_dma source(%dma_start3A_1754 : memref<2600000x64xf32, #tpu.memory_space<hbm>>) target(%dma_start3A_1748 : memref<128x64xf32, #tpu.memory_space<vmem>>) offsets(%dma_start3A_1751 : memref<128xi32, #tpu.memory_space<vmem>>) semaphore(%arg20 : memref<!tpu.dma_semaphore, #tpu.memory_space<semaphore_mem>>)
        %dma_start3A_1755 = arith.constant 2 : i32
        %dma_start3A_1756 = arith.constant 256 : i32
        %dma_start3A_1757 = arith.constant 0 : i32
        %dma_start3A_1758 = tpu.memref_slice %arg12[%dma_start3A_1756, %dma_start3A_1757] : memref<640x64xf32, #tpu.memory_space<vmem>> -> memref<128x64xf32, #tpu.memory_space<vmem>>
        %dma_start3A_1759 = arith.constant 0 : i32
        %dma_start3A_1760 = tpu.memref_slice %arg10[%dma_start3A_1755, %dma_start3A_1759] : memref<5x128xi32, #tpu.memory_space<vmem>> -> memref<1x128xi32, #tpu.memory_space<vmem>>
        %dma_start3A_1761 = tpu.memref_squeeze %dma_start3A_1760 : memref<1x128xi32, #tpu.memory_space<vmem>> -> memref<128xi32, #tpu.memory_space<vmem>>
        %dma_start3A_1762 = arith.constant 0 : i32
        %dma_start3A_1763 = arith.constant 0 : i32
        %dma_start3A_1764 = tpu.memref_slice %arg2[%dma_start3A_1762, %dma_start3A_1763] : memref<2600000x64xf32, #tpu.memory_space<hbm>> -> memref<2600000x64xf32, #tpu.memory_space<hbm>>
        tpu.enqueue_indirect_dma source(%dma_start3A_1764 : memref<2600000x64xf32, #tpu.memory_space<hbm>>) target(%dma_start3A_1758 : memref<128x64xf32, #tpu.memory_space<vmem>>) offsets(%dma_start3A_1761 : memref<128xi32, #tpu.memory_space<vmem>>) semaphore(%arg20 : memref<!tpu.dma_semaphore, #tpu.memory_space<semaphore_mem>>)
        %dma_start3A_1765 = arith.constant 3 : i32
        %dma_start3A_1766 = arith.constant 384 : i32
        %dma_start3A_1767 = arith.constant 0 : i32
        %dma_start3A_1768 = tpu.memref_slice %arg12[%dma_start3A_1766, %dma_start3A_1767] : memref<640x64xf32, #tpu.memory_space<vmem>> -> memref<128x64xf32, #tpu.memory_space<vmem>>
        %dma_start3A_1769 = arith.constant 0 : i32
        %dma_start3A_1770 = tpu.memref_slice %arg10[%dma_start3A_1765, %dma_start3A_1769] : memref<5x128xi32, #tpu.memory_space<vmem>> -> memref<1x128xi32, #tpu.memory_space<vmem>>
        %dma_start3A_1771 = tpu.memref_squeeze %dma_start3A_1770 : memref<1x128xi32, #tpu.memory_space<vmem>> -> memref<128xi32, #tpu.memory_space<vmem>>
        %dma_start3A_1772 = arith.constant 0 : i32
        %dma_start3A_1773 = arith.constant 0 : i32
        %dma_start3A_1774 = tpu.memref_slice %arg2[%dma_start3A_1772, %dma_start3A_1773] : memref<2600000x64xf32, #tpu.memory_space<hbm>> -> memref<2600000x64xf32, #tpu.memory_space<hbm>>
        tpu.enqueue_indirect_dma source(%dma_start3A_1774 : memref<2600000x64xf32, #tpu.memory_space<hbm>>) target(%dma_start3A_1768 : memref<128x64xf32, #tpu.memory_space<vmem>>) offsets(%dma_start3A_1771 : memref<128xi32, #tpu.memory_space<vmem>>) semaphore(%arg20 : memref<!tpu.dma_semaphore, #tpu.memory_space<semaphore_mem>>)
        %dma_start3A_1775 = arith.constant 4 : i32
        %dma_start3A_1776 = arith.constant 512 : i32
        %dma_start3A_1777 = arith.constant 0 : i32
        %dma_start3A_1778 = tpu.memref_slice %arg12[%dma_start3A_1776, %dma_start3A_1777] : memref<640x64xf32, #tpu.memory_space<vmem>> -> memref<128x64xf32, #tpu.memory_space<vmem>>
        %dma_start3A_1779 = arith.constant 0 : i32
        %dma_start3A_1780 = tpu.memref_slice %arg10[%dma_start3A_1775, %dma_start3A_1779] : memref<5x128xi32, #tpu.memory_space<vmem>> -> memref<1x128xi32, #tpu.memory_space<vmem>>
        %dma_start3A_1781 = tpu.memref_squeeze %dma_start3A_1780 : memref<1x128xi32, #tpu.memory_space<vmem>> -> memref<128xi32, #tpu.memory_space<vmem>>
        %dma_start3A_1782 = arith.constant 0 : i32
        %dma_start3A_1783 = arith.constant 0 : i32
        %dma_start3A_1784 = tpu.memref_slice %arg2[%dma_start3A_1782, %dma_start3A_1783] : memref<2600000x64xf32, #tpu.memory_space<hbm>> -> memref<2600000x64xf32, #tpu.memory_space<hbm>>
        tpu.enqueue_indirect_dma source(%dma_start3A_1784 : memref<2600000x64xf32, #tpu.memory_space<hbm>>) target(%dma_start3A_1778 : memref<128x64xf32, #tpu.memory_space<vmem>>) offsets(%dma_start3A_1781 : memref<128xi32, #tpu.memory_space<vmem>>) semaphore(%arg20 : memref<!tpu.dma_semaphore, #tpu.memory_space<semaphore_mem>>)
      } else {
      }
      %add3A_1290 = arith.constant 4 : i32
      %add3A_1291 = arith.addi %add3A_1207, %add3A_1290 : i32
      %lt3A_1292 = arith.constant 104 : i32
      %lt3A_1293 = arith.cmpi slt, %add3A_1291, %lt3A_1292 : i32
      %convert_element_type3A_1294 = arith.extui %lt3A_1293 : i1 to i32
      %cond3A_1295 = arith.constant 0 : i32
      %cond3A_1296 = arith.cmpi ne, %convert_element_type3A_1294, %cond3A_1295 : i32
      scf.if %cond3A_1296 {
        %add3A_1297 = arith.constant 4 : i32
        %add3A_1298 = arith.addi %add3A_1207, %add3A_1297 : i32
        %mul3A_1299 = arith.constant 32 : i32
        %mul3A_1300 = arith.muli %add3A_1298, %mul3A_1299 : i32
        %add3A_1301 = arith.addi %mul3A_2, %mul3A_1300 : i32
        %mul3A_1302 = arith.constant 20 : i32
        %mul3A_1303 = arith.muli %add3A_1301, %mul3A_1302 : i32
        %dma_start3A_1304 = tpu.memref_slice %arg4[%mul3A_1303] : memref<2129920xi32, #tpu.memory_space<hbm>> -> memref<640xi32, #tpu.memory_space<hbm>>
        %dma_start3A_1305 = tpu.memref_slice %arg4[%mul3A_1303] : memref<2129920xi32, #tpu.memory_space<hbm>> -> memref<640xi32, #tpu.memory_space<hbm>>
        tpu.enqueue_dma source(%dma_start3A_1305 : memref<640xi32, #tpu.memory_space<hbm>>) target(%arg8 : memref<640xi32, #tpu.memory_space<vmem>>) target_semaphore(%arg18 : memref<!tpu.dma_semaphore, #tpu.memory_space<semaphore_mem>>)
      } else {
      }
    }
    %scan3A_1106 = arith.constant 52 : i32
    %dma_wait3A_1107 = arith.constant 0 : i32
    %dma_wait3A_1108 = arith.constant 0 : i32
    %dma_wait3A_1109 = tpu.memref_slice %arg5[%dma_wait3A_1107, %dma_wait3A_1108] : memref<106496x64xf32, #tpu.memory_space<hbm>> -> memref<106496x64xf32, #tpu.memory_space<hbm>>
    tpu.wait_indirect_dma semaphore(%arg21 : memref<!tpu.dma_semaphore, #tpu.memory_space<semaphore_mem>>) src(%arg13 : memref<32x64xf32, #tpu.memory_space<vmem>>) dst(%dma_wait3A_1109 : memref<106496x64xf32, #tpu.memory_space<hbm>>)
    %dma_wait3A_1110 = arith.constant 0 : i32
    %dma_wait3A_1111 = arith.constant 0 : i32
    %dma_wait3A_1112 = tpu.memref_slice %arg5[%dma_wait3A_1110, %dma_wait3A_1111] : memref<106496x64xf32, #tpu.memory_space<hbm>> -> memref<106496x64xf32, #tpu.memory_space<hbm>>
    tpu.wait_indirect_dma semaphore(%arg22 : memref<!tpu.dma_semaphore, #tpu.memory_space<semaphore_mem>>) src(%arg14 : memref<32x64xf32, #tpu.memory_space<vmem>>) dst(%dma_wait3A_1112 : memref<106496x64xf32, #tpu.memory_space<hbm>>)
    return
  }
}

</mosaic_0001>

<sc_bundles>
// kernel: kernel.3.cloned.1.call-start
scs
__scs_entry_jumppad:
0x0: {  	(pc) =	sbr.rel $0x88, $3  }
0x1: {  	(tag) =	ssettag $0x0;
	lr =	simm.s32 $0x1  }
0x2: {  	[smem:$0x3F9E] =	sst lr;
	_ =	strace $0xD0000000  }
0x3: {  	_ = 	snop  }
0x4: {  	_ = 	snop  }
0x5: {  	_ = 	snop  }
0x6: {  	_ = 	snop  }
0x7: {  	_ = 	snop  }
__scs_overlays_trampoline_lowered:
0x8: {  	[smem:$0x3FAD] =	sst s0  }
0x9: {  	[smem:$0x3FAE] =	sst s1  }
0xa: {  	[smem:$0x3FAF] =	sst s2  }
0xb: {  	[smem:$0x3FB0] =	sst s3  }
0xc: {  	[smem:$0x3FB1] =	sst s4  }
0xd: {  	[smem:$0x3FB2] =	sst s5  }
0xe: {  	[smem:$0x3FB3] =	sst s6  }
0xf: {  	[smem:$0x3FB4] =	sst s7  }
0x10: {  	[smem:$0x3FB5] =	sst s8  }
0x11: {  	[smem:$0x3FB6] =	sst s9;
	s0 =	simm.s32 @!p0 $0x0  }
0x12: {  	s1 =	sld [smem:$0x3F9C];
	s0 =	simm.s32 @p0 $0x1  }
0x13: {  	[smem:$0x3FB7] =	sst s0;
	s0 =	simm.s32 @!p1 $0x0  }
0x14: {  	s2 =	sld [smem:$0x3F9B];
	s0 =	simm.s32 @p1 $0x1  }
0x15: {  	[smem:$0x3FB8] =	sst s0;
	s0 =	simm.s32 @!p2 $0x0  }
0x16: {  	s3 =	sld [smem:$0x3FDB];
	s0 =	simm.s32 @p2 $0x1  }
0x17: {  	s4 =	simm.s32 $0x1BF5;
	[smem:$0x3FBA] =	sst s0  }
0x18: {  	s0 =	sld [smem:$0x3F9D];
	_ =	swait.ge [sflag:s4], $0x0  }
0x19: {  	s7 =	sld [smem:$0x3F9E]  }
0x1a: {  	s8 =	sadd.s32 $0xFFFFE003, lr  }
0x1b: {  	s9 =	sadd.s32 $0xFFFFFEF7, lr;
	s5 =	simm.s32 $0xFFFFFFFF;
	p2 =	slt.u32 s8, $0xFFFFF086  }
0x1c: {  	p1 =	slt.u32 s9, $0xF7A;
	s5 =	simm.s32 @!p2 $0x0  }
0x1d: {  	s5 =	simm.s32 @p1 $0x1;
	p0 =	seq.s32 s7, s2  }
0x1e: {  	s7 =	smul.u32 @!p0 $0xF7A, s2;
	p2 =	seq.s32 @!p0 s5, $0x0  }
0x1f: {  	s9 =	smul.u32 $0xF7A, s1;
	s8 =	simm.s32 @!p0 $0x1BF5;
	p2 =	por !p2, p0  }
0x20: {  	[sflag:s8] =	ssyncset.s32 @!p0 $0xFFFFF086;
	s6 =	sadd.s32 @!p0 s3, s7;
	s7 =	simm.s32 @!p0 $0x108  }
0x21: {  	s3 =	sadd.s32 s3, s9;
	s6 =	sadd.s32 @!p0 $0x88, s6;
	s7 =	simm.s32 @p2 $0x1082  }
0x22: {  	[simem:s7], [sflag:s8] =	dma.local @!p0 [hbm:s6], $0xF7A  }
0x23: {  	s9 =	sor.u32 $0xD0000000, s2;
	s6 =	simm.s32 $0x108;
	_ =	swait.ge @!p0 [sflag:s8], $0x0  }
0x24: {  	s3 =	sadd.s32 $0x88, s3;
	s6 =	simm.s32 @!p1 $0x1082;
	[sflag:s4] =	ssyncset.s32 $0xFFFFF086  }
0x25: {  	[simem:s6], [sflag:s4] =	dma.local [hbm:s3], $0xF7A  }
0x26: {  	[smem:$0x3F9E] =	sst s1;
	(tag) =	ssettag s2;
	_ =	strace s9  }
0x27: {  	s1 =	sld [smem:$0x3FAE]  }
0x28: {  	s2 =	sld [smem:$0x3FAF]  }
0x29: {  	s4 =	sld [smem:$0x3FB1]  }
0x2a: {  	p0 =	seq.s32 s5, $0x0;
	s5 =	sld [smem:$0x3FB2]  }
0x2b: {  	s6 =	sld [smem:$0x3FB3]  }
0x2c: {  	s7 =	sld [smem:$0x3FB4]  }
0x2d: {  	s3 =	simm.s32 $0x108;
	s8 =	sld [smem:$0x3FB5]  }
0x2e: {  	s3 =	simm.s32 @!p0 $0x1082;
	s9 =	sld [smem:$0x3FB6]  }
0x2f: {  	lr =	sadd.s32 s0, s3;
	s0 =	sld [smem:$0x3FAD]  }
0x30: {  	s3 =	sld [smem:$0x3FB0]  }
0x31: {  	[smem:$0x3FB9] =	sst s10  }
0x32: {  	s10 =	sld [smem:$0x3FB7];
	_ =	sdelay $0x3  }
0x33: {  	p0 =	seq.s32 s10, $0x1;
	s10 =	sld [smem:$0x3FB9];
	_ =	sdelay $0x3  }
0x34: {  	[smem:$0x3FB9] =	sst s10  }
0x35: {  	s10 =	sld [smem:$0x3FB8];
	_ =	sdelay $0x3  }
0x36: {  	p1 =	seq.s32 s10, $0x1;
	s10 =	sld [smem:$0x3FB9];
	_ =	sdelay $0x3  }
0x37: {  	[smem:$0x3FB9] =	sst s10  }
0x38: {  	s10 =	sld [smem:$0x3FBA]  }
0x39: {  	_ = 	snop;
	(pc) =	sbr.ind lr, $3  }
0x3a: {  	_ = 	snop  }
0x3b: {  	_ = 	snop  }
0x3c: {  	p2 =	seq.s32 s10, $0x1;
	s10 =	sld [smem:$0x3FB9]  }
0x3d: {  	_ =	shalt  }
0x3e: {  	_ =	shalt  }
0x3f: {  	_ =	shalt  }
0x40: {  	_ =	shalt  }
0x41: {  	_ =	shalt  }
0x42: {  	_ =	shalt  }
0x43: {  	_ =	shalt  }
0x44: {  	_ =	shalt  }
0x45: {  	_ =	shalt  }
0x46: {  	_ =	shalt  }
0x47: {  	_ =	shalt  }
0x48: {  	_ =	shalt  }
0x49: {  	_ =	shalt  }
0x4a: {  	_ =	shalt  }
0x4b: {  	_ =	shalt  }
0x4c: {  	_ =	shalt  }
0x4d: {  	_ =	shalt  }
0x4e: {  	_ =	shalt  }
0x4f: {  	_ =	shalt  }
0x50: {  	_ =	shalt  }
0x51: {  	_ =	shalt  }
0x52: {  	_ =	shalt  }
0x53: {  	_ =	shalt  }
0x54: {  	_ =	shalt  }
0x55: {  	_ =	shalt  }
0x56: {  	_ =	shalt  }
0x57: {  	_ =	shalt  }
0x58: {  	_ =	shalt  }
0x59: {  	_ =	shalt  }
0x5a: {  	_ =	shalt  }
0x5b: {  	_ =	shalt  }
0x5c: {  	_ =	shalt  }
0x5d: {  	_ =	shalt  }
0x5e: {  	_ =	shalt  }
0x5f: {  	_ =	shalt  }
0x60: {  	_ =	shalt  }
0x61: {  	_ =	shalt  }
0x62: {  	_ =	shalt  }
0x63: {  	_ =	shalt  }
0x64: {  	_ =	shalt  }
0x65: {  	_ =	shalt  }
0x66: {  	_ =	shalt  }
0x67: {  	_ =	shalt  }
0x68: {  	_ =	shalt  }
0x69: {  	_ =	shalt  }
0x6a: {  	_ =	shalt  }
0x6b: {  	_ =	shalt  }
0x6c: {  	_ =	shalt  }
0x6d: {  	_ =	shalt  }
0x6e: {  	_ =	shalt  }
0x6f: {  	_ =	shalt  }
0x70: {  	_ =	shalt  }
0x71: {  	_ =	shalt  }
0x72: {  	_ =	shalt  }
0x73: {  	_ =	shalt  }
0x74: {  	_ =	shalt  }
0x75: {  	_ =	shalt  }
0x76: {  	_ =	shalt  }
0x77: {  	_ =	shalt  }
0x78: {  	_ =	shalt  }
0x79: {  	_ =	shalt  }
0x7a: {  	_ =	shalt  }
0x7b: {  	_ =	shalt  }
0x7c: {  	_ =	shalt  }
0x7d: {  	_ =	shalt  }
0x7e: {  	_ =	shalt  }
0x7f: {  	_ =	shalt  }
0x80: {  	_ =	shalt  }
0x81: {  	_ =	shalt  }
0x82: {  	_ =	shalt  }
0x83: {  	_ =	shalt  }
0x84: {  	_ =	shalt  }
0x85: {  	_ =	shalt  }
0x86: {  	_ =	shalt  }
0x87: {  	_ =	shalt  }
.Lfunc_end0:
.L_simem_size_0:
called_computation_lowered:
.L_overlay_start_0:
0x88: {  	s2 =	sld [smem:$0x3FD9]  }
0x89: {  	s3 =	sld [smem:$0x3FFE];
	_ =	sdelay $0x1  }
0x8a: {  	s1 =	srdreg.scid  }
0x8b: {  	s0 =	sand.u32 $0x1, s1  }
0x8c: {  	s17 =	sshll.u32 s0, $0xA;
	s2 =	sadd.s32 s3, s2  }
0x8d: {  	s2 =	sadd.s32 s2, s17  }
0x8e: {  	[smem:$0x3FC5] =	sst s2  }
0x8f: {  	_ = 	snop  }
0x90: {  	s2 =	sld [smem:$0x3FC7]  }
0x91: {  	s18 =	sld [smem:$0x3FD0];
	(tm) =	ssettm $0x1  }
0x92: {  	s4 =	sld [smem:$0x3FFB];
	_ =	sdelay $0x3  }
0x93: {  	_ =	strace s4  }
0x94: {  	s4 =	sld [smem:$0x3FFC];
	_ =	sdelay $0x3  }
0x95: {  	_ =	strace s4  }
0x96: {  	s4 =	sld [smem:$0x3FFD];
	_ =	sdelay $0x3  }
0x97: {  	_ =	strace s4  }
0x98: {  	_ =	strace $0x8FFFFFFF  }
0x99: {  	s19 =	sld [smem:$0x3FDB];
	_ =	sdelay $0x1  }
0x9a: {  	s5 =	simm.s32 $_scs_section_size  }
0x9b: {  	s6 =	simm.s32 $_size__tile_overlayer_lowered;
	s7 =	simm.s32 $_tile_overlayer_lowered  }
0x9c: {  	s22 =	simm.s32 $0x1BFF;
	s21 =	sshll.u32 s7, $0x1;
	s4 =	sadd.s32 s5, s19  }
0x9d: {  	s8 =	simm.s32 $0x0;
	s20 =	sshll.u32 s6, $0x1;
	s6 =	sadd.s32 s21, s4  }
0x9e: {  	[timem:s8], [sflag:s22] =	dma.local [hbm:s6], s20  }
0x9f: {  	_ =	swait.ge [sflag:s22], s20  }
0xa0: {  	s5 =	ssub.s32 $0x0, s20;
	[sflag:s22] =	ssyncset.done $0x0  }
0xa1: {  	[sflag:s22] =	ssyncadd.s32 s5;
	_ =	sdelay $0x1  }
0xa2: {  	s23 =	simm.s32 $0x1B8B  }
0xa3: {  	_ =	swait.ge [sflag:s23], $0x1  }
0xa4: {  	[sflag:s23] =	ssyncset.done $0x0  }
0xa5: {  	s25 =	simm.s32 $0x1B8E;
	s24 =	sld [smem:$0x3FFE];
	[sflag:s23] =	ssyncadd.s32 $0xFFFFFFFF  }
0xa6: {  	s26 =	simm.s32 $execute0_lowered;
	[smem:$0x3FD2] =	sst s25  }
0xa7: {  	s6 =	sshll.u32 s26, $0x1;
	_ =	strace $0x80000046;
	[dreg:$0x1] =	wrdreg $0xFFFFFFFF  }
0xa8: {  	s28 =	simm.s32 $_size_execute0_lowered;
	s4 =	sadd.s32 s4, s6;
	[dreg:$0x0] =	wrdreg $0x0  }
0xa9: {  	s6 =	sshll.u32 s28, $0x1;
	[dreg:$0x2] =	wrdreg s4  }
0xaa: {  	[dreg:$0x3] =	wrdreg s6  }
0xab: {  	[dreg:$0x4] =	wrdreg $0xC0  }
0xac: {  	_ =	task [dreg:s8], $0x5FFFF  }
0xad: {  	[dreg:$0x1] =	wrdreg $0xFFFFFFFF  }
0xae: {  	[dreg:$0x0] =	wrdreg $0x60  }
0xaf: {  	[dreg:$0x2] =	wrdreg s24  }
0xb0: {  	[dreg:$0x3] =	wrdreg s2  }
0xb1: {  	[dreg:$0x4] =	wrdreg s18  }
0xb2: {  	[dreg:$0x5] =	wrdreg $0x9  }
0xb3: {  	_ =	task.clear_ibuf [dreg:s8], $0x6FFFF;
	_ =	strace $0x90000046  }
0xb4: {  	s29 =	simm.s32 $0x9;
	_ =	strace $0x80000048  }
0xb5: {  	_ =	swait.ge [sflag:s29], $0x1  }
0xb6: {  	[sflag:s29] =	ssyncadd.s32 $0xFFFFFFFF  }
0xb7: {  	_ =	strace $0x90000048  }
0xb8: {  	_ =	sfence  }
0xb9: {  	s30 =	sld [smem:$0x0];
	_ =	sdelay $0x2  }
0xba: {  	s31 =	sshll.u32 s1, $0xD;
	s1 =	sshrl.u32 s1, $0x2  }
0xbb: {  	s3 =	sand.u32 $0x4000, s31;
	s1 =	sadd.s32 s1, s30  }
0xbc: {  	s0 =	sor.u32 s3, s0;
	s1 =	sshll.u32 s1, $0x11  }
0xbd: {  	s0 =	sor.u32 s1, s0  }
0xbe: {  	s0 =	sadd.s32 $0x8F2B, s0  }
0xbf: {  	[sflag:s0] =	ssyncadd.remote.s32 $0x1  }
0xc0: {  	_ =	sfence.sel $0xFFFF  }
0xc1: {  	[dreg:$0x0] =	wrdreg $0xFFFFFFFF;
	(pc) =	sbr.abs _section_cstart, $3  }
0xc2: {  	[dreg:$0x1] =	wrdreg $0xFFFFFFFF  }
0xc3: {  	_ =	task.clear_ibuf [dreg:s8], $0x2FFFF;
	_ =	strace $0x9FFFFFFF  }
0xc4: {  	(tm) =	ssettm $0x7FFFFFFF  }
0xc5: {  	_ =	shalt  }
tec
execute0_lowered:
.L_overlay_start_1:
0x0: {  	(tag) =	ssettag $0x1  }
0x1: {  	s0 =	rddreg [dreg:$0x0];
	s1 =	srdreg.scid  }
0x2: {  	s3 =	stileid.u32;
	s2 =	rddreg [dreg:$0x1];
	s6 =	simm.s32 $0x0  }
0x3: {  	s14 =	simm.s32 $0x10BA0;
	s16 =	simm.s32 $0xB20;
	s28 =	simm.s32 $0x5  }
0x4: {  	s29 =	simm.s32 $0x4;
	s4 =	sshll.u32 s3, $0x1;
	s3 =	rddreg [dreg:$0x2]  }
0x5: {  	s30 =	simm.s32 $0x6;
	s1 =	sand.u32 $0x1, s1;
	[smem:$0x7FF] =	sst s6  }
0x6: {  	s6 =	sadd.s32 $0x27ACA00, s0;
	s0 =	sadd.s32 $0x600, s0;
	s4 =	sor.u32 s1, s4  }
0x7: {  	_ =	strace $0x80000047;
	s1 =	ssub.s32 $0x2, s1;
	s5 =	smul.u32 $0xD00, s4  }
0x8: {  	[dreg:$0x4] =	wrdreg s0;
	s7 =	smul.u32 $0x2080, s4;
	s19 =	sshrl.u32 s1, $0x1  }
0x9: {  	s4 =	smul.u32 $0x10400, s4;
	s0 =	ssub.s32 s1, s19;
	s19 =	simm.s32 $0x12BA0  }
0xa: {  	s8 =	sor.u32 $0x20, s5;
	s20 =	sadd.s32 s2, s7;
	s22 =	sshrl.u32 s5, $0xC  }
0xb: {  	s4 =	sshrl.u32 s4, $0x3;
	s24 =	sand.u32 $0x1F000, s5;
	s25 =	sand.u32 $0xF00, s5  }
0xc: {  	s12 =	sor.u32 $0x80, s5;
	s13 =	sor.u32 $0xA0, s5;
	s11 =	sshrl.u32 s5, $0x6  }
0xd: {  	s0 =	smax.u32 s0, $0x1;
	s7 =	simm.s32 $0x0;
	s9 =	smul.u32 $0x14, s8  }
0xe: {  	[dreg:$0x5] =	wrdreg s20;
	s23 =	sshll.u32 s22, $0x6;
	s4 =	sadd.s32 s2, s4  }
0xf: {  	s8 =	ssub.s32 s8, s24;
	s26 =	sor.u32 $0x10, s25;
	[dreg:$0x9] =	wrdreg s0;
	v0 =	vmov s25  }
0x10: {  	s15 =	sor.u32 $0x1, s11;
	v1 =	vmov s26;
	v2 =	vmov s8;
	v0 =	vmul.u32 $0x1A, v0;
	s21 =	sshrl.u32 s9, $0x3;
	s9 =	sor.u32 $0x10, s8  }
0x11: {  	s20 =	simm.s32 $0x1;
	s0 =	simm.s32 $0x2;
	s11 =	simm.s32 $0xAA0;
	v1 =	vmul.u32 $0x1A, v1;
	v2 =	vmul.u32 $0x1A, v2;
	v3 =	vmov s9  }
0x12: {  	v4 =	vlaneseq.u32;
	s24 =	simm.s32 $0x15BC0;
	s25 =	simm.s32 $0x153A0;
	s10 =	sadd.s32 $0xA0, s4;
	v0 =	vor.u32 s22, v0;
	v3 =	vmul.u32 $0x1A, v3  }
.Ltmp0:
0x13: {  	s4 =	sadd.s32 $0xF0, s4;
	[dreg:$0x7] =	wrdreg s10;
	v1 =	vor.u32 s22, v1;
	v2 =	vor.u32 s22, v2;
	v5 =	vbroadcast v0, $0x0;
	(pc) =	sbr.rel .LBB2_1-.Ltmp0, $4  }
0x14: {  	s31 =	sshrl.u32 s23, $0x2;
	s23 =	simm.s32 $0x14BA0;
	[dreg:$0x8] =	wrdreg s4;
	v0 =	vmul.u32 $0x1A, v4;
	v4 =	vbroadcast v1, $0x0;
	v3 =	vor.u32 s22, v3  }
0x15: {  	s26 =	simm.s32 $0x3;
	[dreg:$0xa] =	wrdreg s31;
	s10 =	simm.s32 $0xEBA0;
	v6 =	vbroadcast v2, $0x0;
	v7 =	vbroadcast v3, $0x0  }
0x16: {  	s4 =	simm.s32 $0x20;
	s1 =	sadd.s32 s2, s21;
	s21 =	simm.s32 $0x80;
	v1 =	vadd.s32 v0, v5  }
0x17: {  	s9 =	simm.s32 $0xA20;
	[dreg:$0x6] =	wrdreg s1;
	s22 =	simm.s32 $0x15BA0;
	v2 =	vadd.s32 v0, v4;
	v3 =	vadd.s32 v0, v6;
	v4 =	vadd.s32 v0, v7  }
.LBB2_11:
0x18: {  	_ =	swait.ge [sflag:s28], $0x800  }
0x19: {  	[sflag:s28] =	ssyncset.done $0x0  }
0x1a: {  	[sflag:s28] =	ssyncadd.s32 $0xFFFFF800  }
0x1b: {  	_ =	swait.ge [sflag:s30], $0x800  }
0x1c: {  	s7 =	rddreg [dreg:$0xb]  }
0x1d: {  	s1 =	rddreg [dreg:$0x9];
	s7 =	sadd.s32 $0x1, s7  }
0x1e: {  	p0 =	sne.s32 s7, s1  }
.Ltmp1:
0x1f: {  	_ = 	snop;
	(pc) =	sbr.rel @!p0 .LBB2_12-.Ltmp1, $3  }
0x20: {  	_ =	sdelay $0x1  }
0x21: {  	[sflag:s30] =	ssyncset.done $0x0  }
0x22: {  	[sflag:s30] =	ssyncadd.s32 $0xFFFFF800  }
.LBB2_1:
0x23: {  	[dreg:$0xb] =	wrdreg s7  }
0x24: {  	s1 =	simm.s32 $0x0;
	s18 =	rddreg [dreg:$0x4];
	s8 =	simm.s32 $0x7  }
0x25: {  	[tilespmem:s1], [sflag:$0x7] =	stream.linear.gather [hbm4b:s18+s1], $0x1A0, $0x38;
	[tilespmem:$0x15BE0] =	vst v63  }
0x26: {  	_ =	swait.ge [sflag:s8], $0x1A0  }
0x27: {  	[sflag:s8] =	ssyncset.done $0x0  }
0x28: {  	s17 =	rddreg [dreg:$0x5];
	[sflag:s8] =	ssyncadd.s32 $0xFFFFFE60;
	s8 =	simm.s32 $0x1A0  }
0x29: {  	[tilespmem:s8], [sflag:$0x1] =	stream.linear.gather [hbm4b:s17+s1], $0x280, $0x38;
	[tilespmem:$0x15BE0] =	vst v63  }
0x2a: {  	s18 =	rddreg [dreg:$0x6];
	s17 =	simm.s32 $0x420  }
0x2b: {  	[tilespmem:s17], [sflag:$0x2] =	stream.linear.gather [hbm4b:s18+s1], $0x280, $0x38;
	[tilespmem:$0x15BE0] =	vst v63  }
0x2c: {  	s18 =	rddreg [dreg:$0xa]  }
0x2d: {  	v5 =	vld [tilespmem:s18+$0x0];
	_ =	swait.ge [sflag:s20], $0x280  }
0x2e: {  	[sflag:s20] =	ssyncset.done $0x0  }
0x2f: {  	[sflag:s20] =	ssyncadd.s32 $0xFFFFFD80  }
0x30: {  	v6 =	vld [tilespmem:$0x1A0]  }
0x31: {  	v7 =	vld [tilespmem:$0x1B0]  }
0x32: {  	v8 =	vld [tilespmem:$0x1C0]  }
0x33: {  	v9 =	vld [tilespmem:$0x1D0]  }
0x34: {  	v10 =	vld [tilespmem:$0x1E0]  }
0x35: {  	v11 =	vld [tilespmem:$0x1F0];
	v6 =	vadd.s32 v5, v6  }
0x36: {  	[tilespmem:$0x6A0] =	vst v6;
	v6 =	vadd.s32 v5, v7;
	v7 =	vld [tilespmem:$0x200]  }
0x37: {  	v58 =	vld [tilespmem:$0x210];
	[tilespmem:$0x6B0] =	vst v6;
	v6 =	vadd.s32 v5, v8  }
0x38: {  	v59 =	vld [tilespmem:$0x220];
	[tilespmem:$0x6C0] =	vst v6;
	v6 =	vadd.s32 v5, v9  }
0x39: {  	v60 =	vld [tilespmem:$0x230];
	[tilespmem:$0x6D0] =	vst v6;
	v6 =	vadd.s32 v5, v10  }
0x3a: {  	v61 =	vld [tilespmem:$0x240];
	[tilespmem:$0x6E0] =	vst v6;
	v6 =	vadd.s32 v5, v11  }
0x3b: {  	[tilespmem:$0x6F0] =	vst v6;
	v6 =	vadd.s32 v5, v7;
	v7 =	vld [tilespmem:$0x250]  }
0x3c: {  	v62 =	vld [tilespmem:$0x260];
	[tilespmem:$0x700] =	vst v6;
	v6 =	vadd.s32 v5, v58  }
0x3d: {  	v63 =	vld [tilespmem:$0x270];
	[tilespmem:$0x710] =	vst v6;
	v6 =	vadd.s32 v5, v59  }
0x3e: {  	v12 =	vld [tilespmem:$0x280];
	[tilespmem:$0x720] =	vst v6;
	v6 =	vadd.s32 v5, v60  }
0x3f: {  	v13 =	vld [tilespmem:$0x290];
	[tilespmem:$0x730] =	vst v6;
	v6 =	vadd.s32 v5, v61  }
0x40: {  	[tilespmem:$0x740] =	vst v6;
	v6 =	vadd.s32 v5, v7;
	v7 =	vld [tilespmem:$0x2A0]  }
0x41: {  	v14 =	vld [tilespmem:$0x2B0];
	[tilespmem:$0x750] =	vst v6;
	v6 =	vadd.s32 v5, v62  }
0x42: {  	v15 =	vld [tilespmem:$0x2C0];
	[tilespmem:$0x760] =	vst v6;
	v6 =	vadd.s32 v5, v63  }
0x43: {  	v16 =	vld [tilespmem:$0x2D0];
	[tilespmem:$0x770] =	vst v6;
	v6 =	vadd.s32 v5, v12  }
0x44: {  	v17 =	vld [tilespmem:$0x2E0];
	[tilespmem:$0x780] =	vst v6;
	v6 =	vadd.s32 v5, v13  }
0x45: {  	[tilespmem:$0x790] =	vst v6;
	v6 =	vadd.s32 v5, v7;
	v7 =	vld [tilespmem:$0x2F0]  }
0x46: {  	v18 =	vld [tilespmem:$0x300];
	[tilespmem:$0x7A0] =	vst v6;
	v6 =	vadd.s32 v5, v14  }
0x47: {  	v19 =	vld [tilespmem:$0x310];
	[tilespmem:$0x7B0] =	vst v6;
	v6 =	vadd.s32 v5, v15  }
0x48: {  	v20 =	vld [tilespmem:$0x320];
	[tilespmem:$0x7C0] =	vst v6;
	v6 =	vadd.s32 v5, v16  }
0x49: {  	v21 =	vld [tilespmem:$0x330];
	[tilespmem:$0x7D0] =	vst v6;
	v6 =	vadd.s32 v5, v17  }
0x4a: {  	[tilespmem:$0x7E0] =	vst v6;
	v6 =	vadd.s32 v5, v7;
	v7 =	vld [tilespmem:$0x340]  }
0x4b: {  	v22 =	vld [tilespmem:$0x350];
	[tilespmem:$0x7F0] =	vst v6;
	v6 =	vadd.s32 v5, v18  }
0x4c: {  	v23 =	vld [tilespmem:$0x360];
	[tilespmem:$0x800] =	vst v6;
	v6 =	vadd.s32 v5, v19  }
0x4d: {  	v24 =	vld [tilespmem:$0x370];
	[tilespmem:$0x810] =	vst v6;
	v6 =	vadd.s32 v5, v20  }
0x4e: {  	v25 =	vld [tilespmem:$0x380];
	[tilespmem:$0x820] =	vst v6;
	v6 =	vadd.s32 v5, v21  }
0x4f: {  	[tilespmem:$0x830] =	vst v6;
	v6 =	vadd.s32 v5, v7;
	v7 =	vld [tilespmem:$0x390]  }
0x50: {  	v26 =	vld [tilespmem:$0x3A0];
	[tilespmem:$0x840] =	vst v6;
	v6 =	vadd.s32 v5, v22  }
0x51: {  	v27 =	vld [tilespmem:$0x3B0];
	[tilespmem:$0x850] =	vst v6;
	v6 =	vadd.s32 v5, v23  }
0x52: {  	v28 =	vld [tilespmem:$0x3C0];
	[tilespmem:$0x860] =	vst v6;
	v6 =	vadd.s32 v5, v24  }
0x53: {  	v29 =	vld [tilespmem:$0x3D0];
	[tilespmem:$0x870] =	vst v6;
	v6 =	vadd.s32 v5, v25  }
0x54: {  	[tilespmem:$0x880] =	vst v6;
	v6 =	vadd.s32 v5, v7;
	v7 =	vld [tilespmem:$0x3E0]  }
0x55: {  	v30 =	vld [tilespmem:$0x3F0];
	[tilespmem:$0x890] =	vst v6;
	v6 =	vadd.s32 v5, v26  }
0x56: {  	v31 =	vld [tilespmem:$0x400];
	[tilespmem:$0x8A0] =	vst v6;
	v6 =	vadd.s32 v5, v27  }
0x57: {  	v32 =	vld [tilespmem:$0x410];
	[tilespmem:$0x8B0] =	vst v6;
	v6 =	vadd.s32 v5, v28  }
0x58: {  	[tilespmem:$0x8C0] =	vst v6;
	v6 =	vadd.s32 v5, v29  }
0x59: {  	[tilespmem:$0x8D0] =	vst v6;
	v6 =	vadd.s32 v5, v7  }
0x5a: {  	[tilespmem:$0x8E0] =	vst v6;
	v6 =	vadd.s32 v5, v30  }
0x5b: {  	[tilespmem:$0x8F0] =	vst v6;
	v6 =	vadd.s32 v5, v31  }
0x5c: {  	v5 =	vadd.s32 v5, v32;
	[tilespmem:$0x900] =	vst v6  }
0x5d: {  	s7 =	simm.s32 $0x6A0;
	s31 =	simm.s32 $0xBA0;
	[tilespmem:$0x910] =	vst v5  }
0x5e: {  	[tilespmem:s31], [sflag:$0x3] =	stream.indirect.gather [hbm4b:s6+s21], $0x40, s7, s21, $0xb8;
	[tilespmem:$0x15BE0] =	vst v63  }
0x5f: {  	s7 =	simm.s32 $0x720;
	s31 =	simm.s32 $0x2BA0  }
0x60: {  	[tilespmem:s31], [sflag:$0x3] =	stream.indirect.gather [hbm4b:s6+s21], $0x40, s7, s21, $0xb8;
	[tilespmem:$0x15BE0] =	vst v63  }
0x61: {  	s7 =	simm.s32 $0x7A0;
	s31 =	simm.s32 $0x4BA0  }
0x62: {  	[tilespmem:s31], [sflag:$0x3] =	stream.indirect.gather [hbm4b:s6+s21], $0x40, s7, s21, $0xb8;
	[tilespmem:$0x15BE0] =	vst v63  }
0x63: {  	s7 =	simm.s32 $0x820;
	s31 =	simm.s32 $0x6BA0  }
0x64: {  	[tilespmem:s31], [sflag:$0x3] =	stream.indirect.gather [hbm4b:s6+s21], $0x40, s7, s21, $0xb8;
	[tilespmem:$0x15BE0] =	vst v63  }
0x65: {  	s7 =	simm.s32 $0x8A0;
	s31 =	simm.s32 $0x8BA0  }
0x66: {  	[tilespmem:s31], [sflag:$0x3] =	stream.indirect.gather [hbm4b:s6+s21], $0x40, s7, s21, $0xb8;
	[tilespmem:$0x15BE0] =	vst v63  }
0x67: {  	s7 =	rddreg [dreg:$0x7]  }
0x68: {  	[tilespmem:s8], [sflag:$0x1] =	stream.linear.gather [hbm4b:s7+s1], $0x280, $0x38;
	[tilespmem:$0x15BE0] =	vst v63  }
0x69: {  	v5 =	vld [tilespmem:s18+$0x0];
	_ =	swait.ge [sflag:s0], $0x280  }
0x6a: {  	[sflag:s0] =	ssyncset.done $0x0  }
0x6b: {  	[sflag:s0] =	ssyncadd.s32 $0xFFFFFD80  }
0x6c: {  	v6 =	vld [tilespmem:$0x420]  }
0x6d: {  	v7 =	vld [tilespmem:$0x430]  }
0x6e: {  	v33 =	vld [tilespmem:$0x440]  }
0x6f: {  	v34 =	vld [tilespmem:$0x450]  }
0x70: {  	v35 =	vld [tilespmem:$0x460]  }
0x71: {  	v36 =	vld [tilespmem:$0x470];
	v6 =	vadd.s32 v5, v6  }
0x72: {  	[tilespmem:$0x920] =	vst v6;
	v6 =	vadd.s32 v5, v7;
	v7 =	vld [tilespmem:$0x480]  }
0x73: {  	v37 =	vld [tilespmem:$0x490];
	[tilespmem:$0x930] =	vst v6;
	v6 =	vadd.s32 v5, v33  }
0x74: {  	v38 =	vld [tilespmem:$0x4A0];
	[tilespmem:$0x940] =	vst v6;
	v6 =	vadd.s32 v5, v34  }
0x75: {  	v39 =	vld [tilespmem:$0x4B0];
	[tilespmem:$0x950] =	vst v6;
	v6 =	vadd.s32 v5, v35  }
0x76: {  	v40 =	vld [tilespmem:$0x4C0];
	[tilespmem:$0x960] =	vst v6;
	v6 =	vadd.s32 v5, v36  }
0x77: {  	[tilespmem:$0x970] =	vst v6;
	v6 =	vadd.s32 v5, v7;
	v7 =	vld [tilespmem:$0x4D0]  }
0x78: {  	v41 =	vld [tilespmem:$0x4E0];
	[tilespmem:$0x980] =	vst v6;
	v6 =	vadd.s32 v5, v37  }
0x79: {  	v42 =	vld [tilespmem:$0x4F0];
	[tilespmem:$0x990] =	vst v6;
	v6 =	vadd.s32 v5, v38  }
0x7a: {  	v43 =	vld [tilespmem:$0x500];
	[tilespmem:$0x9A0] =	vst v6;
	v6 =	vadd.s32 v5, v39  }
0x7b: {  	v44 =	vld [tilespmem:$0x510];
	[tilespmem:$0x9B0] =	vst v6;
	v6 =	vadd.s32 v5, v40  }
0x7c: {  	[tilespmem:$0x9C0] =	vst v6;
	v6 =	vadd.s32 v5, v7;
	v7 =	vld [tilespmem:$0x520]  }
0x7d: {  	v45 =	vld [tilespmem:$0x530];
	[tilespmem:$0x9D0] =	vst v6;
	v6 =	vadd.s32 v5, v41  }
0x7e: {  	v46 =	vld [tilespmem:$0x540];
	[tilespmem:$0x9E0] =	vst v6;
	v6 =	vadd.s32 v5, v42  }
0x7f: {  	v47 =	vld [tilespmem:$0x550];
	[tilespmem:$0x9F0] =	vst v6;
	v6 =	vadd.s32 v5, v43  }
0x80: {  	v48 =	vld [tilespmem:$0x560];
	[tilespmem:$0xA00] =	vst v6;
	v6 =	vadd.s32 v5, v44  }
0x81: {  	[tilespmem:$0xA10] =	vst v6;
	v6 =	vadd.s32 v5, v7;
	v7 =	vld [tilespmem:$0x570]  }
0x82: {  	v49 =	vld [tilespmem:$0x580];
	[tilespmem:$0xA20] =	vst v6;
	v6 =	vadd.s32 v5, v45  }
0x83: {  	v50 =	vld [tilespmem:$0x590];
	[tilespmem:$0xA30] =	vst v6;
	v6 =	vadd.s32 v5, v46  }
0x84: {  	v51 =	vld [tilespmem:$0x5A0];
	[tilespmem:$0xA40] =	vst v6;
	v6 =	vadd.s32 v5, v47  }
0x85: {  	v52 =	vld [tilespmem:$0x5B0];
	[tilespmem:$0xA50] =	vst v6;
	v6 =	vadd.s32 v5, v48  }
0x86: {  	[tilespmem:$0xA60] =	vst v6;
	v6 =	vadd.s32 v5, v7;
	v7 =	vld [tilespmem:$0x5C0]  }
0x87: {  	v53 =	vld [tilespmem:$0x5D0];
	[tilespmem:$0xA70] =	vst v6;
	v6 =	vadd.s32 v5, v49  }
0x88: {  	v54 =	vld [tilespmem:$0x5E0];
	[tilespmem:$0xA80] =	vst v6;
	v6 =	vadd.s32 v5, v50  }
0x89: {  	v55 =	vld [tilespmem:$0x5F0];
	[tilespmem:$0xA90] =	vst v6;
	v6 =	vadd.s32 v5, v51  }
0x8a: {  	v56 =	vld [tilespmem:$0x600];
	[tilespmem:$0xAA0] =	vst v6;
	v6 =	vadd.s32 v5, v52  }
0x8b: {  	[tilespmem:$0xAB0] =	vst v6;
	v6 =	vadd.s32 v5, v7;
	v7 =	vld [tilespmem:$0x610]  }
0x8c: {  	v57 =	vld [tilespmem:$0x620];
	[tilespmem:$0xAC0] =	vst v6;
	v6 =	vadd.s32 v5, v53  }
0x8d: {  	v58 =	vld [tilespmem:$0x630];
	[tilespmem:$0xAD0] =	vst v6;
	v6 =	vadd.s32 v5, v54  }
0x8e: {  	v59 =	vld [tilespmem:$0x640];
	[tilespmem:$0xAE0] =	vst v6;
	v6 =	vadd.s32 v5, v55  }
0x8f: {  	v60 =	vld [tilespmem:$0x650];
	[tilespmem:$0xAF0] =	vst v6;
	v6 =	vadd.s32 v5, v56  }
0x90: {  	[tilespmem:$0xB00] =	vst v6;
	v6 =	vadd.s32 v5, v7;
	v7 =	vld [tilespmem:$0x660]  }
0x91: {  	v61 =	vld [tilespmem:$0x670];
	[tilespmem:$0xB10] =	vst v6;
	v6 =	vadd.s32 v5, v57  }
0x92: {  	v62 =	vld [tilespmem:$0x680];
	[tilespmem:$0xB20] =	vst v6;
	v6 =	vadd.s32 v5, v58  }
0x93: {  	v63 =	vld [tilespmem:$0x690];
	[tilespmem:$0xB30] =	vst v6;
	v6 =	vadd.s32 v5, v59  }
0x94: {  	[tilespmem:$0xB40] =	vst v6;
	v6 =	vadd.s32 v5, v60  }
0x95: {  	[tilespmem:$0xB50] =	vst v6;
	v6 =	vadd.s32 v5, v7  }
0x96: {  	[tilespmem:$0xB60] =	vst v6;
	v6 =	vadd.s32 v5, v61  }
0x97: {  	[tilespmem:$0xB70] =	vst v6;
	v6 =	vadd.s32 v5, v62  }
0x98: {  	v5 =	vadd.s32 v5, v63;
	[tilespmem:$0xB80] =	vst v6  }
0x99: {  	s8 =	simm.s32 $0x920;
	s18 =	simm.s32 $0xABA0;
	[tilespmem:$0xB90] =	vst v5  }
0x9a: {  	[tilespmem:s18], [sflag:$0x4] =	stream.indirect.gather [hbm4b:s6+s21], $0x40, s8, s21, $0xb8;
	[tilespmem:$0x15BE0] =	vst v63  }
0x9b: {  	s8 =	simm.s32 $0x9A0;
	s18 =	simm.s32 $0xCBA0  }
0x9c: {  	[tilespmem:s18], [sflag:$0x4] =	stream.indirect.gather [hbm4b:s6+s21], $0x40, s8, s21, $0xb8;
	[tilespmem:$0x15BE0] =	vst v63  }
0x9d: {  	_ = 	snop  }
0x9e: {  	[tilespmem:s10], [sflag:$0x4] =	stream.indirect.gather [hbm4b:s6+s21], $0x40, s9, s21, $0xb8;
	[tilespmem:$0x15BE0] =	vst v63  }
0x9f: {  	_ = 	snop  }
0xa0: {  	[tilespmem:s14], [sflag:$0x4] =	stream.indirect.gather [hbm4b:s6+s21], $0x40, s11, s21, $0xb8;
	[tilespmem:$0x15BE0] =	vst v63  }
0xa1: {  	_ = 	snop  }
0xa2: {  	[tilespmem:s19], [sflag:$0x4] =	stream.indirect.gather [hbm4b:s6+s21], $0x40, s16, s21, $0xb8;
	[tilespmem:$0x15BE0] =	vst v63  }
0xa3: {  	s18 =	rddreg [dreg:$0x8]  }
0xa4: {  	[tilespmem:s17], [sflag:$0x2] =	stream.linear.gather [hbm4b:s18+s1], $0x280, $0x38;
	[tilespmem:$0x15BE0] =	vst v63  }
0xa5: {  	[tilespmem:$0x15BA0] =	vst v1  }
0xa6: {  	[tilespmem:$0x15BB0] =	vst v2  }
.Ltmp2:
0xa7: {  	[tilespmem:$0x15BC0] =	vst v3;
	(pc) =	sbr.rel .LBB2_2-.Ltmp2, $4  }
0xa8: {  	[tilespmem:$0x15BD0] =	vst v4  }
0xa9: {  	[hbm4b:s3+s4] =	stream.indirect.scatter [tilespmem:s23], [sflag:$0x5], $0x40, s22, s4, $0xb8;
	[tilespmem:$0x15BE0] =	vst v63  }
0xaa: {  	s31 =	simm.s32 $0x0  }
0xab: {  	[hbm4b:s3+s4] =	stream.indirect.scatter [tilespmem:s25], [sflag:$0x6], $0x40, s24, s4, $0xb8;
	[tilespmem:$0x15BE0] =	vst v63  }
.LBB2_10:
0xac: {  	s1 =	sadd.s32 @p1 s1, s13;
	s31 =	sadd.s32 $0x1, s31  }
0xad: {  	s1 =	smul.u32 @p1 $0x14, s1;
	p0 =	sne.s32 s31, $0x34  }
.Ltmp3:
0xae: {  	_ = 	snop;
	(pc) =	sbr.rel @!p0 .LBB2_11-.Ltmp3, $4  }
0xaf: {  	_ = 	snop  }
0xb0: {  	s1 =	sshrl.u32 @p1 s1, $0x3  }
0xb1: {  	s7 =	simm.s32 @p1 $0x0;
	s8 =	simm.s32 @p1 $0x420;
	s1 =	sadd.s32 @p1 s2, s1  }
0xb2: {  	[tilespmem:s8], [sflag:$0x2] =	stream.linear.gather @p1 [hbm4b:s1+s7], $0x280, $0x38;
	[tilespmem:$0x15BE0] =	vst v63  }
.LBB2_2:
0xb3: {  	_ =	swait.ge [sflag:s26], $0xA000  }
0xb4: {  	[sflag:s26] =	ssyncset.done $0x0  }
0xb5: {  	[sflag:s26] =	ssyncadd.s32 $0xFFFF6000  }
0xb6: {  	_ =	swait.ge [sflag:s28], $0x800  }
0xb7: {  	[sflag:s28] =	ssyncset.done $0x0  }
0xb8: {  	s1 =	simm.s32 $0xE20;
	[sflag:s28] =	ssyncadd.s32 $0xFFFFF800  }
0xb9: {  	v5 =	vld [tilespmem:s1+$0xFFFFFDC0]  }
0xba: {  	v6 =	vld [tilespmem:s1+$0xFFFFFD80];
	_ =	sdelay $0x1  }
0xbb: {  	v7 =	vld [tilespmem:s1+$0xFFFFFE00];
	_ =	sdelay $0x1  }
0xbc: {  	v8 =	vld [tilespmem:s1+$0xFFFFFE40]  }
0xbd: {  	v5 =	vadd.f32 v5, v6  }
0xbe: {  	v6 =	vld [tilespmem:s1+$0xFFFFFE80]  }
0xbf: {  	v5 =	vadd.f32 v7, v5  }
0xc0: {  	v7 =	vld [tilespmem:s1+$0xFFFFFEC0]  }
0xc1: {  	v5 =	vadd.f32 v8, v5  }
0xc2: {  	v8 =	vld [tilespmem:s1+$0xFFFFFF00]  }
0xc3: {  	v5 =	vadd.f32 v6, v5  }
0xc4: {  	v6 =	vld [tilespmem:s1+$0xFFFFFF40]  }
0xc5: {  	v5 =	vadd.f32 v7, v5  }
0xc6: {  	v7 =	vld [tilespmem:s1+$0xFFFFFF80]  }
0xc7: {  	v5 =	vadd.f32 v8, v5  }
0xc8: {  	v8 =	vld [tilespmem:s1+$0xFFFFFFC0]  }
0xc9: {  	v5 =	vadd.f32 v6, v5  }
0xca: {  	v6 =	vld [tilespmem:s1+$0x0]  }
0xcb: {  	v5 =	vadd.f32 v7, v5  }
0xcc: {  	v7 =	vld [tilespmem:s1+$0x40]  }
0xcd: {  	v5 =	vadd.f32 v8, v5  }
0xce: {  	v8 =	vld [tilespmem:s1+$0x80]  }
0xcf: {  	v5 =	vadd.f32 v6, v5  }
0xd0: {  	v6 =	vld [tilespmem:s1+$0xC0]  }
0xd1: {  	v5 =	vadd.f32 v7, v5  }
0xd2: {  	v7 =	vld [tilespmem:s1+$0x100]  }
0xd3: {  	v5 =	vadd.f32 v8, v5  }
0xd4: {  	v8 =	vld [tilespmem:s1+$0x140]  }
0xd5: {  	v5 =	vadd.f32 v6, v5  }
0xd6: {  	v6 =	vld [tilespmem:s1+$0x180]  }
0xd7: {  	v5 =	vadd.f32 v7, v5  }
0xd8: {  	v7 =	vld [tilespmem:s1+$0x1C0]  }
0xd9: {  	v5 =	vadd.f32 v8, v5  }
0xda: {  	v8 =	vld [tilespmem:s1+$0x200]  }
0xdb: {  	v5 =	vadd.f32 v6, v5  }
0xdc: {  	v6 =	vld [tilespmem:s1+$0x240]  }
0xdd: {  	v5 =	vadd.f32 v7, v5;
	_ =	sdelay $0x1  }
0xde: {  	v5 =	vadd.f32 v8, v5;
	_ =	sdelay $0x1  }
0xdf: {  	v5 =	vadd.f32 v6, v5  }
0xe0: {  	s17 =	simm.s32 $0x0  }
0xe1: {  	[tilespmem:s17+$0x14BA0] =	vst v5  }
0xe2: {  	v5 =	vld [tilespmem:s1+$0xFFFFFD90]  }
0xe3: {  	v6 =	vld [tilespmem:s1+$0xFFFFFDD0];
	_ =	sdelay $0x1  }
0xe4: {  	v7 =	vld [tilespmem:s1+$0xFFFFFE10];
	_ =	sdelay $0x1  }
0xe5: {  	v8 =	vld [tilespmem:s1+$0xFFFFFE50]  }
0xe6: {  	v5 =	vadd.f32 v6, v5  }
0xe7: {  	v6 =	vld [tilespmem:s1+$0xFFFFFE90]  }
0xe8: {  	v5 =	vadd.f32 v7, v5  }
0xe9: {  	v7 =	vld [tilespmem:s1+$0xFFFFFED0]  }
0xea: {  	v5 =	vadd.f32 v8, v5  }
0xeb: {  	v8 =	vld [tilespmem:s1+$0xFFFFFF10]  }
0xec: {  	v5 =	vadd.f32 v6, v5  }
0xed: {  	v6 =	vld [tilespmem:s1+$0xFFFFFF50]  }
0xee: {  	v5 =	vadd.f32 v7, v5  }
0xef: {  	v7 =	vld [tilespmem:s1+$0xFFFFFF90]  }
0xf0: {  	v5 =	vadd.f32 v8, v5  }
0xf1: {  	v8 =	vld [tilespmem:s1+$0xFFFFFFD0]  }
0xf2: {  	v5 =	vadd.f32 v6, v5  }
0xf3: {  	v6 =	vld [tilespmem:s1+$0x10]  }
0xf4: {  	v5 =	vadd.f32 v7, v5  }
0xf5: {  	v7 =	vld [tilespmem:s1+$0x50]  }
0xf6: {  	v5 =	vadd.f32 v8, v5  }
0xf7: {  	v8 =	vld [tilespmem:s1+$0x90]  }
0xf8: {  	v5 =	vadd.f32 v6, v5  }
0xf9: {  	v6 =	vld [tilespmem:s1+$0xD0]  }
0xfa: {  	v5 =	vadd.f32 v7, v5  }
0xfb: {  	v7 =	vld [tilespmem:s1+$0x110]  }
0xfc: {  	v5 =	vadd.f32 v8, v5  }
0xfd: {  	v8 =	vld [tilespmem:s1+$0x150]  }
0xfe: {  	v5 =	vadd.f32 v6, v5  }
0xff: {  	v6 =	vld [tilespmem:s1+$0x190]  }
0x100: {  	v5 =	vadd.f32 v7, v5  }
0x101: {  	v7 =	vld [tilespmem:s1+$0x1D0]  }
0x102: {  	v5 =	vadd.f32 v8, v5  }
0x103: {  	v8 =	vld [tilespmem:s1+$0x210]  }
0x104: {  	v5 =	vadd.f32 v6, v5  }
0x105: {  	v6 =	vld [tilespmem:s1+$0x250]  }
0x106: {  	v5 =	vadd.f32 v7, v5;
	_ =	sdelay $0x1  }
0x107: {  	v5 =	vadd.f32 v8, v5;
	_ =	sdelay $0x1  }
0x108: {  	v5 =	vadd.f32 v6, v5;
	_ =	sdelay $0x1  }
0x109: {  	[tilespmem:s17+$0x14BB0] =	vst v5  }
0x10a: {  	v5 =	vld [tilespmem:s1+$0xFFFFFDA0]  }
0x10b: {  	v6 =	vld [tilespmem:s1+$0xFFFFFDE0];
	_ =	sdelay $0x1  }
0x10c: {  	v7 =	vld [tilespmem:s1+$0xFFFFFE20];
	_ =	sdelay $0x1  }
0x10d: {  	v8 =	vld [tilespmem:s1+$0xFFFFFE60]  }
0x10e: {  	v5 =	vadd.f32 v6, v5  }
0x10f: {  	v6 =	vld [tilespmem:s1+$0xFFFFFEA0]  }
0x110: {  	v5 =	vadd.f32 v7, v5  }
0x111: {  	v7 =	vld [tilespmem:s1+$0xFFFFFEE0]  }
0x112: {  	v5 =	vadd.f32 v8, v5  }
0x113: {  	v8 =	vld [tilespmem:s1+$0xFFFFFF20]  }
0x114: {  	v5 =	vadd.f32 v6, v5  }
0x115: {  	v6 =	vld [tilespmem:s1+$0xFFFFFF60]  }
0x116: {  	v5 =	vadd.f32 v7, v5  }
0x117: {  	v7 =	vld [tilespmem:s1+$0xFFFFFFA0]  }
0x118: {  	v5 =	vadd.f32 v8, v5  }
0x119: {  	v8 =	vld [tilespmem:s1+$0xFFFFFFE0]  }
0x11a: {  	v5 =	vadd.f32 v6, v5  }
0x11b: {  	v6 =	vld [tilespmem:s1+$0x20]  }
0x11c: {  	v5 =	vadd.f32 v7, v5  }
0x11d: {  	v7 =	vld [tilespmem:s1+$0x60]  }
0x11e: {  	v5 =	vadd.f32 v8, v5  }
0x11f: {  	v8 =	vld [tilespmem:s1+$0xA0]  }
0x120: {  	v5 =	vadd.f32 v6, v5  }
0x121: {  	v6 =	vld [tilespmem:s1+$0xE0]  }
0x122: {  	v5 =	vadd.f32 v7, v5  }
0x123: {  	v7 =	vld [tilespmem:s1+$0x120]  }
0x124: {  	v5 =	vadd.f32 v8, v5  }
0x125: {  	v8 =	vld [tilespmem:s1+$0x160]  }
0x126: {  	v5 =	vadd.f32 v6, v5  }
0x127: {  	v6 =	vld [tilespmem:s1+$0x1A0]  }
0x128: {  	v5 =	vadd.f32 v7, v5  }
0x129: {  	v7 =	vld [tilespmem:s1+$0x1E0]  }
0x12a: {  	v5 =	vadd.f32 v8, v5  }
0x12b: {  	v8 =	vld [tilespmem:s1+$0x220]  }
0x12c: {  	v5 =	vadd.f32 v6, v5  }
0x12d: {  	v6 =	vld [tilespmem:s1+$0x260]  }
0x12e: {  	v5 =	vadd.f32 v7, v5;
	_ =	sdelay $0x1  }
0x12f: {  	v5 =	vadd.f32 v8, v5;
	_ =	sdelay $0x1  }
0x130: {  	v5 =	vadd.f32 v6, v5;
	_ =	sdelay $0x1  }
0x131: {  	[tilespmem:s17+$0x14BC0] =	vst v5  }
0x132: {  	v5 =	vld [tilespmem:s1+$0xFFFFFDB0]  }
0x133: {  	v6 =	vld [tilespmem:s1+$0xFFFFFDF0];
	_ =	sdelay $0x1  }
0x134: {  	v7 =	vld [tilespmem:s1+$0xFFFFFE30];
	_ =	sdelay $0x1  }
0x135: {  	v8 =	vld [tilespmem:s1+$0xFFFFFE70]  }
0x136: {  	v5 =	vadd.f32 v6, v5  }
0x137: {  	v6 =	vld [tilespmem:s1+$0xFFFFFEB0]  }
0x138: {  	v5 =	vadd.f32 v7, v5  }
0x139: {  	v7 =	vld [tilespmem:s1+$0xFFFFFEF0]  }
0x13a: {  	v5 =	vadd.f32 v8, v5  }
0x13b: {  	v8 =	vld [tilespmem:s1+$0xFFFFFF30]  }
0x13c: {  	v5 =	vadd.f32 v6, v5  }
0x13d: {  	v6 =	vld [tilespmem:s1+$0xFFFFFF70]  }
0x13e: {  	v5 =	vadd.f32 v7, v5  }
0x13f: {  	v7 =	vld [tilespmem:s1+$0xFFFFFFB0]  }
0x140: {  	v5 =	vadd.f32 v8, v5  }
0x141: {  	v8 =	vld [tilespmem:s1+$0xFFFFFFF0]  }
0x142: {  	v5 =	vadd.f32 v6, v5  }
0x143: {  	v6 =	vld [tilespmem:s1+$0x30]  }
0x144: {  	v5 =	vadd.f32 v7, v5  }
0x145: {  	v7 =	vld [tilespmem:s1+$0x70]  }
0x146: {  	v5 =	vadd.f32 v8, v5  }
0x147: {  	v8 =	vld [tilespmem:s1+$0xB0]  }
0x148: {  	v5 =	vadd.f32 v6, v5  }
0x149: {  	v6 =	vld [tilespmem:s1+$0xF0]  }
0x14a: {  	v5 =	vadd.f32 v7, v5  }
0x14b: {  	v7 =	vld [tilespmem:s1+$0x130]  }
0x14c: {  	v5 =	vadd.f32 v8, v5  }
0x14d: {  	v8 =	vld [tilespmem:s1+$0x170]  }
0x14e: {  	v5 =	vadd.f32 v6, v5  }
0x14f: {  	v6 =	vld [tilespmem:s1+$0x1B0]  }
0x150: {  	v5 =	vadd.f32 v7, v5;
	_ =	sdelay $0x1  }
0x151: {  	v7 =	vld [tilespmem:s1+$0x1F0];
	v5 =	vadd.f32 v8, v5;
	_ =	sdelay $0x1  }
0x152: {  	v8 =	vadd.f32 v6, v5;
	v6 =	vld [tilespmem:s1+$0x230];
	_ =	sdelay $0x1  }
0x153: {  	v5 =	vld [tilespmem:s1+$0x270]  }
0x154: {  	s18 =	simm.s32 $0x100;
	v7 =	vadd.f32 v7, v8  }
.LBB2_3:
0x155: {  	p0 =	sne.s32 s18, $0x1F00  }
0x156: {  	s1 =	sadd.s32 $0x500, s1;
	s7 =	smov.u32 s18;
	s18 =	sadd.s32 $0x100, s18;
	v6 =	vadd.f32 v6, v7  }
0x157: {  	_ = 	snop  }
0x158: {  	v5 =	vadd.f32 v5, v6;
	_ =	sdelay $0x1  }
0x159: {  	[tilespmem:s17+$0x14BD0] =	vst v5  }
0x15a: {  	v5 =	vld [tilespmem:s1+$0xFFFFFDC0]  }
0x15b: {  	v6 =	vld [tilespmem:s1+$0xFFFFFD80];
	_ =	sdelay $0x1  }
0x15c: {  	v7 =	vld [tilespmem:s1+$0xFFFFFE00];
	_ =	sdelay $0x1  }
0x15d: {  	v8 =	vld [tilespmem:s1+$0xFFFFFE40]  }
0x15e: {  	v5 =	vadd.f32 v5, v6  }
0x15f: {  	v6 =	vld [tilespmem:s1+$0xFFFFFE80]  }
0x160: {  	v5 =	vadd.f32 v7, v5  }
0x161: {  	v7 =	vld [tilespmem:s1+$0xFFFFFEC0]  }
0x162: {  	v5 =	vadd.f32 v8, v5  }
0x163: {  	v8 =	vld [tilespmem:s1+$0xFFFFFF00]  }
0x164: {  	v5 =	vadd.f32 v6, v5  }
0x165: {  	v6 =	vld [tilespmem:s1+$0xFFFFFF40]  }
0x166: {  	v5 =	vadd.f32 v7, v5  }
0x167: {  	v7 =	vld [tilespmem:s1+$0xFFFFFF80]  }
0x168: {  	v5 =	vadd.f32 v8, v5  }
0x169: {  	v8 =	vld [tilespmem:s1+$0xFFFFFFC0]  }
0x16a: {  	v5 =	vadd.f32 v6, v5  }
0x16b: {  	v6 =	vld [tilespmem:s1+$0x0]  }
0x16c: {  	v5 =	vadd.f32 v7, v5  }
0x16d: {  	v7 =	vld [tilespmem:s1+$0x40]  }
0x16e: {  	v5 =	vadd.f32 v8, v5  }
0x16f: {  	v8 =	vld [tilespmem:s1+$0x80]  }
0x170: {  	v5 =	vadd.f32 v6, v5  }
0x171: {  	v6 =	vld [tilespmem:s1+$0xC0]  }
0x172: {  	v5 =	vadd.f32 v7, v5  }
0x173: {  	v7 =	vld [tilespmem:s1+$0x100]  }
0x174: {  	v5 =	vadd.f32 v8, v5  }
0x175: {  	v8 =	vld [tilespmem:s1+$0x140]  }
0x176: {  	v5 =	vadd.f32 v6, v5  }
0x177: {  	v6 =	vld [tilespmem:s1+$0x180]  }
0x178: {  	v5 =	vadd.f32 v7, v5  }
0x179: {  	v7 =	vld [tilespmem:s1+$0x1C0]  }
0x17a: {  	v5 =	vadd.f32 v8, v5  }
0x17b: {  	v8 =	vld [tilespmem:s1+$0x200]  }
0x17c: {  	v5 =	vadd.f32 v6, v5  }
0x17d: {  	v6 =	vld [tilespmem:s1+$0x240]  }
0x17e: {  	v5 =	vadd.f32 v7, v5;
	_ =	sdelay $0x1  }
0x17f: {  	v5 =	vadd.f32 v8, v5;
	_ =	sdelay $0x1  }
0x180: {  	v5 =	vadd.f32 v6, v5  }
0x181: {  	s17 =	sshra.s32 s7, $0x2  }
0x182: {  	[tilespmem:s17+$0x14BA0] =	vst v5  }
0x183: {  	v5 =	vld [tilespmem:s1+$0xFFFFFD90]  }
0x184: {  	v6 =	vld [tilespmem:s1+$0xFFFFFDD0];
	_ =	sdelay $0x1  }
0x185: {  	v7 =	vld [tilespmem:s1+$0xFFFFFE10];
	_ =	sdelay $0x1  }
0x186: {  	v8 =	vld [tilespmem:s1+$0xFFFFFE50]  }
0x187: {  	v5 =	vadd.f32 v6, v5  }
0x188: {  	v6 =	vld [tilespmem:s1+$0xFFFFFE90]  }
0x189: {  	v5 =	vadd.f32 v7, v5  }
0x18a: {  	v7 =	vld [tilespmem:s1+$0xFFFFFED0]  }
0x18b: {  	v5 =	vadd.f32 v8, v5  }
0x18c: {  	v8 =	vld [tilespmem:s1+$0xFFFFFF10]  }
0x18d: {  	v5 =	vadd.f32 v6, v5  }
0x18e: {  	v6 =	vld [tilespmem:s1+$0xFFFFFF50]  }
0x18f: {  	v5 =	vadd.f32 v7, v5  }
0x190: {  	v7 =	vld [tilespmem:s1+$0xFFFFFF90]  }
0x191: {  	v5 =	vadd.f32 v8, v5  }
0x192: {  	v8 =	vld [tilespmem:s1+$0xFFFFFFD0]  }
0x193: {  	v5 =	vadd.f32 v6, v5  }
0x194: {  	v6 =	vld [tilespmem:s1+$0x10]  }
0x195: {  	v5 =	vadd.f32 v7, v5  }
0x196: {  	v7 =	vld [tilespmem:s1+$0x50]  }
0x197: {  	v5 =	vadd.f32 v8, v5  }
0x198: {  	v8 =	vld [tilespmem:s1+$0x90]  }
0x199: {  	v5 =	vadd.f32 v6, v5  }
0x19a: {  	v6 =	vld [tilespmem:s1+$0xD0]  }
0x19b: {  	v5 =	vadd.f32 v7, v5  }
0x19c: {  	v7 =	vld [tilespmem:s1+$0x110]  }
0x19d: {  	v5 =	vadd.f32 v8, v5  }
0x19e: {  	v8 =	vld [tilespmem:s1+$0x150]  }
0x19f: {  	v5 =	vadd.f32 v6, v5  }
0x1a0: {  	v6 =	vld [tilespmem:s1+$0x190]  }
0x1a1: {  	v5 =	vadd.f32 v7, v5  }
0x1a2: {  	v7 =	vld [tilespmem:s1+$0x1D0]  }
0x1a3: {  	v5 =	vadd.f32 v8, v5  }
0x1a4: {  	v8 =	vld [tilespmem:s1+$0x210]  }
0x1a5: {  	v5 =	vadd.f32 v6, v5  }
0x1a6: {  	v6 =	vld [tilespmem:s1+$0x250]  }
0x1a7: {  	v5 =	vadd.f32 v7, v5;
	_ =	sdelay $0x1  }
0x1a8: {  	v5 =	vadd.f32 v8, v5;
	_ =	sdelay $0x1  }
0x1a9: {  	v5 =	vadd.f32 v6, v5;
	_ =	sdelay $0x1  }
0x1aa: {  	[tilespmem:s17+$0x14BB0] =	vst v5  }
0x1ab: {  	v5 =	vld [tilespmem:s1+$0xFFFFFDA0]  }
0x1ac: {  	v6 =	vld [tilespmem:s1+$0xFFFFFDE0];
	_ =	sdelay $0x1  }
0x1ad: {  	v7 =	vld [tilespmem:s1+$0xFFFFFE20];
	_ =	sdelay $0x1  }
0x1ae: {  	v8 =	vld [tilespmem:s1+$0xFFFFFE60]  }
0x1af: {  	v5 =	vadd.f32 v6, v5  }
0x1b0: {  	v6 =	vld [tilespmem:s1+$0xFFFFFEA0]  }
0x1b1: {  	v5 =	vadd.f32 v7, v5  }
0x1b2: {  	v7 =	vld [tilespmem:s1+$0xFFFFFEE0]  }
0x1b3: {  	v5 =	vadd.f32 v8, v5  }
0x1b4: {  	v8 =	vld [tilespmem:s1+$0xFFFFFF20]  }
0x1b5: {  	v5 =	vadd.f32 v6, v5  }
0x1b6: {  	v6 =	vld [tilespmem:s1+$0xFFFFFF60]  }
0x1b7: {  	v5 =	vadd.f32 v7, v5  }
0x1b8: {  	v7 =	vld [tilespmem:s1+$0xFFFFFFA0]  }
0x1b9: {  	v5 =	vadd.f32 v8, v5  }
0x1ba: {  	v8 =	vld [tilespmem:s1+$0xFFFFFFE0]  }
0x1bb: {  	v5 =	vadd.f32 v6, v5  }
0x1bc: {  	v6 =	vld [tilespmem:s1+$0x20]  }
0x1bd: {  	v5 =	vadd.f32 v7, v5  }
0x1be: {  	v7 =	vld [tilespmem:s1+$0x60]  }
0x1bf: {  	v5 =	vadd.f32 v8, v5  }
0x1c0: {  	v8 =	vld [tilespmem:s1+$0xA0]  }
0x1c1: {  	v5 =	vadd.f32 v6, v5  }
0x1c2: {  	v6 =	vld [tilespmem:s1+$0xE0]  }
0x1c3: {  	v5 =	vadd.f32 v7, v5  }
0x1c4: {  	v7 =	vld [tilespmem:s1+$0x120]  }
0x1c5: {  	v5 =	vadd.f32 v8, v5  }
0x1c6: {  	v8 =	vld [tilespmem:s1+$0x160]  }
0x1c7: {  	v5 =	vadd.f32 v6, v5  }
0x1c8: {  	v6 =	vld [tilespmem:s1+$0x1A0]  }
0x1c9: {  	v5 =	vadd.f32 v7, v5  }
0x1ca: {  	v7 =	vld [tilespmem:s1+$0x1E0]  }
0x1cb: {  	v5 =	vadd.f32 v8, v5  }
0x1cc: {  	v8 =	vld [tilespmem:s1+$0x220]  }
0x1cd: {  	v5 =	vadd.f32 v6, v5  }
0x1ce: {  	v6 =	vld [tilespmem:s1+$0x260]  }
0x1cf: {  	v5 =	vadd.f32 v7, v5;
	_ =	sdelay $0x1  }
0x1d0: {  	v5 =	vadd.f32 v8, v5;
	_ =	sdelay $0x1  }
0x1d1: {  	v5 =	vadd.f32 v6, v5;
	_ =	sdelay $0x1  }
0x1d2: {  	[tilespmem:s17+$0x14BC0] =	vst v5  }
0x1d3: {  	v5 =	vld [tilespmem:s1+$0xFFFFFDB0]  }
0x1d4: {  	v6 =	vld [tilespmem:s1+$0xFFFFFDF0]  }
0x1d5: {  	v7 =	vld [tilespmem:s1+$0xFFFFFE30]  }
0x1d6: {  	v8 =	vld [tilespmem:s1+$0xFFFFFE70]  }
0x1d7: {  	v9 =	vld [tilespmem:s1+$0xFFFFFEB0]  }
0x1d8: {  	v10 =	vld [tilespmem:s1+$0xFFFFFEF0]  }
0x1d9: {  	v5 =	vadd.f32 v6, v5;
	v6 =	vld [tilespmem:s1+$0xFFFFFF30]  }
0x1da: {  	v11 =	vld [tilespmem:s1+$0xFFFFFF70]  }
0x1db: {  	v5 =	vadd.f32 v7, v5;
	v7 =	vld [tilespmem:s1+$0xFFFFFFB0]  }
0x1dc: {  	v12 =	vld [tilespmem:s1+$0xFFFFFFF0]  }
0x1dd: {  	v5 =	vadd.f32 v8, v5;
	v8 =	vld [tilespmem:s1+$0x30]  }
0x1de: {  	v13 =	vld [tilespmem:s1+$0x70]  }
0x1df: {  	v5 =	vadd.f32 v9, v5;
	v9 =	vld [tilespmem:s1+$0xB0]  }
0x1e0: {  	v14 =	vld [tilespmem:s1+$0xF0]  }
0x1e1: {  	v5 =	vadd.f32 v10, v5;
	v10 =	vld [tilespmem:s1+$0x130]  }
0x1e2: {  	v15 =	vld [tilespmem:s1+$0x170]  }
0x1e3: {  	v5 =	vadd.f32 v6, v5;
	v16 =	vld [tilespmem:s1+$0x1B0]  }
0x1e4: {  	v17 =	vld [tilespmem:s1+$0x1F0]  }
0x1e5: {  	v11 =	vadd.f32 v11, v5;
	v6 =	vld [tilespmem:s1+$0x230]  }
0x1e6: {  	v5 =	vld [tilespmem:s1+$0x270]  }
0x1e7: {  	v7 =	vadd.f32 v7, v11;
	_ =	sdelay $0x1  }
0x1e8: {  	v7 =	vadd.f32 v12, v7;
	_ =	sdelay $0x1  }
0x1e9: {  	v7 =	vadd.f32 v8, v7;
	_ =	sdelay $0x1  }
0x1ea: {  	v7 =	vadd.f32 v13, v7;
	_ =	sdelay $0x1  }
0x1eb: {  	v7 =	vadd.f32 v9, v7;
	_ =	sdelay $0x1  }
0x1ec: {  	v7 =	vadd.f32 v14, v7;
	_ =	sdelay $0x1  }
0x1ed: {  	v7 =	vadd.f32 v10, v7;
	_ =	sdelay $0x1  }
.Ltmp4:
0x1ee: {  	v7 =	vadd.f32 v15, v7;
	(pc) =	sbr.rel @p0 .LBB2_3-.Ltmp4, $3  }
0x1ef: {  	_ = 	snop  }
0x1f0: {  	v7 =	vadd.f32 v16, v7;
	_ =	sdelay $0x1  }
0x1f1: {  	v7 =	vadd.f32 v17, v7  }
0x1f2: {  	s1 =	sshll.u32 s31, $0x6  }
0x1f3: {  	s7 =	sadd.s32 s5, s1  }
0x1f4: {  	s8 =	sand.u32 $0xFC0, s7  }
0x1f5: {  	v8 =	vmov s8;
	s8 =	sor.u32 $0x10, s8  }
0x1f6: {  	v9 =	vmov s8;
	v8 =	vmul.u32 $0x1A, v8  }
0x1f7: {  	v6 =	vadd.f32 v6, v7;
	s7 =	sshrl.u32 s7, $0xC;
	v7 =	vmul.u32 $0x1A, v9  }
0x1f8: {  	v8 =	vadd.s32 s7, v8  }
0x1f9: {  	p0 =	seq.s32 s31, $0x33;
	v5 =	vadd.f32 v5, v6;
	v6 =	vbroadcast v8, $0x0;
	v7 =	vadd.s32 s7, v7  }
.Ltmp5:
0x1fa: {  	v7 =	vbroadcast v7, $0x0;
	(pc) =	sbr.rel @p0 .LBB2_6-.Ltmp5, $4  }
0x1fb: {  	[tilespmem:s17+$0x14BD0] =	vst v5;
	v5 =	vadd.s32 v0, v6  }
0x1fc: {  	[tilespmem:$0x15BA0] =	vst v5;
	v5 =	vadd.s32 v0, v7  }
0x1fd: {  	p1 =	por $0x0, $0x0;
	[tilespmem:$0x15BB0] =	vst v5  }
0x1fe: {  	[hbm4b:s3+s4] =	stream.indirect.scatter [tilespmem:s23], [sflag:$0x5], $0x40, s22, s4, $0xb8;
	[tilespmem:$0x15BE0] =	vst v63  }
0x1ff: {  	s7 =	sadd.s32 s31, s15  }
0x200: {  	s7 =	sand.u32 $0x1FFFFC0, s7  }
0x201: {  	s7 =	sshrl.u32 s7, $0x2  }
0x202: {  	v5 =	vld [tilespmem:s7+$0x0];
	_ =	swait.ge [sflag:s20], $0x280  }
0x203: {  	[sflag:s20] =	ssyncset.done $0x0  }
0x204: {  	[sflag:s20] =	ssyncadd.s32 $0xFFFFFD80  }
0x205: {  	v6 =	vld [tilespmem:$0x1A0]  }
0x206: {  	v7 =	vld [tilespmem:$0x1B0]  }
0x207: {  	v8 =	vld [tilespmem:$0x1C0]  }
0x208: {  	v9 =	vld [tilespmem:$0x1D0]  }
0x209: {  	v10 =	vld [tilespmem:$0x1E0]  }
0x20a: {  	v11 =	vld [tilespmem:$0x1F0];
	v6 =	vadd.s32 v5, v6  }
0x20b: {  	[tilespmem:$0x6A0] =	vst v6;
	v6 =	vadd.s32 v5, v7;
	v7 =	vld [tilespmem:$0x200]  }
0x20c: {  	v37 =	vld [tilespmem:$0x210];
	[tilespmem:$0x6B0] =	vst v6;
	v6 =	vadd.s32 v5, v8  }
0x20d: {  	v38 =	vld [tilespmem:$0x220];
	[tilespmem:$0x6C0] =	vst v6;
	v6 =	vadd.s32 v5, v9  }
0x20e: {  	v39 =	vld [tilespmem:$0x230];
	[tilespmem:$0x6D0] =	vst v6;
	v6 =	vadd.s32 v5, v10  }
0x20f: {  	v40 =	vld [tilespmem:$0x240];
	[tilespmem:$0x6E0] =	vst v6;
	v6 =	vadd.s32 v5, v11  }
0x210: {  	[tilespmem:$0x6F0] =	vst v6;
	v6 =	vadd.s32 v5, v7;
	v7 =	vld [tilespmem:$0x250]  }
0x211: {  	v41 =	vld [tilespmem:$0x260];
	[tilespmem:$0x700] =	vst v6;
	v6 =	vadd.s32 v5, v37  }
0x212: {  	v42 =	vld [tilespmem:$0x270];
	[tilespmem:$0x710] =	vst v6;
	v6 =	vadd.s32 v5, v38  }
0x213: {  	v43 =	vld [tilespmem:$0x280];
	[tilespmem:$0x720] =	vst v6;
	v6 =	vadd.s32 v5, v39  }
0x214: {  	v44 =	vld [tilespmem:$0x290];
	[tilespmem:$0x730] =	vst v6;
	v6 =	vadd.s32 v5, v40  }
0x215: {  	[tilespmem:$0x740] =	vst v6;
	v6 =	vadd.s32 v5, v7;
	v7 =	vld [tilespmem:$0x2A0]  }
0x216: {  	v45 =	vld [tilespmem:$0x2B0];
	[tilespmem:$0x750] =	vst v6;
	v6 =	vadd.s32 v5, v41  }
0x217: {  	v46 =	vld [tilespmem:$0x2C0];
	[tilespmem:$0x760] =	vst v6;
	v6 =	vadd.s32 v5, v42  }
0x218: {  	v47 =	vld [tilespmem:$0x2D0];
	[tilespmem:$0x770] =	vst v6;
	v6 =	vadd.s32 v5, v43  }
0x219: {  	v48 =	vld [tilespmem:$0x2E0];
	[tilespmem:$0x780] =	vst v6;
	v6 =	vadd.s32 v5, v44  }
0x21a: {  	[tilespmem:$0x790] =	vst v6;
	v6 =	vadd.s32 v5, v7;
	v7 =	vld [tilespmem:$0x2F0]  }
0x21b: {  	v49 =	vld [tilespmem:$0x300];
	[tilespmem:$0x7A0] =	vst v6;
	v6 =	vadd.s32 v5, v45  }
0x21c: {  	v50 =	vld [tilespmem:$0x310];
	[tilespmem:$0x7B0] =	vst v6;
	v6 =	vadd.s32 v5, v46  }
0x21d: {  	v51 =	vld [tilespmem:$0x320];
	[tilespmem:$0x7C0] =	vst v6;
	v6 =	vadd.s32 v5, v47  }
0x21e: {  	v52 =	vld [tilespmem:$0x330];
	[tilespmem:$0x7D0] =	vst v6;
	v6 =	vadd.s32 v5, v48  }
0x21f: {  	[tilespmem:$0x7E0] =	vst v6;
	v6 =	vadd.s32 v5, v7;
	v7 =	vld [tilespmem:$0x340]  }
0x220: {  	v53 =	vld [tilespmem:$0x350];
	[tilespmem:$0x7F0] =	vst v6;
	v6 =	vadd.s32 v5, v49  }
0x221: {  	v54 =	vld [tilespmem:$0x360];
	[tilespmem:$0x800] =	vst v6;
	v6 =	vadd.s32 v5, v50  }
0x222: {  	v55 =	vld [tilespmem:$0x370];
	[tilespmem:$0x810] =	vst v6;
	v6 =	vadd.s32 v5, v51  }
0x223: {  	v56 =	vld [tilespmem:$0x380];
	[tilespmem:$0x820] =	vst v6;
	v6 =	vadd.s32 v5, v52  }
0x224: {  	[tilespmem:$0x830] =	vst v6;
	v6 =	vadd.s32 v5, v7;
	v7 =	vld [tilespmem:$0x390]  }
0x225: {  	v57 =	vld [tilespmem:$0x3A0];
	[tilespmem:$0x840] =	vst v6;
	v6 =	vadd.s32 v5, v53  }
0x226: {  	v58 =	vld [tilespmem:$0x3B0];
	[tilespmem:$0x850] =	vst v6;
	v6 =	vadd.s32 v5, v54  }
0x227: {  	v59 =	vld [tilespmem:$0x3C0];
	[tilespmem:$0x860] =	vst v6;
	v6 =	vadd.s32 v5, v55  }
0x228: {  	v60 =	vld [tilespmem:$0x3D0];
	[tilespmem:$0x870] =	vst v6;
	v6 =	vadd.s32 v5, v56  }
0x229: {  	[tilespmem:$0x880] =	vst v6;
	v6 =	vadd.s32 v5, v7;
	v7 =	vld [tilespmem:$0x3E0]  }
0x22a: {  	v61 =	vld [tilespmem:$0x3F0];
	[tilespmem:$0x890] =	vst v6;
	v6 =	vadd.s32 v5, v57  }
0x22b: {  	v62 =	vld [tilespmem:$0x400];
	[tilespmem:$0x8A0] =	vst v6;
	v6 =	vadd.s32 v5, v58  }
0x22c: {  	v63 =	vld [tilespmem:$0x410];
	[tilespmem:$0x8B0] =	vst v6;
	v6 =	vadd.s32 v5, v59  }
0x22d: {  	[tilespmem:$0x8C0] =	vst v6;
	v6 =	vadd.s32 v5, v60  }
0x22e: {  	[tilespmem:$0x8D0] =	vst v6;
	v6 =	vadd.s32 v5, v7  }
0x22f: {  	[tilespmem:$0x8E0] =	vst v6;
	v6 =	vadd.s32 v5, v61  }
0x230: {  	[tilespmem:$0x8F0] =	vst v6;
	v6 =	vadd.s32 v5, v62  }
0x231: {  	s18 =	simm.s32 $0x6A0;
	p2 =	sgt.u32 s31, $0x31;
	v5 =	vadd.s32 v5, v63;
	[tilespmem:$0x900] =	vst v6  }
0x232: {  	s8 =	simm.s32 $0xBA0;
	p1 =	por $0x0, $0x0;
	p3 =	por @!p2 $0x1, $0x1;
	[tilespmem:$0x910] =	vst v5  }
0x233: {  	[tilespmem:s8], [sflag:$0x3] =	stream.indirect.gather [hbm4b:s6+s21], $0x40, s18, s21, $0xb8;
	[tilespmem:$0x15BE0] =	vst v63  }
0x234: {  	s17 =	simm.s32 $0x720;
	p1 =	por @!p2 p3, p3;
	s18 =	simm.s32 $0x2BA0  }
0x235: {  	[tilespmem:s18], [sflag:$0x3] =	stream.indirect.gather [hbm4b:s6+s21], $0x40, s17, s21, $0xb8;
	[tilespmem:$0x15BE0] =	vst v63  }
0x236: {  	s7 =	sadd.s32 @!p2 s1, s12;
	s17 =	simm.s32 $0x7A0;
	s18 =	simm.s32 $0x4BA0  }
0x237: {  	[tilespmem:s18], [sflag:$0x3] =	stream.indirect.gather [hbm4b:s6+s21], $0x40, s17, s21, $0xb8;
	[tilespmem:$0x15BE0] =	vst v63  }
0x238: {  	s7 =	smul.u32 @!p2 $0x14, s7;
	s8 =	simm.s32 $0x820;
	s17 =	simm.s32 $0x6BA0  }
0x239: {  	[tilespmem:s17], [sflag:$0x3] =	stream.indirect.gather [hbm4b:s6+s21], $0x40, s8, s21, $0xb8;
	[tilespmem:$0x15BE0] =	vst v63  }
0x23a: {  	s7 =	sshrl.u32 @!p2 s7, $0x3;
	s18 =	simm.s32 $0x8A0;
	s17 =	simm.s32 $0x8BA0  }
0x23b: {  	[tilespmem:s17], [sflag:$0x3] =	stream.indirect.gather [hbm4b:s6+s21], $0x40, s18, s21, $0xb8;
	[tilespmem:$0x15BE0] =	vst v63  }
0x23c: {  	s7 =	sadd.s32 @!p2 s2, s7;
	s8 =	simm.s32 @!p2 $0x0;
	s17 =	simm.s32 @!p2 $0x1A0  }
0x23d: {  	[tilespmem:s17], [sflag:$0x1] =	stream.linear.gather @!p2 [hbm4b:s7+s8], $0x280, $0x38;
	[tilespmem:$0x15BE0] =	vst v63  }
.LBB2_6:
0x23e: {  	_ =	swait.ge [sflag:s29], $0xA000  }
0x23f: {  	[sflag:s29] =	ssyncset.done $0x0  }
0x240: {  	[sflag:s29] =	ssyncadd.s32 $0xFFFF6000  }
0x241: {  	_ =	swait.ge [sflag:s30], $0x800  }
0x242: {  	[sflag:s30] =	ssyncset.done $0x0  }
0x243: {  	s17 =	simm.s32 $0xAE20;
	[sflag:s30] =	ssyncadd.s32 $0xFFFFF800  }
0x244: {  	v5 =	vld [tilespmem:s17+$0xFFFFFDC0]  }
0x245: {  	v6 =	vld [tilespmem:s17+$0xFFFFFD80];
	_ =	sdelay $0x1  }
0x246: {  	v7 =	vld [tilespmem:s17+$0xFFFFFE00];
	_ =	sdelay $0x1  }
0x247: {  	v8 =	vld [tilespmem:s17+$0xFFFFFE40]  }
0x248: {  	v5 =	vadd.f32 v5, v6  }
0x249: {  	v6 =	vld [tilespmem:s17+$0xFFFFFE80]  }
0x24a: {  	v5 =	vadd.f32 v7, v5  }
0x24b: {  	v7 =	vld [tilespmem:s17+$0xFFFFFEC0]  }
0x24c: {  	v5 =	vadd.f32 v8, v5  }
0x24d: {  	v8 =	vld [tilespmem:s17+$0xFFFFFF00]  }
0x24e: {  	v5 =	vadd.f32 v6, v5  }
0x24f: {  	v6 =	vld [tilespmem:s17+$0xFFFFFF40]  }
0x250: {  	v5 =	vadd.f32 v7, v5  }
0x251: {  	v7 =	vld [tilespmem:s17+$0xFFFFFF80]  }
0x252: {  	v5 =	vadd.f32 v8, v5  }
0x253: {  	v8 =	vld [tilespmem:s17+$0xFFFFFFC0]  }
0x254: {  	v5 =	vadd.f32 v6, v5  }
0x255: {  	v6 =	vld [tilespmem:s17+$0x0]  }
0x256: {  	v5 =	vadd.f32 v7, v5  }
0x257: {  	v7 =	vld [tilespmem:s17+$0x40]  }
0x258: {  	v5 =	vadd.f32 v8, v5  }
0x259: {  	v8 =	vld [tilespmem:s17+$0x80]  }
0x25a: {  	v5 =	vadd.f32 v6, v5  }
0x25b: {  	v6 =	vld [tilespmem:s17+$0xC0]  }
0x25c: {  	v5 =	vadd.f32 v7, v5  }
0x25d: {  	v7 =	vld [tilespmem:s17+$0x100]  }
0x25e: {  	v5 =	vadd.f32 v8, v5  }
0x25f: {  	v8 =	vld [tilespmem:s17+$0x140]  }
0x260: {  	v5 =	vadd.f32 v6, v5  }
0x261: {  	v6 =	vld [tilespmem:s17+$0x180]  }
0x262: {  	v5 =	vadd.f32 v7, v5  }
0x263: {  	v7 =	vld [tilespmem:s17+$0x1C0]  }
0x264: {  	v5 =	vadd.f32 v8, v5  }
0x265: {  	v8 =	vld [tilespmem:s17+$0x200]  }
0x266: {  	v5 =	vadd.f32 v6, v5  }
0x267: {  	v6 =	vld [tilespmem:s17+$0x240]  }
0x268: {  	v5 =	vadd.f32 v7, v5;
	_ =	sdelay $0x1  }
0x269: {  	v5 =	vadd.f32 v8, v5;
	_ =	sdelay $0x1  }
0x26a: {  	v5 =	vadd.f32 v6, v5  }
0x26b: {  	s18 =	simm.s32 $0x0  }
0x26c: {  	[tilespmem:s18+$0x153A0] =	vst v5  }
0x26d: {  	v5 =	vld [tilespmem:s17+$0xFFFFFD90]  }
0x26e: {  	v6 =	vld [tilespmem:s17+$0xFFFFFDD0];
	_ =	sdelay $0x1  }
0x26f: {  	v7 =	vld [tilespmem:s17+$0xFFFFFE10];
	_ =	sdelay $0x1  }
0x270: {  	v8 =	vld [tilespmem:s17+$0xFFFFFE50]  }
0x271: {  	v5 =	vadd.f32 v6, v5  }
0x272: {  	v6 =	vld [tilespmem:s17+$0xFFFFFE90]  }
0x273: {  	v5 =	vadd.f32 v7, v5  }
0x274: {  	v7 =	vld [tilespmem:s17+$0xFFFFFED0]  }
0x275: {  	v5 =	vadd.f32 v8, v5  }
0x276: {  	v8 =	vld [tilespmem:s17+$0xFFFFFF10]  }
0x277: {  	v5 =	vadd.f32 v6, v5  }
0x278: {  	v6 =	vld [tilespmem:s17+$0xFFFFFF50]  }
0x279: {  	v5 =	vadd.f32 v7, v5  }
0x27a: {  	v7 =	vld [tilespmem:s17+$0xFFFFFF90]  }
0x27b: {  	v5 =	vadd.f32 v8, v5  }
0x27c: {  	v8 =	vld [tilespmem:s17+$0xFFFFFFD0]  }
0x27d: {  	v5 =	vadd.f32 v6, v5  }
0x27e: {  	v6 =	vld [tilespmem:s17+$0x10]  }
0x27f: {  	v5 =	vadd.f32 v7, v5  }
0x280: {  	v7 =	vld [tilespmem:s17+$0x50]  }
0x281: {  	v5 =	vadd.f32 v8, v5  }
0x282: {  	v8 =	vld [tilespmem:s17+$0x90]  }
0x283: {  	v5 =	vadd.f32 v6, v5  }
0x284: {  	v6 =	vld [tilespmem:s17+$0xD0]  }
0x285: {  	v5 =	vadd.f32 v7, v5  }
0x286: {  	v7 =	vld [tilespmem:s17+$0x110]  }
0x287: {  	v5 =	vadd.f32 v8, v5  }
0x288: {  	v8 =	vld [tilespmem:s17+$0x150]  }
0x289: {  	v5 =	vadd.f32 v6, v5  }
0x28a: {  	v6 =	vld [tilespmem:s17+$0x190]  }
0x28b: {  	v5 =	vadd.f32 v7, v5  }
0x28c: {  	v7 =	vld [tilespmem:s17+$0x1D0]  }
0x28d: {  	v5 =	vadd.f32 v8, v5  }
0x28e: {  	v8 =	vld [tilespmem:s17+$0x210]  }
0x28f: {  	v5 =	vadd.f32 v6, v5  }
0x290: {  	v6 =	vld [tilespmem:s17+$0x250]  }
0x291: {  	v5 =	vadd.f32 v7, v5;
	_ =	sdelay $0x1  }
0x292: {  	v5 =	vadd.f32 v8, v5;
	_ =	sdelay $0x1  }
0x293: {  	v5 =	vadd.f32 v6, v5;
	_ =	sdelay $0x1  }
0x294: {  	[tilespmem:s18+$0x153B0] =	vst v5  }
0x295: {  	v5 =	vld [tilespmem:s17+$0xFFFFFDA0]  }
0x296: {  	v6 =	vld [tilespmem:s17+$0xFFFFFDE0];
	_ =	sdelay $0x1  }
0x297: {  	v7 =	vld [tilespmem:s17+$0xFFFFFE20];
	_ =	sdelay $0x1  }
0x298: {  	v8 =	vld [tilespmem:s17+$0xFFFFFE60]  }
0x299: {  	v5 =	vadd.f32 v6, v5  }
0x29a: {  	v6 =	vld [tilespmem:s17+$0xFFFFFEA0]  }
0x29b: {  	v5 =	vadd.f32 v7, v5  }
0x29c: {  	v7 =	vld [tilespmem:s17+$0xFFFFFEE0]  }
0x29d: {  	v5 =	vadd.f32 v8, v5  }
0x29e: {  	v8 =	vld [tilespmem:s17+$0xFFFFFF20]  }
0x29f: {  	v5 =	vadd.f32 v6, v5  }
0x2a0: {  	v6 =	vld [tilespmem:s17+$0xFFFFFF60]  }
0x2a1: {  	v5 =	vadd.f32 v7, v5  }
0x2a2: {  	v7 =	vld [tilespmem:s17+$0xFFFFFFA0]  }
0x2a3: {  	v5 =	vadd.f32 v8, v5  }
0x2a4: {  	v8 =	vld [tilespmem:s17+$0xFFFFFFE0]  }
0x2a5: {  	v5 =	vadd.f32 v6, v5  }
0x2a6: {  	v6 =	vld [tilespmem:s17+$0x20]  }
0x2a7: {  	v5 =	vadd.f32 v7, v5  }
0x2a8: {  	v7 =	vld [tilespmem:s17+$0x60]  }
0x2a9: {  	v5 =	vadd.f32 v8, v5  }
0x2aa: {  	v8 =	vld [tilespmem:s17+$0xA0]  }
0x2ab: {  	v5 =	vadd.f32 v6, v5  }
0x2ac: {  	v6 =	vld [tilespmem:s17+$0xE0]  }
0x2ad: {  	v5 =	vadd.f32 v7, v5  }
0x2ae: {  	v7 =	vld [tilespmem:s17+$0x120]  }
0x2af: {  	v5 =	vadd.f32 v8, v5  }
0x2b0: {  	v8 =	vld [tilespmem:s17+$0x160]  }
0x2b1: {  	v5 =	vadd.f32 v6, v5  }
0x2b2: {  	v6 =	vld [tilespmem:s17+$0x1A0]  }
0x2b3: {  	v5 =	vadd.f32 v7, v5  }
0x2b4: {  	v7 =	vld [tilespmem:s17+$0x1E0]  }
0x2b5: {  	v5 =	vadd.f32 v8, v5  }
0x2b6: {  	v8 =	vld [tilespmem:s17+$0x220]  }
0x2b7: {  	v5 =	vadd.f32 v6, v5  }
0x2b8: {  	v6 =	vld [tilespmem:s17+$0x260]  }
0x2b9: {  	v5 =	vadd.f32 v7, v5;
	_ =	sdelay $0x1  }
0x2ba: {  	v5 =	vadd.f32 v8, v5;
	_ =	sdelay $0x1  }
0x2bb: {  	v5 =	vadd.f32 v6, v5;
	_ =	sdelay $0x1  }
0x2bc: {  	[tilespmem:s18+$0x153C0] =	vst v5  }
0x2bd: {  	v5 =	vld [tilespmem:s17+$0xFFFFFDB0]  }
0x2be: {  	v6 =	vld [tilespmem:s17+$0xFFFFFDF0];
	_ =	sdelay $0x1  }
0x2bf: {  	v7 =	vld [tilespmem:s17+$0xFFFFFE30];
	_ =	sdelay $0x1  }
0x2c0: {  	v8 =	vld [tilespmem:s17+$0xFFFFFE70]  }
0x2c1: {  	v5 =	vadd.f32 v6, v5  }
0x2c2: {  	v6 =	vld [tilespmem:s17+$0xFFFFFEB0]  }
0x2c3: {  	v5 =	vadd.f32 v7, v5  }
0x2c4: {  	v7 =	vld [tilespmem:s17+$0xFFFFFEF0]  }
0x2c5: {  	v5 =	vadd.f32 v8, v5  }
0x2c6: {  	v8 =	vld [tilespmem:s17+$0xFFFFFF30]  }
0x2c7: {  	v5 =	vadd.f32 v6, v5  }
0x2c8: {  	v6 =	vld [tilespmem:s17+$0xFFFFFF70]  }
0x2c9: {  	v5 =	vadd.f32 v7, v5  }
0x2ca: {  	v7 =	vld [tilespmem:s17+$0xFFFFFFB0]  }
0x2cb: {  	v5 =	vadd.f32 v8, v5  }
0x2cc: {  	v8 =	vld [tilespmem:s17+$0xFFFFFFF0]  }
0x2cd: {  	v5 =	vadd.f32 v6, v5  }
0x2ce: {  	v6 =	vld [tilespmem:s17+$0x30]  }
0x2cf: {  	v5 =	vadd.f32 v7, v5  }
0x2d0: {  	v7 =	vld [tilespmem:s17+$0x70]  }
0x2d1: {  	v5 =	vadd.f32 v8, v5  }
0x2d2: {  	v8 =	vld [tilespmem:s17+$0xB0]  }
0x2d3: {  	v5 =	vadd.f32 v6, v5  }
0x2d4: {  	v6 =	vld [tilespmem:s17+$0xF0]  }
0x2d5: {  	v5 =	vadd.f32 v7, v5  }
0x2d6: {  	v7 =	vld [tilespmem:s17+$0x130]  }
0x2d7: {  	v5 =	vadd.f32 v8, v5  }
0x2d8: {  	v8 =	vld [tilespmem:s17+$0x170]  }
0x2d9: {  	v5 =	vadd.f32 v6, v5  }
0x2da: {  	v6 =	vld [tilespmem:s17+$0x1B0]  }
0x2db: {  	v5 =	vadd.f32 v7, v5;
	_ =	sdelay $0x1  }
0x2dc: {  	v7 =	vld [tilespmem:s17+$0x1F0];
	v5 =	vadd.f32 v8, v5;
	_ =	sdelay $0x1  }
0x2dd: {  	v8 =	vadd.f32 v6, v5;
	v6 =	vld [tilespmem:s17+$0x230];
	_ =	sdelay $0x1  }
0x2de: {  	v5 =	vld [tilespmem:s17+$0x270]  }
0x2df: {  	s7 =	simm.s32 $0x100;
	v7 =	vadd.f32 v7, v8  }
.LBB2_7:
0x2e0: {  	p2 =	sne.s32 s7, $0x1F00  }
0x2e1: {  	s17 =	sadd.s32 $0x500, s17;
	s8 =	smov.u32 s7;
	s7 =	sadd.s32 $0x100, s7;
	v6 =	vadd.f32 v6, v7  }
0x2e2: {  	_ = 	snop  }
0x2e3: {  	v5 =	vadd.f32 v5, v6;
	_ =	sdelay $0x1  }
0x2e4: {  	[tilespmem:s18+$0x153D0] =	vst v5  }
0x2e5: {  	v5 =	vld [tilespmem:s17+$0xFFFFFDC0]  }
0x2e6: {  	v6 =	vld [tilespmem:s17+$0xFFFFFD80];
	_ =	sdelay $0x1  }
0x2e7: {  	v7 =	vld [tilespmem:s17+$0xFFFFFE00];
	_ =	sdelay $0x1  }
0x2e8: {  	v8 =	vld [tilespmem:s17+$0xFFFFFE40]  }
0x2e9: {  	v5 =	vadd.f32 v5, v6  }
0x2ea: {  	v6 =	vld [tilespmem:s17+$0xFFFFFE80]  }
0x2eb: {  	v5 =	vadd.f32 v7, v5  }
0x2ec: {  	v7 =	vld [tilespmem:s17+$0xFFFFFEC0]  }
0x2ed: {  	v5 =	vadd.f32 v8, v5  }
0x2ee: {  	v8 =	vld [tilespmem:s17+$0xFFFFFF00]  }
0x2ef: {  	v5 =	vadd.f32 v6, v5  }
0x2f0: {  	v6 =	vld [tilespmem:s17+$0xFFFFFF40]  }
0x2f1: {  	v5 =	vadd.f32 v7, v5  }
0x2f2: {  	v7 =	vld [tilespmem:s17+$0xFFFFFF80]  }
0x2f3: {  	v5 =	vadd.f32 v8, v5  }
0x2f4: {  	v8 =	vld [tilespmem:s17+$0xFFFFFFC0]  }
0x2f5: {  	v5 =	vadd.f32 v6, v5  }
0x2f6: {  	v6 =	vld [tilespmem:s17+$0x0]  }
0x2f7: {  	v5 =	vadd.f32 v7, v5  }
0x2f8: {  	v7 =	vld [tilespmem:s17+$0x40]  }
0x2f9: {  	v5 =	vadd.f32 v8, v5  }
0x2fa: {  	v8 =	vld [tilespmem:s17+$0x80]  }
0x2fb: {  	v5 =	vadd.f32 v6, v5  }
0x2fc: {  	v6 =	vld [tilespmem:s17+$0xC0]  }
0x2fd: {  	v5 =	vadd.f32 v7, v5  }
0x2fe: {  	v7 =	vld [tilespmem:s17+$0x100]  }
0x2ff: {  	v5 =	vadd.f32 v8, v5  }
0x300: {  	v8 =	vld [tilespmem:s17+$0x140]  }
0x301: {  	v5 =	vadd.f32 v6, v5  }
0x302: {  	v6 =	vld [tilespmem:s17+$0x180]  }
0x303: {  	v5 =	vadd.f32 v7, v5  }
0x304: {  	v7 =	vld [tilespmem:s17+$0x1C0]  }
0x305: {  	v5 =	vadd.f32 v8, v5  }
0x306: {  	v8 =	vld [tilespmem:s17+$0x200]  }
0x307: {  	v5 =	vadd.f32 v6, v5  }
0x308: {  	v6 =	vld [tilespmem:s17+$0x240]  }
0x309: {  	v5 =	vadd.f32 v7, v5;
	_ =	sdelay $0x1  }
0x30a: {  	v5 =	vadd.f32 v8, v5;
	_ =	sdelay $0x1  }
0x30b: {  	v5 =	vadd.f32 v6, v5  }
0x30c: {  	s18 =	sshra.s32 s8, $0x2  }
0x30d: {  	[tilespmem:s18+$0x153A0] =	vst v5  }
0x30e: {  	v5 =	vld [tilespmem:s17+$0xFFFFFD90]  }
0x30f: {  	v6 =	vld [tilespmem:s17+$0xFFFFFDD0];
	_ =	sdelay $0x1  }
0x310: {  	v7 =	vld [tilespmem:s17+$0xFFFFFE10];
	_ =	sdelay $0x1  }
0x311: {  	v8 =	vld [tilespmem:s17+$0xFFFFFE50]  }
0x312: {  	v5 =	vadd.f32 v6, v5  }
0x313: {  	v6 =	vld [tilespmem:s17+$0xFFFFFE90]  }
0x314: {  	v5 =	vadd.f32 v7, v5  }
0x315: {  	v7 =	vld [tilespmem:s17+$0xFFFFFED0]  }
0x316: {  	v5 =	vadd.f32 v8, v5  }
0x317: {  	v8 =	vld [tilespmem:s17+$0xFFFFFF10]  }
0x318: {  	v5 =	vadd.f32 v6, v5  }
0x319: {  	v6 =	vld [tilespmem:s17+$0xFFFFFF50]  }
0x31a: {  	v5 =	vadd.f32 v7, v5  }
0x31b: {  	v7 =	vld [tilespmem:s17+$0xFFFFFF90]  }
0x31c: {  	v5 =	vadd.f32 v8, v5  }
0x31d: {  	v8 =	vld [tilespmem:s17+$0xFFFFFFD0]  }
0x31e: {  	v5 =	vadd.f32 v6, v5  }
0x31f: {  	v6 =	vld [tilespmem:s17+$0x10]  }
0x320: {  	v5 =	vadd.f32 v7, v5  }
0x321: {  	v7 =	vld [tilespmem:s17+$0x50]  }
0x322: {  	v5 =	vadd.f32 v8, v5  }
0x323: {  	v8 =	vld [tilespmem:s17+$0x90]  }
0x324: {  	v5 =	vadd.f32 v6, v5  }
0x325: {  	v6 =	vld [tilespmem:s17+$0xD0]  }
0x326: {  	v5 =	vadd.f32 v7, v5  }
0x327: {  	v7 =	vld [tilespmem:s17+$0x110]  }
0x328: {  	v5 =	vadd.f32 v8, v5  }
0x329: {  	v8 =	vld [tilespmem:s17+$0x150]  }
0x32a: {  	v5 =	vadd.f32 v6, v5  }
0x32b: {  	v6 =	vld [tilespmem:s17+$0x190]  }
0x32c: {  	v5 =	vadd.f32 v7, v5  }
0x32d: {  	v7 =	vld [tilespmem:s17+$0x1D0]  }
0x32e: {  	v5 =	vadd.f32 v8, v5  }
0x32f: {  	v8 =	vld [tilespmem:s17+$0x210]  }
0x330: {  	v5 =	vadd.f32 v6, v5  }
0x331: {  	v6 =	vld [tilespmem:s17+$0x250]  }
0x332: {  	v5 =	vadd.f32 v7, v5;
	_ =	sdelay $0x1  }
0x333: {  	v5 =	vadd.f32 v8, v5;
	_ =	sdelay $0x1  }
0x334: {  	v5 =	vadd.f32 v6, v5;
	_ =	sdelay $0x1  }
0x335: {  	[tilespmem:s18+$0x153B0] =	vst v5  }
0x336: {  	v5 =	vld [tilespmem:s17+$0xFFFFFDA0]  }
0x337: {  	v6 =	vld [tilespmem:s17+$0xFFFFFDE0];
	_ =	sdelay $0x1  }
0x338: {  	v7 =	vld [tilespmem:s17+$0xFFFFFE20];
	_ =	sdelay $0x1  }
0x339: {  	v8 =	vld [tilespmem:s17+$0xFFFFFE60]  }
0x33a: {  	v5 =	vadd.f32 v6, v5  }
0x33b: {  	v6 =	vld [tilespmem:s17+$0xFFFFFEA0]  }
0x33c: {  	v5 =	vadd.f32 v7, v5  }
0x33d: {  	v7 =	vld [tilespmem:s17+$0xFFFFFEE0]  }
0x33e: {  	v5 =	vadd.f32 v8, v5  }
0x33f: {  	v8 =	vld [tilespmem:s17+$0xFFFFFF20]  }
0x340: {  	v5 =	vadd.f32 v6, v5  }
0x341: {  	v6 =	vld [tilespmem:s17+$0xFFFFFF60]  }
0x342: {  	v5 =	vadd.f32 v7, v5  }
0x343: {  	v7 =	vld [tilespmem:s17+$0xFFFFFFA0]  }
0x344: {  	v5 =	vadd.f32 v8, v5  }
0x345: {  	v8 =	vld [tilespmem:s17+$0xFFFFFFE0]  }
0x346: {  	v5 =	vadd.f32 v6, v5  }
0x347: {  	v6 =	vld [tilespmem:s17+$0x20]  }
0x348: {  	v5 =	vadd.f32 v7, v5  }
0x349: {  	v7 =	vld [tilespmem:s17+$0x60]  }
0x34a: {  	v5 =	vadd.f32 v8, v5  }
0x34b: {  	v8 =	vld [tilespmem:s17+$0xA0]  }
0x34c: {  	v5 =	vadd.f32 v6, v5  }
0x34d: {  	v6 =	vld [tilespmem:s17+$0xE0]  }
0x34e: {  	v5 =	vadd.f32 v7, v5  }
0x34f: {  	v7 =	vld [tilespmem:s17+$0x120]  }
0x350: {  	v5 =	vadd.f32 v8, v5  }
0x351: {  	v8 =	vld [tilespmem:s17+$0x160]  }
0x352: {  	v5 =	vadd.f32 v6, v5  }
0x353: {  	v6 =	vld [tilespmem:s17+$0x1A0]  }
0x354: {  	v5 =	vadd.f32 v7, v5  }
0x355: {  	v7 =	vld [tilespmem:s17+$0x1E0]  }
0x356: {  	v5 =	vadd.f32 v8, v5  }
0x357: {  	v8 =	vld [tilespmem:s17+$0x220]  }
0x358: {  	v5 =	vadd.f32 v6, v5  }
0x359: {  	v6 =	vld [tilespmem:s17+$0x260]  }
0x35a: {  	v5 =	vadd.f32 v7, v5;
	_ =	sdelay $0x1  }
0x35b: {  	v5 =	vadd.f32 v8, v5;
	_ =	sdelay $0x1  }
0x35c: {  	v5 =	vadd.f32 v6, v5;
	_ =	sdelay $0x1  }
0x35d: {  	[tilespmem:s18+$0x153C0] =	vst v5  }
0x35e: {  	v5 =	vld [tilespmem:s17+$0xFFFFFDB0]  }
0x35f: {  	v6 =	vld [tilespmem:s17+$0xFFFFFDF0]  }
0x360: {  	v7 =	vld [tilespmem:s17+$0xFFFFFE30]  }
0x361: {  	v8 =	vld [tilespmem:s17+$0xFFFFFE70]  }
0x362: {  	v9 =	vld [tilespmem:s17+$0xFFFFFEB0]  }
0x363: {  	v10 =	vld [tilespmem:s17+$0xFFFFFEF0]  }
0x364: {  	v5 =	vadd.f32 v6, v5;
	v6 =	vld [tilespmem:s17+$0xFFFFFF30]  }
0x365: {  	v11 =	vld [tilespmem:s17+$0xFFFFFF70]  }
0x366: {  	v5 =	vadd.f32 v7, v5;
	v7 =	vld [tilespmem:s17+$0xFFFFFFB0]  }
0x367: {  	v12 =	vld [tilespmem:s17+$0xFFFFFFF0]  }
0x368: {  	v5 =	vadd.f32 v8, v5;
	v8 =	vld [tilespmem:s17+$0x30]  }
0x369: {  	v13 =	vld [tilespmem:s17+$0x70]  }
0x36a: {  	v5 =	vadd.f32 v9, v5;
	v9 =	vld [tilespmem:s17+$0xB0]  }
0x36b: {  	v14 =	vld [tilespmem:s17+$0xF0]  }
0x36c: {  	v5 =	vadd.f32 v10, v5;
	v10 =	vld [tilespmem:s17+$0x130]  }
0x36d: {  	v15 =	vld [tilespmem:s17+$0x170]  }
0x36e: {  	v5 =	vadd.f32 v6, v5;
	v16 =	vld [tilespmem:s17+$0x1B0]  }
0x36f: {  	v17 =	vld [tilespmem:s17+$0x1F0]  }
0x370: {  	v11 =	vadd.f32 v11, v5;
	v6 =	vld [tilespmem:s17+$0x230]  }
0x371: {  	v5 =	vld [tilespmem:s17+$0x270]  }
0x372: {  	v7 =	vadd.f32 v7, v11;
	_ =	sdelay $0x1  }
0x373: {  	v7 =	vadd.f32 v12, v7;
	_ =	sdelay $0x1  }
0x374: {  	v7 =	vadd.f32 v8, v7;
	_ =	sdelay $0x1  }
0x375: {  	v7 =	vadd.f32 v13, v7;
	_ =	sdelay $0x1  }
0x376: {  	v7 =	vadd.f32 v9, v7;
	_ =	sdelay $0x1  }
0x377: {  	v7 =	vadd.f32 v14, v7;
	_ =	sdelay $0x1  }
0x378: {  	v7 =	vadd.f32 v10, v7;
	_ =	sdelay $0x1  }
.Ltmp6:
0x379: {  	v7 =	vadd.f32 v15, v7;
	(pc) =	sbr.rel @p2 .LBB2_7-.Ltmp6, $3  }
0x37a: {  	_ = 	snop  }
0x37b: {  	v7 =	vadd.f32 v16, v7;
	_ =	sdelay $0x1  }
0x37c: {  	v7 =	vadd.f32 v17, v7  }
0x37d: {  	s7 =	sadd.s32 s1, s5  }
0x37e: {  	s7 =	sadd.s32 $0x20, s7  }
0x37f: {  	s8 =	sand.u32 $0xFE0, s7  }
0x380: {  	v8 =	vmov s8;
	s8 =	sor.u32 $0x10, s8  }
0x381: {  	v9 =	vmov s8;
	v8 =	vmul.u32 $0x1A, v8  }
0x382: {  	v6 =	vadd.f32 v6, v7;
	s7 =	sshrl.u32 s7, $0xC;
	v7 =	vmul.u32 $0x1A, v9  }
0x383: {  	v8 =	vadd.s32 s7, v8  }
0x384: {  	v5 =	vadd.f32 v5, v6;
	v6 =	vbroadcast v8, $0x0;
	v7 =	vadd.s32 s7, v7  }
.Ltmp7:
0x385: {  	v7 =	vbroadcast v7, $0x0;
	(pc) =	sbr.rel @p0 .LBB2_10-.Ltmp7, $4  }
0x386: {  	[tilespmem:s18+$0x153D0] =	vst v5;
	v5 =	vadd.s32 v0, v6  }
0x387: {  	[tilespmem:$0x15BC0] =	vst v5;
	v5 =	vadd.s32 v0, v7  }
0x388: {  	[tilespmem:$0x15BD0] =	vst v5  }
0x389: {  	[hbm4b:s3+s4] =	stream.indirect.scatter [tilespmem:s25], [sflag:$0x6], $0x40, s24, s4, $0xb8;
	[tilespmem:$0x15BE0] =	vst v63  }
0x38a: {  	s7 =	sadd.s32 s31, s15  }
0x38b: {  	s7 =	sand.u32 $0x1FFFFC0, s7  }
0x38c: {  	s7 =	sshrl.u32 s7, $0x2  }
0x38d: {  	v5 =	vld [tilespmem:s7+$0x0];
	_ =	swait.ge [sflag:s0], $0x280  }
0x38e: {  	[sflag:s0] =	ssyncset.done $0x0  }
0x38f: {  	[sflag:s0] =	ssyncadd.s32 $0xFFFFFD80  }
0x390: {  	v6 =	vld [tilespmem:$0x420]  }
0x391: {  	v7 =	vld [tilespmem:$0x430]  }
0x392: {  	v8 =	vld [tilespmem:$0x440]  }
0x393: {  	v9 =	vld [tilespmem:$0x450]  }
0x394: {  	v10 =	vld [tilespmem:$0x460]  }
0x395: {  	v11 =	vld [tilespmem:$0x470];
	v6 =	vadd.s32 v5, v6  }
0x396: {  	[tilespmem:$0x920] =	vst v6;
	v6 =	vadd.s32 v5, v7;
	v7 =	vld [tilespmem:$0x480]  }
0x397: {  	v37 =	vld [tilespmem:$0x490];
	[tilespmem:$0x930] =	vst v6;
	v6 =	vadd.s32 v5, v8  }
0x398: {  	v38 =	vld [tilespmem:$0x4A0];
	[tilespmem:$0x940] =	vst v6;
	v6 =	vadd.s32 v5, v9  }
0x399: {  	v39 =	vld [tilespmem:$0x4B0];
	[tilespmem:$0x950] =	vst v6;
	v6 =	vadd.s32 v5, v10  }
0x39a: {  	v40 =	vld [tilespmem:$0x4C0];
	[tilespmem:$0x960] =	vst v6;
	v6 =	vadd.s32 v5, v11  }
0x39b: {  	[tilespmem:$0x970] =	vst v6;
	v6 =	vadd.s32 v5, v7;
	v7 =	vld [tilespmem:$0x4D0]  }
0x39c: {  	v41 =	vld [tilespmem:$0x4E0];
	[tilespmem:$0x980] =	vst v6;
	v6 =	vadd.s32 v5, v37  }
0x39d: {  	v42 =	vld [tilespmem:$0x4F0];
	[tilespmem:$0x990] =	vst v6;
	v6 =	vadd.s32 v5, v38  }
0x39e: {  	v43 =	vld [tilespmem:$0x500];
	[tilespmem:$0x9A0] =	vst v6;
	v6 =	vadd.s32 v5, v39  }
0x39f: {  	v44 =	vld [tilespmem:$0x510];
	[tilespmem:$0x9B0] =	vst v6;
	v6 =	vadd.s32 v5, v40  }
0x3a0: {  	[tilespmem:$0x9C0] =	vst v6;
	v6 =	vadd.s32 v5, v7;
	v7 =	vld [tilespmem:$0x520]  }
0x3a1: {  	v45 =	vld [tilespmem:$0x530];
	[tilespmem:$0x9D0] =	vst v6;
	v6 =	vadd.s32 v5, v41  }
0x3a2: {  	v46 =	vld [tilespmem:$0x540];
	[tilespmem:$0x9E0] =	vst v6;
	v6 =	vadd.s32 v5, v42  }
0x3a3: {  	v47 =	vld [tilespmem:$0x550];
	[tilespmem:$0x9F0] =	vst v6;
	v6 =	vadd.s32 v5, v43  }
0x3a4: {  	v48 =	vld [tilespmem:$0x560];
	[tilespmem:$0xA00] =	vst v6;
	v6 =	vadd.s32 v5, v44  }
0x3a5: {  	[tilespmem:$0xA10] =	vst v6;
	v6 =	vadd.s32 v5, v7;
	v7 =	vld [tilespmem:$0x570]  }
0x3a6: {  	v49 =	vld [tilespmem:$0x580];
	[tilespmem:$0xA20] =	vst v6;
	v6 =	vadd.s32 v5, v45  }
0x3a7: {  	v50 =	vld [tilespmem:$0x590];
	[tilespmem:$0xA30] =	vst v6;
	v6 =	vadd.s32 v5, v46  }
0x3a8: {  	v51 =	vld [tilespmem:$0x5A0];
	[tilespmem:$0xA40] =	vst v6;
	v6 =	vadd.s32 v5, v47  }
0x3a9: {  	v52 =	vld [tilespmem:$0x5B0];
	[tilespmem:$0xA50] =	vst v6;
	v6 =	vadd.s32 v5, v48  }
0x3aa: {  	[tilespmem:$0xA60] =	vst v6;
	v6 =	vadd.s32 v5, v7;
	v7 =	vld [tilespmem:$0x5C0]  }
0x3ab: {  	v53 =	vld [tilespmem:$0x5D0];
	[tilespmem:$0xA70] =	vst v6;
	v6 =	vadd.s32 v5, v49  }
0x3ac: {  	v54 =	vld [tilespmem:$0x5E0];
	[tilespmem:$0xA80] =	vst v6;
	v6 =	vadd.s32 v5, v50  }
0x3ad: {  	v55 =	vld [tilespmem:$0x5F0];
	[tilespmem:$0xA90] =	vst v6;
	v6 =	vadd.s32 v5, v51  }
0x3ae: {  	v56 =	vld [tilespmem:$0x600];
	[tilespmem:$0xAA0] =	vst v6;
	v6 =	vadd.s32 v5, v52  }
0x3af: {  	[tilespmem:$0xAB0] =	vst v6;
	v6 =	vadd.s32 v5, v7;
	v7 =	vld [tilespmem:$0x610]  }
0x3b0: {  	v57 =	vld [tilespmem:$0x620];
	[tilespmem:$0xAC0] =	vst v6;
	v6 =	vadd.s32 v5, v53  }
0x3b1: {  	v58 =	vld [tilespmem:$0x630];
	[tilespmem:$0xAD0] =	vst v6;
	v6 =	vadd.s32 v5, v54  }
0x3b2: {  	v59 =	vld [tilespmem:$0x640];
	[tilespmem:$0xAE0] =	vst v6;
	v6 =	vadd.s32 v5, v55  }
0x3b3: {  	v60 =	vld [tilespmem:$0x650];
	[tilespmem:$0xAF0] =	vst v6;
	v6 =	vadd.s32 v5, v56  }
0x3b4: {  	[tilespmem:$0xB00] =	vst v6;
	v6 =	vadd.s32 v5, v7;
	v7 =	vld [tilespmem:$0x660]  }
0x3b5: {  	v61 =	vld [tilespmem:$0x670];
	[tilespmem:$0xB10] =	vst v6;
	v6 =	vadd.s32 v5, v57  }
0x3b6: {  	v62 =	vld [tilespmem:$0x680];
	[tilespmem:$0xB20] =	vst v6;
	v6 =	vadd.s32 v5, v58  }
0x3b7: {  	v63 =	vld [tilespmem:$0x690];
	[tilespmem:$0xB30] =	vst v6;
	v6 =	vadd.s32 v5, v59  }
0x3b8: {  	[tilespmem:$0xB40] =	vst v6;
	v6 =	vadd.s32 v5, v60  }
0x3b9: {  	[tilespmem:$0xB50] =	vst v6;
	v6 =	vadd.s32 v5, v7  }
0x3ba: {  	[tilespmem:$0xB60] =	vst v6;
	v6 =	vadd.s32 v5, v61  }
0x3bb: {  	[tilespmem:$0xB70] =	vst v6;
	v6 =	vadd.s32 v5, v62  }
0x3bc: {  	v5 =	vadd.s32 v5, v63;
	[tilespmem:$0xB80] =	vst v6  }
0x3bd: {  	s18 =	simm.s32 $0x920;
	s8 =	simm.s32 $0xABA0;
	[tilespmem:$0xB90] =	vst v5  }
0x3be: {  	[tilespmem:s8], [sflag:$0x4] =	stream.indirect.gather [hbm4b:s6+s21], $0x40, s18, s21, $0xb8;
	[tilespmem:$0x15BE0] =	vst v63  }
0x3bf: {  	s17 =	simm.s32 $0x9A0;
	s18 =	simm.s32 $0xCBA0  }
0x3c0: {  	[tilespmem:s18], [sflag:$0x4] =	stream.indirect.gather [hbm4b:s6+s21], $0x40, s17, s21, $0xb8;
	[tilespmem:$0x15BE0] =	vst v63  }
0x3c1: {  	_ = 	snop  }
0x3c2: {  	[tilespmem:s10], [sflag:$0x4] =	stream.indirect.gather [hbm4b:s6+s21], $0x40, s9, s21, $0xb8;
	[tilespmem:$0x15BE0] =	vst v63  }
.Ltmp8:
0x3c3: {  	_ = 	snop;
	(pc) =	sbr.rel .LBB2_10-.Ltmp8, $4  }
0x3c4: {  	_ = 	snop  }
0x3c5: {  	[tilespmem:s14], [sflag:$0x4] =	stream.indirect.gather [hbm4b:s6+s21], $0x40, s11, s21, $0xb8;
	[tilespmem:$0x15BE0] =	vst v63  }
0x3c6: {  	_ = 	snop  }
0x3c7: {  	[tilespmem:s19], [sflag:$0x4] =	stream.indirect.gather [hbm4b:s6+s21], $0x40, s16, s21, $0xb8;
	[tilespmem:$0x15BE0] =	vst v63  }
.LBB2_12:
0x3c8: {  	_ =	sfence.sel $0x180000  }
0x3c9: {  	[bflag:$0x0] =	sbarrier.arrive $0xFFFF  }
0x3ca: {  	_ =	strace $0x90000047  }
0x3cb: {  	s0 =	stileid.u32;
	[bflag:$0x2] =	sbarrier.arrive $0xFFFF  }
0x3cc: {  	p0 =	sne.s32 s0, $0x0;
	s0 =	rddreg [dreg:$0x3]  }
0x3cd: {  	s0 =	sadd.s32 @!p0 $0x100000, s0  }
0x3ce: {  	[sflag:s0] =	ssyncadd.tile.s32 @!p0 $0x1;
	_ =	shalt  }
.Lfunc_end2:
_tile_overlayer_lowered:
.L_overlay_start_2:
0x3cf: {  	(tag) =	ssettag $0x2  }
0x3d0: {  	s0 =	rddreg [dreg:$0x0];
	s2 =	stileid.u32  }
0x3d1: {  	s1 =	rddreg [dreg:$0x1];
	p0 =	sne.s32 s2, $0x0  }
0x3d2: {  	s3 =	rddreg [dreg:$0x2];
	[bflag:$0x3] =	sbarrier.arrive $0xFFFF;
	s2 =	simm.s32 @!p0 $0x1C07  }
0x3d3: {  	[timem:s3], [sflag:s2] =	dma.local @!p0 [hbm:s0], s1  }
0x3d4: {  	s0 =	simm.s32 @!p0 $0x7  }
0x3d5: {  	_ =	swait.ge @!p0 [sflag:s0], s1  }
0x3d6: {  	s1 =	ssub.s32 @!p0 $0x0, s1;
	[sflag:s0] =	ssyncset.done @!p0 $0x0  }
0x3d7: {  	[sflag:s0] =	ssyncadd.s32 @!p0 s1  }
0x3d8: {  	[bflag:$0x3] =	sbarrier.arrive $0xFFFF  }
0x3d9: {  	_ =	shalt  }

</sc_bundles>
